<compile_context>
chip_gen: v7x
topology: tpu7x:2x2x1
jax: 0.10.2.dev20260603
libtpu: 0.0.44.dev20260713+nightly
codegen_flags: <defaults>
</compile_context>

<pallas_src>
import functools

import jax
import jax.numpy as jnp
from jax import lax
from jax.experimental import pallas as pl
from jax.experimental.pallas import tpu as pltpu
from jax.experimental.pallas import tpu_sc as plsc

_TOP_K = 8
_NUM_EXPERTS = 64
_EPS = 1e-20
_TEMP = 1.0
_TILE_K = 65536

_NC = 2
_NS = 16
_NW = _NC * _NS
_E_SC = 8
_E_TC = _NUM_EXPERTS - _E_SC
_EPW = _E_SC // _NC
_SC_CHUNK = 4096
_LANES = 16


def _tc_matmul_kernel(x_ref, w_ref, o_ref, acc_ref):
    k = pl.program_id(0)
    nk = pl.num_programs(0)

    @pl.when(k == 0)
    def _init():
        acc_ref[...] = jnp.zeros_like(acc_ref)

    xb = x_ref[...].reshape(x_ref.shape[0], -1)
    acc_ref[...] += jax.lax.dot_general(
        xb, w_ref[...],
        dimension_numbers=(((1,), (1,)), ((), ())),
        preferred_element_type=jnp.float32)

    @pl.when(k == nk - 1)
    def _flush():
        o_ref[...] = acc_ref[...]


def _sc_body(B, S, H, x_hbm, w_hbm, out_hbm, xbuf, wbuf, accb,
             sx0, sx1, sw0, sw1):
    c = lax.axis_index("c")
    s = lax.axis_index("s")
    wid = s * _NC + c
    K = S * H
    kw = K // _NW
    sw = S // _NW
    spc = _SC_CHUNK // H
    base = wid * kw
    sbase = wid * sw
    nch = kw // _SC_CHUNK
    npairs = B * _E_SC
    nvh = H // _LANES
    sems = ((sx0, sw0), (sx1, sw1))

    def copies(i, slot):
        koff = base + i * _SC_CHUNK
        soff = sbase + i * spc
        semx, semw = sems[slot]
        return (
            pltpu.make_async_copy(x_hbm.at[:, pl.ds(soff, spc), :],
                                  xbuf.at[slot], semx),
            pltpu.make_async_copy(
                w_hbm.at[pl.ds(_E_TC, _E_SC), pl.ds(koff, _SC_CHUNK)],
                wbuf.at[slot], semw),
        )

    def fire(i, slot):
        for cp in copies(i, slot):
            cp.start()

    def wait(i, slot):
        for cp in copies(i, slot):
            cp.wait()

    def compute(slot, accs):
        for sl in range(spc):
            def vbody(v, a, sl=sl):
                o = v * _LANES
                xs = [xbuf[slot, b, sl, pl.ds(o, _LANES)] for b in range(B)]
                out = []
                for b in range(B):
                    for e in range(_E_SC):
                        wv = wbuf[slot, e, pl.ds(sl * H + o, _LANES)]
                        out.append(a[b * _E_SC + e] + wv * xs[b])
                return tuple(out)

            accs = lax.fori_loop(0, nvh, vbody, accs)
        return accs

    fire(0, 0)
    npair_steps = nch // 2

    def pair_step(p, accs):
        i0 = 2 * p
        fire(i0 + 1, 1)
        wait(i0, 0)
        accs = compute(0, accs)

        @pl.when(p < npair_steps - 1)
        def _():
            fire(i0 + 2, 0)

        wait(i0 + 1, 1)
        accs = compute(1, accs)
        return accs

    zero = jnp.zeros((_LANES,), jnp.float32)
    accs = lax.fori_loop(0, npair_steps, pair_step, (zero,) * npairs)
    for b in range(B):
        for e in range(_E_SC):
            accb[b, e, :] = accs[b * _E_SC + e]
    pltpu.sync_copy(accb, out_hbm.at[wid])


def _sc_partials(x, W):
    B, S, H = x.shape
    body = functools.partial(_sc_body, B, S, H)
    mesh = plsc.VectorSubcoreMesh(core_axis_name="c", subcore_axis_name="s")
    f = pl.kernel(
        body, mesh=mesh,
        out_type=jax.ShapeDtypeStruct((_NW, B, _E_SC, _LANES), jnp.float32),
        scratch_types=[
            pltpu.VMEM((2, B, _SC_CHUNK // H, H), jnp.float32),
            pltpu.VMEM((2, _E_SC, _SC_CHUNK), jnp.float32),
            pltpu.VMEM((B, _E_SC, _LANES), jnp.float32),
            pltpu.SemaphoreType.DMA,
            pltpu.SemaphoreType.DMA,
            pltpu.SemaphoreType.DMA,
            pltpu.SemaphoreType.DMA,
        ],
    )
    return f(x, W)


def _epilogue_kernel(tc_ref, sc_ref, bn_ref, o_ref):
    logits_sc = jnp.sum(jnp.sum(sc_ref[...], axis=3), axis=0)
    p = jnp.concatenate([tc_ref[...], logits_sc], axis=-1) + bn_ref[...]
    ps = p / _TEMP
    m = jnp.max(ps, axis=-1, keepdims=True)
    e = jnp.exp(ps - m)
    soft = e / jnp.sum(e, axis=-1, keepdims=True)
    t = jnp.max(p, axis=-1, keepdims=True)
    for _ in range(_TOP_K - 1):
        cnt = jnp.sum((p >= t).astype(jnp.int32), axis=-1, keepdims=True)
        nxt = jnp.max(jnp.where(p < t, p, -jnp.inf), axis=-1, keepdims=True)
        t = jnp.where(cnt >= _TOP_K, t, nxt)
    mask = jax.nn.sigmoid((p - t) / _TEMP)
    sm = soft * mask
    o_ref[...] = sm / jnp.sum(sm, axis=-1, keepdims=True)


def kernel(x, W, b):
    B = x.shape[0]
    E = _NUM_EXPERTS
    K = x.shape[1] * x.shape[2]
    nk = K // _TILE_K
    U = jax.random.uniform(jax.random.key(1), (B, E), dtype=jnp.float32)
    noise = -jnp.log(-jnp.log(U + _EPS) + _EPS)
    bn = b[None, :] + noise

    sc4d = _sc_partials(x, W)

    ts = _TILE_K // x.shape[2]
    tc_logits = pl.pallas_call(
        _tc_matmul_kernel,
        grid=(nk,),
        in_specs=[
            pl.BlockSpec((B, ts, x.shape[2]), lambda k: (0, k, 0)),
            pl.BlockSpec((_E_TC, _TILE_K), lambda k: (0, k)),
        ],
        out_specs=pl.BlockSpec((B, _E_TC), lambda k: (0, 0)),
        out_shape=jax.ShapeDtypeStruct((B, _E_TC), jnp.float32),
        scratch_shapes=[pltpu.VMEM((B, _E_TC), jnp.float32)],
        compiler_params=pltpu.CompilerParams(
            dimension_semantics=("arbitrary",)),
    )(x, W)

    return pl.pallas_call(
        _epilogue_kernel,
        in_specs=[
            pl.BlockSpec((B, _E_TC), lambda: (0, 0)),
            pl.BlockSpec((_NW, B, _E_SC, _LANES), lambda: (0, 0, 0, 0)),
            pl.BlockSpec((B, E), lambda: (0, 0)),
        ],
        out_specs=pl.BlockSpec((B, E), lambda: (0, 0)),
        out_shape=jax.ShapeDtypeStruct((B, E), jnp.float32),
    )(tc_logits, sc4d, bn)

# --- scband reference (transcript-rebuilt; emitter-appended) ---
"""Pipeline reference for scband-top-kgating-network-72078141161934 (READ-ONLY COPY).

The authoritative reference and input builder live on the scoring server;
editing this copy changes nothing except your own understanding.
"""

import jax, jax.numpy as jnp
import numpy as np

TOP_K = 8
NUM_EXPERTS = 64
HIDDEN = 1024
SEQ = 2048
BATCH = 4
EPS = 1e-20
TEMP = 1.0


def setup_inputs(seed: int = 0) -> dict:
    key = jax.random.key(seed)
    k_x, k_w, k_b = jax.random.split(key, 3)
    x = jax.random.normal(k_x, (BATCH, SEQ, HIDDEN), dtype=jnp.float32)
    fan_in = HIDDEN * SEQ
    bound = 1.0 / np.sqrt(fan_in)
    W = jax.random.uniform(k_w, (NUM_EXPERTS, fan_in), dtype=jnp.float32, minval=-bound, maxval=bound)
    b = jax.random.uniform(k_b, (NUM_EXPERTS,), dtype=jnp.float32, minval=-bound, maxval=bound)
    return {"x": x, "W": W, "b": b}


def _sample_gumbel(shape):
    U = jax.random.uniform(jax.random.key(1), shape, dtype=jnp.float32)
    return -jnp.log(-jnp.log(U + EPS) + EPS)


def _soft_topk(logits, k, temperature=TEMP):
    noise = _sample_gumbel(logits.shape)
    perturbed = logits + noise
    soft_probs = jax.nn.softmax(perturbed / temperature, axis=-1)
    topk_vals, _ = jax.lax.top_k(perturbed, k)
    threshold = topk_vals[..., -1][..., None]
    mask = jax.nn.sigmoid((perturbed - threshold) / temperature)
    s = soft_probs * mask
    return s / jnp.sum(s, axis=-1, keepdims=True)


def reference(x, W, b):
    B = x.shape[0]
    xf = x.reshape(B, -1)
    logits = xf @ W.T + b
    gate_values = _soft_topk(logits, TOP_K)
    return gate_values

if __name__ == "__main__":
    import jax
    _d = setup_inputs()
    print(jax.jit(kernel)(*tuple(_d.values())))

</pallas_src>

<mosaic_0001>
#map = affine_map<(d0, d1) -> (0, 0, 0)>
#map1 = affine_map<(d0, d1) -> (0, 0)>
#map2 = affine_map<(d0, d1) -> (0, 0, 0, 0)>
module attributes {stable_mosaic.version = 14 : i64} {
  func.func @_sc_body(%arg0: i32, %arg1: i32, %arg2: memref<4x2048x1024xf32, #tpu.memory_space<hbm>>, %arg3: memref<64x2097152xf32, #tpu.memory_space<hbm>>, %arg4: memref<32x4x8x16xf32, #tpu.memory_space<hbm>>, %arg5: memref<2x4x4x1024xf32, #tpu.memory_space<vmem>>, %arg6: memref<2x8x4096xf32, #tpu.memory_space<vmem>>, %arg7: memref<4x8x16xf32, #tpu.memory_space<vmem>>, %arg8: memref<!tpu.dma_semaphore, #tpu.memory_space<semaphore_mem>>, %arg9: memref<!tpu.dma_semaphore, #tpu.memory_space<semaphore_mem>>, %arg10: memref<!tpu.dma_semaphore, #tpu.memory_space<semaphore_mem>>, %arg11: memref<!tpu.dma_semaphore, #tpu.memory_space<semaphore_mem>>) attributes {dimension_semantics = [#tpu.dimension_semantics<core_parallel>, #tpu.dimension_semantics<subcore_parallel>], iteration_bounds = array<i64: 2, 16>, scalar_prefetch = 0 : i64, scratch_operands = 7 : i64, tpu.core_type = #tpu.core_type<sc_vector_subcore>, window_params = [{transform_indices = #map}, {transform_indices = #map1}, {transform_indices = #map2}]} {
    %mul3A = arith.constant 2 : i32
    %mul3A_0 = arith.muli %arg1, %mul3A : i32
    %add3A = arith.addi %mul3A_0, %arg0 : i32
    %mul3A_1 = arith.constant 65536 : i32
    %mul3A_2 = arith.muli %add3A, %mul3A_1 : i32
    %mul3A_3 = arith.constant 64 : i32
    %mul3A_4 = arith.muli %add3A, %mul3A_3 : i32
    %add3A_5 = arith.constant 0 : i32
    %add3A_6 = arith.addi %mul3A_2, %add3A_5 : i32
    %add3A_7 = arith.constant 0 : i32
    %add3A_8 = arith.addi %mul3A_4, %add3A_7 : i32
    %dma_start3A = arith.constant 0 : i32
    %dma_start3A_9 = arith.constant 0 : i32
    %dma_start3A_10 = arith.constant 0 : i32
    %dma_start3A_11 = arith.constant 0 : i32
    %dma_start3A_12 = tpu.memref_slice %arg5[%dma_start3A, %dma_start3A_9, %dma_start3A_10, %dma_start3A_11] : memref<2x4x4x1024xf32, #tpu.memory_space<vmem>> -> memref<1x4x4x1024xf32, #tpu.memory_space<vmem>>
    %dma_start3A_13 = tpu.memref_squeeze %dma_start3A_12 : memref<1x4x4x1024xf32, #tpu.memory_space<vmem>> -> memref<4x4x1024xf32, #tpu.memory_space<vmem>>
    %dma_start3A_14 = arith.constant 0 : i32
    %dma_start3A_15 = arith.constant 0 : i32
    %dma_start3A_16 = tpu.memref_slice %arg2[%dma_start3A_14, %add3A_8, %dma_start3A_15] : memref<4x2048x1024xf32, #tpu.memory_space<hbm>> -> memref<4x4x1024xf32, #tpu.memory_space<hbm>>
    %dma_start3A_17 = arith.constant 0 : i32
    %dma_start3A_18 = arith.constant 0 : i32
    %dma_start3A_19 = arith.constant 0 : i32
    %dma_start3A_20 = tpu.memref_slice %arg5[%dma_start3A, %dma_start3A_17, %dma_start3A_18, %dma_start3A_19] : memref<2x4x4x1024xf32, #tpu.memory_space<vmem>> -> memref<1x4x4x1024xf32, #tpu.memory_space<vmem>>
    %dma_start3A_21 = tpu.memref_squeeze %dma_start3A_20 : memref<1x4x4x1024xf32, #tpu.memory_space<vmem>> -> memref<4x4x1024xf32, #tpu.memory_space<vmem>>
    %dma_start3A_22 = arith.constant 0 : i32
    %dma_start3A_23 = arith.constant 0 : i32
    %dma_start3A_24 = tpu.memref_slice %arg2[%dma_start3A_22, %add3A_8, %dma_start3A_23] : memref<4x2048x1024xf32, #tpu.memory_space<hbm>> -> memref<4x4x1024xf32, #tpu.memory_space<hbm>>
    tpu.enqueue_dma source(%dma_start3A_24 : memref<4x4x1024xf32, #tpu.memory_space<hbm>>) target(%dma_start3A_21 : memref<4x4x1024xf32, #tpu.memory_space<vmem>>) target_semaphore(%arg8 : memref<!tpu.dma_semaphore, #tpu.memory_space<semaphore_mem>>)
    %dma_start3A_25 = arith.constant 0 : i32
    %dma_start3A_26 = arith.constant 0 : i32
    %dma_start3A_27 = arith.constant 0 : i32
    %dma_start3A_28 = tpu.memref_slice %arg6[%dma_start3A_25, %dma_start3A_26, %dma_start3A_27] : memref<2x8x4096xf32, #tpu.memory_space<vmem>> -> memref<1x8x4096xf32, #tpu.memory_space<vmem>>
    %dma_start3A_29 = tpu.memref_squeeze %dma_start3A_28 : memref<1x8x4096xf32, #tpu.memory_space<vmem>> -> memref<8x4096xf32, #tpu.memory_space<vmem>>
    %dma_start3A_30 = arith.constant 56 : i32
    %dma_start3A_31 = tpu.memref_slice %arg3[%dma_start3A_30, %add3A_6] : memref<64x2097152xf32, #tpu.memory_space<hbm>> -> memref<8x4096xf32, #tpu.memory_space<hbm>>
    %dma_start3A_32 = arith.constant 0 : i32
    %dma_start3A_33 = arith.constant 0 : i32
    %dma_start3A_34 = tpu.memref_slice %arg6[%dma_start3A_25, %dma_start3A_32, %dma_start3A_33] : memref<2x8x4096xf32, #tpu.memory_space<vmem>> -> memref<1x8x4096xf32, #tpu.memory_space<vmem>>
    %dma_start3A_35 = tpu.memref_squeeze %dma_start3A_34 : memref<1x8x4096xf32, #tpu.memory_space<vmem>> -> memref<8x4096xf32, #tpu.memory_space<vmem>>
    %dma_start3A_36 = arith.constant 56 : i32
    %dma_start3A_37 = tpu.memref_slice %arg3[%dma_start3A_36, %add3A_6] : memref<64x2097152xf32, #tpu.memory_space<hbm>> -> memref<8x4096xf32, #tpu.memory_space<hbm>>
    tpu.enqueue_dma source(%dma_start3A_37 : memref<8x4096xf32, #tpu.memory_space<hbm>>) target(%dma_start3A_35 : memref<8x4096xf32, #tpu.memory_space<vmem>>) target_semaphore(%arg10 : memref<!tpu.dma_semaphore, #tpu.memory_space<semaphore_mem>>)
    %broadcast_in_dim3A = arith.constant 0.000000e+00 : f32
    %broadcast_in_dim3A_38 = vector.broadcast %broadcast_in_dim3A : f32 to vector<16xf32>
    %scan3A = arith.constant 0 : i32
    %scan3A_39 = arith.constant 8 : i32
    %scan3A_40 = arith.addi %scan3A, %scan3A_39 : i32
    %scan3A_41 = arith.constant 1 : i32
    %scan3A_42:32 = scf.for %scan3A_299 = %scan3A to %scan3A_40 step %scan3A_41 iter_args(%scan3A_300 = %broadcast_in_dim3A_38, %scan3A_301 = %broadcast_in_dim3A_38, %scan3A_302 = %broadcast_in_dim3A_38, %scan3A_303 = %broadcast_in_dim3A_38, %scan3A_304 = %broadcast_in_dim3A_38, %scan3A_305 = %broadcast_in_dim3A_38, %scan3A_306 = %broadcast_in_dim3A_38, %scan3A_307 = %broadcast_in_dim3A_38, %scan3A_308 = %broadcast_in_dim3A_38, %scan3A_309 = %broadcast_in_dim3A_38, %scan3A_310 = %broadcast_in_dim3A_38, %scan3A_311 = %broadcast_in_dim3A_38, %scan3A_312 = %broadcast_in_dim3A_38, %scan3A_313 = %broadcast_in_dim3A_38, %scan3A_314 = %broadcast_in_dim3A_38, %scan3A_315 = %broadcast_in_dim3A_38, %scan3A_316 = %broadcast_in_dim3A_38, %scan3A_317 = %broadcast_in_dim3A_38, %scan3A_318 = %broadcast_in_dim3A_38, %scan3A_319 = %broadcast_in_dim3A_38, %scan3A_320 = %broadcast_in_dim3A_38, %scan3A_321 = %broadcast_in_dim3A_38, %scan3A_322 = %broadcast_in_dim3A_38, %scan3A_323 = %broadcast_in_dim3A_38, %scan3A_324 = %broadcast_in_dim3A_38, %scan3A_325 = %broadcast_in_dim3A_38, %scan3A_326 = %broadcast_in_dim3A_38, %scan3A_327 = %broadcast_in_dim3A_38, %scan3A_328 = %broadcast_in_dim3A_38, %scan3A_329 = %broadcast_in_dim3A_38, %scan3A_330 = %broadcast_in_dim3A_38, %scan3A_331 = %broadcast_in_dim3A_38) -> (vector<16xf32>, vector<16xf32>, vector<16xf32>, vector<16xf32>, vector<16xf32>, vector<16xf32>, vector<16xf32>, vector<16xf32>, vector<16xf32>, vector<16xf32>, vector<16xf32>, vector<16xf32>, vector<16xf32>, vector<16xf32>, vector<16xf32>, vector<16xf32>, vector<16xf32>, vector<16xf32>, vector<16xf32>, vector<16xf32>, vector<16xf32>, vector<16xf32>, vector<16xf32>, vector<16xf32>, vector<16xf32>, vector<16xf32>, vector<16xf32>, vector<16xf32>, vector<16xf32>, vector<16xf32>, vector<16xf32>, vector<16xf32>)  : i32 {
      %mul3A_332 = arith.constant 2 : i32
      %mul3A_333 = arith.muli %mul3A_332, %scan3A_299 : i32
      %add3A_334 = arith.constant 1 : i32
      %add3A_335 = arith.addi %mul3A_333, %add3A_334 : i32
      %mul3A_336 = arith.constant 4096 : i32
      %mul3A_337 = arith.muli %add3A_335, %mul3A_336 : i32
      %add3A_338 = arith.addi %mul3A_2, %mul3A_337 : i32
      %mul3A_339 = arith.constant 4 : i32
      %mul3A_340 = arith.muli %add3A_335, %mul3A_339 : i32
      %add3A_341 = arith.addi %mul3A_4, %mul3A_340 : i32
      %dma_start3A_342 = arith.constant 1 : i32
      %dma_start3A_343 = arith.constant 0 : i32
      %dma_start3A_344 = arith.constant 0 : i32
      %dma_start3A_345 = arith.constant 0 : i32
      %dma_start3A_346 = tpu.memref_slice %arg5[%dma_start3A_342, %dma_start3A_343, %dma_start3A_344, %dma_start3A_345] : memref<2x4x4x1024xf32, #tpu.memory_space<vmem>> -> memref<1x4x4x1024xf32, #tpu.memory_space<vmem>>
      %dma_start3A_347 = tpu.memref_squeeze %dma_start3A_346 : memref<1x4x4x1024xf32, #tpu.memory_space<vmem>> -> memref<4x4x1024xf32, #tpu.memory_space<vmem>>
      %dma_start3A_348 = arith.constant 0 : i32
      %dma_start3A_349 = arith.constant 0 : i32
      %dma_start3A_350 = tpu.memref_slice %arg2[%dma_start3A_348, %add3A_341, %dma_start3A_349] : memref<4x2048x1024xf32, #tpu.memory_space<hbm>> -> memref<4x4x1024xf32, #tpu.memory_space<hbm>>
      %dma_start3A_351 = arith.constant 0 : i32
      %dma_start3A_352 = arith.constant 0 : i32
      %dma_start3A_353 = arith.constant 0 : i32
      %dma_start3A_354 = tpu.memref_slice %arg5[%dma_start3A_342, %dma_start3A_351, %dma_start3A_352, %dma_start3A_353] : memref<2x4x4x1024xf32, #tpu.memory_space<vmem>> -> memref<1x4x4x1024xf32, #tpu.memory_space<vmem>>
      %dma_start3A_355 = tpu.memref_squeeze %dma_start3A_354 : memref<1x4x4x1024xf32, #tpu.memory_space<vmem>> -> memref<4x4x1024xf32, #tpu.memory_space<vmem>>
      %dma_start3A_356 = arith.constant 0 : i32
      %dma_start3A_357 = arith.constant 0 : i32
      %dma_start3A_358 = tpu.memref_slice %arg2[%dma_start3A_356, %add3A_341, %dma_start3A_357] : memref<4x2048x1024xf32, #tpu.memory_space<hbm>> -> memref<4x4x1024xf32, #tpu.memory_space<hbm>>
      tpu.enqueue_dma source(%dma_start3A_358 : memref<4x4x1024xf32, #tpu.memory_space<hbm>>) target(%dma_start3A_355 : memref<4x4x1024xf32, #tpu.memory_space<vmem>>) target_semaphore(%arg9 : memref<!tpu.dma_semaphore, #tpu.memory_space<semaphore_mem>>)
      %dma_start3A_359 = arith.constant 1 : i32
      %dma_start3A_360 = arith.constant 0 : i32
      %dma_start3A_361 = arith.constant 0 : i32
      %dma_start3A_362 = tpu.memref_slice %arg6[%dma_start3A_359, %dma_start3A_360, %dma_start3A_361] : memref<2x8x4096xf32, #tpu.memory_space<vmem>> -> memref<1x8x4096xf32, #tpu.memory_space<vmem>>
      %dma_start3A_363 = tpu.memref_squeeze %dma_start3A_362 : memref<1x8x4096xf32, #tpu.memory_space<vmem>> -> memref<8x4096xf32, #tpu.memory_space<vmem>>
      %dma_start3A_364 = arith.constant 56 : i32
      %dma_start3A_365 = tpu.memref_slice %arg3[%dma_start3A_364, %add3A_338] : memref<64x2097152xf32, #tpu.memory_space<hbm>> -> memref<8x4096xf32, #tpu.memory_space<hbm>>
      %dma_start3A_366 = arith.constant 0 : i32
      %dma_start3A_367 = arith.constant 0 : i32
      %dma_start3A_368 = tpu.memref_slice %arg6[%dma_start3A_359, %dma_start3A_366, %dma_start3A_367] : memref<2x8x4096xf32, #tpu.memory_space<vmem>> -> memref<1x8x4096xf32, #tpu.memory_space<vmem>>
      %dma_start3A_369 = tpu.memref_squeeze %dma_start3A_368 : memref<1x8x4096xf32, #tpu.memory_space<vmem>> -> memref<8x4096xf32, #tpu.memory_space<vmem>>
      %dma_start3A_370 = arith.constant 56 : i32
      %dma_start3A_371 = tpu.memref_slice %arg3[%dma_start3A_370, %add3A_338] : memref<64x2097152xf32, #tpu.memory_space<hbm>> -> memref<8x4096xf32, #tpu.memory_space<hbm>>
      tpu.enqueue_dma source(%dma_start3A_371 : memref<8x4096xf32, #tpu.memory_space<hbm>>) target(%dma_start3A_369 : memref<8x4096xf32, #tpu.memory_space<vmem>>) target_semaphore(%arg11 : memref<!tpu.dma_semaphore, #tpu.memory_space<semaphore_mem>>)
      %mul3A_372 = arith.constant 4096 : i32
      %mul3A_373 = arith.muli %mul3A_333, %mul3A_372 : i32
      %add3A_374 = arith.addi %mul3A_2, %mul3A_373 : i32
      %mul3A_375 = arith.constant 4 : i32
      %mul3A_376 = arith.muli %mul3A_333, %mul3A_375 : i32
      %add3A_377 = arith.addi %mul3A_4, %mul3A_376 : i32
      %dma_wait3A = arith.constant 0 : i32
      %dma_wait3A_378 = arith.constant 0 : i32
      %dma_wait3A_379 = arith.constant 0 : i32
      %dma_wait3A_380 = arith.constant 0 : i32
      %dma_wait3A_381 = tpu.memref_slice %arg5[%dma_wait3A, %dma_wait3A_378, %dma_wait3A_379, %dma_wait3A_380] : memref<2x4x4x1024xf32, #tpu.memory_space<vmem>> -> memref<1x4x4x1024xf32, #tpu.memory_space<vmem>>
      %dma_wait3A_382 = tpu.memref_squeeze %dma_wait3A_381 : memref<1x4x4x1024xf32, #tpu.memory_space<vmem>> -> memref<4x4x1024xf32, #tpu.memory_space<vmem>>
      %dma_wait3A_383 = arith.constant 0 : i32
      %dma_wait3A_384 = arith.constant 0 : i32
      %dma_wait3A_385 = tpu.memref_slice %arg2[%dma_wait3A_383, %add3A_377, %dma_wait3A_384] : memref<4x2048x1024xf32, #tpu.memory_space<hbm>> -> memref<4x4x1024xf32, #tpu.memory_space<hbm>>
      %dma_wait3A_386 = arith.constant 0 : i32
      %dma_wait3A_387 = arith.constant 0 : i32
      %dma_wait3A_388 = arith.constant 0 : i32
      %dma_wait3A_389 = tpu.memref_slice %arg5[%dma_wait3A, %dma_wait3A_386, %dma_wait3A_387, %dma_wait3A_388] : memref<2x4x4x1024xf32, #tpu.memory_space<vmem>> -> memref<1x4x4x1024xf32, #tpu.memory_space<vmem>>
      %dma_wait3A_390 = tpu.memref_squeeze %dma_wait3A_389 : memref<1x4x4x1024xf32, #tpu.memory_space<vmem>> -> memref<4x4x1024xf32, #tpu.memory_space<vmem>>
      %dma_wait3A_391 = arith.constant 0 : i32
      %dma_wait3A_392 = arith.constant 0 : i32
      %dma_wait3A_393 = tpu.memref_slice %arg2[%dma_wait3A_391, %add3A_377, %dma_wait3A_392] : memref<4x2048x1024xf32, #tpu.memory_space<hbm>> -> memref<4x4x1024xf32, #tpu.memory_space<hbm>>
      tpu.wait_dma2 semaphore(%arg8 : memref<!tpu.dma_semaphore, #tpu.memory_space<semaphore_mem>>) src(%dma_wait3A_393 : memref<4x4x1024xf32, #tpu.memory_space<hbm>>) dst(%dma_wait3A_390 : memref<4x4x1024xf32, #tpu.memory_space<vmem>>)
      %dma_wait3A_394 = arith.constant 0 : i32
      %dma_wait3A_395 = arith.constant 0 : i32
      %dma_wait3A_396 = arith.constant 0 : i32
      %dma_wait3A_397 = tpu.memref_slice %arg6[%dma_wait3A_394, %dma_wait3A_395, %dma_wait3A_396] : memref<2x8x4096xf32, #tpu.memory_space<vmem>> -> memref<1x8x4096xf32, #tpu.memory_space<vmem>>
      %dma_wait3A_398 = tpu.memref_squeeze %dma_wait3A_397 : memref<1x8x4096xf32, #tpu.memory_space<vmem>> -> memref<8x4096xf32, #tpu.memory_space<vmem>>
      %dma_wait3A_399 = arith.constant 56 : i32
      %dma_wait3A_400 = tpu.memref_slice %arg3[%dma_wait3A_399, %add3A_374] : memref<64x2097152xf32, #tpu.memory_space<hbm>> -> memref<8x4096xf32, #tpu.memory_space<hbm>>
      %dma_wait3A_401 = arith.constant 0 : i32
      %dma_wait3A_402 = arith.constant 0 : i32
      %dma_wait3A_403 = tpu.memref_slice %arg6[%dma_wait3A_394, %dma_wait3A_401, %dma_wait3A_402] : memref<2x8x4096xf32, #tpu.memory_space<vmem>> -> memref<1x8x4096xf32, #tpu.memory_space<vmem>>
      %dma_wait3A_404 = tpu.memref_squeeze %dma_wait3A_403 : memref<1x8x4096xf32, #tpu.memory_space<vmem>> -> memref<8x4096xf32, #tpu.memory_space<vmem>>
      %dma_wait3A_405 = arith.constant 56 : i32
      %dma_wait3A_406 = tpu.memref_slice %arg3[%dma_wait3A_405, %add3A_374] : memref<64x2097152xf32, #tpu.memory_space<hbm>> -> memref<8x4096xf32, #tpu.memory_space<hbm>>
      tpu.wait_dma2 semaphore(%arg10 : memref<!tpu.dma_semaphore, #tpu.memory_space<semaphore_mem>>) src(%dma_wait3A_406 : memref<8x4096xf32, #tpu.memory_space<hbm>>) dst(%dma_wait3A_404 : memref<8x4096xf32, #tpu.memory_space<vmem>>)
      %scan3A_407 = arith.constant 0 : i32
      %scan3A_408 = arith.constant 64 : i32
      %scan3A_409 = arith.addi %scan3A_407, %scan3A_408 : i32
      %scan3A_410 = arith.constant 1 : i32
      %scan3A_411:32 = scf.for %scan3A_495 = %scan3A_407 to %scan3A_409 step %scan3A_410 iter_args(%scan3A_496 = %scan3A_300, %scan3A_497 = %scan3A_301, %scan3A_498 = %scan3A_302, %scan3A_499 = %scan3A_303, %scan3A_500 = %scan3A_304, %scan3A_501 = %scan3A_305, %scan3A_502 = %scan3A_306, %scan3A_503 = %scan3A_307, %scan3A_504 = %scan3A_308, %scan3A_505 = %scan3A_309, %scan3A_506 = %scan3A_310, %scan3A_507 = %scan3A_311, %scan3A_508 = %scan3A_312, %scan3A_509 = %scan3A_313, %scan3A_510 = %scan3A_314, %scan3A_511 = %scan3A_315, %scan3A_512 = %scan3A_316, %scan3A_513 = %scan3A_317, %scan3A_514 = %scan3A_318, %scan3A_515 = %scan3A_319, %scan3A_516 = %scan3A_320, %scan3A_517 = %scan3A_321, %scan3A_518 = %scan3A_322, %scan3A_519 = %scan3A_323, %scan3A_520 = %scan3A_324, %scan3A_521 = %scan3A_325, %scan3A_522 = %scan3A_326, %scan3A_523 = %scan3A_327, %scan3A_524 = %scan3A_328, %scan3A_525 = %scan3A_329, %scan3A_526 = %scan3A_330, %scan3A_527 = %scan3A_331) -> (vector<16xf32>, vector<16xf32>, vector<16xf32>, vector<16xf32>, vector<16xf32>, vector<16xf32>, vector<16xf32>, vector<16xf32>, vector<16xf32>, vector<16xf32>, vector<16xf32>, vector<16xf32>, vector<16xf32>, vector<16xf32>, vector<16xf32>, vector<16xf32>, vector<16xf32>, vector<16xf32>, vector<16xf32>, vector<16xf32>, vector<16xf32>, vector<16xf32>, vector<16xf32>, vector<16xf32>, vector<16xf32>, vector<16xf32>, vector<16xf32>, vector<16xf32>, vector<16xf32>, vector<16xf32>, vector<16xf32>, vector<16xf32>)  : i32 {
        %mul3A_528 = arith.constant 16 : i32
        %mul3A_529 = arith.muli %scan3A_495, %mul3A_528 : i32
        %get3A = arith.constant 0 : i32
        %get3A_530 = arith.constant 0 : i32
        %get3A_531 = arith.constant 0 : i32
        %get3A_532 = arith.index_cast %get3A : i32 to index
        %get3A_533 = arith.index_cast %get3A_530 : i32 to index
        %get3A_534 = arith.index_cast %get3A_531 : i32 to index
        %get3A_535 = arith.index_cast %mul3A_529 : i32 to index
        %get3A_536 = tpu.vector_load %arg5[%get3A_532, %get3A_533, %get3A_534, %get3A_535] {strides = array<i32>} : memref<2x4x4x1024xf32, #tpu.memory_space<vmem>>, vector<1x1x1x16xf32>,
        %get3A_537 = vector.shape_cast %get3A_536 : vector<1x1x1x16xf32> to vector<16xf32>
        %get3A_538 = arith.constant 0 : i32
        %get3A_539 = arith.constant 1 : i32
        %get3A_540 = arith.constant 0 : i32
        %get3A_541 = arith.index_cast %get3A_538 : i32 to index
        %get3A_542 = arith.index_cast %get3A_539 : i32 to index
        %get3A_543 = arith.index_cast %get3A_540 : i32 to index
        %get3A_544 = arith.index_cast %mul3A_529 : i32 to index
        %get3A_545 = tpu.vector_load %arg5[%get3A_541, %get3A_542, %get3A_543, %get3A_544] {strides = array<i32>} : memref<2x4x4x1024xf32, #tpu.memory_space<vmem>>, vector<1x1x1x16xf32>,
        %get3A_546 = vector.shape_cast %get3A_545 : vector<1x1x1x16xf32> to vector<16xf32>
        %get3A_547 = arith.constant 0 : i32
        %get3A_548 = arith.constant 2 : i32
        %get3A_549 = arith.constant 0 : i32
        %get3A_550 = arith.index_cast %get3A_547 : i32 to index
        %get3A_551 = arith.index_cast %get3A_548 : i32 to index
        %get3A_552 = arith.index_cast %get3A_549 : i32 to index
        %get3A_553 = arith.index_cast %mul3A_529 : i32 to index
        %get3A_554 = tpu.vector_load %arg5[%get3A_550, %get3A_551, %get3A_552, %get3A_553] {strides = array<i32>} : memref<2x4x4x1024xf32, #tpu.memory_space<vmem>>, vector<1x1x1x16xf32>,
        %get3A_555 = vector.shape_cast %get3A_554 : vector<1x1x1x16xf32> to vector<16xf32>
        %get3A_556 = arith.constant 0 : i32
        %get3A_557 = arith.constant 3 : i32
        %get3A_558 = arith.constant 0 : i32
        %get3A_559 = arith.index_cast %get3A_556 : i32 to index
        %get3A_560 = arith.index_cast %get3A_557 : i32 to index
        %get3A_561 = arith.index_cast %get3A_558 : i32 to index
        %get3A_562 = arith.index_cast %mul3A_529 : i32 to index
        %get3A_563 = tpu.vector_load %arg5[%get3A_559, %get3A_560, %get3A_561, %get3A_562] {strides = array<i32>} : memref<2x4x4x1024xf32, #tpu.memory_space<vmem>>, vector<1x1x1x16xf32>,
        %get3A_564 = vector.shape_cast %get3A_563 : vector<1x1x1x16xf32> to vector<16xf32>
        %add3A_565 = arith.constant 0 : i32
        %add3A_566 = arith.addi %add3A_565, %mul3A_529 : i32
        %get3A_567 = arith.constant 0 : i32
        %get3A_568 = arith.constant 0 : i32
        %get3A_569 = arith.index_cast %get3A_567 : i32 to index
        %get3A_570 = arith.index_cast %get3A_568 : i32 to index
        %get3A_571 = arith.index_cast %add3A_566 : i32 to index
        %get3A_572 = tpu.vector_load %arg6[%get3A_569, %get3A_570, %get3A_571] {strides = array<i32>} : memref<2x8x4096xf32, #tpu.memory_space<vmem>>, vector<1x1x16xf32>,
        %get3A_573 = vector.shape_cast %get3A_572 : vector<1x1x16xf32> to vector<16xf32>
        %mul3A_574 = arith.mulf %get3A_573, %get3A_537 : vector<16xf32>
        %add3A_575 = arith.addf %scan3A_496, %mul3A_574 : vector<16xf32>
        %add3A_576 = arith.constant 0 : i32
        %add3A_577 = arith.addi %add3A_576, %mul3A_529 : i32
        %get3A_578 = arith.constant 0 : i32
        %get3A_579 = arith.constant 1 : i32
        %get3A_580 = arith.index_cast %get3A_578 : i32 to index
        %get3A_581 = arith.index_cast %get3A_579 : i32 to index
        %get3A_582 = arith.index_cast %add3A_577 : i32 to index
        %get3A_583 = tpu.vector_load %arg6[%get3A_580, %get3A_581, %get3A_582] {strides = array<i32>} : memref<2x8x4096xf32, #tpu.memory_space<vmem>>, vector<1x1x16xf32>,
        %get3A_584 = vector.shape_cast %get3A_583 : vector<1x1x16xf32> to vector<16xf32>
        %mul3A_585 = arith.mulf %get3A_584, %get3A_537 : vector<16xf32>
        %add3A_586 = arith.addf %scan3A_497, %mul3A_585 : vector<16xf32>
        %add3A_587 = arith.constant 0 : i32
        %add3A_588 = arith.addi %add3A_587, %mul3A_529 : i32
        %get3A_589 = arith.constant 0 : i32
        %get3A_590 = arith.constant 2 : i32
        %get3A_591 = arith.index_cast %get3A_589 : i32 to index
        %get3A_592 = arith.index_cast %get3A_590 : i32 to index
        %get3A_593 = arith.index_cast %add3A_588 : i32 to index
        %get3A_594 = tpu.vector_load %arg6[%get3A_591, %get3A_592, %get3A_593] {strides = array<i32>} : memref<2x8x4096xf32, #tpu.memory_space<vmem>>, vector<1x1x16xf32>,
        %get3A_595 = vector.shape_cast %get3A_594 : vector<1x1x16xf32> to vector<16xf32>
        %mul3A_596 = arith.mulf %get3A_595, %get3A_537 : vector<16xf32>
        %add3A_597 = arith.addf %scan3A_498, %mul3A_596 : vector<16xf32>
        %add3A_598 = arith.constant 0 : i32
        %add3A_599 = arith.addi %add3A_598, %mul3A_529 : i32
        %get3A_600 = arith.constant 0 : i32
        %get3A_601 = arith.constant 3 : i32
        %get3A_602 = arith.index_cast %get3A_600 : i32 to index
        %get3A_603 = arith.index_cast %get3A_601 : i32 to index
        %get3A_604 = arith.index_cast %add3A_599 : i32 to index
        %get3A_605 = tpu.vector_load %arg6[%get3A_602, %get3A_603, %get3A_604] {strides = array<i32>} : memref<2x8x4096xf32, #tpu.memory_space<vmem>>, vector<1x1x16xf32>,
        %get3A_606 = vector.shape_cast %get3A_605 : vector<1x1x16xf32> to vector<16xf32>
        %mul3A_607 = arith.mulf %get3A_606, %get3A_537 : vector<16xf32>
        %add3A_608 = arith.addf %scan3A_499, %mul3A_607 : vector<16xf32>
        %add3A_609 = arith.constant 0 : i32
        %add3A_610 = arith.addi %add3A_609, %mul3A_529 : i32
        %get3A_611 = arith.constant 0 : i32
        %get3A_612 = arith.constant 4 : i32
        %get3A_613 = arith.index_cast %get3A_611 : i32 to index
        %get3A_614 = arith.index_cast %get3A_612 : i32 to index
        %get3A_615 = arith.index_cast %add3A_610 : i32 to index
        %get3A_616 = tpu.vector_load %arg6[%get3A_613, %get3A_614, %get3A_615] {strides = array<i32>} : memref<2x8x4096xf32, #tpu.memory_space<vmem>>, vector<1x1x16xf32>,
        %get3A_617 = vector.shape_cast %get3A_616 : vector<1x1x16xf32> to vector<16xf32>
        %mul3A_618 = arith.mulf %get3A_617, %get3A_537 : vector<16xf32>
        %add3A_619 = arith.addf %scan3A_500, %mul3A_618 : vector<16xf32>
        %add3A_620 = arith.constant 0 : i32
        %add3A_621 = arith.addi %add3A_620, %mul3A_529 : i32
        %get3A_622 = arith.constant 0 : i32
        %get3A_623 = arith.constant 5 : i32
        %get3A_624 = arith.index_cast %get3A_622 : i32 to index
        %get3A_625 = arith.index_cast %get3A_623 : i32 to index
        %get3A_626 = arith.index_cast %add3A_621 : i32 to index
        %get3A_627 = tpu.vector_load %arg6[%get3A_624, %get3A_625, %get3A_626] {strides = array<i32>} : memref<2x8x4096xf32, #tpu.memory_space<vmem>>, vector<1x1x16xf32>,
        %get3A_628 = vector.shape_cast %get3A_627 : vector<1x1x16xf32> to vector<16xf32>
        %mul3A_629 = arith.mulf %get3A_628, %get3A_537 : vector<16xf32>
        %add3A_630 = arith.addf %scan3A_501, %mul3A_629 : vector<16xf32>
        %add3A_631 = arith.constant 0 : i32
        %add3A_632 = arith.addi %add3A_631, %mul3A_529 : i32
        %get3A_633 = arith.constant 0 : i32
        %get3A_634 = arith.constant 6 : i32
        %get3A_635 = arith.index_cast %get3A_633 : i32 to index
        %get3A_636 = arith.index_cast %get3A_634 : i32 to index
        %get3A_637 = arith.index_cast %add3A_632 : i32 to index
        %get3A_638 = tpu.vector_load %arg6[%get3A_635, %get3A_636, %get3A_637] {strides = array<i32>} : memref<2x8x4096xf32, #tpu.memory_space<vmem>>, vector<1x1x16xf32>,
        %get3A_639 = vector.shape_cast %get3A_638 : vector<1x1x16xf32> to vector<16xf32>
        %mul3A_640 = arith.mulf %get3A_639, %get3A_537 : vector<16xf32>
        %add3A_641 = arith.addf %scan3A_502, %mul3A_640 : vector<16xf32>
        %add3A_642 = arith.constant 0 : i32
        %add3A_643 = arith.addi %add3A_642, %mul3A_529 : i32
        %get3A_644 = arith.constant 0 : i32
        %get3A_645 = arith.constant 7 : i32
        %get3A_646 = arith.index_cast %get3A_644 : i32 to index
        %get3A_647 = arith.index_cast %get3A_645 : i32 to index
        %get3A_648 = arith.index_cast %add3A_643 : i32 to index
        %get3A_649 = tpu.vector_load %arg6[%get3A_646, %get3A_647, %get3A_648] {strides = array<i32>} : memref<2x8x4096xf32, #tpu.memory_space<vmem>>, vector<1x1x16xf32>,
        %get3A_650 = vector.shape_cast %get3A_649 : vector<1x1x16xf32> to vector<16xf32>
        %mul3A_651 = arith.mulf %get3A_650, %get3A_537 : vector<16xf32>
        %add3A_652 = arith.addf %scan3A_503, %mul3A_651 : vector<16xf32>
        %add3A_653 = arith.constant 0 : i32
        %add3A_654 = arith.addi %add3A_653, %mul3A_529 : i32
        %get3A_655 = arith.constant 0 : i32
        %get3A_656 = arith.constant 0 : i32
        %get3A_657 = arith.index_cast %get3A_655 : i32 to index
        %get3A_658 = arith.index_cast %get3A_656 : i32 to index
        %get3A_659 = arith.index_cast %add3A_654 : i32 to index
        %get3A_660 = tpu.vector_load %arg6[%get3A_657, %get3A_658, %get3A_659] {strides = array<i32>} : memref<2x8x4096xf32, #tpu.memory_space<vmem>>, vector<1x1x16xf32>,
        %get3A_661 = vector.shape_cast %get3A_660 : vector<1x1x16xf32> to vector<16xf32>
        %mul3A_662 = arith.mulf %get3A_661, %get3A_546 : vector<16xf32>
        %add3A_663 = arith.addf %scan3A_504, %mul3A_662 : vector<16xf32>
        %add3A_664 = arith.constant 0 : i32
        %add3A_665 = arith.addi %add3A_664, %mul3A_529 : i32
        %get3A_666 = arith.constant 0 : i32
        %get3A_667 = arith.constant 1 : i32
        %get3A_668 = arith.index_cast %get3A_666 : i32 to index
        %get3A_669 = arith.index_cast %get3A_667 : i32 to index
        %get3A_670 = arith.index_cast %add3A_665 : i32 to index
        %get3A_671 = tpu.vector_load %arg6[%get3A_668, %get3A_669, %get3A_670] {strides = array<i32>} : memref<2x8x4096xf32, #tpu.memory_space<vmem>>, vector<1x1x16xf32>,
        %get3A_672 = vector.shape_cast %get3A_671 : vector<1x1x16xf32> to vector<16xf32>
        %mul3A_673 = arith.mulf %get3A_672, %get3A_546 : vector<16xf32>
        %add3A_674 = arith.addf %scan3A_505, %mul3A_673 : vector<16xf32>
        %add3A_675 = arith.constant 0 : i32
        %add3A_676 = arith.addi %add3A_675, %mul3A_529 : i32
        %get3A_677 = arith.constant 0 : i32
        %get3A_678 = arith.constant 2 : i32
        %get3A_679 = arith.index_cast %get3A_677 : i32 to index
        %get3A_680 = arith.index_cast %get3A_678 : i32 to index
        %get3A_681 = arith.index_cast %add3A_676 : i32 to index
        %get3A_682 = tpu.vector_load %arg6[%get3A_679, %get3A_680, %get3A_681] {strides = array<i32>} : memref<2x8x4096xf32, #tpu.memory_space<vmem>>, vector<1x1x16xf32>,
        %get3A_683 = vector.shape_cast %get3A_682 : vector<1x1x16xf32> to vector<16xf32>
        %mul3A_684 = arith.mulf %get3A_683, %get3A_546 : vector<16xf32>
        %add3A_685 = arith.addf %scan3A_506, %mul3A_684 : vector<16xf32>
        %add3A_686 = arith.constant 0 : i32
        %add3A_687 = arith.addi %add3A_686, %mul3A_529 : i32
        %get3A_688 = arith.constant 0 : i32
        %get3A_689 = arith.constant 3 : i32
        %get3A_690 = arith.index_cast %get3A_688 : i32 to index
        %get3A_691 = arith.index_cast %get3A_689 : i32 to index
        %get3A_692 = arith.index_cast %add3A_687 : i32 to index
        %get3A_693 = tpu.vector_load %arg6[%get3A_690, %get3A_691, %get3A_692] {strides = array<i32>} : memref<2x8x4096xf32, #tpu.memory_space<vmem>>, vector<1x1x16xf32>,
        %get3A_694 = vector.shape_cast %get3A_693 : vector<1x1x16xf32> to vector<16xf32>
        %mul3A_695 = arith.mulf %get3A_694, %get3A_546 : vector<16xf32>
        %add3A_696 = arith.addf %scan3A_507, %mul3A_695 : vector<16xf32>
        %add3A_697 = arith.constant 0 : i32
        %add3A_698 = arith.addi %add3A_697, %mul3A_529 : i32
        %get3A_699 = arith.constant 0 : i32
        %get3A_700 = arith.constant 4 : i32
        %get3A_701 = arith.index_cast %get3A_699 : i32 to index
        %get3A_702 = arith.index_cast %get3A_700 : i32 to index
        %get3A_703 = arith.index_cast %add3A_698 : i32 to index
        %get3A_704 = tpu.vector_load %arg6[%get3A_701, %get3A_702, %get3A_703] {strides = array<i32>} : memref<2x8x4096xf32, #tpu.memory_space<vmem>>, vector<1x1x16xf32>,
        %get3A_705 = vector.shape_cast %get3A_704 : vector<1x1x16xf32> to vector<16xf32>
        %mul3A_706 = arith.mulf %get3A_705, %get3A_546 : vector<16xf32>
        %add3A_707 = arith.addf %scan3A_508, %mul3A_706 : vector<16xf32>
        %add3A_708 = arith.constant 0 : i32
        %add3A_709 = arith.addi %add3A_708, %mul3A_529 : i32
        %get3A_710 = arith.constant 0 : i32
        %get3A_711 = arith.constant 5 : i32
        %get3A_712 = arith.index_cast %get3A_710 : i32 to index
        %get3A_713 = arith.index_cast %get3A_711 : i32 to index
        %get3A_714 = arith.index_cast %add3A_709 : i32 to index
        %get3A_715 = tpu.vector_load %arg6[%get3A_712, %get3A_713, %get3A_714] {strides = array<i32>} : memref<2x8x4096xf32, #tpu.memory_space<vmem>>, vector<1x1x16xf32>,
        %get3A_716 = vector.shape_cast %get3A_715 : vector<1x1x16xf32> to vector<16xf32>
        %mul3A_717 = arith.mulf %get3A_716, %get3A_546 : vector<16xf32>
        %add3A_718 = arith.addf %scan3A_509, %mul3A_717 : vector<16xf32>
        %add3A_719 = arith.constant 0 : i32
        %add3A_720 = arith.addi %add3A_719, %mul3A_529 : i32
        %get3A_721 = arith.constant 0 : i32
        %get3A_722 = arith.constant 6 : i32
        %get3A_723 = arith.index_cast %get3A_721 : i32 to index
        %get3A_724 = arith.index_cast %get3A_722 : i32 to index
        %get3A_725 = arith.index_cast %add3A_720 : i32 to index
        %get3A_726 = tpu.vector_load %arg6[%get3A_723, %get3A_724, %get3A_725] {strides = array<i32>} : memref<2x8x4096xf32, #tpu.memory_space<vmem>>, vector<1x1x16xf32>,
        %get3A_727 = vector.shape_cast %get3A_726 : vector<1x1x16xf32> to vector<16xf32>
        %mul3A_728 = arith.mulf %get3A_727, %get3A_546 : vector<16xf32>
        %add3A_729 = arith.addf %scan3A_510, %mul3A_728 : vector<16xf32>
        %add3A_730 = arith.constant 0 : i32
        %add3A_731 = arith.addi %add3A_730, %mul3A_529 : i32
        %get3A_732 = arith.constant 0 : i32
        %get3A_733 = arith.constant 7 : i32
        %get3A_734 = arith.index_cast %get3A_732 : i32 to index
        %get3A_735 = arith.index_cast %get3A_733 : i32 to index
        %get3A_736 = arith.index_cast %add3A_731 : i32 to index
        %get3A_737 = tpu.vector_load %arg6[%get3A_734, %get3A_735, %get3A_736] {strides = array<i32>} : memref<2x8x4096xf32, #tpu.memory_space<vmem>>, vector<1x1x16xf32>,
        %get3A_738 = vector.shape_cast %get3A_737 : vector<1x1x16xf32> to vector<16xf32>
        %mul3A_739 = arith.mulf %get3A_738, %get3A_546 : vector<16xf32>
        %add3A_740 = arith.addf %scan3A_511, %mul3A_739 : vector<16xf32>
        %add3A_741 = arith.constant 0 : i32
        %add3A_742 = arith.addi %add3A_741, %mul3A_529 : i32
        %get3A_743 = arith.constant 0 : i32
        %get3A_744 = arith.constant 0 : i32
        %get3A_745 = arith.index_cast %get3A_743 : i32 to index
        %get3A_746 = arith.index_cast %get3A_744 : i32 to index
        %get3A_747 = arith.index_cast %add3A_742 : i32 to index
        %get3A_748 = tpu.vector_load %arg6[%get3A_745, %get3A_746, %get3A_747] {strides = array<i32>} : memref<2x8x4096xf32, #tpu.memory_space<vmem>>, vector<1x1x16xf32>,
        %get3A_749 = vector.shape_cast %get3A_748 : vector<1x1x16xf32> to vector<16xf32>
        %mul3A_750 = arith.mulf %get3A_749, %get3A_555 : vector<16xf32>
        %add3A_751 = arith.addf %scan3A_512, %mul3A_750 : vector<16xf32>
        %add3A_752 = arith.constant 0 : i32
        %add3A_753 = arith.addi %add3A_752, %mul3A_529 : i32
        %get3A_754 = arith.constant 0 : i32
        %get3A_755 = arith.constant 1 : i32
        %get3A_756 = arith.index_cast %get3A_754 : i32 to index
        %get3A_757 = arith.index_cast %get3A_755 : i32 to index
        %get3A_758 = arith.index_cast %add3A_753 : i32 to index
        %get3A_759 = tpu.vector_load %arg6[%get3A_756, %get3A_757, %get3A_758] {strides = array<i32>} : memref<2x8x4096xf32, #tpu.memory_space<vmem>>, vector<1x1x16xf32>,
        %get3A_760 = vector.shape_cast %get3A_759 : vector<1x1x16xf32> to vector<16xf32>
        %mul3A_761 = arith.mulf %get3A_760, %get3A_555 : vector<16xf32>
        %add3A_762 = arith.addf %scan3A_513, %mul3A_761 : vector<16xf32>
        %add3A_763 = arith.constant 0 : i32
        %add3A_764 = arith.addi %add3A_763, %mul3A_529 : i32
        %get3A_765 = arith.constant 0 : i32
        %get3A_766 = arith.constant 2 : i32
        %get3A_767 = arith.index_cast %get3A_765 : i32 to index
        %get3A_768 = arith.index_cast %get3A_766 : i32 to index
        %get3A_769 = arith.index_cast %add3A_764 : i32 to index
        %get3A_770 = tpu.vector_load %arg6[%get3A_767, %get3A_768, %get3A_769] {strides = array<i32>} : memref<2x8x4096xf32, #tpu.memory_space<vmem>>, vector<1x1x16xf32>,
        %get3A_771 = vector.shape_cast %get3A_770 : vector<1x1x16xf32> to vector<16xf32>
        %mul3A_772 = arith.mulf %get3A_771, %get3A_555 : vector<16xf32>
        %add3A_773 = arith.addf %scan3A_514, %mul3A_772 : vector<16xf32>
        %add3A_774 = arith.constant 0 : i32
        %add3A_775 = arith.addi %add3A_774, %mul3A_529 : i32
        %get3A_776 = arith.constant 0 : i32
        %get3A_777 = arith.constant 3 : i32
        %get3A_778 = arith.index_cast %get3A_776 : i32 to index
        %get3A_779 = arith.index_cast %get3A_777 : i32 to index
        %get3A_780 = arith.index_cast %add3A_775 : i32 to index
        %get3A_781 = tpu.vector_load %arg6[%get3A_778, %get3A_779, %get3A_780] {strides = array<i32>} : memref<2x8x4096xf32, #tpu.memory_space<vmem>>, vector<1x1x16xf32>,
        %get3A_782 = vector.shape_cast %get3A_781 : vector<1x1x16xf32> to vector<16xf32>
        %mul3A_783 = arith.mulf %get3A_782, %get3A_555 : vector<16xf32>
        %add3A_784 = arith.addf %scan3A_515, %mul3A_783 : vector<16xf32>
        %add3A_785 = arith.constant 0 : i32
        %add3A_786 = arith.addi %add3A_785, %mul3A_529 : i32
        %get3A_787 = arith.constant 0 : i32
        %get3A_788 = arith.constant 4 : i32
        %get3A_789 = arith.index_cast %get3A_787 : i32 to index
        %get3A_790 = arith.index_cast %get3A_788 : i32 to index
        %get3A_791 = arith.index_cast %add3A_786 : i32 to index
        %get3A_792 = tpu.vector_load %arg6[%get3A_789, %get3A_790, %get3A_791] {strides = array<i32>} : memref<2x8x4096xf32, #tpu.memory_space<vmem>>, vector<1x1x16xf32>,
        %get3A_793 = vector.shape_cast %get3A_792 : vector<1x1x16xf32> to vector<16xf32>
        %mul3A_794 = arith.mulf %get3A_793, %get3A_555 : vector<16xf32>
        %add3A_795 = arith.addf %scan3A_516, %mul3A_794 : vector<16xf32>
        %add3A_796 = arith.constant 0 : i32
        %add3A_797 = arith.addi %add3A_796, %mul3A_529 : i32
        %get3A_798 = arith.constant 0 : i32
        %get3A_799 = arith.constant 5 : i32
        %get3A_800 = arith.index_cast %get3A_798 : i32 to index
        %get3A_801 = arith.index_cast %get3A_799 : i32 to index
        %get3A_802 = arith.index_cast %add3A_797 : i32 to index
        %get3A_803 = tpu.vector_load %arg6[%get3A_800, %get3A_801, %get3A_802] {strides = array<i32>} : memref<2x8x4096xf32, #tpu.memory_space<vmem>>, vector<1x1x16xf32>,
        %get3A_804 = vector.shape_cast %get3A_803 : vector<1x1x16xf32> to vector<16xf32>
        %mul3A_805 = arith.mulf %get3A_804, %get3A_555 : vector<16xf32>
        %add3A_806 = arith.addf %scan3A_517, %mul3A_805 : vector<16xf32>
        %add3A_807 = arith.constant 0 : i32
        %add3A_808 = arith.addi %add3A_807, %mul3A_529 : i32
        %get3A_809 = arith.constant 0 : i32
        %get3A_810 = arith.constant 6 : i32
        %get3A_811 = arith.index_cast %get3A_809 : i32 to index
        %get3A_812 = arith.index_cast %get3A_810 : i32 to index
        %get3A_813 = arith.index_cast %add3A_808 : i32 to index
        %get3A_814 = tpu.vector_load %arg6[%get3A_811, %get3A_812, %get3A_813] {strides = array<i32>} : memref<2x8x4096xf32, #tpu.memory_space<vmem>>, vector<1x1x16xf32>,
        %get3A_815 = vector.shape_cast %get3A_814 : vector<1x1x16xf32> to vector<16xf32>
        %mul3A_816 = arith.mulf %get3A_815, %get3A_555 : vector<16xf32>
        %add3A_817 = arith.addf %scan3A_518, %mul3A_816 : vector<16xf32>
        %add3A_818 = arith.constant 0 : i32
        %add3A_819 = arith.addi %add3A_818, %mul3A_529 : i32
        %get3A_820 = arith.constant 0 : i32
        %get3A_821 = arith.constant 7 : i32
        %get3A_822 = arith.index_cast %get3A_820 : i32 to index
        %get3A_823 = arith.index_cast %get3A_821 : i32 to index
        %get3A_824 = arith.index_cast %add3A_819 : i32 to index
        %get3A_825 = tpu.vector_load %arg6[%get3A_822, %get3A_823, %get3A_824] {strides = array<i32>} : memref<2x8x4096xf32, #tpu.memory_space<vmem>>, vector<1x1x16xf32>,
        %get3A_826 = vector.shape_cast %get3A_825 : vector<1x1x16xf32> to vector<16xf32>
        %mul3A_827 = arith.mulf %get3A_826, %get3A_555 : vector<16xf32>
        %add3A_828 = arith.addf %scan3A_519, %mul3A_827 : vector<16xf32>
        %add3A_829 = arith.constant 0 : i32
        %add3A_830 = arith.addi %add3A_829, %mul3A_529 : i32
        %get3A_831 = arith.constant 0 : i32
        %get3A_832 = arith.constant 0 : i32
        %get3A_833 = arith.index_cast %get3A_831 : i32 to index
        %get3A_834 = arith.index_cast %get3A_832 : i32 to index
        %get3A_835 = arith.index_cast %add3A_830 : i32 to index
        %get3A_836 = tpu.vector_load %arg6[%get3A_833, %get3A_834, %get3A_835] {strides = array<i32>} : memref<2x8x4096xf32, #tpu.memory_space<vmem>>, vector<1x1x16xf32>,
        %get3A_837 = vector.shape_cast %get3A_836 : vector<1x1x16xf32> to vector<16xf32>
        %mul3A_838 = arith.mulf %get3A_837, %get3A_564 : vector<16xf32>
        %add3A_839 = arith.addf %scan3A_520, %mul3A_838 : vector<16xf32>
        %add3A_840 = arith.constant 0 : i32
        %add3A_841 = arith.addi %add3A_840, %mul3A_529 : i32
        %get3A_842 = arith.constant 0 : i32
        %get3A_843 = arith.constant 1 : i32
        %get3A_844 = arith.index_cast %get3A_842 : i32 to index
        %get3A_845 = arith.index_cast %get3A_843 : i32 to index
        %get3A_846 = arith.index_cast %add3A_841 : i32 to index
        %get3A_847 = tpu.vector_load %arg6[%get3A_844, %get3A_845, %get3A_846] {strides = array<i32>} : memref<2x8x4096xf32, #tpu.memory_space<vmem>>, vector<1x1x16xf32>,
        %get3A_848 = vector.shape_cast %get3A_847 : vector<1x1x16xf32> to vector<16xf32>
        %mul3A_849 = arith.mulf %get3A_848, %get3A_564 : vector<16xf32>
        %add3A_850 = arith.addf %scan3A_521, %mul3A_849 : vector<16xf32>
        %add3A_851 = arith.constant 0 : i32
        %add3A_852 = arith.addi %add3A_851, %mul3A_529 : i32
        %get3A_853 = arith.constant 0 : i32
        %get3A_854 = arith.constant 2 : i32
        %get3A_855 = arith.index_cast %get3A_853 : i32 to index
        %get3A_856 = arith.index_cast %get3A_854 : i32 to index
        %get3A_857 = arith.index_cast %add3A_852 : i32 to index
        %get3A_858 = tpu.vector_load %arg6[%get3A_855, %get3A_856, %get3A_857] {strides = array<i32>} : memref<2x8x4096xf32, #tpu.memory_space<vmem>>, vector<1x1x16xf32>,
        %get3A_859 = vector.shape_cast %get3A_858 : vector<1x1x16xf32> to vector<16xf32>
        %mul3A_860 = arith.mulf %get3A_859, %get3A_564 : vector<16xf32>
        %add3A_861 = arith.addf %scan3A_522, %mul3A_860 : vector<16xf32>
        %add3A_862 = arith.constant 0 : i32
        %add3A_863 = arith.addi %add3A_862, %mul3A_529 : i32
        %get3A_864 = arith.constant 0 : i32
        %get3A_865 = arith.constant 3 : i32
        %get3A_866 = arith.index_cast %get3A_864 : i32 to index
        %get3A_867 = arith.index_cast %get3A_865 : i32 to index
        %get3A_868 = arith.index_cast %add3A_863 : i32 to index
        %get3A_869 = tpu.vector_load %arg6[%get3A_866, %get3A_867, %get3A_868] {strides = array<i32>} : memref<2x8x4096xf32, #tpu.memory_space<vmem>>, vector<1x1x16xf32>,
        %get3A_870 = vector.shape_cast %get3A_869 : vector<1x1x16xf32> to vector<16xf32>
        %mul3A_871 = arith.mulf %get3A_870, %get3A_564 : vector<16xf32>
        %add3A_872 = arith.addf %scan3A_523, %mul3A_871 : vector<16xf32>
        %add3A_873 = arith.constant 0 : i32
        %add3A_874 = arith.addi %add3A_873, %mul3A_529 : i32
        %get3A_875 = arith.constant 0 : i32
        %get3A_876 = arith.constant 4 : i32
        %get3A_877 = arith.index_cast %get3A_875 : i32 to index
        %get3A_878 = arith.index_cast %get3A_876 : i32 to index
        %get3A_879 = arith.index_cast %add3A_874 : i32 to index
        %get3A_880 = tpu.vector_load %arg6[%get3A_877, %get3A_878, %get3A_879] {strides = array<i32>} : memref<2x8x4096xf32, #tpu.memory_space<vmem>>, vector<1x1x16xf32>,
        %get3A_881 = vector.shape_cast %get3A_880 : vector<1x1x16xf32> to vector<16xf32>
        %mul3A_882 = arith.mulf %get3A_881, %get3A_564 : vector<16xf32>
        %add3A_883 = arith.addf %scan3A_524, %mul3A_882 : vector<16xf32>
        %add3A_884 = arith.constant 0 : i32
        %add3A_885 = arith.addi %add3A_884, %mul3A_529 : i32
        %get3A_886 = arith.constant 0 : i32
        %get3A_887 = arith.constant 5 : i32
        %get3A_888 = arith.index_cast %get3A_886 : i32 to index
        %get3A_889 = arith.index_cast %get3A_887 : i32 to index
        %get3A_890 = arith.index_cast %add3A_885 : i32 to index
        %get3A_891 = tpu.vector_load %arg6[%get3A_888, %get3A_889, %get3A_890] {strides = array<i32>} : memref<2x8x4096xf32, #tpu.memory_space<vmem>>, vector<1x1x16xf32>,
        %get3A_892 = vector.shape_cast %get3A_891 : vector<1x1x16xf32> to vector<16xf32>
        %mul3A_893 = arith.mulf %get3A_892, %get3A_564 : vector<16xf32>
        %add3A_894 = arith.addf %scan3A_525, %mul3A_893 : vector<16xf32>
        %add3A_895 = arith.constant 0 : i32
        %add3A_896 = arith.addi %add3A_895, %mul3A_529 : i32
        %get3A_897 = arith.constant 0 : i32
        %get3A_898 = arith.constant 6 : i32
        %get3A_899 = arith.index_cast %get3A_897 : i32 to index
        %get3A_900 = arith.index_cast %get3A_898 : i32 to index
        %get3A_901 = arith.index_cast %add3A_896 : i32 to index
        %get3A_902 = tpu.vector_load %arg6[%get3A_899, %get3A_900, %get3A_901] {strides = array<i32>} : memref<2x8x4096xf32, #tpu.memory_space<vmem>>, vector<1x1x16xf32>,
        %get3A_903 = vector.shape_cast %get3A_902 : vector<1x1x16xf32> to vector<16xf32>
        %mul3A_904 = arith.mulf %get3A_903, %get3A_564 : vector<16xf32>
        %add3A_905 = arith.addf %scan3A_526, %mul3A_904 : vector<16xf32>
        %add3A_906 = arith.constant 0 : i32
        %add3A_907 = arith.addi %add3A_906, %mul3A_529 : i32
        %get3A_908 = arith.constant 0 : i32
        %get3A_909 = arith.constant 7 : i32
        %get3A_910 = arith.index_cast %get3A_908 : i32 to index
        %get3A_911 = arith.index_cast %get3A_909 : i32 to index
        %get3A_912 = arith.index_cast %add3A_907 : i32 to index
        %get3A_913 = tpu.vector_load %arg6[%get3A_910, %get3A_911, %get3A_912] {strides = array<i32>} : memref<2x8x4096xf32, #tpu.memory_space<vmem>>, vector<1x1x16xf32>,
        %get3A_914 = vector.shape_cast %get3A_913 : vector<1x1x16xf32> to vector<16xf32>
        %mul3A_915 = arith.mulf %get3A_914, %get3A_564 : vector<16xf32>
        %add3A_916 = arith.addf %scan3A_527, %mul3A_915 : vector<16xf32>
        scf.yield %add3A_575, %add3A_586, %add3A_597, %add3A_608, %add3A_619, %add3A_630, %add3A_641, %add3A_652, %add3A_663, %add3A_674, %add3A_685, %add3A_696, %add3A_707, %add3A_718, %add3A_729, %add3A_740, %add3A_751, %add3A_762, %add3A_773, %add3A_784, %add3A_795, %add3A_806, %add3A_817, %add3A_828, %add3A_839, %add3A_850, %add3A_861, %add3A_872, %add3A_883, %add3A_894, %add3A_905, %add3A_916 : vector<16xf32>, vector<16xf32>, vector<16xf32>, vector<16xf32>, vector<16xf32>, vector<16xf32>, vector<16xf32>, vector<16xf32>, vector<16xf32>, vector<16xf32>, vector<16xf32>, vector<16xf32>, vector<16xf32>, vector<16xf32>, vector<16xf32>, vector<16xf32>, vector<16xf32>, vector<16xf32>, vector<16xf32>, vector<16xf32>, vector<16xf32>, vector<16xf32>, vector<16xf32>, vector<16xf32>, vector<16xf32>, vector<16xf32>, vector<16xf32>, vector<16xf32>, vector<16xf32>, vector<16xf32>, vector<16xf32>, vector<16xf32>
      }
      %scan3A_412 = arith.constant 64 : i32
      %scan3A_413 = arith.constant 0 : i32
      %scan3A_414 = arith.constant 64 : i32
      %scan3A_415 = arith.addi %scan3A_413, %scan3A_414 : i32
      %scan3A_416 = arith.constant 1 : i32
      %scan3A_417:32 = scf.for %scan3A_495 = %scan3A_413 to %scan3A_415 step %scan3A_416 iter_args(%scan3A_496 = %scan3A_411#0, %scan3A_497 = %scan3A_411#1, %scan3A_498 = %scan3A_411#2, %scan3A_499 = %scan3A_411#3, %scan3A_500 = %scan3A_411#4, %scan3A_501 = %scan3A_411#5, %scan3A_502 = %scan3A_411#6, %scan3A_503 = %scan3A_411#7, %scan3A_504 = %scan3A_411#8, %scan3A_505 = %scan3A_411#9, %scan3A_506 = %scan3A_411#10, %scan3A_507 = %scan3A_411#11, %scan3A_508 = %scan3A_411#12, %scan3A_509 = %scan3A_411#13, %scan3A_510 = %scan3A_411#14, %scan3A_511 = %scan3A_411#15, %scan3A_512 = %scan3A_411#16, %scan3A_513 = %scan3A_411#17, %scan3A_514 = %scan3A_411#18, %scan3A_515 = %scan3A_411#19, %scan3A_516 = %scan3A_411#20, %scan3A_517 = %scan3A_411#21, %scan3A_518 = %scan3A_411#22, %scan3A_519 = %scan3A_411#23, %scan3A_520 = %scan3A_411#24, %scan3A_521 = %scan3A_411#25, %scan3A_522 = %scan3A_411#26, %scan3A_523 = %scan3A_411#27, %scan3A_524 = %scan3A_411#28, %scan3A_525 = %scan3A_411#29, %scan3A_526 = %scan3A_411#30, %scan3A_527 = %scan3A_411#31) -> (vector<16xf32>, vector<16xf32>, vector<16xf32>, vector<16xf32>, vector<16xf32>, vector<16xf32>, vector<16xf32>, vector<16xf32>, vector<16xf32>, vector<16xf32>, vector<16xf32>, vector<16xf32>, vector<16xf32>, vector<16xf32>, vector<16xf32>, vector<16xf32>, vector<16xf32>, vector<16xf32>, vector<16xf32>, vector<16xf32>, vector<16xf32>, vector<16xf32>, vector<16xf32>, vector<16xf32>, vector<16xf32>, vector<16xf32>, vector<16xf32>, vector<16xf32>, vector<16xf32>, vector<16xf32>, vector<16xf32>, vector<16xf32>)  : i32 {
        %mul3A_528 = arith.constant 16 : i32
        %mul3A_529 = arith.muli %scan3A_495, %mul3A_528 : i32
        %get3A = arith.constant 0 : i32
        %get3A_530 = arith.constant 0 : i32
        %get3A_531 = arith.constant 1 : i32
        %get3A_532 = arith.index_cast %get3A : i32 to index
        %get3A_533 = arith.index_cast %get3A_530 : i32 to index
        %get3A_534 = arith.index_cast %get3A_531 : i32 to index
        %get3A_535 = arith.index_cast %mul3A_529 : i32 to index
        %get3A_536 = tpu.vector_load %arg5[%get3A_532, %get3A_533, %get3A_534, %get3A_535] {strides = array<i32>} : memref<2x4x4x1024xf32, #tpu.memory_space<vmem>>, vector<1x1x1x16xf32>,
        %get3A_537 = vector.shape_cast %get3A_536 : vector<1x1x1x16xf32> to vector<16xf32>
        %get3A_538 = arith.constant 0 : i32
        %get3A_539 = arith.constant 1 : i32
        %get3A_540 = arith.constant 1 : i32
        %get3A_541 = arith.index_cast %get3A_538 : i32 to index
        %get3A_542 = arith.index_cast %get3A_539 : i32 to index
        %get3A_543 = arith.index_cast %get3A_540 : i32 to index
        %get3A_544 = arith.index_cast %mul3A_529 : i32 to index
        %get3A_545 = tpu.vector_load %arg5[%get3A_541, %get3A_542, %get3A_543, %get3A_544] {strides = array<i32>} : memref<2x4x4x1024xf32, #tpu.memory_space<vmem>>, vector<1x1x1x16xf32>,
        %get3A_546 = vector.shape_cast %get3A_545 : vector<1x1x1x16xf32> to vector<16xf32>
        %get3A_547 = arith.constant 0 : i32
        %get3A_548 = arith.constant 2 : i32
        %get3A_549 = arith.constant 1 : i32
        %get3A_550 = arith.index_cast %get3A_547 : i32 to index
        %get3A_551 = arith.index_cast %get3A_548 : i32 to index
        %get3A_552 = arith.index_cast %get3A_549 : i32 to index
        %get3A_553 = arith.index_cast %mul3A_529 : i32 to index
        %get3A_554 = tpu.vector_load %arg5[%get3A_550, %get3A_551, %get3A_552, %get3A_553] {strides = array<i32>} : memref<2x4x4x1024xf32, #tpu.memory_space<vmem>>, vector<1x1x1x16xf32>,
        %get3A_555 = vector.shape_cast %get3A_554 : vector<1x1x1x16xf32> to vector<16xf32>
        %get3A_556 = arith.constant 0 : i32
        %get3A_557 = arith.constant 3 : i32
        %get3A_558 = arith.constant 1 : i32
        %get3A_559 = arith.index_cast %get3A_556 : i32 to index
        %get3A_560 = arith.index_cast %get3A_557 : i32 to index
        %get3A_561 = arith.index_cast %get3A_558 : i32 to index
        %get3A_562 = arith.index_cast %mul3A_529 : i32 to index
        %get3A_563 = tpu.vector_load %arg5[%get3A_559, %get3A_560, %get3A_561, %get3A_562] {strides = array<i32>} : memref<2x4x4x1024xf32, #tpu.memory_space<vmem>>, vector<1x1x1x16xf32>,
        %get3A_564 = vector.shape_cast %get3A_563 : vector<1x1x1x16xf32> to vector<16xf32>
        %add3A_565 = arith.constant 1024 : i32
        %add3A_566 = arith.addi %add3A_565, %mul3A_529 : i32
        %get3A_567 = arith.constant 0 : i32
        %get3A_568 = arith.constant 0 : i32
        %get3A_569 = arith.index_cast %get3A_567 : i32 to index
        %get3A_570 = arith.index_cast %get3A_568 : i32 to index
        %get3A_571 = arith.index_cast %add3A_566 : i32 to index
        %get3A_572 = tpu.vector_load %arg6[%get3A_569, %get3A_570, %get3A_571] {strides = array<i32>} : memref<2x8x4096xf32, #tpu.memory_space<vmem>>, vector<1x1x16xf32>,
        %get3A_573 = vector.shape_cast %get3A_572 : vector<1x1x16xf32> to vector<16xf32>
        %mul3A_574 = arith.mulf %get3A_573, %get3A_537 : vector<16xf32>
        %add3A_575 = arith.addf %scan3A_496, %mul3A_574 : vector<16xf32>
        %add3A_576 = arith.constant 1024 : i32
        %add3A_577 = arith.addi %add3A_576, %mul3A_529 : i32
        %get3A_578 = arith.constant 0 : i32
        %get3A_579 = arith.constant 1 : i32
        %get3A_580 = arith.index_cast %get3A_578 : i32 to index
        %get3A_581 = arith.index_cast %get3A_579 : i32 to index
        %get3A_582 = arith.index_cast %add3A_577 : i32 to index
        %get3A_583 = tpu.vector_load %arg6[%get3A_580, %get3A_581, %get3A_582] {strides = array<i32>} : memref<2x8x4096xf32, #tpu.memory_space<vmem>>, vector<1x1x16xf32>,
        %get3A_584 = vector.shape_cast %get3A_583 : vector<1x1x16xf32> to vector<16xf32>
        %mul3A_585 = arith.mulf %get3A_584, %get3A_537 : vector<16xf32>
        %add3A_586 = arith.addf %scan3A_497, %mul3A_585 : vector<16xf32>
        %add3A_587 = arith.constant 1024 : i32
        %add3A_588 = arith.addi %add3A_587, %mul3A_529 : i32
        %get3A_589 = arith.constant 0 : i32
        %get3A_590 = arith.constant 2 : i32
        %get3A_591 = arith.index_cast %get3A_589 : i32 to index
        %get3A_592 = arith.index_cast %get3A_590 : i32 to index
        %get3A_593 = arith.index_cast %add3A_588 : i32 to index
        %get3A_594 = tpu.vector_load %arg6[%get3A_591, %get3A_592, %get3A_593] {strides = array<i32>} : memref<2x8x4096xf32, #tpu.memory_space<vmem>>, vector<1x1x16xf32>,
        %get3A_595 = vector.shape_cast %get3A_594 : vector<1x1x16xf32> to vector<16xf32>
        %mul3A_596 = arith.mulf %get3A_595, %get3A_537 : vector<16xf32>
        %add3A_597 = arith.addf %scan3A_498, %mul3A_596 : vector<16xf32>
        %add3A_598 = arith.constant 1024 : i32
        %add3A_599 = arith.addi %add3A_598, %mul3A_529 : i32
        %get3A_600 = arith.constant 0 : i32
        %get3A_601 = arith.constant 3 : i32
        %get3A_602 = arith.index_cast %get3A_600 : i32 to index
        %get3A_603 = arith.index_cast %get3A_601 : i32 to index
        %get3A_604 = arith.index_cast %add3A_599 : i32 to index
        %get3A_605 = tpu.vector_load %arg6[%get3A_602, %get3A_603, %get3A_604] {strides = array<i32>} : memref<2x8x4096xf32, #tpu.memory_space<vmem>>, vector<1x1x16xf32>,
        %get3A_606 = vector.shape_cast %get3A_605 : vector<1x1x16xf32> to vector<16xf32>
        %mul3A_607 = arith.mulf %get3A_606, %get3A_537 : vector<16xf32>
        %add3A_608 = arith.addf %scan3A_499, %mul3A_607 : vector<16xf32>
        %add3A_609 = arith.constant 1024 : i32
        %add3A_610 = arith.addi %add3A_609, %mul3A_529 : i32
        %get3A_611 = arith.constant 0 : i32
        %get3A_612 = arith.constant 4 : i32
        %get3A_613 = arith.index_cast %get3A_611 : i32 to index
        %get3A_614 = arith.index_cast %get3A_612 : i32 to index
        %get3A_615 = arith.index_cast %add3A_610 : i32 to index
        %get3A_616 = tpu.vector_load %arg6[%get3A_613, %get3A_614, %get3A_615] {strides = array<i32>} : memref<2x8x4096xf32, #tpu.memory_space<vmem>>, vector<1x1x16xf32>,
        %get3A_617 = vector.shape_cast %get3A_616 : vector<1x1x16xf32> to vector<16xf32>
        %mul3A_618 = arith.mulf %get3A_617, %get3A_537 : vector<16xf32>
        %add3A_619 = arith.addf %scan3A_500, %mul3A_618 : vector<16xf32>
        %add3A_620 = arith.constant 1024 : i32
        %add3A_621 = arith.addi %add3A_620, %mul3A_529 : i32
        %get3A_622 = arith.constant 0 : i32
        %get3A_623 = arith.constant 5 : i32
        %get3A_624 = arith.index_cast %get3A_622 : i32 to index
        %get3A_625 = arith.index_cast %get3A_623 : i32 to index
        %get3A_626 = arith.index_cast %add3A_621 : i32 to index
        %get3A_627 = tpu.vector_load %arg6[%get3A_624, %get3A_625, %get3A_626] {strides = array<i32>} : memref<2x8x4096xf32, #tpu.memory_space<vmem>>, vector<1x1x16xf32>,
        %get3A_628 = vector.shape_cast %get3A_627 : vector<1x1x16xf32> to vector<16xf32>
        %mul3A_629 = arith.mulf %get3A_628, %get3A_537 : vector<16xf32>
        %add3A_630 = arith.addf %scan3A_501, %mul3A_629 : vector<16xf32>
        %add3A_631 = arith.constant 1024 : i32
        %add3A_632 = arith.addi %add3A_631, %mul3A_529 : i32
        %get3A_633 = arith.constant 0 : i32
        %get3A_634 = arith.constant 6 : i32
        %get3A_635 = arith.index_cast %get3A_633 : i32 to index
        %get3A_636 = arith.index_cast %get3A_634 : i32 to index
        %get3A_637 = arith.index_cast %add3A_632 : i32 to index
        %get3A_638 = tpu.vector_load %arg6[%get3A_635, %get3A_636, %get3A_637] {strides = array<i32>} : memref<2x8x4096xf32, #tpu.memory_space<vmem>>, vector<1x1x16xf32>,
        %get3A_639 = vector.shape_cast %get3A_638 : vector<1x1x16xf32> to vector<16xf32>
        %mul3A_640 = arith.mulf %get3A_639, %get3A_537 : vector<16xf32>
        %add3A_641 = arith.addf %scan3A_502, %mul3A_640 : vector<16xf32>
        %add3A_642 = arith.constant 1024 : i32
        %add3A_643 = arith.addi %add3A_642, %mul3A_529 : i32
        %get3A_644 = arith.constant 0 : i32
        %get3A_645 = arith.constant 7 : i32
        %get3A_646 = arith.index_cast %get3A_644 : i32 to index
        %get3A_647 = arith.index_cast %get3A_645 : i32 to index
        %get3A_648 = arith.index_cast %add3A_643 : i32 to index
        %get3A_649 = tpu.vector_load %arg6[%get3A_646, %get3A_647, %get3A_648] {strides = array<i32>} : memref<2x8x4096xf32, #tpu.memory_space<vmem>>, vector<1x1x16xf32>,
        %get3A_650 = vector.shape_cast %get3A_649 : vector<1x1x16xf32> to vector<16xf32>
        %mul3A_651 = arith.mulf %get3A_650, %get3A_537 : vector<16xf32>
        %add3A_652 = arith.addf %scan3A_503, %mul3A_651 : vector<16xf32>
        %add3A_653 = arith.constant 1024 : i32
        %add3A_654 = arith.addi %add3A_653, %mul3A_529 : i32
        %get3A_655 = arith.constant 0 : i32
        %get3A_656 = arith.constant 0 : i32
        %get3A_657 = arith.index_cast %get3A_655 : i32 to index
        %get3A_658 = arith.index_cast %get3A_656 : i32 to index
        %get3A_659 = arith.index_cast %add3A_654 : i32 to index
        %get3A_660 = tpu.vector_load %arg6[%get3A_657, %get3A_658, %get3A_659] {strides = array<i32>} : memref<2x8x4096xf32, #tpu.memory_space<vmem>>, vector<1x1x16xf32>,
        %get3A_661 = vector.shape_cast %get3A_660 : vector<1x1x16xf32> to vector<16xf32>
        %mul3A_662 = arith.mulf %get3A_661, %get3A_546 : vector<16xf32>
        %add3A_663 = arith.addf %scan3A_504, %mul3A_662 : vector<16xf32>
        %add3A_664 = arith.constant 1024 : i32
        %add3A_665 = arith.addi %add3A_664, %mul3A_529 : i32
        %get3A_666 = arith.constant 0 : i32
        %get3A_667 = arith.constant 1 : i32
        %get3A_668 = arith.index_cast %get3A_666 : i32 to index
        %get3A_669 = arith.index_cast %get3A_667 : i32 to index
        %get3A_670 = arith.index_cast %add3A_665 : i32 to index
        %get3A_671 = tpu.vector_load %arg6[%get3A_668, %get3A_669, %get3A_670] {strides = array<i32>} : memref<2x8x4096xf32, #tpu.memory_space<vmem>>, vector<1x1x16xf32>,
        %get3A_672 = vector.shape_cast %get3A_671 : vector<1x1x16xf32> to vector<16xf32>
        %mul3A_673 = arith.mulf %get3A_672, %get3A_546 : vector<16xf32>
        %add3A_674 = arith.addf %scan3A_505, %mul3A_673 : vector<16xf32>
        %add3A_675 = arith.constant 1024 : i32
        %add3A_676 = arith.addi %add3A_675, %mul3A_529 : i32
        %get3A_677 = arith.constant 0 : i32
        %get3A_678 = arith.constant 2 : i32
        %get3A_679 = arith.index_cast %get3A_677 : i32 to index
        %get3A_680 = arith.index_cast %get3A_678 : i32 to index
        %get3A_681 = arith.index_cast %add3A_676 : i32 to index
        %get3A_682 = tpu.vector_load %arg6[%get3A_679, %get3A_680, %get3A_681] {strides = array<i32>} : memref<2x8x4096xf32, #tpu.memory_space<vmem>>, vector<1x1x16xf32>,
        %get3A_683 = vector.shape_cast %get3A_682 : vector<1x1x16xf32> to vector<16xf32>
        %mul3A_684 = arith.mulf %get3A_683, %get3A_546 : vector<16xf32>
        %add3A_685 = arith.addf %scan3A_506, %mul3A_684 : vector<16xf32>
        %add3A_686 = arith.constant 1024 : i32
        %add3A_687 = arith.addi %add3A_686, %mul3A_529 : i32
        %get3A_688 = arith.constant 0 : i32
        %get3A_689 = arith.constant 3 : i32
        %get3A_690 = arith.index_cast %get3A_688 : i32 to index
        %get3A_691 = arith.index_cast %get3A_689 : i32 to index
        %get3A_692 = arith.index_cast %add3A_687 : i32 to index
        %get3A_693 = tpu.vector_load %arg6[%get3A_690, %get3A_691, %get3A_692] {strides = array<i32>} : memref<2x8x4096xf32, #tpu.memory_space<vmem>>, vector<1x1x16xf32>,
        %get3A_694 = vector.shape_cast %get3A_693 : vector<1x1x16xf32> to vector<16xf32>
        %mul3A_695 = arith.mulf %get3A_694, %get3A_546 : vector<16xf32>
        %add3A_696 = arith.addf %scan3A_507, %mul3A_695 : vector<16xf32>
        %add3A_697 = arith.constant 1024 : i32
        %add3A_698 = arith.addi %add3A_697, %mul3A_529 : i32
        %get3A_699 = arith.constant 0 : i32
        %get3A_700 = arith.constant 4 : i32
        %get3A_701 = arith.index_cast %get3A_699 : i32 to index
        %get3A_702 = arith.index_cast %get3A_700 : i32 to index
        %get3A_703 = arith.index_cast %add3A_698 : i32 to index
        %get3A_704 = tpu.vector_load %arg6[%get3A_701, %get3A_702, %get3A_703] {strides = array<i32>} : memref<2x8x4096xf32, #tpu.memory_space<vmem>>, vector<1x1x16xf32>,
        %get3A_705 = vector.shape_cast %get3A_704 : vector<1x1x16xf32> to vector<16xf32>
        %mul3A_706 = arith.mulf %get3A_705, %get3A_546 : vector<16xf32>
        %add3A_707 = arith.addf %scan3A_508, %mul3A_706 : vector<16xf32>
        %add3A_708 = arith.constant 1024 : i32
        %add3A_709 = arith.addi %add3A_708, %mul3A_529 : i32
        %get3A_710 = arith.constant 0 : i32
        %get3A_711 = arith.constant 5 : i32
        %get3A_712 = arith.index_cast %get3A_710 : i32 to index
        %get3A_713 = arith.index_cast %get3A_711 : i32 to index
        %get3A_714 = arith.index_cast %add3A_709 : i32 to index
        %get3A_715 = tpu.vector_load %arg6[%get3A_712, %get3A_713, %get3A_714] {strides = array<i32>} : memref<2x8x4096xf32, #tpu.memory_space<vmem>>, vector<1x1x16xf32>,
        %get3A_716 = vector.shape_cast %get3A_715 : vector<1x1x16xf32> to vector<16xf32>
        %mul3A_717 = arith.mulf %get3A_716, %get3A_546 : vector<16xf32>
        %add3A_718 = arith.addf %scan3A_509, %mul3A_717 : vector<16xf32>
        %add3A_719 = arith.constant 1024 : i32
        %add3A_720 = arith.addi %add3A_719, %mul3A_529 : i32
        %get3A_721 = arith.constant 0 : i32
        %get3A_722 = arith.constant 6 : i32
        %get3A_723 = arith.index_cast %get3A_721 : i32 to index
        %get3A_724 = arith.index_cast %get3A_722 : i32 to index
        %get3A_725 = arith.index_cast %add3A_720 : i32 to index
        %get3A_726 = tpu.vector_load %arg6[%get3A_723, %get3A_724, %get3A_725] {strides = array<i32>} : memref<2x8x4096xf32, #tpu.memory_space<vmem>>, vector<1x1x16xf32>,
        %get3A_727 = vector.shape_cast %get3A_726 : vector<1x1x16xf32> to vector<16xf32>
        %mul3A_728 = arith.mulf %get3A_727, %get3A_546 : vector<16xf32>
        %add3A_729 = arith.addf %scan3A_510, %mul3A_728 : vector<16xf32>
        %add3A_730 = arith.constant 1024 : i32
        %add3A_731 = arith.addi %add3A_730, %mul3A_529 : i32
        %get3A_732 = arith.constant 0 : i32
        %get3A_733 = arith.constant 7 : i32
        %get3A_734 = arith.index_cast %get3A_732 : i32 to index
        %get3A_735 = arith.index_cast %get3A_733 : i32 to index
        %get3A_736 = arith.index_cast %add3A_731 : i32 to index
        %get3A_737 = tpu.vector_load %arg6[%get3A_734, %get3A_735, %get3A_736] {strides = array<i32>} : memref<2x8x4096xf32, #tpu.memory_space<vmem>>, vector<1x1x16xf32>,
        %get3A_738 = vector.shape_cast %get3A_737 : vector<1x1x16xf32> to vector<16xf32>
        %mul3A_739 = arith.mulf %get3A_738, %get3A_546 : vector<16xf32>
        %add3A_740 = arith.addf %scan3A_511, %mul3A_739 : vector<16xf32>
        %add3A_741 = arith.constant 1024 : i32
        %add3A_742 = arith.addi %add3A_741, %mul3A_529 : i32
        %get3A_743 = arith.constant 0 : i32
        %get3A_744 = arith.constant 0 : i32
        %get3A_745 = arith.index_cast %get3A_743 : i32 to index
        %get3A_746 = arith.index_cast %get3A_744 : i32 to index
        %get3A_747 = arith.index_cast %add3A_742 : i32 to index
        %get3A_748 = tpu.vector_load %arg6[%get3A_745, %get3A_746, %get3A_747] {strides = array<i32>} : memref<2x8x4096xf32, #tpu.memory_space<vmem>>, vector<1x1x16xf32>,
        %get3A_749 = vector.shape_cast %get3A_748 : vector<1x1x16xf32> to vector<16xf32>
        %mul3A_750 = arith.mulf %get3A_749, %get3A_555 : vector<16xf32>
        %add3A_751 = arith.addf %scan3A_512, %mul3A_750 : vector<16xf32>
        %add3A_752 = arith.constant 1024 : i32
        %add3A_753 = arith.addi %add3A_752, %mul3A_529 : i32
        %get3A_754 = arith.constant 0 : i32
        %get3A_755 = arith.constant 1 : i32
        %get3A_756 = arith.index_cast %get3A_754 : i32 to index
        %get3A_757 = arith.index_cast %get3A_755 : i32 to index
        %get3A_758 = arith.index_cast %add3A_753 : i32 to index
        %get3A_759 = tpu.vector_load %arg6[%get3A_756, %get3A_757, %get3A_758] {strides = array<i32>} : memref<2x8x4096xf32, #tpu.memory_space<vmem>>, vector<1x1x16xf32>,
        %get3A_760 = vector.shape_cast %get3A_759 : vector<1x1x16xf32> to vector<16xf32>
        %mul3A_761 = arith.mulf %get3A_760, %get3A_555 : vector<16xf32>
        %add3A_762 = arith.addf %scan3A_513, %mul3A_761 : vector<16xf32>
        %add3A_763 = arith.constant 1024 : i32
        %add3A_764 = arith.addi %add3A_763, %mul3A_529 : i32
        %get3A_765 = arith.constant 0 : i32
        %get3A_766 = arith.constant 2 : i32
        %get3A_767 = arith.index_cast %get3A_765 : i32 to index
        %get3A_768 = arith.index_cast %get3A_766 : i32 to index
        %get3A_769 = arith.index_cast %add3A_764 : i32 to index
        %get3A_770 = tpu.vector_load %arg6[%get3A_767, %get3A_768, %get3A_769] {strides = array<i32>} : memref<2x8x4096xf32, #tpu.memory_space<vmem>>, vector<1x1x16xf32>,
        %get3A_771 = vector.shape_cast %get3A_770 : vector<1x1x16xf32> to vector<16xf32>
        %mul3A_772 = arith.mulf %get3A_771, %get3A_555 : vector<16xf32>
        %add3A_773 = arith.addf %scan3A_514, %mul3A_772 : vector<16xf32>
        %add3A_774 = arith.constant 1024 : i32
        %add3A_775 = arith.addi %add3A_774, %mul3A_529 : i32
        %get3A_776 = arith.constant 0 : i32
        %get3A_777 = arith.constant 3 : i32
        %get3A_778 = arith.index_cast %get3A_776 : i32 to index
        %get3A_779 = arith.index_cast %get3A_777 : i32 to index
        %get3A_780 = arith.index_cast %add3A_775 : i32 to index
        %get3A_781 = tpu.vector_load %arg6[%get3A_778, %get3A_779, %get3A_780] {strides = array<i32>} : memref<2x8x4096xf32, #tpu.memory_space<vmem>>, vector<1x1x16xf32>,
        %get3A_782 = vector.shape_cast %get3A_781 : vector<1x1x16xf32> to vector<16xf32>
        %mul3A_783 = arith.mulf %get3A_782, %get3A_555 : vector<16xf32>
        %add3A_784 = arith.addf %scan3A_515, %mul3A_783 : vector<16xf32>
        %add3A_785 = arith.constant 1024 : i32
        %add3A_786 = arith.addi %add3A_785, %mul3A_529 : i32
        %get3A_787 = arith.constant 0 : i32
        %get3A_788 = arith.constant 4 : i32
        %get3A_789 = arith.index_cast %get3A_787 : i32 to index
        %get3A_790 = arith.index_cast %get3A_788 : i32 to index
        %get3A_791 = arith.index_cast %add3A_786 : i32 to index
        %get3A_792 = tpu.vector_load %arg6[%get3A_789, %get3A_790, %get3A_791] {strides = array<i32>} : memref<2x8x4096xf32, #tpu.memory_space<vmem>>, vector<1x1x16xf32>,
        %get3A_793 = vector.shape_cast %get3A_792 : vector<1x1x16xf32> to vector<16xf32>
        %mul3A_794 = arith.mulf %get3A_793, %get3A_555 : vector<16xf32>
        %add3A_795 = arith.addf %scan3A_516, %mul3A_794 : vector<16xf32>
        %add3A_796 = arith.constant 1024 : i32
        %add3A_797 = arith.addi %add3A_796, %mul3A_529 : i32
        %get3A_798 = arith.constant 0 : i32
        %get3A_799 = arith.constant 5 : i32
        %get3A_800 = arith.index_cast %get3A_798 : i32 to index
        %get3A_801 = arith.index_cast %get3A_799 : i32 to index
        %get3A_802 = arith.index_cast %add3A_797 : i32 to index
        %get3A_803 = tpu.vector_load %arg6[%get3A_800, %get3A_801, %get3A_802] {strides = array<i32>} : memref<2x8x4096xf32, #tpu.memory_space<vmem>>, vector<1x1x16xf32>,
        %get3A_804 = vector.shape_cast %get3A_803 : vector<1x1x16xf32> to vector<16xf32>
        %mul3A_805 = arith.mulf %get3A_804, %get3A_555 : vector<16xf32>
        %add3A_806 = arith.addf %scan3A_517, %mul3A_805 : vector<16xf32>
        %add3A_807 = arith.constant 1024 : i32
        %add3A_808 = arith.addi %add3A_807, %mul3A_529 : i32
        %get3A_809 = arith.constant 0 : i32
        %get3A_810 = arith.constant 6 : i32
        %get3A_811 = arith.index_cast %get3A_809 : i32 to index
        %get3A_812 = arith.index_cast %get3A_810 : i32 to index
        %get3A_813 = arith.index_cast %add3A_808 : i32 to index
        %get3A_814 = tpu.vector_load %arg6[%get3A_811, %get3A_812, %get3A_813] {strides = array<i32>} : memref<2x8x4096xf32, #tpu.memory_space<vmem>>, vector<1x1x16xf32>,
        %get3A_815 = vector.shape_cast %get3A_814 : vector<1x1x16xf32> to vector<16xf32>
        %mul3A_816 = arith.mulf %get3A_815, %get3A_555 : vector<16xf32>
        %add3A_817 = arith.addf %scan3A_518, %mul3A_816 : vector<16xf32>
        %add3A_818 = arith.constant 1024 : i32
        %add3A_819 = arith.addi %add3A_818, %mul3A_529 : i32
        %get3A_820 = arith.constant 0 : i32
        %get3A_821 = arith.constant 7 : i32
        %get3A_822 = arith.index_cast %get3A_820 : i32 to index
        %get3A_823 = arith.index_cast %get3A_821 : i32 to index
        %get3A_824 = arith.index_cast %add3A_819 : i32 to index
        %get3A_825 = tpu.vector_load %arg6[%get3A_822, %get3A_823, %get3A_824] {strides = array<i32>} : memref<2x8x4096xf32, #tpu.memory_space<vmem>>, vector<1x1x16xf32>,
        %get3A_826 = vector.shape_cast %get3A_825 : vector<1x1x16xf32> to vector<16xf32>
        %mul3A_827 = arith.mulf %get3A_826, %get3A_555 : vector<16xf32>
        %add3A_828 = arith.addf %scan3A_519, %mul3A_827 : vector<16xf32>
        %add3A_829 = arith.constant 1024 : i32
        %add3A_830 = arith.addi %add3A_829, %mul3A_529 : i32
        %get3A_831 = arith.constant 0 : i32
        %get3A_832 = arith.constant 0 : i32
        %get3A_833 = arith.index_cast %get3A_831 : i32 to index
        %get3A_834 = arith.index_cast %get3A_832 : i32 to index
        %get3A_835 = arith.index_cast %add3A_830 : i32 to index
        %get3A_836 = tpu.vector_load %arg6[%get3A_833, %get3A_834, %get3A_835] {strides = array<i32>} : memref<2x8x4096xf32, #tpu.memory_space<vmem>>, vector<1x1x16xf32>,
        %get3A_837 = vector.shape_cast %get3A_836 : vector<1x1x16xf32> to vector<16xf32>
        %mul3A_838 = arith.mulf %get3A_837, %get3A_564 : vector<16xf32>
        %add3A_839 = arith.addf %scan3A_520, %mul3A_838 : vector<16xf32>
        %add3A_840 = arith.constant 1024 : i32
        %add3A_841 = arith.addi %add3A_840, %mul3A_529 : i32
        %get3A_842 = arith.constant 0 : i32
        %get3A_843 = arith.constant 1 : i32
        %get3A_844 = arith.index_cast %get3A_842 : i32 to index
        %get3A_845 = arith.index_cast %get3A_843 : i32 to index
        %get3A_846 = arith.index_cast %add3A_841 : i32 to index
        %get3A_847 = tpu.vector_load %arg6[%get3A_844, %get3A_845, %get3A_846] {strides = array<i32>} : memref<2x8x4096xf32, #tpu.memory_space<vmem>>, vector<1x1x16xf32>,
        %get3A_848 = vector.shape_cast %get3A_847 : vector<1x1x16xf32> to vector<16xf32>
        %mul3A_849 = arith.mulf %get3A_848, %get3A_564 : vector<16xf32>
        %add3A_850 = arith.addf %scan3A_521, %mul3A_849 : vector<16xf32>
        %add3A_851 = arith.constant 1024 : i32
        %add3A_852 = arith.addi %add3A_851, %mul3A_529 : i32
        %get3A_853 = arith.constant 0 : i32
        %get3A_854 = arith.constant 2 : i32
        %get3A_855 = arith.index_cast %get3A_853 : i32 to index
        %get3A_856 = arith.index_cast %get3A_854 : i32 to index
        %get3A_857 = arith.index_cast %add3A_852 : i32 to index
        %get3A_858 = tpu.vector_load %arg6[%get3A_855, %get3A_856, %get3A_857] {strides = array<i32>} : memref<2x8x4096xf32, #tpu.memory_space<vmem>>, vector<1x1x16xf32>,
        %get3A_859 = vector.shape_cast %get3A_858 : vector<1x1x16xf32> to vector<16xf32>
        %mul3A_860 = arith.mulf %get3A_859, %get3A_564 : vector<16xf32>
        %add3A_861 = arith.addf %scan3A_522, %mul3A_860 : vector<16xf32>
        %add3A_862 = arith.constant 1024 : i32
        %add3A_863 = arith.addi %add3A_862, %mul3A_529 : i32
        %get3A_864 = arith.constant 0 : i32
        %get3A_865 = arith.constant 3 : i32
        %get3A_866 = arith.index_cast %get3A_864 : i32 to index
        %get3A_867 = arith.index_cast %get3A_865 : i32 to index
        %get3A_868 = arith.index_cast %add3A_863 : i32 to index
        %get3A_869 = tpu.vector_load %arg6[%get3A_866, %get3A_867, %get3A_868] {strides = array<i32>} : memref<2x8x4096xf32, #tpu.memory_space<vmem>>, vector<1x1x16xf32>,
        %get3A_870 = vector.shape_cast %get3A_869 : vector<1x1x16xf32> to vector<16xf32>
        %mul3A_871 = arith.mulf %get3A_870, %get3A_564 : vector<16xf32>
        %add3A_872 = arith.addf %scan3A_523, %mul3A_871 : vector<16xf32>
        %add3A_873 = arith.constant 1024 : i32
        %add3A_874 = arith.addi %add3A_873, %mul3A_529 : i32
        %get3A_875 = arith.constant 0 : i32
        %get3A_876 = arith.constant 4 : i32
        %get3A_877 = arith.index_cast %get3A_875 : i32 to index
        %get3A_878 = arith.index_cast %get3A_876 : i32 to index
        %get3A_879 = arith.index_cast %add3A_874 : i32 to index
        %get3A_880 = tpu.vector_load %arg6[%get3A_877, %get3A_878, %get3A_879] {strides = array<i32>} : memref<2x8x4096xf32, #tpu.memory_space<vmem>>, vector<1x1x16xf32>,
        %get3A_881 = vector.shape_cast %get3A_880 : vector<1x1x16xf32> to vector<16xf32>
        %mul3A_882 = arith.mulf %get3A_881, %get3A_564 : vector<16xf32>
        %add3A_883 = arith.addf %scan3A_524, %mul3A_882 : vector<16xf32>
        %add3A_884 = arith.constant 1024 : i32
        %add3A_885 = arith.addi %add3A_884, %mul3A_529 : i32
        %get3A_886 = arith.constant 0 : i32
        %get3A_887 = arith.constant 5 : i32
        %get3A_888 = arith.index_cast %get3A_886 : i32 to index
        %get3A_889 = arith.index_cast %get3A_887 : i32 to index
        %get3A_890 = arith.index_cast %add3A_885 : i32 to index
        %get3A_891 = tpu.vector_load %arg6[%get3A_888, %get3A_889, %get3A_890] {strides = array<i32>} : memref<2x8x4096xf32, #tpu.memory_space<vmem>>, vector<1x1x16xf32>,
        %get3A_892 = vector.shape_cast %get3A_891 : vector<1x1x16xf32> to vector<16xf32>
        %mul3A_893 = arith.mulf %get3A_892, %get3A_564 : vector<16xf32>
        %add3A_894 = arith.addf %scan3A_525, %mul3A_893 : vector<16xf32>
        %add3A_895 = arith.constant 1024 : i32
        %add3A_896 = arith.addi %add3A_895, %mul3A_529 : i32
        %get3A_897 = arith.constant 0 : i32
        %get3A_898 = arith.constant 6 : i32
        %get3A_899 = arith.index_cast %get3A_897 : i32 to index
        %get3A_900 = arith.index_cast %get3A_898 : i32 to index
        %get3A_901 = arith.index_cast %add3A_896 : i32 to index
        %get3A_902 = tpu.vector_load %arg6[%get3A_899, %get3A_900, %get3A_901] {strides = array<i32>} : memref<2x8x4096xf32, #tpu.memory_space<vmem>>, vector<1x1x16xf32>,
        %get3A_903 = vector.shape_cast %get3A_902 : vector<1x1x16xf32> to vector<16xf32>
        %mul3A_904 = arith.mulf %get3A_903, %get3A_564 : vector<16xf32>
        %add3A_905 = arith.addf %scan3A_526, %mul3A_904 : vector<16xf32>
        %add3A_906 = arith.constant 1024 : i32
        %add3A_907 = arith.addi %add3A_906, %mul3A_529 : i32
        %get3A_908 = arith.constant 0 : i32
        %get3A_909 = arith.constant 7 : i32
        %get3A_910 = arith.index_cast %get3A_908 : i32 to index
        %get3A_911 = arith.index_cast %get3A_909 : i32 to index
        %get3A_912 = arith.index_cast %add3A_907 : i32 to index
        %get3A_913 = tpu.vector_load %arg6[%get3A_910, %get3A_911, %get3A_912] {strides = array<i32>} : memref<2x8x4096xf32, #tpu.memory_space<vmem>>, vector<1x1x16xf32>,
        %get3A_914 = vector.shape_cast %get3A_913 : vector<1x1x16xf32> to vector<16xf32>
        %mul3A_915 = arith.mulf %get3A_914, %get3A_564 : vector<16xf32>
        %add3A_916 = arith.addf %scan3A_527, %mul3A_915 : vector<16xf32>
        scf.yield %add3A_575, %add3A_586, %add3A_597, %add3A_608, %add3A_619, %add3A_630, %add3A_641, %add3A_652, %add3A_663, %add3A_674, %add3A_685, %add3A_696, %add3A_707, %add3A_718, %add3A_729, %add3A_740, %add3A_751, %add3A_762, %add3A_773, %add3A_784, %add3A_795, %add3A_806, %add3A_817, %add3A_828, %add3A_839, %add3A_850, %add3A_861, %add3A_872, %add3A_883, %add3A_894, %add3A_905, %add3A_916 : vector<16xf32>, vector<16xf32>, vector<16xf32>, vector<16xf32>, vector<16xf32>, vector<16xf32>, vector<16xf32>, vector<16xf32>, vector<16xf32>, vector<16xf32>, vector<16xf32>, vector<16xf32>, vector<16xf32>, vector<16xf32>, vector<16xf32>, vector<16xf32>, vector<16xf32>, vector<16xf32>, vector<16xf32>, vector<16xf32>, vector<16xf32>, vector<16xf32>, vector<16xf32>, vector<16xf32>, vector<16xf32>, vector<16xf32>, vector<16xf32>, vector<16xf32>, vector<16xf32>, vector<16xf32>, vector<16xf32>, vector<16xf32>
      }
      %scan3A_418 = arith.constant 64 : i32
      %scan3A_419 = arith.constant 0 : i32
      %scan3A_420 = arith.constant 64 : i32
      %scan3A_421 = arith.addi %scan3A_419, %scan3A_420 : i32
      %scan3A_422 = arith.constant 1 : i32
      %scan3A_423:32 = scf.for %scan3A_495 = %scan3A_419 to %scan3A_421 step %scan3A_422 iter_args(%scan3A_496 = %scan3A_417#0, %scan3A_497 = %scan3A_417#1, %scan3A_498 = %scan3A_417#2, %scan3A_499 = %scan3A_417#3, %scan3A_500 = %scan3A_417#4, %scan3A_501 = %scan3A_417#5, %scan3A_502 = %scan3A_417#6, %scan3A_503 = %scan3A_417#7, %scan3A_504 = %scan3A_417#8, %scan3A_505 = %scan3A_417#9, %scan3A_506 = %scan3A_417#10, %scan3A_507 = %scan3A_417#11, %scan3A_508 = %scan3A_417#12, %scan3A_509 = %scan3A_417#13, %scan3A_510 = %scan3A_417#14, %scan3A_511 = %scan3A_417#15, %scan3A_512 = %scan3A_417#16, %scan3A_513 = %scan3A_417#17, %scan3A_514 = %scan3A_417#18, %scan3A_515 = %scan3A_417#19, %scan3A_516 = %scan3A_417#20, %scan3A_517 = %scan3A_417#21, %scan3A_518 = %scan3A_417#22, %scan3A_519 = %scan3A_417#23, %scan3A_520 = %scan3A_417#24, %scan3A_521 = %scan3A_417#25, %scan3A_522 = %scan3A_417#26, %scan3A_523 = %scan3A_417#27, %scan3A_524 = %scan3A_417#28, %scan3A_525 = %scan3A_417#29, %scan3A_526 = %scan3A_417#30, %scan3A_527 = %scan3A_417#31) -> (vector<16xf32>, vector<16xf32>, vector<16xf32>, vector<16xf32>, vector<16xf32>, vector<16xf32>, vector<16xf32>, vector<16xf32>, vector<16xf32>, vector<16xf32>, vector<16xf32>, vector<16xf32>, vector<16xf32>, vector<16xf32>, vector<16xf32>, vector<16xf32>, vector<16xf32>, vector<16xf32>, vector<16xf32>, vector<16xf32>, vector<16xf32>, vector<16xf32>, vector<16xf32>, vector<16xf32>, vector<16xf32>, vector<16xf32>, vector<16xf32>, vector<16xf32>, vector<16xf32>, vector<16xf32>, vector<16xf32>, vector<16xf32>)  : i32 {
        %mul3A_528 = arith.constant 16 : i32
        %mul3A_529 = arith.muli %scan3A_495, %mul3A_528 : i32
        %get3A = arith.constant 0 : i32
        %get3A_530 = arith.constant 0 : i32
        %get3A_531 = arith.constant 2 : i32
        %get3A_532 = arith.index_cast %get3A : i32 to index
        %get3A_533 = arith.index_cast %get3A_530 : i32 to index
        %get3A_534 = arith.index_cast %get3A_531 : i32 to index
        %get3A_535 = arith.index_cast %mul3A_529 : i32 to index
        %get3A_536 = tpu.vector_load %arg5[%get3A_532, %get3A_533, %get3A_534, %get3A_535] {strides = array<i32>} : memref<2x4x4x1024xf32, #tpu.memory_space<vmem>>, vector<1x1x1x16xf32>,
        %get3A_537 = vector.shape_cast %get3A_536 : vector<1x1x1x16xf32> to vector<16xf32>
        %get3A_538 = arith.constant 0 : i32
        %get3A_539 = arith.constant 1 : i32
        %get3A_540 = arith.constant 2 : i32
        %get3A_541 = arith.index_cast %get3A_538 : i32 to index
        %get3A_542 = arith.index_cast %get3A_539 : i32 to index
        %get3A_543 = arith.index_cast %get3A_540 : i32 to index
        %get3A_544 = arith.index_cast %mul3A_529 : i32 to index
        %get3A_545 = tpu.vector_load %arg5[%get3A_541, %get3A_542, %get3A_543, %get3A_544] {strides = array<i32>} : memref<2x4x4x1024xf32, #tpu.memory_space<vmem>>, vector<1x1x1x16xf32>,
        %get3A_546 = vector.shape_cast %get3A_545 : vector<1x1x1x16xf32> to vector<16xf32>
        %get3A_547 = arith.constant 0 : i32
        %get3A_548 = arith.constant 2 : i32
        %get3A_549 = arith.constant 2 : i32
        %get3A_550 = arith.index_cast %get3A_547 : i32 to index
        %get3A_551 = arith.index_cast %get3A_548 : i32 to index
        %get3A_552 = arith.index_cast %get3A_549 : i32 to index
        %get3A_553 = arith.index_cast %mul3A_529 : i32 to index
        %get3A_554 = tpu.vector_load %arg5[%get3A_550, %get3A_551, %get3A_552, %get3A_553] {strides = array<i32>} : memref<2x4x4x1024xf32, #tpu.memory_space<vmem>>, vector<1x1x1x16xf32>,
        %get3A_555 = vector.shape_cast %get3A_554 : vector<1x1x1x16xf32> to vector<16xf32>
        %get3A_556 = arith.constant 0 : i32
        %get3A_557 = arith.constant 3 : i32
        %get3A_558 = arith.constant 2 : i32
        %get3A_559 = arith.index_cast %get3A_556 : i32 to index
        %get3A_560 = arith.index_cast %get3A_557 : i32 to index
        %get3A_561 = arith.index_cast %get3A_558 : i32 to index
        %get3A_562 = arith.index_cast %mul3A_529 : i32 to index
        %get3A_563 = tpu.vector_load %arg5[%get3A_559, %get3A_560, %get3A_561, %get3A_562] {strides = array<i32>} : memref<2x4x4x1024xf32, #tpu.memory_space<vmem>>, vector<1x1x1x16xf32>,
        %get3A_564 = vector.shape_cast %get3A_563 : vector<1x1x1x16xf32> to vector<16xf32>
        %add3A_565 = arith.constant 2048 : i32
        %add3A_566 = arith.addi %add3A_565, %mul3A_529 : i32
        %get3A_567 = arith.constant 0 : i32
        %get3A_568 = arith.constant 0 : i32
        %get3A_569 = arith.index_cast %get3A_567 : i32 to index
        %get3A_570 = arith.index_cast %get3A_568 : i32 to index
        %get3A_571 = arith.index_cast %add3A_566 : i32 to index
        %get3A_572 = tpu.vector_load %arg6[%get3A_569, %get3A_570, %get3A_571] {strides = array<i32>} : memref<2x8x4096xf32, #tpu.memory_space<vmem>>, vector<1x1x16xf32>,
        %get3A_573 = vector.shape_cast %get3A_572 : vector<1x1x16xf32> to vector<16xf32>
        %mul3A_574 = arith.mulf %get3A_573, %get3A_537 : vector<16xf32>
        %add3A_575 = arith.addf %scan3A_496, %mul3A_574 : vector<16xf32>
        %add3A_576 = arith.constant 2048 : i32
        %add3A_577 = arith.addi %add3A_576, %mul3A_529 : i32
        %get3A_578 = arith.constant 0 : i32
        %get3A_579 = arith.constant 1 : i32
        %get3A_580 = arith.index_cast %get3A_578 : i32 to index
        %get3A_581 = arith.index_cast %get3A_579 : i32 to index
        %get3A_582 = arith.index_cast %add3A_577 : i32 to index
        %get3A_583 = tpu.vector_load %arg6[%get3A_580, %get3A_581, %get3A_582] {strides = array<i32>} : memref<2x8x4096xf32, #tpu.memory_space<vmem>>, vector<1x1x16xf32>,
        %get3A_584 = vector.shape_cast %get3A_583 : vector<1x1x16xf32> to vector<16xf32>
        %mul3A_585 = arith.mulf %get3A_584, %get3A_537 : vector<16xf32>
        %add3A_586 = arith.addf %scan3A_497, %mul3A_585 : vector<16xf32>
        %add3A_587 = arith.constant 2048 : i32
        %add3A_588 = arith.addi %add3A_587, %mul3A_529 : i32
        %get3A_589 = arith.constant 0 : i32
        %get3A_590 = arith.constant 2 : i32
        %get3A_591 = arith.index_cast %get3A_589 : i32 to index
        %get3A_592 = arith.index_cast %get3A_590 : i32 to index
        %get3A_593 = arith.index_cast %add3A_588 : i32 to index
        %get3A_594 = tpu.vector_load %arg6[%get3A_591, %get3A_592, %get3A_593] {strides = array<i32>} : memref<2x8x4096xf32, #tpu.memory_space<vmem>>, vector<1x1x16xf32>,
        %get3A_595 = vector.shape_cast %get3A_594 : vector<1x1x16xf32> to vector<16xf32>
        %mul3A_596 = arith.mulf %get3A_595, %get3A_537 : vector<16xf32>
        %add3A_597 = arith.addf %scan3A_498, %mul3A_596 : vector<16xf32>
        %add3A_598 = arith.constant 2048 : i32
        %add3A_599 = arith.addi %add3A_598, %mul3A_529 : i32
        %get3A_600 = arith.constant 0 : i32
        %get3A_601 = arith.constant 3 : i32
        %get3A_602 = arith.index_cast %get3A_600 : i32 to index
        %get3A_603 = arith.index_cast %get3A_601 : i32 to index
        %get3A_604 = arith.index_cast %add3A_599 : i32 to index
        %get3A_605 = tpu.vector_load %arg6[%get3A_602, %get3A_603, %get3A_604] {strides = array<i32>} : memref<2x8x4096xf32, #tpu.memory_space<vmem>>, vector<1x1x16xf32>,
        %get3A_606 = vector.shape_cast %get3A_605 : vector<1x1x16xf32> to vector<16xf32>
        %mul3A_607 = arith.mulf %get3A_606, %get3A_537 : vector<16xf32>
        %add3A_608 = arith.addf %scan3A_499, %mul3A_607 : vector<16xf32>
        %add3A_609 = arith.constant 2048 : i32
        %add3A_610 = arith.addi %add3A_609, %mul3A_529 : i32
        %get3A_611 = arith.constant 0 : i32
        %get3A_612 = arith.constant 4 : i32
        %get3A_613 = arith.index_cast %get3A_611 : i32 to index
        %get3A_614 = arith.index_cast %get3A_612 : i32 to index
        %get3A_615 = arith.index_cast %add3A_610 : i32 to index
        %get3A_616 = tpu.vector_load %arg6[%get3A_613, %get3A_614, %get3A_615] {strides = array<i32>} : memref<2x8x4096xf32, #tpu.memory_space<vmem>>, vector<1x1x16xf32>,
        %get3A_617 = vector.shape_cast %get3A_616 : vector<1x1x16xf32> to vector<16xf32>
        %mul3A_618 = arith.mulf %get3A_617, %get3A_537 : vector<16xf32>
        %add3A_619 = arith.addf %scan3A_500, %mul3A_618 : vector<16xf32>
        %add3A_620 = arith.constant 2048 : i32
        %add3A_621 = arith.addi %add3A_620, %mul3A_529 : i32
        %get3A_622 = arith.constant 0 : i32
        %get3A_623 = arith.constant 5 : i32
        %get3A_624 = arith.index_cast %get3A_622 : i32 to index
        %get3A_625 = arith.index_cast %get3A_623 : i32 to index
        %get3A_626 = arith.index_cast %add3A_621 : i32 to index
        %get3A_627 = tpu.vector_load %arg6[%get3A_624, %get3A_625, %get3A_626] {strides = array<i32>} : memref<2x8x4096xf32, #tpu.memory_space<vmem>>, vector<1x1x16xf32>,
        %get3A_628 = vector.shape_cast %get3A_627 : vector<1x1x16xf32> to vector<16xf32>
        %mul3A_629 = arith.mulf %get3A_628, %get3A_537 : vector<16xf32>
        %add3A_630 = arith.addf %scan3A_501, %mul3A_629 : vector<16xf32>
        %add3A_631 = arith.constant 2048 : i32
        %add3A_632 = arith.addi %add3A_631, %mul3A_529 : i32
        %get3A_633 = arith.constant 0 : i32
        %get3A_634 = arith.constant 6 : i32
        %get3A_635 = arith.index_cast %get3A_633 : i32 to index
        %get3A_636 = arith.index_cast %get3A_634 : i32 to index
        %get3A_637 = arith.index_cast %add3A_632 : i32 to index
        %get3A_638 = tpu.vector_load %arg6[%get3A_635, %get3A_636, %get3A_637] {strides = array<i32>} : memref<2x8x4096xf32, #tpu.memory_space<vmem>>, vector<1x1x16xf32>,
        %get3A_639 = vector.shape_cast %get3A_638 : vector<1x1x16xf32> to vector<16xf32>
        %mul3A_640 = arith.mulf %get3A_639, %get3A_537 : vector<16xf32>
        %add3A_641 = arith.addf %scan3A_502, %mul3A_640 : vector<16xf32>
        %add3A_642 = arith.constant 2048 : i32
        %add3A_643 = arith.addi %add3A_642, %mul3A_529 : i32
        %get3A_644 = arith.constant 0 : i32
        %get3A_645 = arith.constant 7 : i32
        %get3A_646 = arith.index_cast %get3A_644 : i32 to index
        %get3A_647 = arith.index_cast %get3A_645 : i32 to index
        %get3A_648 = arith.index_cast %add3A_643 : i32 to index
        %get3A_649 = tpu.vector_load %arg6[%get3A_646, %get3A_647, %get3A_648] {strides = array<i32>} : memref<2x8x4096xf32, #tpu.memory_space<vmem>>, vector<1x1x16xf32>,
        %get3A_650 = vector.shape_cast %get3A_649 : vector<1x1x16xf32> to vector<16xf32>
        %mul3A_651 = arith.mulf %get3A_650, %get3A_537 : vector<16xf32>
        %add3A_652 = arith.addf %scan3A_503, %mul3A_651 : vector<16xf32>
        %add3A_653 = arith.constant 2048 : i32
        %add3A_654 = arith.addi %add3A_653, %mul3A_529 : i32
        %get3A_655 = arith.constant 0 : i32
        %get3A_656 = arith.constant 0 : i32
        %get3A_657 = arith.index_cast %get3A_655 : i32 to index
        %get3A_658 = arith.index_cast %get3A_656 : i32 to index
        %get3A_659 = arith.index_cast %add3A_654 : i32 to index
        %get3A_660 = tpu.vector_load %arg6[%get3A_657, %get3A_658, %get3A_659] {strides = array<i32>} : memref<2x8x4096xf32, #tpu.memory_space<vmem>>, vector<1x1x16xf32>,
        %get3A_661 = vector.shape_cast %get3A_660 : vector<1x1x16xf32> to vector<16xf32>
        %mul3A_662 = arith.mulf %get3A_661, %get3A_546 : vector<16xf32>
        %add3A_663 = arith.addf %scan3A_504, %mul3A_662 : vector<16xf32>
        %add3A_664 = arith.constant 2048 : i32
        %add3A_665 = arith.addi %add3A_664, %mul3A_529 : i32
        %get3A_666 = arith.constant 0 : i32
        %get3A_667 = arith.constant 1 : i32
        %get3A_668 = arith.index_cast %get3A_666 : i32 to index
        %get3A_669 = arith.index_cast %get3A_667 : i32 to index
        %get3A_670 = arith.index_cast %add3A_665 : i32 to index
        %get3A_671 = tpu.vector_load %arg6[%get3A_668, %get3A_669, %get3A_670] {strides = array<i32>} : memref<2x8x4096xf32, #tpu.memory_space<vmem>>, vector<1x1x16xf32>,
        %get3A_672 = vector.shape_cast %get3A_671 : vector<1x1x16xf32> to vector<16xf32>
        %mul3A_673 = arith.mulf %get3A_672, %get3A_546 : vector<16xf32>
        %add3A_674 = arith.addf %scan3A_505, %mul3A_673 : vector<16xf32>
        %add3A_675 = arith.constant 2048 : i32
        %add3A_676 = arith.addi %add3A_675, %mul3A_529 : i32
        %get3A_677 = arith.constant 0 : i32
        %get3A_678 = arith.constant 2 : i32
        %get3A_679 = arith.index_cast %get3A_677 : i32 to index
        %get3A_680 = arith.index_cast %get3A_678 : i32 to index
        %get3A_681 = arith.index_cast %add3A_676 : i32 to index
        %get3A_682 = tpu.vector_load %arg6[%get3A_679, %get3A_680, %get3A_681] {strides = array<i32>} : memref<2x8x4096xf32, #tpu.memory_space<vmem>>, vector<1x1x16xf32>,
        %get3A_683 = vector.shape_cast %get3A_682 : vector<1x1x16xf32> to vector<16xf32>
        %mul3A_684 = arith.mulf %get3A_683, %get3A_546 : vector<16xf32>
        %add3A_685 = arith.addf %scan3A_506, %mul3A_684 : vector<16xf32>
        %add3A_686 = arith.constant 2048 : i32
        %add3A_687 = arith.addi %add3A_686, %mul3A_529 : i32
        %get3A_688 = arith.constant 0 : i32
        %get3A_689 = arith.constant 3 : i32
        %get3A_690 = arith.index_cast %get3A_688 : i32 to index
        %get3A_691 = arith.index_cast %get3A_689 : i32 to index
        %get3A_692 = arith.index_cast %add3A_687 : i32 to index
        %get3A_693 = tpu.vector_load %arg6[%get3A_690, %get3A_691, %get3A_692] {strides = array<i32>} : memref<2x8x4096xf32, #tpu.memory_space<vmem>>, vector<1x1x16xf32>,
        %get3A_694 = vector.shape_cast %get3A_693 : vector<1x1x16xf32> to vector<16xf32>
        %mul3A_695 = arith.mulf %get3A_694, %get3A_546 : vector<16xf32>
        %add3A_696 = arith.addf %scan3A_507, %mul3A_695 : vector<16xf32>
        %add3A_697 = arith.constant 2048 : i32
        %add3A_698 = arith.addi %add3A_697, %mul3A_529 : i32
        %get3A_699 = arith.constant 0 : i32
        %get3A_700 = arith.constant 4 : i32
        %get3A_701 = arith.index_cast %get3A_699 : i32 to index
        %get3A_702 = arith.index_cast %get3A_700 : i32 to index
        %get3A_703 = arith.index_cast %add3A_698 : i32 to index
        %get3A_704 = tpu.vector_load %arg6[%get3A_701, %get3A_702, %get3A_703] {strides = array<i32>} : memref<2x8x4096xf32, #tpu.memory_space<vmem>>, vector<1x1x16xf32>,
        %get3A_705 = vector.shape_cast %get3A_704 : vector<1x1x16xf32> to vector<16xf32>
        %mul3A_706 = arith.mulf %get3A_705, %get3A_546 : vector<16xf32>
        %add3A_707 = arith.addf %scan3A_508, %mul3A_706 : vector<16xf32>
        %add3A_708 = arith.constant 2048 : i32
        %add3A_709 = arith.addi %add3A_708, %mul3A_529 : i32
        %get3A_710 = arith.constant 0 : i32
        %get3A_711 = arith.constant 5 : i32
        %get3A_712 = arith.index_cast %get3A_710 : i32 to index
        %get3A_713 = arith.index_cast %get3A_711 : i32 to index
        %get3A_714 = arith.index_cast %add3A_709 : i32 to index
        %get3A_715 = tpu.vector_load %arg6[%get3A_712, %get3A_713, %get3A_714] {strides = array<i32>} : memref<2x8x4096xf32, #tpu.memory_space<vmem>>, vector<1x1x16xf32>,
        %get3A_716 = vector.shape_cast %get3A_715 : vector<1x1x16xf32> to vector<16xf32>
        %mul3A_717 = arith.mulf %get3A_716, %get3A_546 : vector<16xf32>
        %add3A_718 = arith.addf %scan3A_509, %mul3A_717 : vector<16xf32>
        %add3A_719 = arith.constant 2048 : i32
        %add3A_720 = arith.addi %add3A_719, %mul3A_529 : i32
        %get3A_721 = arith.constant 0 : i32
        %get3A_722 = arith.constant 6 : i32
        %get3A_723 = arith.index_cast %get3A_721 : i32 to index
        %get3A_724 = arith.index_cast %get3A_722 : i32 to index
        %get3A_725 = arith.index_cast %add3A_720 : i32 to index
        %get3A_726 = tpu.vector_load %arg6[%get3A_723, %get3A_724, %get3A_725] {strides = array<i32>} : memref<2x8x4096xf32, #tpu.memory_space<vmem>>, vector<1x1x16xf32>,
        %get3A_727 = vector.shape_cast %get3A_726 : vector<1x1x16xf32> to vector<16xf32>
        %mul3A_728 = arith.mulf %get3A_727, %get3A_546 : vector<16xf32>
        %add3A_729 = arith.addf %scan3A_510, %mul3A_728 : vector<16xf32>
        %add3A_730 = arith.constant 2048 : i32
        %add3A_731 = arith.addi %add3A_730, %mul3A_529 : i32
        %get3A_732 = arith.constant 0 : i32
        %get3A_733 = arith.constant 7 : i32
        %get3A_734 = arith.index_cast %get3A_732 : i32 to index
        %get3A_735 = arith.index_cast %get3A_733 : i32 to index
        %get3A_736 = arith.index_cast %add3A_731 : i32 to index
        %get3A_737 = tpu.vector_load %arg6[%get3A_734, %get3A_735, %get3A_736] {strides = array<i32>} : memref<2x8x4096xf32, #tpu.memory_space<vmem>>, vector<1x1x16xf32>,
        %get3A_738 = vector.shape_cast %get3A_737 : vector<1x1x16xf32> to vector<16xf32>
        %mul3A_739 = arith.mulf %get3A_738, %get3A_546 : vector<16xf32>
        %add3A_740 = arith.addf %scan3A_511, %mul3A_739 : vector<16xf32>
        %add3A_741 = arith.constant 2048 : i32
        %add3A_742 = arith.addi %add3A_741, %mul3A_529 : i32
        %get3A_743 = arith.constant 0 : i32
        %get3A_744 = arith.constant 0 : i32
        %get3A_745 = arith.index_cast %get3A_743 : i32 to index
        %get3A_746 = arith.index_cast %get3A_744 : i32 to index
        %get3A_747 = arith.index_cast %add3A_742 : i32 to index
        %get3A_748 = tpu.vector_load %arg6[%get3A_745, %get3A_746, %get3A_747] {strides = array<i32>} : memref<2x8x4096xf32, #tpu.memory_space<vmem>>, vector<1x1x16xf32>,
        %get3A_749 = vector.shape_cast %get3A_748 : vector<1x1x16xf32> to vector<16xf32>
        %mul3A_750 = arith.mulf %get3A_749, %get3A_555 : vector<16xf32>
        %add3A_751 = arith.addf %scan3A_512, %mul3A_750 : vector<16xf32>
        %add3A_752 = arith.constant 2048 : i32
        %add3A_753 = arith.addi %add3A_752, %mul3A_529 : i32
        %get3A_754 = arith.constant 0 : i32
        %get3A_755 = arith.constant 1 : i32
        %get3A_756 = arith.index_cast %get3A_754 : i32 to index
        %get3A_757 = arith.index_cast %get3A_755 : i32 to index
        %get3A_758 = arith.index_cast %add3A_753 : i32 to index
        %get3A_759 = tpu.vector_load %arg6[%get3A_756, %get3A_757, %get3A_758] {strides = array<i32>} : memref<2x8x4096xf32, #tpu.memory_space<vmem>>, vector<1x1x16xf32>,
        %get3A_760 = vector.shape_cast %get3A_759 : vector<1x1x16xf32> to vector<16xf32>
        %mul3A_761 = arith.mulf %get3A_760, %get3A_555 : vector<16xf32>
        %add3A_762 = arith.addf %scan3A_513, %mul3A_761 : vector<16xf32>
        %add3A_763 = arith.constant 2048 : i32
        %add3A_764 = arith.addi %add3A_763, %mul3A_529 : i32
        %get3A_765 = arith.constant 0 : i32
        %get3A_766 = arith.constant 2 : i32
        %get3A_767 = arith.index_cast %get3A_765 : i32 to index
        %get3A_768 = arith.index_cast %get3A_766 : i32 to index
        %get3A_769 = arith.index_cast %add3A_764 : i32 to index
        %get3A_770 = tpu.vector_load %arg6[%get3A_767, %get3A_768, %get3A_769] {strides = array<i32>} : memref<2x8x4096xf32, #tpu.memory_space<vmem>>, vector<1x1x16xf32>,
        %get3A_771 = vector.shape_cast %get3A_770 : vector<1x1x16xf32> to vector<16xf32>
        %mul3A_772 = arith.mulf %get3A_771, %get3A_555 : vector<16xf32>
        %add3A_773 = arith.addf %scan3A_514, %mul3A_772 : vector<16xf32>
        %add3A_774 = arith.constant 2048 : i32
        %add3A_775 = arith.addi %add3A_774, %mul3A_529 : i32
        %get3A_776 = arith.constant 0 : i32
        %get3A_777 = arith.constant 3 : i32
        %get3A_778 = arith.index_cast %get3A_776 : i32 to index
        %get3A_779 = arith.index_cast %get3A_777 : i32 to index
        %get3A_780 = arith.index_cast %add3A_775 : i32 to index
        %get3A_781 = tpu.vector_load %arg6[%get3A_778, %get3A_779, %get3A_780] {strides = array<i32>} : memref<2x8x4096xf32, #tpu.memory_space<vmem>>, vector<1x1x16xf32>,
        %get3A_782 = vector.shape_cast %get3A_781 : vector<1x1x16xf32> to vector<16xf32>
        %mul3A_783 = arith.mulf %get3A_782, %get3A_555 : vector<16xf32>
        %add3A_784 = arith.addf %scan3A_515, %mul3A_783 : vector<16xf32>
        %add3A_785 = arith.constant 2048 : i32
        %add3A_786 = arith.addi %add3A_785, %mul3A_529 : i32
        %get3A_787 = arith.constant 0 : i32
        %get3A_788 = arith.constant 4 : i32
        %get3A_789 = arith.index_cast %get3A_787 : i32 to index
        %get3A_790 = arith.index_cast %get3A_788 : i32 to index
        %get3A_791 = arith.index_cast %add3A_786 : i32 to index
        %get3A_792 = tpu.vector_load %arg6[%get3A_789, %get3A_790, %get3A_791] {strides = array<i32>} : memref<2x8x4096xf32, #tpu.memory_space<vmem>>, vector<1x1x16xf32>,
        %get3A_793 = vector.shape_cast %get3A_792 : vector<1x1x16xf32> to vector<16xf32>
        %mul3A_794 = arith.mulf %get3A_793, %get3A_555 : vector<16xf32>
        %add3A_795 = arith.addf %scan3A_516, %mul3A_794 : vector<16xf32>
        %add3A_796 = arith.constant 2048 : i32
        %add3A_797 = arith.addi %add3A_796, %mul3A_529 : i32
        %get3A_798 = arith.constant 0 : i32
        %get3A_799 = arith.constant 5 : i32
        %get3A_800 = arith.index_cast %get3A_798 : i32 to index
        %get3A_801 = arith.index_cast %get3A_799 : i32 to index
        %get3A_802 = arith.index_cast %add3A_797 : i32 to index
        %get3A_803 = tpu.vector_load %arg6[%get3A_800, %get3A_801, %get3A_802] {strides = array<i32>} : memref<2x8x4096xf32, #tpu.memory_space<vmem>>, vector<1x1x16xf32>,
        %get3A_804 = vector.shape_cast %get3A_803 : vector<1x1x16xf32> to vector<16xf32>
        %mul3A_805 = arith.mulf %get3A_804, %get3A_555 : vector<16xf32>
        %add3A_806 = arith.addf %scan3A_517, %mul3A_805 : vector<16xf32>
        %add3A_807 = arith.constant 2048 : i32
        %add3A_808 = arith.addi %add3A_807, %mul3A_529 : i32
        %get3A_809 = arith.constant 0 : i32
        %get3A_810 = arith.constant 6 : i32
        %get3A_811 = arith.index_cast %get3A_809 : i32 to index
        %get3A_812 = arith.index_cast %get3A_810 : i32 to index
        %get3A_813 = arith.index_cast %add3A_808 : i32 to index
        %get3A_814 = tpu.vector_load %arg6[%get3A_811, %get3A_812, %get3A_813] {strides = array<i32>} : memref<2x8x4096xf32, #tpu.memory_space<vmem>>, vector<1x1x16xf32>,
        %get3A_815 = vector.shape_cast %get3A_814 : vector<1x1x16xf32> to vector<16xf32>
        %mul3A_816 = arith.mulf %get3A_815, %get3A_555 : vector<16xf32>
        %add3A_817 = arith.addf %scan3A_518, %mul3A_816 : vector<16xf32>
        %add3A_818 = arith.constant 2048 : i32
        %add3A_819 = arith.addi %add3A_818, %mul3A_529 : i32
        %get3A_820 = arith.constant 0 : i32
        %get3A_821 = arith.constant 7 : i32
        %get3A_822 = arith.index_cast %get3A_820 : i32 to index
        %get3A_823 = arith.index_cast %get3A_821 : i32 to index
        %get3A_824 = arith.index_cast %add3A_819 : i32 to index
        %get3A_825 = tpu.vector_load %arg6[%get3A_822, %get3A_823, %get3A_824] {strides = array<i32>} : memref<2x8x4096xf32, #tpu.memory_space<vmem>>, vector<1x1x16xf32>,
        %get3A_826 = vector.shape_cast %get3A_825 : vector<1x1x16xf32> to vector<16xf32>
        %mul3A_827 = arith.mulf %get3A_826, %get3A_555 : vector<16xf32>
        %add3A_828 = arith.addf %scan3A_519, %mul3A_827 : vector<16xf32>
        %add3A_829 = arith.constant 2048 : i32
        %add3A_830 = arith.addi %add3A_829, %mul3A_529 : i32
        %get3A_831 = arith.constant 0 : i32
        %get3A_832 = arith.constant 0 : i32
        %get3A_833 = arith.index_cast %get3A_831 : i32 to index
        %get3A_834 = arith.index_cast %get3A_832 : i32 to index
        %get3A_835 = arith.index_cast %add3A_830 : i32 to index
        %get3A_836 = tpu.vector_load %arg6[%get3A_833, %get3A_834, %get3A_835] {strides = array<i32>} : memref<2x8x4096xf32, #tpu.memory_space<vmem>>, vector<1x1x16xf32>,
        %get3A_837 = vector.shape_cast %get3A_836 : vector<1x1x16xf32> to vector<16xf32>
        %mul3A_838 = arith.mulf %get3A_837, %get3A_564 : vector<16xf32>
        %add3A_839 = arith.addf %scan3A_520, %mul3A_838 : vector<16xf32>
        %add3A_840 = arith.constant 2048 : i32
        %add3A_841 = arith.addi %add3A_840, %mul3A_529 : i32
        %get3A_842 = arith.constant 0 : i32
        %get3A_843 = arith.constant 1 : i32
        %get3A_844 = arith.index_cast %get3A_842 : i32 to index
        %get3A_845 = arith.index_cast %get3A_843 : i32 to index
        %get3A_846 = arith.index_cast %add3A_841 : i32 to index
        %get3A_847 = tpu.vector_load %arg6[%get3A_844, %get3A_845, %get3A_846] {strides = array<i32>} : memref<2x8x4096xf32, #tpu.memory_space<vmem>>, vector<1x1x16xf32>,
        %get3A_848 = vector.shape_cast %get3A_847 : vector<1x1x16xf32> to vector<16xf32>
        %mul3A_849 = arith.mulf %get3A_848, %get3A_564 : vector<16xf32>
        %add3A_850 = arith.addf %scan3A_521, %mul3A_849 : vector<16xf32>
        %add3A_851 = arith.constant 2048 : i32
        %add3A_852 = arith.addi %add3A_851, %mul3A_529 : i32
        %get3A_853 = arith.constant 0 : i32
        %get3A_854 = arith.constant 2 : i32
        %get3A_855 = arith.index_cast %get3A_853 : i32 to index
        %get3A_856 = arith.index_cast %get3A_854 : i32 to index
        %get3A_857 = arith.index_cast %add3A_852 : i32 to index
        %get3A_858 = tpu.vector_load %arg6[%get3A_855, %get3A_856, %get3A_857] {strides = array<i32>} : memref<2x8x4096xf32, #tpu.memory_space<vmem>>, vector<1x1x16xf32>,
        %get3A_859 = vector.shape_cast %get3A_858 : vector<1x1x16xf32> to vector<16xf32>
        %mul3A_860 = arith.mulf %get3A_859, %get3A_564 : vector<16xf32>
        %add3A_861 = arith.addf %scan3A_522, %mul3A_860 : vector<16xf32>
        %add3A_862 = arith.constant 2048 : i32
        %add3A_863 = arith.addi %add3A_862, %mul3A_529 : i32
        %get3A_864 = arith.constant 0 : i32
        %get3A_865 = arith.constant 3 : i32
        %get3A_866 = arith.index_cast %get3A_864 : i32 to index
        %get3A_867 = arith.index_cast %get3A_865 : i32 to index
        %get3A_868 = arith.index_cast %add3A_863 : i32 to index
        %get3A_869 = tpu.vector_load %arg6[%get3A_866, %get3A_867, %get3A_868] {strides = array<i32>} : memref<2x8x4096xf32, #tpu.memory_space<vmem>>, vector<1x1x16xf32>,
        %get3A_870 = vector.shape_cast %get3A_869 : vector<1x1x16xf32> to vector<16xf32>
        %mul3A_871 = arith.mulf %get3A_870, %get3A_564 : vector<16xf32>
        %add3A_872 = arith.addf %scan3A_523, %mul3A_871 : vector<16xf32>
        %add3A_873 = arith.constant 2048 : i32
        %add3A_874 = arith.addi %add3A_873, %mul3A_529 : i32
        %get3A_875 = arith.constant 0 : i32
        %get3A_876 = arith.constant 4 : i32
        %get3A_877 = arith.index_cast %get3A_875 : i32 to index
        %get3A_878 = arith.index_cast %get3A_876 : i32 to index
        %get3A_879 = arith.index_cast %add3A_874 : i32 to index
        %get3A_880 = tpu.vector_load %arg6[%get3A_877, %get3A_878, %get3A_879] {strides = array<i32>} : memref<2x8x4096xf32, #tpu.memory_space<vmem>>, vector<1x1x16xf32>,
        %get3A_881 = vector.shape_cast %get3A_880 : vector<1x1x16xf32> to vector<16xf32>
        %mul3A_882 = arith.mulf %get3A_881, %get3A_564 : vector<16xf32>
        %add3A_883 = arith.addf %scan3A_524, %mul3A_882 : vector<16xf32>
        %add3A_884 = arith.constant 2048 : i32
        %add3A_885 = arith.addi %add3A_884, %mul3A_529 : i32
        %get3A_886 = arith.constant 0 : i32
        %get3A_887 = arith.constant 5 : i32
        %get3A_888 = arith.index_cast %get3A_886 : i32 to index
        %get3A_889 = arith.index_cast %get3A_887 : i32 to index
        %get3A_890 = arith.index_cast %add3A_885 : i32 to index
        %get3A_891 = tpu.vector_load %arg6[%get3A_888, %get3A_889, %get3A_890] {strides = array<i32>} : memref<2x8x4096xf32, #tpu.memory_space<vmem>>, vector<1x1x16xf32>,
        %get3A_892 = vector.shape_cast %get3A_891 : vector<1x1x16xf32> to vector<16xf32>
        %mul3A_893 = arith.mulf %get3A_892, %get3A_564 : vector<16xf32>
        %add3A_894 = arith.addf %scan3A_525, %mul3A_893 : vector<16xf32>
        %add3A_895 = arith.constant 2048 : i32
        %add3A_896 = arith.addi %add3A_895, %mul3A_529 : i32
        %get3A_897 = arith.constant 0 : i32
        %get3A_898 = arith.constant 6 : i32
        %get3A_899 = arith.index_cast %get3A_897 : i32 to index
        %get3A_900 = arith.index_cast %get3A_898 : i32 to index
        %get3A_901 = arith.index_cast %add3A_896 : i32 to index
        %get3A_902 = tpu.vector_load %arg6[%get3A_899, %get3A_900, %get3A_901] {strides = array<i32>} : memref<2x8x4096xf32, #tpu.memory_space<vmem>>, vector<1x1x16xf32>,
        %get3A_903 = vector.shape_cast %get3A_902 : vector<1x1x16xf32> to vector<16xf32>
        %mul3A_904 = arith.mulf %get3A_903, %get3A_564 : vector<16xf32>
        %add3A_905 = arith.addf %scan3A_526, %mul3A_904 : vector<16xf32>
        %add3A_906 = arith.constant 2048 : i32
        %add3A_907 = arith.addi %add3A_906, %mul3A_529 : i32
        %get3A_908 = arith.constant 0 : i32
        %get3A_909 = arith.constant 7 : i32
        %get3A_910 = arith.index_cast %get3A_908 : i32 to index
        %get3A_911 = arith.index_cast %get3A_909 : i32 to index
        %get3A_912 = arith.index_cast %add3A_907 : i32 to index
        %get3A_913 = tpu.vector_load %arg6[%get3A_910, %get3A_911, %get3A_912] {strides = array<i32>} : memref<2x8x4096xf32, #tpu.memory_space<vmem>>, vector<1x1x16xf32>,
        %get3A_914 = vector.shape_cast %get3A_913 : vector<1x1x16xf32> to vector<16xf32>
        %mul3A_915 = arith.mulf %get3A_914, %get3A_564 : vector<16xf32>
        %add3A_916 = arith.addf %scan3A_527, %mul3A_915 : vector<16xf32>
        scf.yield %add3A_575, %add3A_586, %add3A_597, %add3A_608, %add3A_619, %add3A_630, %add3A_641, %add3A_652, %add3A_663, %add3A_674, %add3A_685, %add3A_696, %add3A_707, %add3A_718, %add3A_729, %add3A_740, %add3A_751, %add3A_762, %add3A_773, %add3A_784, %add3A_795, %add3A_806, %add3A_817, %add3A_828, %add3A_839, %add3A_850, %add3A_861, %add3A_872, %add3A_883, %add3A_894, %add3A_905, %add3A_916 : vector<16xf32>, vector<16xf32>, vector<16xf32>, vector<16xf32>, vector<16xf32>, vector<16xf32>, vector<16xf32>, vector<16xf32>, vector<16xf32>, vector<16xf32>, vector<16xf32>, vector<16xf32>, vector<16xf32>, vector<16xf32>, vector<16xf32>, vector<16xf32>, vector<16xf32>, vector<16xf32>, vector<16xf32>, vector<16xf32>, vector<16xf32>, vector<16xf32>, vector<16xf32>, vector<16xf32>, vector<16xf32>, vector<16xf32>, vector<16xf32>, vector<16xf32>, vector<16xf32>, vector<16xf32>, vector<16xf32>, vector<16xf32>
      }
      %scan3A_424 = arith.constant 64 : i32
      %scan3A_425 = arith.constant 0 : i32
      %scan3A_426 = arith.constant 64 : i32
      %scan3A_427 = arith.addi %scan3A_425, %scan3A_426 : i32
      %scan3A_428 = arith.constant 1 : i32
      %scan3A_429:32 = scf.for %scan3A_495 = %scan3A_425 to %scan3A_427 step %scan3A_428 iter_args(%scan3A_496 = %scan3A_423#0, %scan3A_497 = %scan3A_423#1, %scan3A_498 = %scan3A_423#2, %scan3A_499 = %scan3A_423#3, %scan3A_500 = %scan3A_423#4, %scan3A_501 = %scan3A_423#5, %scan3A_502 = %scan3A_423#6, %scan3A_503 = %scan3A_423#7, %scan3A_504 = %scan3A_423#8, %scan3A_505 = %scan3A_423#9, %scan3A_506 = %scan3A_423#10, %scan3A_507 = %scan3A_423#11, %scan3A_508 = %scan3A_423#12, %scan3A_509 = %scan3A_423#13, %scan3A_510 = %scan3A_423#14, %scan3A_511 = %scan3A_423#15, %scan3A_512 = %scan3A_423#16, %scan3A_513 = %scan3A_423#17, %scan3A_514 = %scan3A_423#18, %scan3A_515 = %scan3A_423#19, %scan3A_516 = %scan3A_423#20, %scan3A_517 = %scan3A_423#21, %scan3A_518 = %scan3A_423#22, %scan3A_519 = %scan3A_423#23, %scan3A_520 = %scan3A_423#24, %scan3A_521 = %scan3A_423#25, %scan3A_522 = %scan3A_423#26, %scan3A_523 = %scan3A_423#27, %scan3A_524 = %scan3A_423#28, %scan3A_525 = %scan3A_423#29, %scan3A_526 = %scan3A_423#30, %scan3A_527 = %scan3A_423#31) -> (vector<16xf32>, vector<16xf32>, vector<16xf32>, vector<16xf32>, vector<16xf32>, vector<16xf32>, vector<16xf32>, vector<16xf32>, vector<16xf32>, vector<16xf32>, vector<16xf32>, vector<16xf32>, vector<16xf32>, vector<16xf32>, vector<16xf32>, vector<16xf32>, vector<16xf32>, vector<16xf32>, vector<16xf32>, vector<16xf32>, vector<16xf32>, vector<16xf32>, vector<16xf32>, vector<16xf32>, vector<16xf32>, vector<16xf32>, vector<16xf32>, vector<16xf32>, vector<16xf32>, vector<16xf32>, vector<16xf32>, vector<16xf32>)  : i32 {
        %mul3A_528 = arith.constant 16 : i32
        %mul3A_529 = arith.muli %scan3A_495, %mul3A_528 : i32
        %get3A = arith.constant 0 : i32
        %get3A_530 = arith.constant 0 : i32
        %get3A_531 = arith.constant 3 : i32
        %get3A_532 = arith.index_cast %get3A : i32 to index
        %get3A_533 = arith.index_cast %get3A_530 : i32 to index
        %get3A_534 = arith.index_cast %get3A_531 : i32 to index
        %get3A_535 = arith.index_cast %mul3A_529 : i32 to index
        %get3A_536 = tpu.vector_load %arg5[%get3A_532, %get3A_533, %get3A_534, %get3A_535] {strides = array<i32>} : memref<2x4x4x1024xf32, #tpu.memory_space<vmem>>, vector<1x1x1x16xf32>,
        %get3A_537 = vector.shape_cast %get3A_536 : vector<1x1x1x16xf32> to vector<16xf32>
        %get3A_538 = arith.constant 0 : i32
        %get3A_539 = arith.constant 1 : i32
        %get3A_540 = arith.constant 3 : i32
        %get3A_541 = arith.index_cast %get3A_538 : i32 to index
        %get3A_542 = arith.index_cast %get3A_539 : i32 to index
        %get3A_543 = arith.index_cast %get3A_540 : i32 to index
        %get3A_544 = arith.index_cast %mul3A_529 : i32 to index
        %get3A_545 = tpu.vector_load %arg5[%get3A_541, %get3A_542, %get3A_543, %get3A_544] {strides = array<i32>} : memref<2x4x4x1024xf32, #tpu.memory_space<vmem>>, vector<1x1x1x16xf32>,
        %get3A_546 = vector.shape_cast %get3A_545 : vector<1x1x1x16xf32> to vector<16xf32>
        %get3A_547 = arith.constant 0 : i32
        %get3A_548 = arith.constant 2 : i32
        %get3A_549 = arith.constant 3 : i32
        %get3A_550 = arith.index_cast %get3A_547 : i32 to index
        %get3A_551 = arith.index_cast %get3A_548 : i32 to index
        %get3A_552 = arith.index_cast %get3A_549 : i32 to index
        %get3A_553 = arith.index_cast %mul3A_529 : i32 to index
        %get3A_554 = tpu.vector_load %arg5[%get3A_550, %get3A_551, %get3A_552, %get3A_553] {strides = array<i32>} : memref<2x4x4x1024xf32, #tpu.memory_space<vmem>>, vector<1x1x1x16xf32>,
        %get3A_555 = vector.shape_cast %get3A_554 : vector<1x1x1x16xf32> to vector<16xf32>
        %get3A_556 = arith.constant 0 : i32
        %get3A_557 = arith.constant 3 : i32
        %get3A_558 = arith.constant 3 : i32
        %get3A_559 = arith.index_cast %get3A_556 : i32 to index
        %get3A_560 = arith.index_cast %get3A_557 : i32 to index
        %get3A_561 = arith.index_cast %get3A_558 : i32 to index
        %get3A_562 = arith.index_cast %mul3A_529 : i32 to index
        %get3A_563 = tpu.vector_load %arg5[%get3A_559, %get3A_560, %get3A_561, %get3A_562] {strides = array<i32>} : memref<2x4x4x1024xf32, #tpu.memory_space<vmem>>, vector<1x1x1x16xf32>,
        %get3A_564 = vector.shape_cast %get3A_563 : vector<1x1x1x16xf32> to vector<16xf32>
        %add3A_565 = arith.constant 3072 : i32
        %add3A_566 = arith.addi %add3A_565, %mul3A_529 : i32
        %get3A_567 = arith.constant 0 : i32
        %get3A_568 = arith.constant 0 : i32
        %get3A_569 = arith.index_cast %get3A_567 : i32 to index
        %get3A_570 = arith.index_cast %get3A_568 : i32 to index
        %get3A_571 = arith.index_cast %add3A_566 : i32 to index
        %get3A_572 = tpu.vector_load %arg6[%get3A_569, %get3A_570, %get3A_571] {strides = array<i32>} : memref<2x8x4096xf32, #tpu.memory_space<vmem>>, vector<1x1x16xf32>,
        %get3A_573 = vector.shape_cast %get3A_572 : vector<1x1x16xf32> to vector<16xf32>
        %mul3A_574 = arith.mulf %get3A_573, %get3A_537 : vector<16xf32>
        %add3A_575 = arith.addf %scan3A_496, %mul3A_574 : vector<16xf32>
        %add3A_576 = arith.constant 3072 : i32
        %add3A_577 = arith.addi %add3A_576, %mul3A_529 : i32
        %get3A_578 = arith.constant 0 : i32
        %get3A_579 = arith.constant 1 : i32
        %get3A_580 = arith.index_cast %get3A_578 : i32 to index
        %get3A_581 = arith.index_cast %get3A_579 : i32 to index
        %get3A_582 = arith.index_cast %add3A_577 : i32 to index
        %get3A_583 = tpu.vector_load %arg6[%get3A_580, %get3A_581, %get3A_582] {strides = array<i32>} : memref<2x8x4096xf32, #tpu.memory_space<vmem>>, vector<1x1x16xf32>,
        %get3A_584 = vector.shape_cast %get3A_583 : vector<1x1x16xf32> to vector<16xf32>
        %mul3A_585 = arith.mulf %get3A_584, %get3A_537 : vector<16xf32>
        %add3A_586 = arith.addf %scan3A_497, %mul3A_585 : vector<16xf32>
        %add3A_587 = arith.constant 3072 : i32
        %add3A_588 = arith.addi %add3A_587, %mul3A_529 : i32
        %get3A_589 = arith.constant 0 : i32
        %get3A_590 = arith.constant 2 : i32
        %get3A_591 = arith.index_cast %get3A_589 : i32 to index
        %get3A_592 = arith.index_cast %get3A_590 : i32 to index
        %get3A_593 = arith.index_cast %add3A_588 : i32 to index
        %get3A_594 = tpu.vector_load %arg6[%get3A_591, %get3A_592, %get3A_593] {strides = array<i32>} : memref<2x8x4096xf32, #tpu.memory_space<vmem>>, vector<1x1x16xf32>,
        %get3A_595 = vector.shape_cast %get3A_594 : vector<1x1x16xf32> to vector<16xf32>
        %mul3A_596 = arith.mulf %get3A_595, %get3A_537 : vector<16xf32>
        %add3A_597 = arith.addf %scan3A_498, %mul3A_596 : vector<16xf32>
        %add3A_598 = arith.constant 3072 : i32
        %add3A_599 = arith.addi %add3A_598, %mul3A_529 : i32
        %get3A_600 = arith.constant 0 : i32
        %get3A_601 = arith.constant 3 : i32
        %get3A_602 = arith.index_cast %get3A_600 : i32 to index
        %get3A_603 = arith.index_cast %get3A_601 : i32 to index
        %get3A_604 = arith.index_cast %add3A_599 : i32 to index
        %get3A_605 = tpu.vector_load %arg6[%get3A_602, %get3A_603, %get3A_604] {strides = array<i32>} : memref<2x8x4096xf32, #tpu.memory_space<vmem>>, vector<1x1x16xf32>,
        %get3A_606 = vector.shape_cast %get3A_605 : vector<1x1x16xf32> to vector<16xf32>
        %mul3A_607 = arith.mulf %get3A_606, %get3A_537 : vector<16xf32>
        %add3A_608 = arith.addf %scan3A_499, %mul3A_607 : vector<16xf32>
        %add3A_609 = arith.constant 3072 : i32
        %add3A_610 = arith.addi %add3A_609, %mul3A_529 : i32
        %get3A_611 = arith.constant 0 : i32
        %get3A_612 = arith.constant 4 : i32
        %get3A_613 = arith.index_cast %get3A_611 : i32 to index
        %get3A_614 = arith.index_cast %get3A_612 : i32 to index
        %get3A_615 = arith.index_cast %add3A_610 : i32 to index
        %get3A_616 = tpu.vector_load %arg6[%get3A_613, %get3A_614, %get3A_615] {strides = array<i32>} : memref<2x8x4096xf32, #tpu.memory_space<vmem>>, vector<1x1x16xf32>,
        %get3A_617 = vector.shape_cast %get3A_616 : vector<1x1x16xf32> to vector<16xf32>
        %mul3A_618 = arith.mulf %get3A_617, %get3A_537 : vector<16xf32>
        %add3A_619 = arith.addf %scan3A_500, %mul3A_618 : vector<16xf32>
        %add3A_620 = arith.constant 3072 : i32
        %add3A_621 = arith.addi %add3A_620, %mul3A_529 : i32
        %get3A_622 = arith.constant 0 : i32
        %get3A_623 = arith.constant 5 : i32
        %get3A_624 = arith.index_cast %get3A_622 : i32 to index
        %get3A_625 = arith.index_cast %get3A_623 : i32 to index
        %get3A_626 = arith.index_cast %add3A_621 : i32 to index
        %get3A_627 = tpu.vector_load %arg6[%get3A_624, %get3A_625, %get3A_626] {strides = array<i32>} : memref<2x8x4096xf32, #tpu.memory_space<vmem>>, vector<1x1x16xf32>,
        %get3A_628 = vector.shape_cast %get3A_627 : vector<1x1x16xf32> to vector<16xf32>
        %mul3A_629 = arith.mulf %get3A_628, %get3A_537 : vector<16xf32>
        %add3A_630 = arith.addf %scan3A_501, %mul3A_629 : vector<16xf32>
        %add3A_631 = arith.constant 3072 : i32
        %add3A_632 = arith.addi %add3A_631, %mul3A_529 : i32
        %get3A_633 = arith.constant 0 : i32
        %get3A_634 = arith.constant 6 : i32
        %get3A_635 = arith.index_cast %get3A_633 : i32 to index
        %get3A_636 = arith.index_cast %get3A_634 : i32 to index
        %get3A_637 = arith.index_cast %add3A_632 : i32 to index
        %get3A_638 = tpu.vector_load %arg6[%get3A_635, %get3A_636, %get3A_637] {strides = array<i32>} : memref<2x8x4096xf32, #tpu.memory_space<vmem>>, vector<1x1x16xf32>,
        %get3A_639 = vector.shape_cast %get3A_638 : vector<1x1x16xf32> to vector<16xf32>
        %mul3A_640 = arith.mulf %get3A_639, %get3A_537 : vector<16xf32>
        %add3A_641 = arith.addf %scan3A_502, %mul3A_640 : vector<16xf32>
        %add3A_642 = arith.constant 3072 : i32
        %add3A_643 = arith.addi %add3A_642, %mul3A_529 : i32
        %get3A_644 = arith.constant 0 : i32
        %get3A_645 = arith.constant 7 : i32
        %get3A_646 = arith.index_cast %get3A_644 : i32 to index
        %get3A_647 = arith.index_cast %get3A_645 : i32 to index
        %get3A_648 = arith.index_cast %add3A_643 : i32 to index
        %get3A_649 = tpu.vector_load %arg6[%get3A_646, %get3A_647, %get3A_648] {strides = array<i32>} : memref<2x8x4096xf32, #tpu.memory_space<vmem>>, vector<1x1x16xf32>,
        %get3A_650 = vector.shape_cast %get3A_649 : vector<1x1x16xf32> to vector<16xf32>
        %mul3A_651 = arith.mulf %get3A_650, %get3A_537 : vector<16xf32>
        %add3A_652 = arith.addf %scan3A_503, %mul3A_651 : vector<16xf32>
        %add3A_653 = arith.constant 3072 : i32
        %add3A_654 = arith.addi %add3A_653, %mul3A_529 : i32
        %get3A_655 = arith.constant 0 : i32
        %get3A_656 = arith.constant 0 : i32
        %get3A_657 = arith.index_cast %get3A_655 : i32 to index
        %get3A_658 = arith.index_cast %get3A_656 : i32 to index
        %get3A_659 = arith.index_cast %add3A_654 : i32 to index
        %get3A_660 = tpu.vector_load %arg6[%get3A_657, %get3A_658, %get3A_659] {strides = array<i32>} : memref<2x8x4096xf32, #tpu.memory_space<vmem>>, vector<1x1x16xf32>,
        %get3A_661 = vector.shape_cast %get3A_660 : vector<1x1x16xf32> to vector<16xf32>
        %mul3A_662 = arith.mulf %get3A_661, %get3A_546 : vector<16xf32>
        %add3A_663 = arith.addf %scan3A_504, %mul3A_662 : vector<16xf32>
        %add3A_664 = arith.constant 3072 : i32
        %add3A_665 = arith.addi %add3A_664, %mul3A_529 : i32
        %get3A_666 = arith.constant 0 : i32
        %get3A_667 = arith.constant 1 : i32
        %get3A_668 = arith.index_cast %get3A_666 : i32 to index
        %get3A_669 = arith.index_cast %get3A_667 : i32 to index
        %get3A_670 = arith.index_cast %add3A_665 : i32 to index
        %get3A_671 = tpu.vector_load %arg6[%get3A_668, %get3A_669, %get3A_670] {strides = array<i32>} : memref<2x8x4096xf32, #tpu.memory_space<vmem>>, vector<1x1x16xf32>,
        %get3A_672 = vector.shape_cast %get3A_671 : vector<1x1x16xf32> to vector<16xf32>
        %mul3A_673 = arith.mulf %get3A_672, %get3A_546 : vector<16xf32>
        %add3A_674 = arith.addf %scan3A_505, %mul3A_673 : vector<16xf32>
        %add3A_675 = arith.constant 3072 : i32
        %add3A_676 = arith.addi %add3A_675, %mul3A_529 : i32
        %get3A_677 = arith.constant 0 : i32
        %get3A_678 = arith.constant 2 : i32
        %get3A_679 = arith.index_cast %get3A_677 : i32 to index
        %get3A_680 = arith.index_cast %get3A_678 : i32 to index
        %get3A_681 = arith.index_cast %add3A_676 : i32 to index
        %get3A_682 = tpu.vector_load %arg6[%get3A_679, %get3A_680, %get3A_681] {strides = array<i32>} : memref<2x8x4096xf32, #tpu.memory_space<vmem>>, vector<1x1x16xf32>,
        %get3A_683 = vector.shape_cast %get3A_682 : vector<1x1x16xf32> to vector<16xf32>
        %mul3A_684 = arith.mulf %get3A_683, %get3A_546 : vector<16xf32>
        %add3A_685 = arith.addf %scan3A_506, %mul3A_684 : vector<16xf32>
        %add3A_686 = arith.constant 3072 : i32
        %add3A_687 = arith.addi %add3A_686, %mul3A_529 : i32
        %get3A_688 = arith.constant 0 : i32
        %get3A_689 = arith.constant 3 : i32
        %get3A_690 = arith.index_cast %get3A_688 : i32 to index
        %get3A_691 = arith.index_cast %get3A_689 : i32 to index
        %get3A_692 = arith.index_cast %add3A_687 : i32 to index
        %get3A_693 = tpu.vector_load %arg6[%get3A_690, %get3A_691, %get3A_692] {strides = array<i32>} : memref<2x8x4096xf32, #tpu.memory_space<vmem>>, vector<1x1x16xf32>,
        %get3A_694 = vector.shape_cast %get3A_693 : vector<1x1x16xf32> to vector<16xf32>
        %mul3A_695 = arith.mulf %get3A_694, %get3A_546 : vector<16xf32>
        %add3A_696 = arith.addf %scan3A_507, %mul3A_695 : vector<16xf32>
        %add3A_697 = arith.constant 3072 : i32
        %add3A_698 = arith.addi %add3A_697, %mul3A_529 : i32
        %get3A_699 = arith.constant 0 : i32
        %get3A_700 = arith.constant 4 : i32
        %get3A_701 = arith.index_cast %get3A_699 : i32 to index
        %get3A_702 = arith.index_cast %get3A_700 : i32 to index
        %get3A_703 = arith.index_cast %add3A_698 : i32 to index
        %get3A_704 = tpu.vector_load %arg6[%get3A_701, %get3A_702, %get3A_703] {strides = array<i32>} : memref<2x8x4096xf32, #tpu.memory_space<vmem>>, vector<1x1x16xf32>,
        %get3A_705 = vector.shape_cast %get3A_704 : vector<1x1x16xf32> to vector<16xf32>
        %mul3A_706 = arith.mulf %get3A_705, %get3A_546 : vector<16xf32>
        %add3A_707 = arith.addf %scan3A_508, %mul3A_706 : vector<16xf32>
        %add3A_708 = arith.constant 3072 : i32
        %add3A_709 = arith.addi %add3A_708, %mul3A_529 : i32
        %get3A_710 = arith.constant 0 : i32
        %get3A_711 = arith.constant 5 : i32
        %get3A_712 = arith.index_cast %get3A_710 : i32 to index
        %get3A_713 = arith.index_cast %get3A_711 : i32 to index
        %get3A_714 = arith.index_cast %add3A_709 : i32 to index
        %get3A_715 = tpu.vector_load %arg6[%get3A_712, %get3A_713, %get3A_714] {strides = array<i32>} : memref<2x8x4096xf32, #tpu.memory_space<vmem>>, vector<1x1x16xf32>,
        %get3A_716 = vector.shape_cast %get3A_715 : vector<1x1x16xf32> to vector<16xf32>
        %mul3A_717 = arith.mulf %get3A_716, %get3A_546 : vector<16xf32>
        %add3A_718 = arith.addf %scan3A_509, %mul3A_717 : vector<16xf32>
        %add3A_719 = arith.constant 3072 : i32
        %add3A_720 = arith.addi %add3A_719, %mul3A_529 : i32
        %get3A_721 = arith.constant 0 : i32
        %get3A_722 = arith.constant 6 : i32
        %get3A_723 = arith.index_cast %get3A_721 : i32 to index
        %get3A_724 = arith.index_cast %get3A_722 : i32 to index
        %get3A_725 = arith.index_cast %add3A_720 : i32 to index
        %get3A_726 = tpu.vector_load %arg6[%get3A_723, %get3A_724, %get3A_725] {strides = array<i32>} : memref<2x8x4096xf32, #tpu.memory_space<vmem>>, vector<1x1x16xf32>,
        %get3A_727 = vector.shape_cast %get3A_726 : vector<1x1x16xf32> to vector<16xf32>
        %mul3A_728 = arith.mulf %get3A_727, %get3A_546 : vector<16xf32>
        %add3A_729 = arith.addf %scan3A_510, %mul3A_728 : vector<16xf32>
        %add3A_730 = arith.constant 3072 : i32
        %add3A_731 = arith.addi %add3A_730, %mul3A_529 : i32
        %get3A_732 = arith.constant 0 : i32
        %get3A_733 = arith.constant 7 : i32
        %get3A_734 = arith.index_cast %get3A_732 : i32 to index
        %get3A_735 = arith.index_cast %get3A_733 : i32 to index
        %get3A_736 = arith.index_cast %add3A_731 : i32 to index
        %get3A_737 = tpu.vector_load %arg6[%get3A_734, %get3A_735, %get3A_736] {strides = array<i32>} : memref<2x8x4096xf32, #tpu.memory_space<vmem>>, vector<1x1x16xf32>,
        %get3A_738 = vector.shape_cast %get3A_737 : vector<1x1x16xf32> to vector<16xf32>
        %mul3A_739 = arith.mulf %get3A_738, %get3A_546 : vector<16xf32>
        %add3A_740 = arith.addf %scan3A_511, %mul3A_739 : vector<16xf32>
        %add3A_741 = arith.constant 3072 : i32
        %add3A_742 = arith.addi %add3A_741, %mul3A_529 : i32
        %get3A_743 = arith.constant 0 : i32
        %get3A_744 = arith.constant 0 : i32
        %get3A_745 = arith.index_cast %get3A_743 : i32 to index
        %get3A_746 = arith.index_cast %get3A_744 : i32 to index
        %get3A_747 = arith.index_cast %add3A_742 : i32 to index
        %get3A_748 = tpu.vector_load %arg6[%get3A_745, %get3A_746, %get3A_747] {strides = array<i32>} : memref<2x8x4096xf32, #tpu.memory_space<vmem>>, vector<1x1x16xf32>,
        %get3A_749 = vector.shape_cast %get3A_748 : vector<1x1x16xf32> to vector<16xf32>
        %mul3A_750 = arith.mulf %get3A_749, %get3A_555 : vector<16xf32>
        %add3A_751 = arith.addf %scan3A_512, %mul3A_750 : vector<16xf32>
        %add3A_752 = arith.constant 3072 : i32
        %add3A_753 = arith.addi %add3A_752, %mul3A_529 : i32
        %get3A_754 = arith.constant 0 : i32
        %get3A_755 = arith.constant 1 : i32
        %get3A_756 = arith.index_cast %get3A_754 : i32 to index
        %get3A_757 = arith.index_cast %get3A_755 : i32 to index
        %get3A_758 = arith.index_cast %add3A_753 : i32 to index
        %get3A_759 = tpu.vector_load %arg6[%get3A_756, %get3A_757, %get3A_758] {strides = array<i32>} : memref<2x8x4096xf32, #tpu.memory_space<vmem>>, vector<1x1x16xf32>,
        %get3A_760 = vector.shape_cast %get3A_759 : vector<1x1x16xf32> to vector<16xf32>
        %mul3A_761 = arith.mulf %get3A_760, %get3A_555 : vector<16xf32>
        %add3A_762 = arith.addf %scan3A_513, %mul3A_761 : vector<16xf32>
        %add3A_763 = arith.constant 3072 : i32
        %add3A_764 = arith.addi %add3A_763, %mul3A_529 : i32
        %get3A_765 = arith.constant 0 : i32
        %get3A_766 = arith.constant 2 : i32
        %get3A_767 = arith.index_cast %get3A_765 : i32 to index
        %get3A_768 = arith.index_cast %get3A_766 : i32 to index
        %get3A_769 = arith.index_cast %add3A_764 : i32 to index
        %get3A_770 = tpu.vector_load %arg6[%get3A_767, %get3A_768, %get3A_769] {strides = array<i32>} : memref<2x8x4096xf32, #tpu.memory_space<vmem>>, vector<1x1x16xf32>,
        %get3A_771 = vector.shape_cast %get3A_770 : vector<1x1x16xf32> to vector<16xf32>
        %mul3A_772 = arith.mulf %get3A_771, %get3A_555 : vector<16xf32>
        %add3A_773 = arith.addf %scan3A_514, %mul3A_772 : vector<16xf32>
        %add3A_774 = arith.constant 3072 : i32
        %add3A_775 = arith.addi %add3A_774, %mul3A_529 : i32
        %get3A_776 = arith.constant 0 : i32
        %get3A_777 = arith.constant 3 : i32
        %get3A_778 = arith.index_cast %get3A_776 : i32 to index
        %get3A_779 = arith.index_cast %get3A_777 : i32 to index
        %get3A_780 = arith.index_cast %add3A_775 : i32 to index
        %get3A_781 = tpu.vector_load %arg6[%get3A_778, %get3A_779, %get3A_780] {strides = array<i32>} : memref<2x8x4096xf32, #tpu.memory_space<vmem>>, vector<1x1x16xf32>,
        %get3A_782 = vector.shape_cast %get3A_781 : vector<1x1x16xf32> to vector<16xf32>
        %mul3A_783 = arith.mulf %get3A_782, %get3A_555 : vector<16xf32>
        %add3A_784 = arith.addf %scan3A_515, %mul3A_783 : vector<16xf32>
        %add3A_785 = arith.constant 3072 : i32
        %add3A_786 = arith.addi %add3A_785, %mul3A_529 : i32
        %get3A_787 = arith.constant 0 : i32
        %get3A_788 = arith.constant 4 : i32
        %get3A_789 = arith.index_cast %get3A_787 : i32 to index
        %get3A_790 = arith.index_cast %get3A_788 : i32 to index
        %get3A_791 = arith.index_cast %add3A_786 : i32 to index
        %get3A_792 = tpu.vector_load %arg6[%get3A_789, %get3A_790, %get3A_791] {strides = array<i32>} : memref<2x8x4096xf32, #tpu.memory_space<vmem>>, vector<1x1x16xf32>,
        %get3A_793 = vector.shape_cast %get3A_792 : vector<1x1x16xf32> to vector<16xf32>
        %mul3A_794 = arith.mulf %get3A_793, %get3A_555 : vector<16xf32>
        %add3A_795 = arith.addf %scan3A_516, %mul3A_794 : vector<16xf32>
        %add3A_796 = arith.constant 3072 : i32
        %add3A_797 = arith.addi %add3A_796, %mul3A_529 : i32
        %get3A_798 = arith.constant 0 : i32
        %get3A_799 = arith.constant 5 : i32
        %get3A_800 = arith.index_cast %get3A_798 : i32 to index
        %get3A_801 = arith.index_cast %get3A_799 : i32 to index
        %get3A_802 = arith.index_cast %add3A_797 : i32 to index
        %get3A_803 = tpu.vector_load %arg6[%get3A_800, %get3A_801, %get3A_802] {strides = array<i32>} : memref<2x8x4096xf32, #tpu.memory_space<vmem>>, vector<1x1x16xf32>,
        %get3A_804 = vector.shape_cast %get3A_803 : vector<1x1x16xf32> to vector<16xf32>
        %mul3A_805 = arith.mulf %get3A_804, %get3A_555 : vector<16xf32>
        %add3A_806 = arith.addf %scan3A_517, %mul3A_805 : vector<16xf32>
        %add3A_807 = arith.constant 3072 : i32
        %add3A_808 = arith.addi %add3A_807, %mul3A_529 : i32
        %get3A_809 = arith.constant 0 : i32
        %get3A_810 = arith.constant 6 : i32
        %get3A_811 = arith.index_cast %get3A_809 : i32 to index
        %get3A_812 = arith.index_cast %get3A_810 : i32 to index
        %get3A_813 = arith.index_cast %add3A_808 : i32 to index
        %get3A_814 = tpu.vector_load %arg6[%get3A_811, %get3A_812, %get3A_813] {strides = array<i32>} : memref<2x8x4096xf32, #tpu.memory_space<vmem>>, vector<1x1x16xf32>,
        %get3A_815 = vector.shape_cast %get3A_814 : vector<1x1x16xf32> to vector<16xf32>
        %mul3A_816 = arith.mulf %get3A_815, %get3A_555 : vector<16xf32>
        %add3A_817 = arith.addf %scan3A_518, %mul3A_816 : vector<16xf32>
        %add3A_818 = arith.constant 3072 : i32
        %add3A_819 = arith.addi %add3A_818, %mul3A_529 : i32
        %get3A_820 = arith.constant 0 : i32
        %get3A_821 = arith.constant 7 : i32
        %get3A_822 = arith.index_cast %get3A_820 : i32 to index
        %get3A_823 = arith.index_cast %get3A_821 : i32 to index
        %get3A_824 = arith.index_cast %add3A_819 : i32 to index
        %get3A_825 = tpu.vector_load %arg6[%get3A_822, %get3A_823, %get3A_824] {strides = array<i32>} : memref<2x8x4096xf32, #tpu.memory_space<vmem>>, vector<1x1x16xf32>,
        %get3A_826 = vector.shape_cast %get3A_825 : vector<1x1x16xf32> to vector<16xf32>
        %mul3A_827 = arith.mulf %get3A_826, %get3A_555 : vector<16xf32>
        %add3A_828 = arith.addf %scan3A_519, %mul3A_827 : vector<16xf32>
        %add3A_829 = arith.constant 3072 : i32
        %add3A_830 = arith.addi %add3A_829, %mul3A_529 : i32
        %get3A_831 = arith.constant 0 : i32
        %get3A_832 = arith.constant 0 : i32
        %get3A_833 = arith.index_cast %get3A_831 : i32 to index
        %get3A_834 = arith.index_cast %get3A_832 : i32 to index
        %get3A_835 = arith.index_cast %add3A_830 : i32 to index
        %get3A_836 = tpu.vector_load %arg6[%get3A_833, %get3A_834, %get3A_835] {strides = array<i32>} : memref<2x8x4096xf32, #tpu.memory_space<vmem>>, vector<1x1x16xf32>,
        %get3A_837 = vector.shape_cast %get3A_836 : vector<1x1x16xf32> to vector<16xf32>
        %mul3A_838 = arith.mulf %get3A_837, %get3A_564 : vector<16xf32>
        %add3A_839 = arith.addf %scan3A_520, %mul3A_838 : vector<16xf32>
        %add3A_840 = arith.constant 3072 : i32
        %add3A_841 = arith.addi %add3A_840, %mul3A_529 : i32
        %get3A_842 = arith.constant 0 : i32
        %get3A_843 = arith.constant 1 : i32
        %get3A_844 = arith.index_cast %get3A_842 : i32 to index
        %get3A_845 = arith.index_cast %get3A_843 : i32 to index
        %get3A_846 = arith.index_cast %add3A_841 : i32 to index
        %get3A_847 = tpu.vector_load %arg6[%get3A_844, %get3A_845, %get3A_846] {strides = array<i32>} : memref<2x8x4096xf32, #tpu.memory_space<vmem>>, vector<1x1x16xf32>,
        %get3A_848 = vector.shape_cast %get3A_847 : vector<1x1x16xf32> to vector<16xf32>
        %mul3A_849 = arith.mulf %get3A_848, %get3A_564 : vector<16xf32>
        %add3A_850 = arith.addf %scan3A_521, %mul3A_849 : vector<16xf32>
        %add3A_851 = arith.constant 3072 : i32
        %add3A_852 = arith.addi %add3A_851, %mul3A_529 : i32
        %get3A_853 = arith.constant 0 : i32
        %get3A_854 = arith.constant 2 : i32
        %get3A_855 = arith.index_cast %get3A_853 : i32 to index
        %get3A_856 = arith.index_cast %get3A_854 : i32 to index
        %get3A_857 = arith.index_cast %add3A_852 : i32 to index
        %get3A_858 = tpu.vector_load %arg6[%get3A_855, %get3A_856, %get3A_857] {strides = array<i32>} : memref<2x8x4096xf32, #tpu.memory_space<vmem>>, vector<1x1x16xf32>,
        %get3A_859 = vector.shape_cast %get3A_858 : vector<1x1x16xf32> to vector<16xf32>
        %mul3A_860 = arith.mulf %get3A_859, %get3A_564 : vector<16xf32>
        %add3A_861 = arith.addf %scan3A_522, %mul3A_860 : vector<16xf32>
        %add3A_862 = arith.constant 3072 : i32
        %add3A_863 = arith.addi %add3A_862, %mul3A_529 : i32
        %get3A_864 = arith.constant 0 : i32
        %get3A_865 = arith.constant 3 : i32
        %get3A_866 = arith.index_cast %get3A_864 : i32 to index
        %get3A_867 = arith.index_cast %get3A_865 : i32 to index
        %get3A_868 = arith.index_cast %add3A_863 : i32 to index
        %get3A_869 = tpu.vector_load %arg6[%get3A_866, %get3A_867, %get3A_868] {strides = array<i32>} : memref<2x8x4096xf32, #tpu.memory_space<vmem>>, vector<1x1x16xf32>,
        %get3A_870 = vector.shape_cast %get3A_869 : vector<1x1x16xf32> to vector<16xf32>
        %mul3A_871 = arith.mulf %get3A_870, %get3A_564 : vector<16xf32>
        %add3A_872 = arith.addf %scan3A_523, %mul3A_871 : vector<16xf32>
        %add3A_873 = arith.constant 3072 : i32
        %add3A_874 = arith.addi %add3A_873, %mul3A_529 : i32
        %get3A_875 = arith.constant 0 : i32
        %get3A_876 = arith.constant 4 : i32
        %get3A_877 = arith.index_cast %get3A_875 : i32 to index
        %get3A_878 = arith.index_cast %get3A_876 : i32 to index
        %get3A_879 = arith.index_cast %add3A_874 : i32 to index
        %get3A_880 = tpu.vector_load %arg6[%get3A_877, %get3A_878, %get3A_879] {strides = array<i32>} : memref<2x8x4096xf32, #tpu.memory_space<vmem>>, vector<1x1x16xf32>,
        %get3A_881 = vector.shape_cast %get3A_880 : vector<1x1x16xf32> to vector<16xf32>
        %mul3A_882 = arith.mulf %get3A_881, %get3A_564 : vector<16xf32>
        %add3A_883 = arith.addf %scan3A_524, %mul3A_882 : vector<16xf32>
        %add3A_884 = arith.constant 3072 : i32
        %add3A_885 = arith.addi %add3A_884, %mul3A_529 : i32
        %get3A_886 = arith.constant 0 : i32
        %get3A_887 = arith.constant 5 : i32
        %get3A_888 = arith.index_cast %get3A_886 : i32 to index
        %get3A_889 = arith.index_cast %get3A_887 : i32 to index
        %get3A_890 = arith.index_cast %add3A_885 : i32 to index
        %get3A_891 = tpu.vector_load %arg6[%get3A_888, %get3A_889, %get3A_890] {strides = array<i32>} : memref<2x8x4096xf32, #tpu.memory_space<vmem>>, vector<1x1x16xf32>,
        %get3A_892 = vector.shape_cast %get3A_891 : vector<1x1x16xf32> to vector<16xf32>
        %mul3A_893 = arith.mulf %get3A_892, %get3A_564 : vector<16xf32>
        %add3A_894 = arith.addf %scan3A_525, %mul3A_893 : vector<16xf32>
        %add3A_895 = arith.constant 3072 : i32
        %add3A_896 = arith.addi %add3A_895, %mul3A_529 : i32
        %get3A_897 = arith.constant 0 : i32
        %get3A_898 = arith.constant 6 : i32
        %get3A_899 = arith.index_cast %get3A_897 : i32 to index
        %get3A_900 = arith.index_cast %get3A_898 : i32 to index
        %get3A_901 = arith.index_cast %add3A_896 : i32 to index
        %get3A_902 = tpu.vector_load %arg6[%get3A_899, %get3A_900, %get3A_901] {strides = array<i32>} : memref<2x8x4096xf32, #tpu.memory_space<vmem>>, vector<1x1x16xf32>,
        %get3A_903 = vector.shape_cast %get3A_902 : vector<1x1x16xf32> to vector<16xf32>
        %mul3A_904 = arith.mulf %get3A_903, %get3A_564 : vector<16xf32>
        %add3A_905 = arith.addf %scan3A_526, %mul3A_904 : vector<16xf32>
        %add3A_906 = arith.constant 3072 : i32
        %add3A_907 = arith.addi %add3A_906, %mul3A_529 : i32
        %get3A_908 = arith.constant 0 : i32
        %get3A_909 = arith.constant 7 : i32
        %get3A_910 = arith.index_cast %get3A_908 : i32 to index
        %get3A_911 = arith.index_cast %get3A_909 : i32 to index
        %get3A_912 = arith.index_cast %add3A_907 : i32 to index
        %get3A_913 = tpu.vector_load %arg6[%get3A_910, %get3A_911, %get3A_912] {strides = array<i32>} : memref<2x8x4096xf32, #tpu.memory_space<vmem>>, vector<1x1x16xf32>,
        %get3A_914 = vector.shape_cast %get3A_913 : vector<1x1x16xf32> to vector<16xf32>
        %mul3A_915 = arith.mulf %get3A_914, %get3A_564 : vector<16xf32>
        %add3A_916 = arith.addf %scan3A_527, %mul3A_915 : vector<16xf32>
        scf.yield %add3A_575, %add3A_586, %add3A_597, %add3A_608, %add3A_619, %add3A_630, %add3A_641, %add3A_652, %add3A_663, %add3A_674, %add3A_685, %add3A_696, %add3A_707, %add3A_718, %add3A_729, %add3A_740, %add3A_751, %add3A_762, %add3A_773, %add3A_784, %add3A_795, %add3A_806, %add3A_817, %add3A_828, %add3A_839, %add3A_850, %add3A_861, %add3A_872, %add3A_883, %add3A_894, %add3A_905, %add3A_916 : vector<16xf32>, vector<16xf32>, vector<16xf32>, vector<16xf32>, vector<16xf32>, vector<16xf32>, vector<16xf32>, vector<16xf32>, vector<16xf32>, vector<16xf32>, vector<16xf32>, vector<16xf32>, vector<16xf32>, vector<16xf32>, vector<16xf32>, vector<16xf32>, vector<16xf32>, vector<16xf32>, vector<16xf32>, vector<16xf32>, vector<16xf32>, vector<16xf32>, vector<16xf32>, vector<16xf32>, vector<16xf32>, vector<16xf32>, vector<16xf32>, vector<16xf32>, vector<16xf32>, vector<16xf32>, vector<16xf32>, vector<16xf32>
      }
      %scan3A_430 = arith.constant 64 : i32
      %lt3A = arith.constant 7 : i32
      %lt3A_431 = arith.cmpi slt, %scan3A_299, %lt3A : i32
      %convert_element_type3A = arith.extui %lt3A_431 : i1 to i32
      %cond3A = arith.constant 0 : i32
      %cond3A_432 = arith.cmpi ne, %convert_element_type3A, %cond3A : i32
      scf.if %cond3A_432 {
        %add3A_495 = arith.constant 2 : i32
        %add3A_496 = arith.addi %mul3A_333, %add3A_495 : i32
        %mul3A_497 = arith.constant 4096 : i32
        %mul3A_498 = arith.muli %add3A_496, %mul3A_497 : i32
        %add3A_499 = arith.addi %mul3A_2, %mul3A_498 : i32
        %mul3A_500 = arith.constant 4 : i32
        %mul3A_501 = arith.muli %add3A_496, %mul3A_500 : i32
        %add3A_502 = arith.addi %mul3A_4, %mul3A_501 : i32
        %dma_start3A_503 = arith.constant 0 : i32
        %dma_start3A_504 = arith.constant 0 : i32
        %dma_start3A_505 = arith.constant 0 : i32
        %dma_start3A_506 = arith.constant 0 : i32
        %dma_start3A_507 = tpu.memref_slice %arg5[%dma_start3A_503, %dma_start3A_504, %dma_start3A_505, %dma_start3A_506] : memref<2x4x4x1024xf32, #tpu.memory_space<vmem>> -> memref<1x4x4x1024xf32, #tpu.memory_space<vmem>>
        %dma_start3A_508 = tpu.memref_squeeze %dma_start3A_507 : memref<1x4x4x1024xf32, #tpu.memory_space<vmem>> -> memref<4x4x1024xf32, #tpu.memory_space<vmem>>
        %dma_start3A_509 = arith.constant 0 : i32
        %dma_start3A_510 = arith.constant 0 : i32
        %dma_start3A_511 = tpu.memref_slice %arg2[%dma_start3A_509, %add3A_502, %dma_start3A_510] : memref<4x2048x1024xf32, #tpu.memory_space<hbm>> -> memref<4x4x1024xf32, #tpu.memory_space<hbm>>
        %dma_start3A_512 = arith.constant 0 : i32
        %dma_start3A_513 = arith.constant 0 : i32
        %dma_start3A_514 = arith.constant 0 : i32
        %dma_start3A_515 = tpu.memref_slice %arg5[%dma_start3A_503, %dma_start3A_512, %dma_start3A_513, %dma_start3A_514] : memref<2x4x4x1024xf32, #tpu.memory_space<vmem>> -> memref<1x4x4x1024xf32, #tpu.memory_space<vmem>>
        %dma_start3A_516 = tpu.memref_squeeze %dma_start3A_515 : memref<1x4x4x1024xf32, #tpu.memory_space<vmem>> -> memref<4x4x1024xf32, #tpu.memory_space<vmem>>
        %dma_start3A_517 = arith.constant 0 : i32
        %dma_start3A_518 = arith.constant 0 : i32
        %dma_start3A_519 = tpu.memref_slice %arg2[%dma_start3A_517, %add3A_502, %dma_start3A_518] : memref<4x2048x1024xf32, #tpu.memory_space<hbm>> -> memref<4x4x1024xf32, #tpu.memory_space<hbm>>
        tpu.enqueue_dma source(%dma_start3A_519 : memref<4x4x1024xf32, #tpu.memory_space<hbm>>) target(%dma_start3A_516 : memref<4x4x1024xf32, #tpu.memory_space<vmem>>) target_semaphore(%arg8 : memref<!tpu.dma_semaphore, #tpu.memory_space<semaphore_mem>>)
        %dma_start3A_520 = arith.constant 0 : i32
        %dma_start3A_521 = arith.constant 0 : i32
        %dma_start3A_522 = arith.constant 0 : i32
        %dma_start3A_523 = tpu.memref_slice %arg6[%dma_start3A_520, %dma_start3A_521, %dma_start3A_522] : memref<2x8x4096xf32, #tpu.memory_space<vmem>> -> memref<1x8x4096xf32, #tpu.memory_space<vmem>>
        %dma_start3A_524 = tpu.memref_squeeze %dma_start3A_523 : memref<1x8x4096xf32, #tpu.memory_space<vmem>> -> memref<8x4096xf32, #tpu.memory_space<vmem>>
        %dma_start3A_525 = arith.constant 56 : i32
        %dma_start3A_526 = tpu.memref_slice %arg3[%dma_start3A_525, %add3A_499] : memref<64x2097152xf32, #tpu.memory_space<hbm>> -> memref<8x4096xf32, #tpu.memory_space<hbm>>
        %dma_start3A_527 = arith.constant 0 : i32
        %dma_start3A_528 = arith.constant 0 : i32
        %dma_start3A_529 = tpu.memref_slice %arg6[%dma_start3A_520, %dma_start3A_527, %dma_start3A_528] : memref<2x8x4096xf32, #tpu.memory_space<vmem>> -> memref<1x8x4096xf32, #tpu.memory_space<vmem>>
        %dma_start3A_530 = tpu.memref_squeeze %dma_start3A_529 : memref<1x8x4096xf32, #tpu.memory_space<vmem>> -> memref<8x4096xf32, #tpu.memory_space<vmem>>
        %dma_start3A_531 = arith.constant 56 : i32
        %dma_start3A_532 = tpu.memref_slice %arg3[%dma_start3A_531, %add3A_499] : memref<64x2097152xf32, #tpu.memory_space<hbm>> -> memref<8x4096xf32, #tpu.memory_space<hbm>>
        tpu.enqueue_dma source(%dma_start3A_532 : memref<8x4096xf32, #tpu.memory_space<hbm>>) target(%dma_start3A_530 : memref<8x4096xf32, #tpu.memory_space<vmem>>) target_semaphore(%arg10 : memref<!tpu.dma_semaphore, #tpu.memory_space<semaphore_mem>>)
      } else {
      }
      %add3A_433 = arith.constant 1 : i32
      %add3A_434 = arith.addi %mul3A_333, %add3A_433 : i32
      %mul3A_435 = arith.constant 4096 : i32
      %mul3A_436 = arith.muli %add3A_434, %mul3A_435 : i32
      %add3A_437 = arith.addi %mul3A_2, %mul3A_436 : i32
      %mul3A_438 = arith.constant 4 : i32
      %mul3A_439 = arith.muli %add3A_434, %mul3A_438 : i32
      %add3A_440 = arith.addi %mul3A_4, %mul3A_439 : i32
      %dma_wait3A_441 = arith.constant 1 : i32
      %dma_wait3A_442 = arith.constant 0 : i32
      %dma_wait3A_443 = arith.constant 0 : i32
      %dma_wait3A_444 = arith.constant 0 : i32
      %dma_wait3A_445 = tpu.memref_slice %arg5[%dma_wait3A_441, %dma_wait3A_442, %dma_wait3A_443, %dma_wait3A_444] : memref<2x4x4x1024xf32, #tpu.memory_space<vmem>> -> memref<1x4x4x1024xf32, #tpu.memory_space<vmem>>
      %dma_wait3A_446 = tpu.memref_squeeze %dma_wait3A_445 : memref<1x4x4x1024xf32, #tpu.memory_space<vmem>> -> memref<4x4x1024xf32, #tpu.memory_space<vmem>>
      %dma_wait3A_447 = arith.constant 0 : i32
      %dma_wait3A_448 = arith.constant 0 : i32
      %dma_wait3A_449 = tpu.memref_slice %arg2[%dma_wait3A_447, %add3A_440, %dma_wait3A_448] : memref<4x2048x1024xf32, #tpu.memory_space<hbm>> -> memref<4x4x1024xf32, #tpu.memory_space<hbm>>
      %dma_wait3A_450 = arith.constant 0 : i32
      %dma_wait3A_451 = arith.constant 0 : i32
      %dma_wait3A_452 = arith.constant 0 : i32
      %dma_wait3A_453 = tpu.memref_slice %arg5[%dma_wait3A_441, %dma_wait3A_450, %dma_wait3A_451, %dma_wait3A_452] : memref<2x4x4x1024xf32, #tpu.memory_space<vmem>> -> memref<1x4x4x1024xf32, #tpu.memory_space<vmem>>
      %dma_wait3A_454 = tpu.memref_squeeze %dma_wait3A_453 : memref<1x4x4x1024xf32, #tpu.memory_space<vmem>> -> memref<4x4x1024xf32, #tpu.memory_space<vmem>>
      %dma_wait3A_455 = arith.constant 0 : i32
      %dma_wait3A_456 = arith.constant 0 : i32
      %dma_wait3A_457 = tpu.memref_slice %arg2[%dma_wait3A_455, %add3A_440, %dma_wait3A_456] : memref<4x2048x1024xf32, #tpu.memory_space<hbm>> -> memref<4x4x1024xf32, #tpu.memory_space<hbm>>
      tpu.wait_dma2 semaphore(%arg9 : memref<!tpu.dma_semaphore, #tpu.memory_space<semaphore_mem>>) src(%dma_wait3A_457 : memref<4x4x1024xf32, #tpu.memory_space<hbm>>) dst(%dma_wait3A_454 : memref<4x4x1024xf32, #tpu.memory_space<vmem>>)
      %dma_wait3A_458 = arith.constant 1 : i32
      %dma_wait3A_459 = arith.constant 0 : i32
      %dma_wait3A_460 = arith.constant 0 : i32
      %dma_wait3A_461 = tpu.memref_slice %arg6[%dma_wait3A_458, %dma_wait3A_459, %dma_wait3A_460] : memref<2x8x4096xf32, #tpu.memory_space<vmem>> -> memref<1x8x4096xf32, #tpu.memory_space<vmem>>
      %dma_wait3A_462 = tpu.memref_squeeze %dma_wait3A_461 : memref<1x8x4096xf32, #tpu.memory_space<vmem>> -> memref<8x4096xf32, #tpu.memory_space<vmem>>
      %dma_wait3A_463 = arith.constant 56 : i32
      %dma_wait3A_464 = tpu.memref_slice %arg3[%dma_wait3A_463, %add3A_437] : memref<64x2097152xf32, #tpu.memory_space<hbm>> -> memref<8x4096xf32, #tpu.memory_space<hbm>>
      %dma_wait3A_465 = arith.constant 0 : i32
      %dma_wait3A_466 = arith.constant 0 : i32
      %dma_wait3A_467 = tpu.memref_slice %arg6[%dma_wait3A_458, %dma_wait3A_465, %dma_wait3A_466] : memref<2x8x4096xf32, #tpu.memory_space<vmem>> -> memref<1x8x4096xf32, #tpu.memory_space<vmem>>
      %dma_wait3A_468 = tpu.memref_squeeze %dma_wait3A_467 : memref<1x8x4096xf32, #tpu.memory_space<vmem>> -> memref<8x4096xf32, #tpu.memory_space<vmem>>
      %dma_wait3A_469 = arith.constant 56 : i32
      %dma_wait3A_470 = tpu.memref_slice %arg3[%dma_wait3A_469, %add3A_437] : memref<64x2097152xf32, #tpu.memory_space<hbm>> -> memref<8x4096xf32, #tpu.memory_space<hbm>>
      tpu.wait_dma2 semaphore(%arg11 : memref<!tpu.dma_semaphore, #tpu.memory_space<semaphore_mem>>) src(%dma_wait3A_470 : memref<8x4096xf32, #tpu.memory_space<hbm>>) dst(%dma_wait3A_468 : memref<8x4096xf32, #tpu.memory_space<vmem>>)
      %scan3A_471 = arith.constant 0 : i32
      %scan3A_472 = arith.constant 64 : i32
      %scan3A_473 = arith.addi %scan3A_471, %scan3A_472 : i32
      %scan3A_474 = arith.constant 1 : i32
      %scan3A_475:32 = scf.for %scan3A_495 = %scan3A_471 to %scan3A_473 step %scan3A_474 iter_args(%scan3A_496 = %scan3A_429#0, %scan3A_497 = %scan3A_429#1, %scan3A_498 = %scan3A_429#2, %scan3A_499 = %scan3A_429#3, %scan3A_500 = %scan3A_429#4, %scan3A_501 = %scan3A_429#5, %scan3A_502 = %scan3A_429#6, %scan3A_503 = %scan3A_429#7, %scan3A_504 = %scan3A_429#8, %scan3A_505 = %scan3A_429#9, %scan3A_506 = %scan3A_429#10, %scan3A_507 = %scan3A_429#11, %scan3A_508 = %scan3A_429#12, %scan3A_509 = %scan3A_429#13, %scan3A_510 = %scan3A_429#14, %scan3A_511 = %scan3A_429#15, %scan3A_512 = %scan3A_429#16, %scan3A_513 = %scan3A_429#17, %scan3A_514 = %scan3A_429#18, %scan3A_515 = %scan3A_429#19, %scan3A_516 = %scan3A_429#20, %scan3A_517 = %scan3A_429#21, %scan3A_518 = %scan3A_429#22, %scan3A_519 = %scan3A_429#23, %scan3A_520 = %scan3A_429#24, %scan3A_521 = %scan3A_429#25, %scan3A_522 = %scan3A_429#26, %scan3A_523 = %scan3A_429#27, %scan3A_524 = %scan3A_429#28, %scan3A_525 = %scan3A_429#29, %scan3A_526 = %scan3A_429#30, %scan3A_527 = %scan3A_429#31) -> (vector<16xf32>, vector<16xf32>, vector<16xf32>, vector<16xf32>, vector<16xf32>, vector<16xf32>, vector<16xf32>, vector<16xf32>, vector<16xf32>, vector<16xf32>, vector<16xf32>, vector<16xf32>, vector<16xf32>, vector<16xf32>, vector<16xf32>, vector<16xf32>, vector<16xf32>, vector<16xf32>, vector<16xf32>, vector<16xf32>, vector<16xf32>, vector<16xf32>, vector<16xf32>, vector<16xf32>, vector<16xf32>, vector<16xf32>, vector<16xf32>, vector<16xf32>, vector<16xf32>, vector<16xf32>, vector<16xf32>, vector<16xf32>)  : i32 {
        %mul3A_528 = arith.constant 16 : i32
        %mul3A_529 = arith.muli %scan3A_495, %mul3A_528 : i32
        %get3A = arith.constant 1 : i32
        %get3A_530 = arith.constant 0 : i32
        %get3A_531 = arith.constant 0 : i32
        %get3A_532 = arith.index_cast %get3A : i32 to index
        %get3A_533 = arith.index_cast %get3A_530 : i32 to index
        %get3A_534 = arith.index_cast %get3A_531 : i32 to index
        %get3A_535 = arith.index_cast %mul3A_529 : i32 to index
        %get3A_536 = tpu.vector_load %arg5[%get3A_532, %get3A_533, %get3A_534, %get3A_535] {strides = array<i32>} : memref<2x4x4x1024xf32, #tpu.memory_space<vmem>>, vector<1x1x1x16xf32>,
        %get3A_537 = vector.shape_cast %get3A_536 : vector<1x1x1x16xf32> to vector<16xf32>
        %get3A_538 = arith.constant 1 : i32
        %get3A_539 = arith.constant 1 : i32
        %get3A_540 = arith.constant 0 : i32
        %get3A_541 = arith.index_cast %get3A_538 : i32 to index
        %get3A_542 = arith.index_cast %get3A_539 : i32 to index
        %get3A_543 = arith.index_cast %get3A_540 : i32 to index
        %get3A_544 = arith.index_cast %mul3A_529 : i32 to index
        %get3A_545 = tpu.vector_load %arg5[%get3A_541, %get3A_542, %get3A_543, %get3A_544] {strides = array<i32>} : memref<2x4x4x1024xf32, #tpu.memory_space<vmem>>, vector<1x1x1x16xf32>,
        %get3A_546 = vector.shape_cast %get3A_545 : vector<1x1x1x16xf32> to vector<16xf32>
        %get3A_547 = arith.constant 1 : i32
        %get3A_548 = arith.constant 2 : i32
        %get3A_549 = arith.constant 0 : i32
        %get3A_550 = arith.index_cast %get3A_547 : i32 to index
        %get3A_551 = arith.index_cast %get3A_548 : i32 to index
        %get3A_552 = arith.index_cast %get3A_549 : i32 to index
        %get3A_553 = arith.index_cast %mul3A_529 : i32 to index
        %get3A_554 = tpu.vector_load %arg5[%get3A_550, %get3A_551, %get3A_552, %get3A_553] {strides = array<i32>} : memref<2x4x4x1024xf32, #tpu.memory_space<vmem>>, vector<1x1x1x16xf32>,
        %get3A_555 = vector.shape_cast %get3A_554 : vector<1x1x1x16xf32> to vector<16xf32>
        %get3A_556 = arith.constant 1 : i32
        %get3A_557 = arith.constant 3 : i32
        %get3A_558 = arith.constant 0 : i32
        %get3A_559 = arith.index_cast %get3A_556 : i32 to index
        %get3A_560 = arith.index_cast %get3A_557 : i32 to index
        %get3A_561 = arith.index_cast %get3A_558 : i32 to index
        %get3A_562 = arith.index_cast %mul3A_529 : i32 to index
        %get3A_563 = tpu.vector_load %arg5[%get3A_559, %get3A_560, %get3A_561, %get3A_562] {strides = array<i32>} : memref<2x4x4x1024xf32, #tpu.memory_space<vmem>>, vector<1x1x1x16xf32>,
        %get3A_564 = vector.shape_cast %get3A_563 : vector<1x1x1x16xf32> to vector<16xf32>
        %add3A_565 = arith.constant 0 : i32
        %add3A_566 = arith.addi %add3A_565, %mul3A_529 : i32
        %get3A_567 = arith.constant 1 : i32
        %get3A_568 = arith.constant 0 : i32
        %get3A_569 = arith.index_cast %get3A_567 : i32 to index
        %get3A_570 = arith.index_cast %get3A_568 : i32 to index
        %get3A_571 = arith.index_cast %add3A_566 : i32 to index
        %get3A_572 = tpu.vector_load %arg6[%get3A_569, %get3A_570, %get3A_571] {strides = array<i32>} : memref<2x8x4096xf32, #tpu.memory_space<vmem>>, vector<1x1x16xf32>,
        %get3A_573 = vector.shape_cast %get3A_572 : vector<1x1x16xf32> to vector<16xf32>
        %mul3A_574 = arith.mulf %get3A_573, %get3A_537 : vector<16xf32>
        %add3A_575 = arith.addf %scan3A_496, %mul3A_574 : vector<16xf32>
        %add3A_576 = arith.constant 0 : i32
        %add3A_577 = arith.addi %add3A_576, %mul3A_529 : i32
        %get3A_578 = arith.constant 1 : i32
        %get3A_579 = arith.constant 1 : i32
        %get3A_580 = arith.index_cast %get3A_578 : i32 to index
        %get3A_581 = arith.index_cast %get3A_579 : i32 to index
        %get3A_582 = arith.index_cast %add3A_577 : i32 to index
        %get3A_583 = tpu.vector_load %arg6[%get3A_580, %get3A_581, %get3A_582] {strides = array<i32>} : memref<2x8x4096xf32, #tpu.memory_space<vmem>>, vector<1x1x16xf32>,
        %get3A_584 = vector.shape_cast %get3A_583 : vector<1x1x16xf32> to vector<16xf32>
        %mul3A_585 = arith.mulf %get3A_584, %get3A_537 : vector<16xf32>
        %add3A_586 = arith.addf %scan3A_497, %mul3A_585 : vector<16xf32>
        %add3A_587 = arith.constant 0 : i32
        %add3A_588 = arith.addi %add3A_587, %mul3A_529 : i32
        %get3A_589 = arith.constant 1 : i32
        %get3A_590 = arith.constant 2 : i32
        %get3A_591 = arith.index_cast %get3A_589 : i32 to index
        %get3A_592 = arith.index_cast %get3A_590 : i32 to index
        %get3A_593 = arith.index_cast %add3A_588 : i32 to index
        %get3A_594 = tpu.vector_load %arg6[%get3A_591, %get3A_592, %get3A_593] {strides = array<i32>} : memref<2x8x4096xf32, #tpu.memory_space<vmem>>, vector<1x1x16xf32>,
        %get3A_595 = vector.shape_cast %get3A_594 : vector<1x1x16xf32> to vector<16xf32>
        %mul3A_596 = arith.mulf %get3A_595, %get3A_537 : vector<16xf32>
        %add3A_597 = arith.addf %scan3A_498, %mul3A_596 : vector<16xf32>
        %add3A_598 = arith.constant 0 : i32
        %add3A_599 = arith.addi %add3A_598, %mul3A_529 : i32
        %get3A_600 = arith.constant 1 : i32
        %get3A_601 = arith.constant 3 : i32
        %get3A_602 = arith.index_cast %get3A_600 : i32 to index
        %get3A_603 = arith.index_cast %get3A_601 : i32 to index
        %get3A_604 = arith.index_cast %add3A_599 : i32 to index
        %get3A_605 = tpu.vector_load %arg6[%get3A_602, %get3A_603, %get3A_604] {strides = array<i32>} : memref<2x8x4096xf32, #tpu.memory_space<vmem>>, vector<1x1x16xf32>,
        %get3A_606 = vector.shape_cast %get3A_605 : vector<1x1x16xf32> to vector<16xf32>
        %mul3A_607 = arith.mulf %get3A_606, %get3A_537 : vector<16xf32>
        %add3A_608 = arith.addf %scan3A_499, %mul3A_607 : vector<16xf32>
        %add3A_609 = arith.constant 0 : i32
        %add3A_610 = arith.addi %add3A_609, %mul3A_529 : i32
        %get3A_611 = arith.constant 1 : i32
        %get3A_612 = arith.constant 4 : i32
        %get3A_613 = arith.index_cast %get3A_611 : i32 to index
        %get3A_614 = arith.index_cast %get3A_612 : i32 to index
        %get3A_615 = arith.index_cast %add3A_610 : i32 to index
        %get3A_616 = tpu.vector_load %arg6[%get3A_613, %get3A_614, %get3A_615] {strides = array<i32>} : memref<2x8x4096xf32, #tpu.memory_space<vmem>>, vector<1x1x16xf32>,
        %get3A_617 = vector.shape_cast %get3A_616 : vector<1x1x16xf32> to vector<16xf32>
        %mul3A_618 = arith.mulf %get3A_617, %get3A_537 : vector<16xf32>
        %add3A_619 = arith.addf %scan3A_500, %mul3A_618 : vector<16xf32>
        %add3A_620 = arith.constant 0 : i32
        %add3A_621 = arith.addi %add3A_620, %mul3A_529 : i32
        %get3A_622 = arith.constant 1 : i32
        %get3A_623 = arith.constant 5 : i32
        %get3A_624 = arith.index_cast %get3A_622 : i32 to index
        %get3A_625 = arith.index_cast %get3A_623 : i32 to index
        %get3A_626 = arith.index_cast %add3A_621 : i32 to index
        %get3A_627 = tpu.vector_load %arg6[%get3A_624, %get3A_625, %get3A_626] {strides = array<i32>} : memref<2x8x4096xf32, #tpu.memory_space<vmem>>, vector<1x1x16xf32>,
        %get3A_628 = vector.shape_cast %get3A_627 : vector<1x1x16xf32> to vector<16xf32>
        %mul3A_629 = arith.mulf %get3A_628, %get3A_537 : vector<16xf32>
        %add3A_630 = arith.addf %scan3A_501, %mul3A_629 : vector<16xf32>
        %add3A_631 = arith.constant 0 : i32
        %add3A_632 = arith.addi %add3A_631, %mul3A_529 : i32
        %get3A_633 = arith.constant 1 : i32
        %get3A_634 = arith.constant 6 : i32
        %get3A_635 = arith.index_cast %get3A_633 : i32 to index
        %get3A_636 = arith.index_cast %get3A_634 : i32 to index
        %get3A_637 = arith.index_cast %add3A_632 : i32 to index
        %get3A_638 = tpu.vector_load %arg6[%get3A_635, %get3A_636, %get3A_637] {strides = array<i32>} : memref<2x8x4096xf32, #tpu.memory_space<vmem>>, vector<1x1x16xf32>,
        %get3A_639 = vector.shape_cast %get3A_638 : vector<1x1x16xf32> to vector<16xf32>
        %mul3A_640 = arith.mulf %get3A_639, %get3A_537 : vector<16xf32>
        %add3A_641 = arith.addf %scan3A_502, %mul3A_640 : vector<16xf32>
        %add3A_642 = arith.constant 0 : i32
        %add3A_643 = arith.addi %add3A_642, %mul3A_529 : i32
        %get3A_644 = arith.constant 1 : i32
        %get3A_645 = arith.constant 7 : i32
        %get3A_646 = arith.index_cast %get3A_644 : i32 to index
        %get3A_647 = arith.index_cast %get3A_645 : i32 to index
        %get3A_648 = arith.index_cast %add3A_643 : i32 to index
        %get3A_649 = tpu.vector_load %arg6[%get3A_646, %get3A_647, %get3A_648] {strides = array<i32>} : memref<2x8x4096xf32, #tpu.memory_space<vmem>>, vector<1x1x16xf32>,
        %get3A_650 = vector.shape_cast %get3A_649 : vector<1x1x16xf32> to vector<16xf32>
        %mul3A_651 = arith.mulf %get3A_650, %get3A_537 : vector<16xf32>
        %add3A_652 = arith.addf %scan3A_503, %mul3A_651 : vector<16xf32>
        %add3A_653 = arith.constant 0 : i32
        %add3A_654 = arith.addi %add3A_653, %mul3A_529 : i32
        %get3A_655 = arith.constant 1 : i32
        %get3A_656 = arith.constant 0 : i32
        %get3A_657 = arith.index_cast %get3A_655 : i32 to index
        %get3A_658 = arith.index_cast %get3A_656 : i32 to index
        %get3A_659 = arith.index_cast %add3A_654 : i32 to index
        %get3A_660 = tpu.vector_load %arg6[%get3A_657, %get3A_658, %get3A_659] {strides = array<i32>} : memref<2x8x4096xf32, #tpu.memory_space<vmem>>, vector<1x1x16xf32>,
        %get3A_661 = vector.shape_cast %get3A_660 : vector<1x1x16xf32> to vector<16xf32>
        %mul3A_662 = arith.mulf %get3A_661, %get3A_546 : vector<16xf32>
        %add3A_663 = arith.addf %scan3A_504, %mul3A_662 : vector<16xf32>
        %add3A_664 = arith.constant 0 : i32
        %add3A_665 = arith.addi %add3A_664, %mul3A_529 : i32
        %get3A_666 = arith.constant 1 : i32
        %get3A_667 = arith.constant 1 : i32
        %get3A_668 = arith.index_cast %get3A_666 : i32 to index
        %get3A_669 = arith.index_cast %get3A_667 : i32 to index
        %get3A_670 = arith.index_cast %add3A_665 : i32 to index
        %get3A_671 = tpu.vector_load %arg6[%get3A_668, %get3A_669, %get3A_670] {strides = array<i32>} : memref<2x8x4096xf32, #tpu.memory_space<vmem>>, vector<1x1x16xf32>,
        %get3A_672 = vector.shape_cast %get3A_671 : vector<1x1x16xf32> to vector<16xf32>
        %mul3A_673 = arith.mulf %get3A_672, %get3A_546 : vector<16xf32>
        %add3A_674 = arith.addf %scan3A_505, %mul3A_673 : vector<16xf32>
        %add3A_675 = arith.constant 0 : i32
        %add3A_676 = arith.addi %add3A_675, %mul3A_529 : i32
        %get3A_677 = arith.constant 1 : i32
        %get3A_678 = arith.constant 2 : i32
        %get3A_679 = arith.index_cast %get3A_677 : i32 to index
        %get3A_680 = arith.index_cast %get3A_678 : i32 to index
        %get3A_681 = arith.index_cast %add3A_676 : i32 to index
        %get3A_682 = tpu.vector_load %arg6[%get3A_679, %get3A_680, %get3A_681] {strides = array<i32>} : memref<2x8x4096xf32, #tpu.memory_space<vmem>>, vector<1x1x16xf32>,
        %get3A_683 = vector.shape_cast %get3A_682 : vector<1x1x16xf32> to vector<16xf32>
        %mul3A_684 = arith.mulf %get3A_683, %get3A_546 : vector<16xf32>
        %add3A_685 = arith.addf %scan3A_506, %mul3A_684 : vector<16xf32>
        %add3A_686 = arith.constant 0 : i32
        %add3A_687 = arith.addi %add3A_686, %mul3A_529 : i32
        %get3A_688 = arith.constant 1 : i32
        %get3A_689 = arith.constant 3 : i32
        %get3A_690 = arith.index_cast %get3A_688 : i32 to index
        %get3A_691 = arith.index_cast %get3A_689 : i32 to index
        %get3A_692 = arith.index_cast %add3A_687 : i32 to index
        %get3A_693 = tpu.vector_load %arg6[%get3A_690, %get3A_691, %get3A_692] {strides = array<i32>} : memref<2x8x4096xf32, #tpu.memory_space<vmem>>, vector<1x1x16xf32>,
        %get3A_694 = vector.shape_cast %get3A_693 : vector<1x1x16xf32> to vector<16xf32>
        %mul3A_695 = arith.mulf %get3A_694, %get3A_546 : vector<16xf32>
        %add3A_696 = arith.addf %scan3A_507, %mul3A_695 : vector<16xf32>
        %add3A_697 = arith.constant 0 : i32
        %add3A_698 = arith.addi %add3A_697, %mul3A_529 : i32
        %get3A_699 = arith.constant 1 : i32
        %get3A_700 = arith.constant 4 : i32
        %get3A_701 = arith.index_cast %get3A_699 : i32 to index
        %get3A_702 = arith.index_cast %get3A_700 : i32 to index
        %get3A_703 = arith.index_cast %add3A_698 : i32 to index
        %get3A_704 = tpu.vector_load %arg6[%get3A_701, %get3A_702, %get3A_703] {strides = array<i32>} : memref<2x8x4096xf32, #tpu.memory_space<vmem>>, vector<1x1x16xf32>,
        %get3A_705 = vector.shape_cast %get3A_704 : vector<1x1x16xf32> to vector<16xf32>
        %mul3A_706 = arith.mulf %get3A_705, %get3A_546 : vector<16xf32>
        %add3A_707 = arith.addf %scan3A_508, %mul3A_706 : vector<16xf32>
        %add3A_708 = arith.constant 0 : i32
        %add3A_709 = arith.addi %add3A_708, %mul3A_529 : i32
        %get3A_710 = arith.constant 1 : i32
        %get3A_711 = arith.constant 5 : i32
        %get3A_712 = arith.index_cast %get3A_710 : i32 to index
        %get3A_713 = arith.index_cast %get3A_711 : i32 to index
        %get3A_714 = arith.index_cast %add3A_709 : i32 to index
        %get3A_715 = tpu.vector_load %arg6[%get3A_712, %get3A_713, %get3A_714] {strides = array<i32>} : memref<2x8x4096xf32, #tpu.memory_space<vmem>>, vector<1x1x16xf32>,
        %get3A_716 = vector.shape_cast %get3A_715 : vector<1x1x16xf32> to vector<16xf32>
        %mul3A_717 = arith.mulf %get3A_716, %get3A_546 : vector<16xf32>
        %add3A_718 = arith.addf %scan3A_509, %mul3A_717 : vector<16xf32>
        %add3A_719 = arith.constant 0 : i32
        %add3A_720 = arith.addi %add3A_719, %mul3A_529 : i32
        %get3A_721 = arith.constant 1 : i32
        %get3A_722 = arith.constant 6 : i32
        %get3A_723 = arith.index_cast %get3A_721 : i32 to index
        %get3A_724 = arith.index_cast %get3A_722 : i32 to index
        %get3A_725 = arith.index_cast %add3A_720 : i32 to index
        %get3A_726 = tpu.vector_load %arg6[%get3A_723, %get3A_724, %get3A_725] {strides = array<i32>} : memref<2x8x4096xf32, #tpu.memory_space<vmem>>, vector<1x1x16xf32>,
        %get3A_727 = vector.shape_cast %get3A_726 : vector<1x1x16xf32> to vector<16xf32>
        %mul3A_728 = arith.mulf %get3A_727, %get3A_546 : vector<16xf32>
        %add3A_729 = arith.addf %scan3A_510, %mul3A_728 : vector<16xf32>
        %add3A_730 = arith.constant 0 : i32
        %add3A_731 = arith.addi %add3A_730, %mul3A_529 : i32
        %get3A_732 = arith.constant 1 : i32
        %get3A_733 = arith.constant 7 : i32
        %get3A_734 = arith.index_cast %get3A_732 : i32 to index
        %get3A_735 = arith.index_cast %get3A_733 : i32 to index
        %get3A_736 = arith.index_cast %add3A_731 : i32 to index
        %get3A_737 = tpu.vector_load %arg6[%get3A_734, %get3A_735, %get3A_736] {strides = array<i32>} : memref<2x8x4096xf32, #tpu.memory_space<vmem>>, vector<1x1x16xf32>,
        %get3A_738 = vector.shape_cast %get3A_737 : vector<1x1x16xf32> to vector<16xf32>
        %mul3A_739 = arith.mulf %get3A_738, %get3A_546 : vector<16xf32>
        %add3A_740 = arith.addf %scan3A_511, %mul3A_739 : vector<16xf32>
        %add3A_741 = arith.constant 0 : i32
        %add3A_742 = arith.addi %add3A_741, %mul3A_529 : i32
        %get3A_743 = arith.constant 1 : i32
        %get3A_744 = arith.constant 0 : i32
        %get3A_745 = arith.index_cast %get3A_743 : i32 to index
        %get3A_746 = arith.index_cast %get3A_744 : i32 to index
        %get3A_747 = arith.index_cast %add3A_742 : i32 to index
        %get3A_748 = tpu.vector_load %arg6[%get3A_745, %get3A_746, %get3A_747] {strides = array<i32>} : memref<2x8x4096xf32, #tpu.memory_space<vmem>>, vector<1x1x16xf32>,
        %get3A_749 = vector.shape_cast %get3A_748 : vector<1x1x16xf32> to vector<16xf32>
        %mul3A_750 = arith.mulf %get3A_749, %get3A_555 : vector<16xf32>
        %add3A_751 = arith.addf %scan3A_512, %mul3A_750 : vector<16xf32>
        %add3A_752 = arith.constant 0 : i32
        %add3A_753 = arith.addi %add3A_752, %mul3A_529 : i32
        %get3A_754 = arith.constant 1 : i32
        %get3A_755 = arith.constant 1 : i32
        %get3A_756 = arith.index_cast %get3A_754 : i32 to index
        %get3A_757 = arith.index_cast %get3A_755 : i32 to index
        %get3A_758 = arith.index_cast %add3A_753 : i32 to index
        %get3A_759 = tpu.vector_load %arg6[%get3A_756, %get3A_757, %get3A_758] {strides = array<i32>} : memref<2x8x4096xf32, #tpu.memory_space<vmem>>, vector<1x1x16xf32>,
        %get3A_760 = vector.shape_cast %get3A_759 : vector<1x1x16xf32> to vector<16xf32>
        %mul3A_761 = arith.mulf %get3A_760, %get3A_555 : vector<16xf32>
        %add3A_762 = arith.addf %scan3A_513, %mul3A_761 : vector<16xf32>
        %add3A_763 = arith.constant 0 : i32
        %add3A_764 = arith.addi %add3A_763, %mul3A_529 : i32
        %get3A_765 = arith.constant 1 : i32
        %get3A_766 = arith.constant 2 : i32
        %get3A_767 = arith.index_cast %get3A_765 : i32 to index
        %get3A_768 = arith.index_cast %get3A_766 : i32 to index
        %get3A_769 = arith.index_cast %add3A_764 : i32 to index
        %get3A_770 = tpu.vector_load %arg6[%get3A_767, %get3A_768, %get3A_769] {strides = array<i32>} : memref<2x8x4096xf32, #tpu.memory_space<vmem>>, vector<1x1x16xf32>,
        %get3A_771 = vector.shape_cast %get3A_770 : vector<1x1x16xf32> to vector<16xf32>
        %mul3A_772 = arith.mulf %get3A_771, %get3A_555 : vector<16xf32>
        %add3A_773 = arith.addf %scan3A_514, %mul3A_772 : vector<16xf32>
        %add3A_774 = arith.constant 0 : i32
        %add3A_775 = arith.addi %add3A_774, %mul3A_529 : i32
        %get3A_776 = arith.constant 1 : i32
        %get3A_777 = arith.constant 3 : i32
        %get3A_778 = arith.index_cast %get3A_776 : i32 to index
        %get3A_779 = arith.index_cast %get3A_777 : i32 to index
        %get3A_780 = arith.index_cast %add3A_775 : i32 to index
        %get3A_781 = tpu.vector_load %arg6[%get3A_778, %get3A_779, %get3A_780] {strides = array<i32>} : memref<2x8x4096xf32, #tpu.memory_space<vmem>>, vector<1x1x16xf32>,
        %get3A_782 = vector.shape_cast %get3A_781 : vector<1x1x16xf32> to vector<16xf32>
        %mul3A_783 = arith.mulf %get3A_782, %get3A_555 : vector<16xf32>
        %add3A_784 = arith.addf %scan3A_515, %mul3A_783 : vector<16xf32>
        %add3A_785 = arith.constant 0 : i32
        %add3A_786 = arith.addi %add3A_785, %mul3A_529 : i32
        %get3A_787 = arith.constant 1 : i32
        %get3A_788 = arith.constant 4 : i32
        %get3A_789 = arith.index_cast %get3A_787 : i32 to index
        %get3A_790 = arith.index_cast %get3A_788 : i32 to index
        %get3A_791 = arith.index_cast %add3A_786 : i32 to index
        %get3A_792 = tpu.vector_load %arg6[%get3A_789, %get3A_790, %get3A_791] {strides = array<i32>} : memref<2x8x4096xf32, #tpu.memory_space<vmem>>, vector<1x1x16xf32>,
        %get3A_793 = vector.shape_cast %get3A_792 : vector<1x1x16xf32> to vector<16xf32>
        %mul3A_794 = arith.mulf %get3A_793, %get3A_555 : vector<16xf32>
        %add3A_795 = arith.addf %scan3A_516, %mul3A_794 : vector<16xf32>
        %add3A_796 = arith.constant 0 : i32
        %add3A_797 = arith.addi %add3A_796, %mul3A_529 : i32
        %get3A_798 = arith.constant 1 : i32
        %get3A_799 = arith.constant 5 : i32
        %get3A_800 = arith.index_cast %get3A_798 : i32 to index
        %get3A_801 = arith.index_cast %get3A_799 : i32 to index
        %get3A_802 = arith.index_cast %add3A_797 : i32 to index
        %get3A_803 = tpu.vector_load %arg6[%get3A_800, %get3A_801, %get3A_802] {strides = array<i32>} : memref<2x8x4096xf32, #tpu.memory_space<vmem>>, vector<1x1x16xf32>,
        %get3A_804 = vector.shape_cast %get3A_803 : vector<1x1x16xf32> to vector<16xf32>
        %mul3A_805 = arith.mulf %get3A_804, %get3A_555 : vector<16xf32>
        %add3A_806 = arith.addf %scan3A_517, %mul3A_805 : vector<16xf32>
        %add3A_807 = arith.constant 0 : i32
        %add3A_808 = arith.addi %add3A_807, %mul3A_529 : i32
        %get3A_809 = arith.constant 1 : i32
        %get3A_810 = arith.constant 6 : i32
        %get3A_811 = arith.index_cast %get3A_809 : i32 to index
        %get3A_812 = arith.index_cast %get3A_810 : i32 to index
        %get3A_813 = arith.index_cast %add3A_808 : i32 to index
        %get3A_814 = tpu.vector_load %arg6[%get3A_811, %get3A_812, %get3A_813] {strides = array<i32>} : memref<2x8x4096xf32, #tpu.memory_space<vmem>>, vector<1x1x16xf32>,
        %get3A_815 = vector.shape_cast %get3A_814 : vector<1x1x16xf32> to vector<16xf32>
        %mul3A_816 = arith.mulf %get3A_815, %get3A_555 : vector<16xf32>
        %add3A_817 = arith.addf %scan3A_518, %mul3A_816 : vector<16xf32>
        %add3A_818 = arith.constant 0 : i32
        %add3A_819 = arith.addi %add3A_818, %mul3A_529 : i32
        %get3A_820 = arith.constant 1 : i32
        %get3A_821 = arith.constant 7 : i32
        %get3A_822 = arith.index_cast %get3A_820 : i32 to index
        %get3A_823 = arith.index_cast %get3A_821 : i32 to index
        %get3A_824 = arith.index_cast %add3A_819 : i32 to index
        %get3A_825 = tpu.vector_load %arg6[%get3A_822, %get3A_823, %get3A_824] {strides = array<i32>} : memref<2x8x4096xf32, #tpu.memory_space<vmem>>, vector<1x1x16xf32>,
        %get3A_826 = vector.shape_cast %get3A_825 : vector<1x1x16xf32> to vector<16xf32>
        %mul3A_827 = arith.mulf %get3A_826, %get3A_555 : vector<16xf32>
        %add3A_828 = arith.addf %scan3A_519, %mul3A_827 : vector<16xf32>
        %add3A_829 = arith.constant 0 : i32
        %add3A_830 = arith.addi %add3A_829, %mul3A_529 : i32
        %get3A_831 = arith.constant 1 : i32
        %get3A_832 = arith.constant 0 : i32
        %get3A_833 = arith.index_cast %get3A_831 : i32 to index
        %get3A_834 = arith.index_cast %get3A_832 : i32 to index
        %get3A_835 = arith.index_cast %add3A_830 : i32 to index
        %get3A_836 = tpu.vector_load %arg6[%get3A_833, %get3A_834, %get3A_835] {strides = array<i32>} : memref<2x8x4096xf32, #tpu.memory_space<vmem>>, vector<1x1x16xf32>,
        %get3A_837 = vector.shape_cast %get3A_836 : vector<1x1x16xf32> to vector<16xf32>
        %mul3A_838 = arith.mulf %get3A_837, %get3A_564 : vector<16xf32>
        %add3A_839 = arith.addf %scan3A_520, %mul3A_838 : vector<16xf32>
        %add3A_840 = arith.constant 0 : i32
        %add3A_841 = arith.addi %add3A_840, %mul3A_529 : i32
        %get3A_842 = arith.constant 1 : i32
        %get3A_843 = arith.constant 1 : i32
        %get3A_844 = arith.index_cast %get3A_842 : i32 to index
        %get3A_845 = arith.index_cast %get3A_843 : i32 to index
        %get3A_846 = arith.index_cast %add3A_841 : i32 to index
        %get3A_847 = tpu.vector_load %arg6[%get3A_844, %get3A_845, %get3A_846] {strides = array<i32>} : memref<2x8x4096xf32, #tpu.memory_space<vmem>>, vector<1x1x16xf32>,
        %get3A_848 = vector.shape_cast %get3A_847 : vector<1x1x16xf32> to vector<16xf32>
        %mul3A_849 = arith.mulf %get3A_848, %get3A_564 : vector<16xf32>
        %add3A_850 = arith.addf %scan3A_521, %mul3A_849 : vector<16xf32>
        %add3A_851 = arith.constant 0 : i32
        %add3A_852 = arith.addi %add3A_851, %mul3A_529 : i32
        %get3A_853 = arith.constant 1 : i32
        %get3A_854 = arith.constant 2 : i32
        %get3A_855 = arith.index_cast %get3A_853 : i32 to index
        %get3A_856 = arith.index_cast %get3A_854 : i32 to index
        %get3A_857 = arith.index_cast %add3A_852 : i32 to index
        %get3A_858 = tpu.vector_load %arg6[%get3A_855, %get3A_856, %get3A_857] {strides = array<i32>} : memref<2x8x4096xf32, #tpu.memory_space<vmem>>, vector<1x1x16xf32>,
        %get3A_859 = vector.shape_cast %get3A_858 : vector<1x1x16xf32> to vector<16xf32>
        %mul3A_860 = arith.mulf %get3A_859, %get3A_564 : vector<16xf32>
        %add3A_861 = arith.addf %scan3A_522, %mul3A_860 : vector<16xf32>
        %add3A_862 = arith.constant 0 : i32
        %add3A_863 = arith.addi %add3A_862, %mul3A_529 : i32
        %get3A_864 = arith.constant 1 : i32
        %get3A_865 = arith.constant 3 : i32
        %get3A_866 = arith.index_cast %get3A_864 : i32 to index
        %get3A_867 = arith.index_cast %get3A_865 : i32 to index
        %get3A_868 = arith.index_cast %add3A_863 : i32 to index
        %get3A_869 = tpu.vector_load %arg6[%get3A_866, %get3A_867, %get3A_868] {strides = array<i32>} : memref<2x8x4096xf32, #tpu.memory_space<vmem>>, vector<1x1x16xf32>,
        %get3A_870 = vector.shape_cast %get3A_869 : vector<1x1x16xf32> to vector<16xf32>
        %mul3A_871 = arith.mulf %get3A_870, %get3A_564 : vector<16xf32>
        %add3A_872 = arith.addf %scan3A_523, %mul3A_871 : vector<16xf32>
        %add3A_873 = arith.constant 0 : i32
        %add3A_874 = arith.addi %add3A_873, %mul3A_529 : i32
        %get3A_875 = arith.constant 1 : i32
        %get3A_876 = arith.constant 4 : i32
        %get3A_877 = arith.index_cast %get3A_875 : i32 to index
        %get3A_878 = arith.index_cast %get3A_876 : i32 to index
        %get3A_879 = arith.index_cast %add3A_874 : i32 to index
        %get3A_880 = tpu.vector_load %arg6[%get3A_877, %get3A_878, %get3A_879] {strides = array<i32>} : memref<2x8x4096xf32, #tpu.memory_space<vmem>>, vector<1x1x16xf32>,
        %get3A_881 = vector.shape_cast %get3A_880 : vector<1x1x16xf32> to vector<16xf32>
        %mul3A_882 = arith.mulf %get3A_881, %get3A_564 : vector<16xf32>
        %add3A_883 = arith.addf %scan3A_524, %mul3A_882 : vector<16xf32>
        %add3A_884 = arith.constant 0 : i32
        %add3A_885 = arith.addi %add3A_884, %mul3A_529 : i32
        %get3A_886 = arith.constant 1 : i32
        %get3A_887 = arith.constant 5 : i32
        %get3A_888 = arith.index_cast %get3A_886 : i32 to index
        %get3A_889 = arith.index_cast %get3A_887 : i32 to index
        %get3A_890 = arith.index_cast %add3A_885 : i32 to index
        %get3A_891 = tpu.vector_load %arg6[%get3A_888, %get3A_889, %get3A_890] {strides = array<i32>} : memref<2x8x4096xf32, #tpu.memory_space<vmem>>, vector<1x1x16xf32>,
        %get3A_892 = vector.shape_cast %get3A_891 : vector<1x1x16xf32> to vector<16xf32>
        %mul3A_893 = arith.mulf %get3A_892, %get3A_564 : vector<16xf32>
        %add3A_894 = arith.addf %scan3A_525, %mul3A_893 : vector<16xf32>
        %add3A_895 = arith.constant 0 : i32
        %add3A_896 = arith.addi %add3A_895, %mul3A_529 : i32
        %get3A_897 = arith.constant 1 : i32
        %get3A_898 = arith.constant 6 : i32
        %get3A_899 = arith.index_cast %get3A_897 : i32 to index
        %get3A_900 = arith.index_cast %get3A_898 : i32 to index
        %get3A_901 = arith.index_cast %add3A_896 : i32 to index
        %get3A_902 = tpu.vector_load %arg6[%get3A_899, %get3A_900, %get3A_901] {strides = array<i32>} : memref<2x8x4096xf32, #tpu.memory_space<vmem>>, vector<1x1x16xf32>,
        %get3A_903 = vector.shape_cast %get3A_902 : vector<1x1x16xf32> to vector<16xf32>
        %mul3A_904 = arith.mulf %get3A_903, %get3A_564 : vector<16xf32>
        %add3A_905 = arith.addf %scan3A_526, %mul3A_904 : vector<16xf32>
        %add3A_906 = arith.constant 0 : i32
        %add3A_907 = arith.addi %add3A_906, %mul3A_529 : i32
        %get3A_908 = arith.constant 1 : i32
        %get3A_909 = arith.constant 7 : i32
        %get3A_910 = arith.index_cast %get3A_908 : i32 to index
        %get3A_911 = arith.index_cast %get3A_909 : i32 to index
        %get3A_912 = arith.index_cast %add3A_907 : i32 to index
        %get3A_913 = tpu.vector_load %arg6[%get3A_910, %get3A_911, %get3A_912] {strides = array<i32>} : memref<2x8x4096xf32, #tpu.memory_space<vmem>>, vector<1x1x16xf32>,
        %get3A_914 = vector.shape_cast %get3A_913 : vector<1x1x16xf32> to vector<16xf32>
        %mul3A_915 = arith.mulf %get3A_914, %get3A_564 : vector<16xf32>
        %add3A_916 = arith.addf %scan3A_527, %mul3A_915 : vector<16xf32>
        scf.yield %add3A_575, %add3A_586, %add3A_597, %add3A_608, %add3A_619, %add3A_630, %add3A_641, %add3A_652, %add3A_663, %add3A_674, %add3A_685, %add3A_696, %add3A_707, %add3A_718, %add3A_729, %add3A_740, %add3A_751, %add3A_762, %add3A_773, %add3A_784, %add3A_795, %add3A_806, %add3A_817, %add3A_828, %add3A_839, %add3A_850, %add3A_861, %add3A_872, %add3A_883, %add3A_894, %add3A_905, %add3A_916 : vector<16xf32>, vector<16xf32>, vector<16xf32>, vector<16xf32>, vector<16xf32>, vector<16xf32>, vector<16xf32>, vector<16xf32>, vector<16xf32>, vector<16xf32>, vector<16xf32>, vector<16xf32>, vector<16xf32>, vector<16xf32>, vector<16xf32>, vector<16xf32>, vector<16xf32>, vector<16xf32>, vector<16xf32>, vector<16xf32>, vector<16xf32>, vector<16xf32>, vector<16xf32>, vector<16xf32>, vector<16xf32>, vector<16xf32>, vector<16xf32>, vector<16xf32>, vector<16xf32>, vector<16xf32>, vector<16xf32>, vector<16xf32>
      }
      %scan3A_476 = arith.constant 64 : i32
      %scan3A_477 = arith.constant 0 : i32
      %scan3A_478 = arith.constant 64 : i32
      %scan3A_479 = arith.addi %scan3A_477, %scan3A_478 : i32
      %scan3A_480 = arith.constant 1 : i32
      %scan3A_481:32 = scf.for %scan3A_495 = %scan3A_477 to %scan3A_479 step %scan3A_480 iter_args(%scan3A_496 = %scan3A_475#0, %scan3A_497 = %scan3A_475#1, %scan3A_498 = %scan3A_475#2, %scan3A_499 = %scan3A_475#3, %scan3A_500 = %scan3A_475#4, %scan3A_501 = %scan3A_475#5, %scan3A_502 = %scan3A_475#6, %scan3A_503 = %scan3A_475#7, %scan3A_504 = %scan3A_475#8, %scan3A_505 = %scan3A_475#9, %scan3A_506 = %scan3A_475#10, %scan3A_507 = %scan3A_475#11, %scan3A_508 = %scan3A_475#12, %scan3A_509 = %scan3A_475#13, %scan3A_510 = %scan3A_475#14, %scan3A_511 = %scan3A_475#15, %scan3A_512 = %scan3A_475#16, %scan3A_513 = %scan3A_475#17, %scan3A_514 = %scan3A_475#18, %scan3A_515 = %scan3A_475#19, %scan3A_516 = %scan3A_475#20, %scan3A_517 = %scan3A_475#21, %scan3A_518 = %scan3A_475#22, %scan3A_519 = %scan3A_475#23, %scan3A_520 = %scan3A_475#24, %scan3A_521 = %scan3A_475#25, %scan3A_522 = %scan3A_475#26, %scan3A_523 = %scan3A_475#27, %scan3A_524 = %scan3A_475#28, %scan3A_525 = %scan3A_475#29, %scan3A_526 = %scan3A_475#30, %scan3A_527 = %scan3A_475#31) -> (vector<16xf32>, vector<16xf32>, vector<16xf32>, vector<16xf32>, vector<16xf32>, vector<16xf32>, vector<16xf32>, vector<16xf32>, vector<16xf32>, vector<16xf32>, vector<16xf32>, vector<16xf32>, vector<16xf32>, vector<16xf32>, vector<16xf32>, vector<16xf32>, vector<16xf32>, vector<16xf32>, vector<16xf32>, vector<16xf32>, vector<16xf32>, vector<16xf32>, vector<16xf32>, vector<16xf32>, vector<16xf32>, vector<16xf32>, vector<16xf32>, vector<16xf32>, vector<16xf32>, vector<16xf32>, vector<16xf32>, vector<16xf32>)  : i32 {
        %mul3A_528 = arith.constant 16 : i32
        %mul3A_529 = arith.muli %scan3A_495, %mul3A_528 : i32
        %get3A = arith.constant 1 : i32
        %get3A_530 = arith.constant 0 : i32
        %get3A_531 = arith.constant 1 : i32
        %get3A_532 = arith.index_cast %get3A : i32 to index
        %get3A_533 = arith.index_cast %get3A_530 : i32 to index
        %get3A_534 = arith.index_cast %get3A_531 : i32 to index
        %get3A_535 = arith.index_cast %mul3A_529 : i32 to index
        %get3A_536 = tpu.vector_load %arg5[%get3A_532, %get3A_533, %get3A_534, %get3A_535] {strides = array<i32>} : memref<2x4x4x1024xf32, #tpu.memory_space<vmem>>, vector<1x1x1x16xf32>,
        %get3A_537 = vector.shape_cast %get3A_536 : vector<1x1x1x16xf32> to vector<16xf32>
        %get3A_538 = arith.constant 1 : i32
        %get3A_539 = arith.constant 1 : i32
        %get3A_540 = arith.constant 1 : i32
        %get3A_541 = arith.index_cast %get3A_538 : i32 to index
        %get3A_542 = arith.index_cast %get3A_539 : i32 to index
        %get3A_543 = arith.index_cast %get3A_540 : i32 to index
        %get3A_544 = arith.index_cast %mul3A_529 : i32 to index
        %get3A_545 = tpu.vector_load %arg5[%get3A_541, %get3A_542, %get3A_543, %get3A_544] {strides = array<i32>} : memref<2x4x4x1024xf32, #tpu.memory_space<vmem>>, vector<1x1x1x16xf32>,
        %get3A_546 = vector.shape_cast %get3A_545 : vector<1x1x1x16xf32> to vector<16xf32>
        %get3A_547 = arith.constant 1 : i32
        %get3A_548 = arith.constant 2 : i32
        %get3A_549 = arith.constant 1 : i32
        %get3A_550 = arith.index_cast %get3A_547 : i32 to index
        %get3A_551 = arith.index_cast %get3A_548 : i32 to index
        %get3A_552 = arith.index_cast %get3A_549 : i32 to index
        %get3A_553 = arith.index_cast %mul3A_529 : i32 to index
        %get3A_554 = tpu.vector_load %arg5[%get3A_550, %get3A_551, %get3A_552, %get3A_553] {strides = array<i32>} : memref<2x4x4x1024xf32, #tpu.memory_space<vmem>>, vector<1x1x1x16xf32>,
        %get3A_555 = vector.shape_cast %get3A_554 : vector<1x1x1x16xf32> to vector<16xf32>
        %get3A_556 = arith.constant 1 : i32
        %get3A_557 = arith.constant 3 : i32
        %get3A_558 = arith.constant 1 : i32
        %get3A_559 = arith.index_cast %get3A_556 : i32 to index
        %get3A_560 = arith.index_cast %get3A_557 : i32 to index
        %get3A_561 = arith.index_cast %get3A_558 : i32 to index
        %get3A_562 = arith.index_cast %mul3A_529 : i32 to index
        %get3A_563 = tpu.vector_load %arg5[%get3A_559, %get3A_560, %get3A_561, %get3A_562] {strides = array<i32>} : memref<2x4x4x1024xf32, #tpu.memory_space<vmem>>, vector<1x1x1x16xf32>,
        %get3A_564 = vector.shape_cast %get3A_563 : vector<1x1x1x16xf32> to vector<16xf32>
        %add3A_565 = arith.constant 1024 : i32
        %add3A_566 = arith.addi %add3A_565, %mul3A_529 : i32
        %get3A_567 = arith.constant 1 : i32
        %get3A_568 = arith.constant 0 : i32
        %get3A_569 = arith.index_cast %get3A_567 : i32 to index
        %get3A_570 = arith.index_cast %get3A_568 : i32 to index
        %get3A_571 = arith.index_cast %add3A_566 : i32 to index
        %get3A_572 = tpu.vector_load %arg6[%get3A_569, %get3A_570, %get3A_571] {strides = array<i32>} : memref<2x8x4096xf32, #tpu.memory_space<vmem>>, vector<1x1x16xf32>,
        %get3A_573 = vector.shape_cast %get3A_572 : vector<1x1x16xf32> to vector<16xf32>
        %mul3A_574 = arith.mulf %get3A_573, %get3A_537 : vector<16xf32>
        %add3A_575 = arith.addf %scan3A_496, %mul3A_574 : vector<16xf32>
        %add3A_576 = arith.constant 1024 : i32
        %add3A_577 = arith.addi %add3A_576, %mul3A_529 : i32
        %get3A_578 = arith.constant 1 : i32
        %get3A_579 = arith.constant 1 : i32
        %get3A_580 = arith.index_cast %get3A_578 : i32 to index
        %get3A_581 = arith.index_cast %get3A_579 : i32 to index
        %get3A_582 = arith.index_cast %add3A_577 : i32 to index
        %get3A_583 = tpu.vector_load %arg6[%get3A_580, %get3A_581, %get3A_582] {strides = array<i32>} : memref<2x8x4096xf32, #tpu.memory_space<vmem>>, vector<1x1x16xf32>,
        %get3A_584 = vector.shape_cast %get3A_583 : vector<1x1x16xf32> to vector<16xf32>
        %mul3A_585 = arith.mulf %get3A_584, %get3A_537 : vector<16xf32>
        %add3A_586 = arith.addf %scan3A_497, %mul3A_585 : vector<16xf32>
        %add3A_587 = arith.constant 1024 : i32
        %add3A_588 = arith.addi %add3A_587, %mul3A_529 : i32
        %get3A_589 = arith.constant 1 : i32
        %get3A_590 = arith.constant 2 : i32
        %get3A_591 = arith.index_cast %get3A_589 : i32 to index
        %get3A_592 = arith.index_cast %get3A_590 : i32 to index
        %get3A_593 = arith.index_cast %add3A_588 : i32 to index
        %get3A_594 = tpu.vector_load %arg6[%get3A_591, %get3A_592, %get3A_593] {strides = array<i32>} : memref<2x8x4096xf32, #tpu.memory_space<vmem>>, vector<1x1x16xf32>,
        %get3A_595 = vector.shape_cast %get3A_594 : vector<1x1x16xf32> to vector<16xf32>
        %mul3A_596 = arith.mulf %get3A_595, %get3A_537 : vector<16xf32>
        %add3A_597 = arith.addf %scan3A_498, %mul3A_596 : vector<16xf32>
        %add3A_598 = arith.constant 1024 : i32
        %add3A_599 = arith.addi %add3A_598, %mul3A_529 : i32
        %get3A_600 = arith.constant 1 : i32
        %get3A_601 = arith.constant 3 : i32
        %get3A_602 = arith.index_cast %get3A_600 : i32 to index
        %get3A_603 = arith.index_cast %get3A_601 : i32 to index
        %get3A_604 = arith.index_cast %add3A_599 : i32 to index
        %get3A_605 = tpu.vector_load %arg6[%get3A_602, %get3A_603, %get3A_604] {strides = array<i32>} : memref<2x8x4096xf32, #tpu.memory_space<vmem>>, vector<1x1x16xf32>,
        %get3A_606 = vector.shape_cast %get3A_605 : vector<1x1x16xf32> to vector<16xf32>
        %mul3A_607 = arith.mulf %get3A_606, %get3A_537 : vector<16xf32>
        %add3A_608 = arith.addf %scan3A_499, %mul3A_607 : vector<16xf32>
        %add3A_609 = arith.constant 1024 : i32
        %add3A_610 = arith.addi %add3A_609, %mul3A_529 : i32
        %get3A_611 = arith.constant 1 : i32
        %get3A_612 = arith.constant 4 : i32
        %get3A_613 = arith.index_cast %get3A_611 : i32 to index
        %get3A_614 = arith.index_cast %get3A_612 : i32 to index
        %get3A_615 = arith.index_cast %add3A_610 : i32 to index
        %get3A_616 = tpu.vector_load %arg6[%get3A_613, %get3A_614, %get3A_615] {strides = array<i32>} : memref<2x8x4096xf32, #tpu.memory_space<vmem>>, vector<1x1x16xf32>,
        %get3A_617 = vector.shape_cast %get3A_616 : vector<1x1x16xf32> to vector<16xf32>
        %mul3A_618 = arith.mulf %get3A_617, %get3A_537 : vector<16xf32>
        %add3A_619 = arith.addf %scan3A_500, %mul3A_618 : vector<16xf32>
        %add3A_620 = arith.constant 1024 : i32
        %add3A_621 = arith.addi %add3A_620, %mul3A_529 : i32
        %get3A_622 = arith.constant 1 : i32
        %get3A_623 = arith.constant 5 : i32
        %get3A_624 = arith.index_cast %get3A_622 : i32 to index
        %get3A_625 = arith.index_cast %get3A_623 : i32 to index
        %get3A_626 = arith.index_cast %add3A_621 : i32 to index
        %get3A_627 = tpu.vector_load %arg6[%get3A_624, %get3A_625, %get3A_626] {strides = array<i32>} : memref<2x8x4096xf32, #tpu.memory_space<vmem>>, vector<1x1x16xf32>,
        %get3A_628 = vector.shape_cast %get3A_627 : vector<1x1x16xf32> to vector<16xf32>
        %mul3A_629 = arith.mulf %get3A_628, %get3A_537 : vector<16xf32>
        %add3A_630 = arith.addf %scan3A_501, %mul3A_629 : vector<16xf32>
        %add3A_631 = arith.constant 1024 : i32
        %add3A_632 = arith.addi %add3A_631, %mul3A_529 : i32
        %get3A_633 = arith.constant 1 : i32
        %get3A_634 = arith.constant 6 : i32
        %get3A_635 = arith.index_cast %get3A_633 : i32 to index
        %get3A_636 = arith.index_cast %get3A_634 : i32 to index
        %get3A_637 = arith.index_cast %add3A_632 : i32 to index
        %get3A_638 = tpu.vector_load %arg6[%get3A_635, %get3A_636, %get3A_637] {strides = array<i32>} : memref<2x8x4096xf32, #tpu.memory_space<vmem>>, vector<1x1x16xf32>,
        %get3A_639 = vector.shape_cast %get3A_638 : vector<1x1x16xf32> to vector<16xf32>
        %mul3A_640 = arith.mulf %get3A_639, %get3A_537 : vector<16xf32>
        %add3A_641 = arith.addf %scan3A_502, %mul3A_640 : vector<16xf32>
        %add3A_642 = arith.constant 1024 : i32
        %add3A_643 = arith.addi %add3A_642, %mul3A_529 : i32
        %get3A_644 = arith.constant 1 : i32
        %get3A_645 = arith.constant 7 : i32
        %get3A_646 = arith.index_cast %get3A_644 : i32 to index
        %get3A_647 = arith.index_cast %get3A_645 : i32 to index
        %get3A_648 = arith.index_cast %add3A_643 : i32 to index
        %get3A_649 = tpu.vector_load %arg6[%get3A_646, %get3A_647, %get3A_648] {strides = array<i32>} : memref<2x8x4096xf32, #tpu.memory_space<vmem>>, vector<1x1x16xf32>,
        %get3A_650 = vector.shape_cast %get3A_649 : vector<1x1x16xf32> to vector<16xf32>
        %mul3A_651 = arith.mulf %get3A_650, %get3A_537 : vector<16xf32>
        %add3A_652 = arith.addf %scan3A_503, %mul3A_651 : vector<16xf32>
        %add3A_653 = arith.constant 1024 : i32
        %add3A_654 = arith.addi %add3A_653, %mul3A_529 : i32
        %get3A_655 = arith.constant 1 : i32
        %get3A_656 = arith.constant 0 : i32
        %get3A_657 = arith.index_cast %get3A_655 : i32 to index
        %get3A_658 = arith.index_cast %get3A_656 : i32 to index
        %get3A_659 = arith.index_cast %add3A_654 : i32 to index
        %get3A_660 = tpu.vector_load %arg6[%get3A_657, %get3A_658, %get3A_659] {strides = array<i32>} : memref<2x8x4096xf32, #tpu.memory_space<vmem>>, vector<1x1x16xf32>,
        %get3A_661 = vector.shape_cast %get3A_660 : vector<1x1x16xf32> to vector<16xf32>
        %mul3A_662 = arith.mulf %get3A_661, %get3A_546 : vector<16xf32>
        %add3A_663 = arith.addf %scan3A_504, %mul3A_662 : vector<16xf32>
        %add3A_664 = arith.constant 1024 : i32
        %add3A_665 = arith.addi %add3A_664, %mul3A_529 : i32
        %get3A_666 = arith.constant 1 : i32
        %get3A_667 = arith.constant 1 : i32
        %get3A_668 = arith.index_cast %get3A_666 : i32 to index
        %get3A_669 = arith.index_cast %get3A_667 : i32 to index
        %get3A_670 = arith.index_cast %add3A_665 : i32 to index
        %get3A_671 = tpu.vector_load %arg6[%get3A_668, %get3A_669, %get3A_670] {strides = array<i32>} : memref<2x8x4096xf32, #tpu.memory_space<vmem>>, vector<1x1x16xf32>,
        %get3A_672 = vector.shape_cast %get3A_671 : vector<1x1x16xf32> to vector<16xf32>
        %mul3A_673 = arith.mulf %get3A_672, %get3A_546 : vector<16xf32>
        %add3A_674 = arith.addf %scan3A_505, %mul3A_673 : vector<16xf32>
        %add3A_675 = arith.constant 1024 : i32
        %add3A_676 = arith.addi %add3A_675, %mul3A_529 : i32
        %get3A_677 = arith.constant 1 : i32
        %get3A_678 = arith.constant 2 : i32
        %get3A_679 = arith.index_cast %get3A_677 : i32 to index
        %get3A_680 = arith.index_cast %get3A_678 : i32 to index
        %get3A_681 = arith.index_cast %add3A_676 : i32 to index
        %get3A_682 = tpu.vector_load %arg6[%get3A_679, %get3A_680, %get3A_681] {strides = array<i32>} : memref<2x8x4096xf32, #tpu.memory_space<vmem>>, vector<1x1x16xf32>,
        %get3A_683 = vector.shape_cast %get3A_682 : vector<1x1x16xf32> to vector<16xf32>
        %mul3A_684 = arith.mulf %get3A_683, %get3A_546 : vector<16xf32>
        %add3A_685 = arith.addf %scan3A_506, %mul3A_684 : vector<16xf32>
        %add3A_686 = arith.constant 1024 : i32
        %add3A_687 = arith.addi %add3A_686, %mul3A_529 : i32
        %get3A_688 = arith.constant 1 : i32
        %get3A_689 = arith.constant 3 : i32
        %get3A_690 = arith.index_cast %get3A_688 : i32 to index
        %get3A_691 = arith.index_cast %get3A_689 : i32 to index
        %get3A_692 = arith.index_cast %add3A_687 : i32 to index
        %get3A_693 = tpu.vector_load %arg6[%get3A_690, %get3A_691, %get3A_692] {strides = array<i32>} : memref<2x8x4096xf32, #tpu.memory_space<vmem>>, vector<1x1x16xf32>,
        %get3A_694 = vector.shape_cast %get3A_693 : vector<1x1x16xf32> to vector<16xf32>
        %mul3A_695 = arith.mulf %get3A_694, %get3A_546 : vector<16xf32>
        %add3A_696 = arith.addf %scan3A_507, %mul3A_695 : vector<16xf32>
        %add3A_697 = arith.constant 1024 : i32
        %add3A_698 = arith.addi %add3A_697, %mul3A_529 : i32
        %get3A_699 = arith.constant 1 : i32
        %get3A_700 = arith.constant 4 : i32
        %get3A_701 = arith.index_cast %get3A_699 : i32 to index
        %get3A_702 = arith.index_cast %get3A_700 : i32 to index
        %get3A_703 = arith.index_cast %add3A_698 : i32 to index
        %get3A_704 = tpu.vector_load %arg6[%get3A_701, %get3A_702, %get3A_703] {strides = array<i32>} : memref<2x8x4096xf32, #tpu.memory_space<vmem>>, vector<1x1x16xf32>,
        %get3A_705 = vector.shape_cast %get3A_704 : vector<1x1x16xf32> to vector<16xf32>
        %mul3A_706 = arith.mulf %get3A_705, %get3A_546 : vector<16xf32>
        %add3A_707 = arith.addf %scan3A_508, %mul3A_706 : vector<16xf32>
        %add3A_708 = arith.constant 1024 : i32
        %add3A_709 = arith.addi %add3A_708, %mul3A_529 : i32
        %get3A_710 = arith.constant 1 : i32
        %get3A_711 = arith.constant 5 : i32
        %get3A_712 = arith.index_cast %get3A_710 : i32 to index
        %get3A_713 = arith.index_cast %get3A_711 : i32 to index
        %get3A_714 = arith.index_cast %add3A_709 : i32 to index
        %get3A_715 = tpu.vector_load %arg6[%get3A_712, %get3A_713, %get3A_714] {strides = array<i32>} : memref<2x8x4096xf32, #tpu.memory_space<vmem>>, vector<1x1x16xf32>,
        %get3A_716 = vector.shape_cast %get3A_715 : vector<1x1x16xf32> to vector<16xf32>
        %mul3A_717 = arith.mulf %get3A_716, %get3A_546 : vector<16xf32>
        %add3A_718 = arith.addf %scan3A_509, %mul3A_717 : vector<16xf32>
        %add3A_719 = arith.constant 1024 : i32
        %add3A_720 = arith.addi %add3A_719, %mul3A_529 : i32
        %get3A_721 = arith.constant 1 : i32
        %get3A_722 = arith.constant 6 : i32
        %get3A_723 = arith.index_cast %get3A_721 : i32 to index
        %get3A_724 = arith.index_cast %get3A_722 : i32 to index
        %get3A_725 = arith.index_cast %add3A_720 : i32 to index
        %get3A_726 = tpu.vector_load %arg6[%get3A_723, %get3A_724, %get3A_725] {strides = array<i32>} : memref<2x8x4096xf32, #tpu.memory_space<vmem>>, vector<1x1x16xf32>,
        %get3A_727 = vector.shape_cast %get3A_726 : vector<1x1x16xf32> to vector<16xf32>
        %mul3A_728 = arith.mulf %get3A_727, %get3A_546 : vector<16xf32>
        %add3A_729 = arith.addf %scan3A_510, %mul3A_728 : vector<16xf32>
        %add3A_730 = arith.constant 1024 : i32
        %add3A_731 = arith.addi %add3A_730, %mul3A_529 : i32
        %get3A_732 = arith.constant 1 : i32
        %get3A_733 = arith.constant 7 : i32
        %get3A_734 = arith.index_cast %get3A_732 : i32 to index
        %get3A_735 = arith.index_cast %get3A_733 : i32 to index
        %get3A_736 = arith.index_cast %add3A_731 : i32 to index
        %get3A_737 = tpu.vector_load %arg6[%get3A_734, %get3A_735, %get3A_736] {strides = array<i32>} : memref<2x8x4096xf32, #tpu.memory_space<vmem>>, vector<1x1x16xf32>,
        %get3A_738 = vector.shape_cast %get3A_737 : vector<1x1x16xf32> to vector<16xf32>
        %mul3A_739 = arith.mulf %get3A_738, %get3A_546 : vector<16xf32>
        %add3A_740 = arith.addf %scan3A_511, %mul3A_739 : vector<16xf32>
        %add3A_741 = arith.constant 1024 : i32
        %add3A_742 = arith.addi %add3A_741, %mul3A_529 : i32
        %get3A_743 = arith.constant 1 : i32
        %get3A_744 = arith.constant 0 : i32
        %get3A_745 = arith.index_cast %get3A_743 : i32 to index
        %get3A_746 = arith.index_cast %get3A_744 : i32 to index
        %get3A_747 = arith.index_cast %add3A_742 : i32 to index
        %get3A_748 = tpu.vector_load %arg6[%get3A_745, %get3A_746, %get3A_747] {strides = array<i32>} : memref<2x8x4096xf32, #tpu.memory_space<vmem>>, vector<1x1x16xf32>,
        %get3A_749 = vector.shape_cast %get3A_748 : vector<1x1x16xf32> to vector<16xf32>
        %mul3A_750 = arith.mulf %get3A_749, %get3A_555 : vector<16xf32>
        %add3A_751 = arith.addf %scan3A_512, %mul3A_750 : vector<16xf32>
        %add3A_752 = arith.constant 1024 : i32
        %add3A_753 = arith.addi %add3A_752, %mul3A_529 : i32
        %get3A_754 = arith.constant 1 : i32
        %get3A_755 = arith.constant 1 : i32
        %get3A_756 = arith.index_cast %get3A_754 : i32 to index
        %get3A_757 = arith.index_cast %get3A_755 : i32 to index
        %get3A_758 = arith.index_cast %add3A_753 : i32 to index
        %get3A_759 = tpu.vector_load %arg6[%get3A_756, %get3A_757, %get3A_758] {strides = array<i32>} : memref<2x8x4096xf32, #tpu.memory_space<vmem>>, vector<1x1x16xf32>,
        %get3A_760 = vector.shape_cast %get3A_759 : vector<1x1x16xf32> to vector<16xf32>
        %mul3A_761 = arith.mulf %get3A_760, %get3A_555 : vector<16xf32>
        %add3A_762 = arith.addf %scan3A_513, %mul3A_761 : vector<16xf32>
        %add3A_763 = arith.constant 1024 : i32
        %add3A_764 = arith.addi %add3A_763, %mul3A_529 : i32
        %get3A_765 = arith.constant 1 : i32
        %get3A_766 = arith.constant 2 : i32
        %get3A_767 = arith.index_cast %get3A_765 : i32 to index
        %get3A_768 = arith.index_cast %get3A_766 : i32 to index
        %get3A_769 = arith.index_cast %add3A_764 : i32 to index
        %get3A_770 = tpu.vector_load %arg6[%get3A_767, %get3A_768, %get3A_769] {strides = array<i32>} : memref<2x8x4096xf32, #tpu.memory_space<vmem>>, vector<1x1x16xf32>,
        %get3A_771 = vector.shape_cast %get3A_770 : vector<1x1x16xf32> to vector<16xf32>
        %mul3A_772 = arith.mulf %get3A_771, %get3A_555 : vector<16xf32>
        %add3A_773 = arith.addf %scan3A_514, %mul3A_772 : vector<16xf32>
        %add3A_774 = arith.constant 1024 : i32
        %add3A_775 = arith.addi %add3A_774, %mul3A_529 : i32
        %get3A_776 = arith.constant 1 : i32
        %get3A_777 = arith.constant 3 : i32
        %get3A_778 = arith.index_cast %get3A_776 : i32 to index
        %get3A_779 = arith.index_cast %get3A_777 : i32 to index
        %get3A_780 = arith.index_cast %add3A_775 : i32 to index
        %get3A_781 = tpu.vector_load %arg6[%get3A_778, %get3A_779, %get3A_780] {strides = array<i32>} : memref<2x8x4096xf32, #tpu.memory_space<vmem>>, vector<1x1x16xf32>,
        %get3A_782 = vector.shape_cast %get3A_781 : vector<1x1x16xf32> to vector<16xf32>
        %mul3A_783 = arith.mulf %get3A_782, %get3A_555 : vector<16xf32>
        %add3A_784 = arith.addf %scan3A_515, %mul3A_783 : vector<16xf32>
        %add3A_785 = arith.constant 1024 : i32
        %add3A_786 = arith.addi %add3A_785, %mul3A_529 : i32
        %get3A_787 = arith.constant 1 : i32
        %get3A_788 = arith.constant 4 : i32
        %get3A_789 = arith.index_cast %get3A_787 : i32 to index
        %get3A_790 = arith.index_cast %get3A_788 : i32 to index
        %get3A_791 = arith.index_cast %add3A_786 : i32 to index
        %get3A_792 = tpu.vector_load %arg6[%get3A_789, %get3A_790, %get3A_791] {strides = array<i32>} : memref<2x8x4096xf32, #tpu.memory_space<vmem>>, vector<1x1x16xf32>,
        %get3A_793 = vector.shape_cast %get3A_792 : vector<1x1x16xf32> to vector<16xf32>
        %mul3A_794 = arith.mulf %get3A_793, %get3A_555 : vector<16xf32>
        %add3A_795 = arith.addf %scan3A_516, %mul3A_794 : vector<16xf32>
        %add3A_796 = arith.constant 1024 : i32
        %add3A_797 = arith.addi %add3A_796, %mul3A_529 : i32
        %get3A_798 = arith.constant 1 : i32
        %get3A_799 = arith.constant 5 : i32
        %get3A_800 = arith.index_cast %get3A_798 : i32 to index
        %get3A_801 = arith.index_cast %get3A_799 : i32 to index
        %get3A_802 = arith.index_cast %add3A_797 : i32 to index
        %get3A_803 = tpu.vector_load %arg6[%get3A_800, %get3A_801, %get3A_802] {strides = array<i32>} : memref<2x8x4096xf32, #tpu.memory_space<vmem>>, vector<1x1x16xf32>,
        %get3A_804 = vector.shape_cast %get3A_803 : vector<1x1x16xf32> to vector<16xf32>
        %mul3A_805 = arith.mulf %get3A_804, %get3A_555 : vector<16xf32>
        %add3A_806 = arith.addf %scan3A_517, %mul3A_805 : vector<16xf32>
        %add3A_807 = arith.constant 1024 : i32
        %add3A_808 = arith.addi %add3A_807, %mul3A_529 : i32
        %get3A_809 = arith.constant 1 : i32
        %get3A_810 = arith.constant 6 : i32
        %get3A_811 = arith.index_cast %get3A_809 : i32 to index
        %get3A_812 = arith.index_cast %get3A_810 : i32 to index
        %get3A_813 = arith.index_cast %add3A_808 : i32 to index
        %get3A_814 = tpu.vector_load %arg6[%get3A_811, %get3A_812, %get3A_813] {strides = array<i32>} : memref<2x8x4096xf32, #tpu.memory_space<vmem>>, vector<1x1x16xf32>,
        %get3A_815 = vector.shape_cast %get3A_814 : vector<1x1x16xf32> to vector<16xf32>
        %mul3A_816 = arith.mulf %get3A_815, %get3A_555 : vector<16xf32>
        %add3A_817 = arith.addf %scan3A_518, %mul3A_816 : vector<16xf32>
        %add3A_818 = arith.constant 1024 : i32
        %add3A_819 = arith.addi %add3A_818, %mul3A_529 : i32
        %get3A_820 = arith.constant 1 : i32
        %get3A_821 = arith.constant 7 : i32
        %get3A_822 = arith.index_cast %get3A_820 : i32 to index
        %get3A_823 = arith.index_cast %get3A_821 : i32 to index
        %get3A_824 = arith.index_cast %add3A_819 : i32 to index
        %get3A_825 = tpu.vector_load %arg6[%get3A_822, %get3A_823, %get3A_824] {strides = array<i32>} : memref<2x8x4096xf32, #tpu.memory_space<vmem>>, vector<1x1x16xf32>,
        %get3A_826 = vector.shape_cast %get3A_825 : vector<1x1x16xf32> to vector<16xf32>
        %mul3A_827 = arith.mulf %get3A_826, %get3A_555 : vector<16xf32>
        %add3A_828 = arith.addf %scan3A_519, %mul3A_827 : vector<16xf32>
        %add3A_829 = arith.constant 1024 : i32
        %add3A_830 = arith.addi %add3A_829, %mul3A_529 : i32
        %get3A_831 = arith.constant 1 : i32
        %get3A_832 = arith.constant 0 : i32
        %get3A_833 = arith.index_cast %get3A_831 : i32 to index
        %get3A_834 = arith.index_cast %get3A_832 : i32 to index
        %get3A_835 = arith.index_cast %add3A_830 : i32 to index
        %get3A_836 = tpu.vector_load %arg6[%get3A_833, %get3A_834, %get3A_835] {strides = array<i32>} : memref<2x8x4096xf32, #tpu.memory_space<vmem>>, vector<1x1x16xf32>,
        %get3A_837 = vector.shape_cast %get3A_836 : vector<1x1x16xf32> to vector<16xf32>
        %mul3A_838 = arith.mulf %get3A_837, %get3A_564 : vector<16xf32>
        %add3A_839 = arith.addf %scan3A_520, %mul3A_838 : vector<16xf32>
        %add3A_840 = arith.constant 1024 : i32
        %add3A_841 = arith.addi %add3A_840, %mul3A_529 : i32
        %get3A_842 = arith.constant 1 : i32
        %get3A_843 = arith.constant 1 : i32
        %get3A_844 = arith.index_cast %get3A_842 : i32 to index
        %get3A_845 = arith.index_cast %get3A_843 : i32 to index
        %get3A_846 = arith.index_cast %add3A_841 : i32 to index
        %get3A_847 = tpu.vector_load %arg6[%get3A_844, %get3A_845, %get3A_846] {strides = array<i32>} : memref<2x8x4096xf32, #tpu.memory_space<vmem>>, vector<1x1x16xf32>,
        %get3A_848 = vector.shape_cast %get3A_847 : vector<1x1x16xf32> to vector<16xf32>
        %mul3A_849 = arith.mulf %get3A_848, %get3A_564 : vector<16xf32>
        %add3A_850 = arith.addf %scan3A_521, %mul3A_849 : vector<16xf32>
        %add3A_851 = arith.constant 1024 : i32
        %add3A_852 = arith.addi %add3A_851, %mul3A_529 : i32
        %get3A_853 = arith.constant 1 : i32
        %get3A_854 = arith.constant 2 : i32
        %get3A_855 = arith.index_cast %get3A_853 : i32 to index
        %get3A_856 = arith.index_cast %get3A_854 : i32 to index
        %get3A_857 = arith.index_cast %add3A_852 : i32 to index
        %get3A_858 = tpu.vector_load %arg6[%get3A_855, %get3A_856, %get3A_857] {strides = array<i32>} : memref<2x8x4096xf32, #tpu.memory_space<vmem>>, vector<1x1x16xf32>,
        %get3A_859 = vector.shape_cast %get3A_858 : vector<1x1x16xf32> to vector<16xf32>
        %mul3A_860 = arith.mulf %get3A_859, %get3A_564 : vector<16xf32>
        %add3A_861 = arith.addf %scan3A_522, %mul3A_860 : vector<16xf32>
        %add3A_862 = arith.constant 1024 : i32
        %add3A_863 = arith.addi %add3A_862, %mul3A_529 : i32
        %get3A_864 = arith.constant 1 : i32
        %get3A_865 = arith.constant 3 : i32
        %get3A_866 = arith.index_cast %get3A_864 : i32 to index
        %get3A_867 = arith.index_cast %get3A_865 : i32 to index
        %get3A_868 = arith.index_cast %add3A_863 : i32 to index
        %get3A_869 = tpu.vector_load %arg6[%get3A_866, %get3A_867, %get3A_868] {strides = array<i32>} : memref<2x8x4096xf32, #tpu.memory_space<vmem>>, vector<1x1x16xf32>,
        %get3A_870 = vector.shape_cast %get3A_869 : vector<1x1x16xf32> to vector<16xf32>
        %mul3A_871 = arith.mulf %get3A_870, %get3A_564 : vector<16xf32>
        %add3A_872 = arith.addf %scan3A_523, %mul3A_871 : vector<16xf32>
        %add3A_873 = arith.constant 1024 : i32
        %add3A_874 = arith.addi %add3A_873, %mul3A_529 : i32
        %get3A_875 = arith.constant 1 : i32
        %get3A_876 = arith.constant 4 : i32
        %get3A_877 = arith.index_cast %get3A_875 : i32 to index
        %get3A_878 = arith.index_cast %get3A_876 : i32 to index
        %get3A_879 = arith.index_cast %add3A_874 : i32 to index
        %get3A_880 = tpu.vector_load %arg6[%get3A_877, %get3A_878, %get3A_879] {strides = array<i32>} : memref<2x8x4096xf32, #tpu.memory_space<vmem>>, vector<1x1x16xf32>,
        %get3A_881 = vector.shape_cast %get3A_880 : vector<1x1x16xf32> to vector<16xf32>
        %mul3A_882 = arith.mulf %get3A_881, %get3A_564 : vector<16xf32>
        %add3A_883 = arith.addf %scan3A_524, %mul3A_882 : vector<16xf32>
        %add3A_884 = arith.constant 1024 : i32
        %add3A_885 = arith.addi %add3A_884, %mul3A_529 : i32
        %get3A_886 = arith.constant 1 : i32
        %get3A_887 = arith.constant 5 : i32
        %get3A_888 = arith.index_cast %get3A_886 : i32 to index
        %get3A_889 = arith.index_cast %get3A_887 : i32 to index
        %get3A_890 = arith.index_cast %add3A_885 : i32 to index
        %get3A_891 = tpu.vector_load %arg6[%get3A_888, %get3A_889, %get3A_890] {strides = array<i32>} : memref<2x8x4096xf32, #tpu.memory_space<vmem>>, vector<1x1x16xf32>,
        %get3A_892 = vector.shape_cast %get3A_891 : vector<1x1x16xf32> to vector<16xf32>
        %mul3A_893 = arith.mulf %get3A_892, %get3A_564 : vector<16xf32>
        %add3A_894 = arith.addf %scan3A_525, %mul3A_893 : vector<16xf32>
        %add3A_895 = arith.constant 1024 : i32
        %add3A_896 = arith.addi %add3A_895, %mul3A_529 : i32
        %get3A_897 = arith.constant 1 : i32
        %get3A_898 = arith.constant 6 : i32
        %get3A_899 = arith.index_cast %get3A_897 : i32 to index
        %get3A_900 = arith.index_cast %get3A_898 : i32 to index
        %get3A_901 = arith.index_cast %add3A_896 : i32 to index
        %get3A_902 = tpu.vector_load %arg6[%get3A_899, %get3A_900, %get3A_901] {strides = array<i32>} : memref<2x8x4096xf32, #tpu.memory_space<vmem>>, vector<1x1x16xf32>,
        %get3A_903 = vector.shape_cast %get3A_902 : vector<1x1x16xf32> to vector<16xf32>
        %mul3A_904 = arith.mulf %get3A_903, %get3A_564 : vector<16xf32>
        %add3A_905 = arith.addf %scan3A_526, %mul3A_904 : vector<16xf32>
        %add3A_906 = arith.constant 1024 : i32
        %add3A_907 = arith.addi %add3A_906, %mul3A_529 : i32
        %get3A_908 = arith.constant 1 : i32
        %get3A_909 = arith.constant 7 : i32
        %get3A_910 = arith.index_cast %get3A_908 : i32 to index
        %get3A_911 = arith.index_cast %get3A_909 : i32 to index
        %get3A_912 = arith.index_cast %add3A_907 : i32 to index
        %get3A_913 = tpu.vector_load %arg6[%get3A_910, %get3A_911, %get3A_912] {strides = array<i32>} : memref<2x8x4096xf32, #tpu.memory_space<vmem>>, vector<1x1x16xf32>,
        %get3A_914 = vector.shape_cast %get3A_913 : vector<1x1x16xf32> to vector<16xf32>
        %mul3A_915 = arith.mulf %get3A_914, %get3A_564 : vector<16xf32>
        %add3A_916 = arith.addf %scan3A_527, %mul3A_915 : vector<16xf32>
        scf.yield %add3A_575, %add3A_586, %add3A_597, %add3A_608, %add3A_619, %add3A_630, %add3A_641, %add3A_652, %add3A_663, %add3A_674, %add3A_685, %add3A_696, %add3A_707, %add3A_718, %add3A_729, %add3A_740, %add3A_751, %add3A_762, %add3A_773, %add3A_784, %add3A_795, %add3A_806, %add3A_817, %add3A_828, %add3A_839, %add3A_850, %add3A_861, %add3A_872, %add3A_883, %add3A_894, %add3A_905, %add3A_916 : vector<16xf32>, vector<16xf32>, vector<16xf32>, vector<16xf32>, vector<16xf32>, vector<16xf32>, vector<16xf32>, vector<16xf32>, vector<16xf32>, vector<16xf32>, vector<16xf32>, vector<16xf32>, vector<16xf32>, vector<16xf32>, vector<16xf32>, vector<16xf32>, vector<16xf32>, vector<16xf32>, vector<16xf32>, vector<16xf32>, vector<16xf32>, vector<16xf32>, vector<16xf32>, vector<16xf32>, vector<16xf32>, vector<16xf32>, vector<16xf32>, vector<16xf32>, vector<16xf32>, vector<16xf32>, vector<16xf32>, vector<16xf32>
      }
      %scan3A_482 = arith.constant 64 : i32
      %scan3A_483 = arith.constant 0 : i32
      %scan3A_484 = arith.constant 64 : i32
      %scan3A_485 = arith.addi %scan3A_483, %scan3A_484 : i32
      %scan3A_486 = arith.constant 1 : i32
      %scan3A_487:32 = scf.for %scan3A_495 = %scan3A_483 to %scan3A_485 step %scan3A_486 iter_args(%scan3A_496 = %scan3A_481#0, %scan3A_497 = %scan3A_481#1, %scan3A_498 = %scan3A_481#2, %scan3A_499 = %scan3A_481#3, %scan3A_500 = %scan3A_481#4, %scan3A_501 = %scan3A_481#5, %scan3A_502 = %scan3A_481#6, %scan3A_503 = %scan3A_481#7, %scan3A_504 = %scan3A_481#8, %scan3A_505 = %scan3A_481#9, %scan3A_506 = %scan3A_481#10, %scan3A_507 = %scan3A_481#11, %scan3A_508 = %scan3A_481#12, %scan3A_509 = %scan3A_481#13, %scan3A_510 = %scan3A_481#14, %scan3A_511 = %scan3A_481#15, %scan3A_512 = %scan3A_481#16, %scan3A_513 = %scan3A_481#17, %scan3A_514 = %scan3A_481#18, %scan3A_515 = %scan3A_481#19, %scan3A_516 = %scan3A_481#20, %scan3A_517 = %scan3A_481#21, %scan3A_518 = %scan3A_481#22, %scan3A_519 = %scan3A_481#23, %scan3A_520 = %scan3A_481#24, %scan3A_521 = %scan3A_481#25, %scan3A_522 = %scan3A_481#26, %scan3A_523 = %scan3A_481#27, %scan3A_524 = %scan3A_481#28, %scan3A_525 = %scan3A_481#29, %scan3A_526 = %scan3A_481#30, %scan3A_527 = %scan3A_481#31) -> (vector<16xf32>, vector<16xf32>, vector<16xf32>, vector<16xf32>, vector<16xf32>, vector<16xf32>, vector<16xf32>, vector<16xf32>, vector<16xf32>, vector<16xf32>, vector<16xf32>, vector<16xf32>, vector<16xf32>, vector<16xf32>, vector<16xf32>, vector<16xf32>, vector<16xf32>, vector<16xf32>, vector<16xf32>, vector<16xf32>, vector<16xf32>, vector<16xf32>, vector<16xf32>, vector<16xf32>, vector<16xf32>, vector<16xf32>, vector<16xf32>, vector<16xf32>, vector<16xf32>, vector<16xf32>, vector<16xf32>, vector<16xf32>)  : i32 {
        %mul3A_528 = arith.constant 16 : i32
        %mul3A_529 = arith.muli %scan3A_495, %mul3A_528 : i32
        %get3A = arith.constant 1 : i32
        %get3A_530 = arith.constant 0 : i32
        %get3A_531 = arith.constant 2 : i32
        %get3A_532 = arith.index_cast %get3A : i32 to index
        %get3A_533 = arith.index_cast %get3A_530 : i32 to index
        %get3A_534 = arith.index_cast %get3A_531 : i32 to index
        %get3A_535 = arith.index_cast %mul3A_529 : i32 to index
        %get3A_536 = tpu.vector_load %arg5[%get3A_532, %get3A_533, %get3A_534, %get3A_535] {strides = array<i32>} : memref<2x4x4x1024xf32, #tpu.memory_space<vmem>>, vector<1x1x1x16xf32>,
        %get3A_537 = vector.shape_cast %get3A_536 : vector<1x1x1x16xf32> to vector<16xf32>
        %get3A_538 = arith.constant 1 : i32
        %get3A_539 = arith.constant 1 : i32
        %get3A_540 = arith.constant 2 : i32
        %get3A_541 = arith.index_cast %get3A_538 : i32 to index
        %get3A_542 = arith.index_cast %get3A_539 : i32 to index
        %get3A_543 = arith.index_cast %get3A_540 : i32 to index
        %get3A_544 = arith.index_cast %mul3A_529 : i32 to index
        %get3A_545 = tpu.vector_load %arg5[%get3A_541, %get3A_542, %get3A_543, %get3A_544] {strides = array<i32>} : memref<2x4x4x1024xf32, #tpu.memory_space<vmem>>, vector<1x1x1x16xf32>,
        %get3A_546 = vector.shape_cast %get3A_545 : vector<1x1x1x16xf32> to vector<16xf32>
        %get3A_547 = arith.constant 1 : i32
        %get3A_548 = arith.constant 2 : i32
        %get3A_549 = arith.constant 2 : i32
        %get3A_550 = arith.index_cast %get3A_547 : i32 to index
        %get3A_551 = arith.index_cast %get3A_548 : i32 to index
        %get3A_552 = arith.index_cast %get3A_549 : i32 to index
        %get3A_553 = arith.index_cast %mul3A_529 : i32 to index
        %get3A_554 = tpu.vector_load %arg5[%get3A_550, %get3A_551, %get3A_552, %get3A_553] {strides = array<i32>} : memref<2x4x4x1024xf32, #tpu.memory_space<vmem>>, vector<1x1x1x16xf32>,
        %get3A_555 = vector.shape_cast %get3A_554 : vector<1x1x1x16xf32> to vector<16xf32>
        %get3A_556 = arith.constant 1 : i32
        %get3A_557 = arith.constant 3 : i32
        %get3A_558 = arith.constant 2 : i32
        %get3A_559 = arith.index_cast %get3A_556 : i32 to index
        %get3A_560 = arith.index_cast %get3A_557 : i32 to index
        %get3A_561 = arith.index_cast %get3A_558 : i32 to index
        %get3A_562 = arith.index_cast %mul3A_529 : i32 to index
        %get3A_563 = tpu.vector_load %arg5[%get3A_559, %get3A_560, %get3A_561, %get3A_562] {strides = array<i32>} : memref<2x4x4x1024xf32, #tpu.memory_space<vmem>>, vector<1x1x1x16xf32>,
        %get3A_564 = vector.shape_cast %get3A_563 : vector<1x1x1x16xf32> to vector<16xf32>
        %add3A_565 = arith.constant 2048 : i32
        %add3A_566 = arith.addi %add3A_565, %mul3A_529 : i32
        %get3A_567 = arith.constant 1 : i32
        %get3A_568 = arith.constant 0 : i32
        %get3A_569 = arith.index_cast %get3A_567 : i32 to index
        %get3A_570 = arith.index_cast %get3A_568 : i32 to index
        %get3A_571 = arith.index_cast %add3A_566 : i32 to index
        %get3A_572 = tpu.vector_load %arg6[%get3A_569, %get3A_570, %get3A_571] {strides = array<i32>} : memref<2x8x4096xf32, #tpu.memory_space<vmem>>, vector<1x1x16xf32>,
        %get3A_573 = vector.shape_cast %get3A_572 : vector<1x1x16xf32> to vector<16xf32>
        %mul3A_574 = arith.mulf %get3A_573, %get3A_537 : vector<16xf32>
        %add3A_575 = arith.addf %scan3A_496, %mul3A_574 : vector<16xf32>
        %add3A_576 = arith.constant 2048 : i32
        %add3A_577 = arith.addi %add3A_576, %mul3A_529 : i32
        %get3A_578 = arith.constant 1 : i32
        %get3A_579 = arith.constant 1 : i32
        %get3A_580 = arith.index_cast %get3A_578 : i32 to index
        %get3A_581 = arith.index_cast %get3A_579 : i32 to index
        %get3A_582 = arith.index_cast %add3A_577 : i32 to index
        %get3A_583 = tpu.vector_load %arg6[%get3A_580, %get3A_581, %get3A_582] {strides = array<i32>} : memref<2x8x4096xf32, #tpu.memory_space<vmem>>, vector<1x1x16xf32>,
        %get3A_584 = vector.shape_cast %get3A_583 : vector<1x1x16xf32> to vector<16xf32>
        %mul3A_585 = arith.mulf %get3A_584, %get3A_537 : vector<16xf32>
        %add3A_586 = arith.addf %scan3A_497, %mul3A_585 : vector<16xf32>
        %add3A_587 = arith.constant 2048 : i32
        %add3A_588 = arith.addi %add3A_587, %mul3A_529 : i32
        %get3A_589 = arith.constant 1 : i32
        %get3A_590 = arith.constant 2 : i32
        %get3A_591 = arith.index_cast %get3A_589 : i32 to index
        %get3A_592 = arith.index_cast %get3A_590 : i32 to index
        %get3A_593 = arith.index_cast %add3A_588 : i32 to index
        %get3A_594 = tpu.vector_load %arg6[%get3A_591, %get3A_592, %get3A_593] {strides = array<i32>} : memref<2x8x4096xf32, #tpu.memory_space<vmem>>, vector<1x1x16xf32>,
        %get3A_595 = vector.shape_cast %get3A_594 : vector<1x1x16xf32> to vector<16xf32>
        %mul3A_596 = arith.mulf %get3A_595, %get3A_537 : vector<16xf32>
        %add3A_597 = arith.addf %scan3A_498, %mul3A_596 : vector<16xf32>
        %add3A_598 = arith.constant 2048 : i32
        %add3A_599 = arith.addi %add3A_598, %mul3A_529 : i32
        %get3A_600 = arith.constant 1 : i32
        %get3A_601 = arith.constant 3 : i32
        %get3A_602 = arith.index_cast %get3A_600 : i32 to index
        %get3A_603 = arith.index_cast %get3A_601 : i32 to index
        %get3A_604 = arith.index_cast %add3A_599 : i32 to index
        %get3A_605 = tpu.vector_load %arg6[%get3A_602, %get3A_603, %get3A_604] {strides = array<i32>} : memref<2x8x4096xf32, #tpu.memory_space<vmem>>, vector<1x1x16xf32>,
        %get3A_606 = vector.shape_cast %get3A_605 : vector<1x1x16xf32> to vector<16xf32>
        %mul3A_607 = arith.mulf %get3A_606, %get3A_537 : vector<16xf32>
        %add3A_608 = arith.addf %scan3A_499, %mul3A_607 : vector<16xf32>
        %add3A_609 = arith.constant 2048 : i32
        %add3A_610 = arith.addi %add3A_609, %mul3A_529 : i32
        %get3A_611 = arith.constant 1 : i32
        %get3A_612 = arith.constant 4 : i32
        %get3A_613 = arith.index_cast %get3A_611 : i32 to index
        %get3A_614 = arith.index_cast %get3A_612 : i32 to index
        %get3A_615 = arith.index_cast %add3A_610 : i32 to index
        %get3A_616 = tpu.vector_load %arg6[%get3A_613, %get3A_614, %get3A_615] {strides = array<i32>} : memref<2x8x4096xf32, #tpu.memory_space<vmem>>, vector<1x1x16xf32>,
        %get3A_617 = vector.shape_cast %get3A_616 : vector<1x1x16xf32> to vector<16xf32>
        %mul3A_618 = arith.mulf %get3A_617, %get3A_537 : vector<16xf32>
        %add3A_619 = arith.addf %scan3A_500, %mul3A_618 : vector<16xf32>
        %add3A_620 = arith.constant 2048 : i32
        %add3A_621 = arith.addi %add3A_620, %mul3A_529 : i32
        %get3A_622 = arith.constant 1 : i32
        %get3A_623 = arith.constant 5 : i32
        %get3A_624 = arith.index_cast %get3A_622 : i32 to index
        %get3A_625 = arith.index_cast %get3A_623 : i32 to index
        %get3A_626 = arith.index_cast %add3A_621 : i32 to index
        %get3A_627 = tpu.vector_load %arg6[%get3A_624, %get3A_625, %get3A_626] {strides = array<i32>} : memref<2x8x4096xf32, #tpu.memory_space<vmem>>, vector<1x1x16xf32>,
        %get3A_628 = vector.shape_cast %get3A_627 : vector<1x1x16xf32> to vector<16xf32>
        %mul3A_629 = arith.mulf %get3A_628, %get3A_537 : vector<16xf32>
        %add3A_630 = arith.addf %scan3A_501, %mul3A_629 : vector<16xf32>
        %add3A_631 = arith.constant 2048 : i32
        %add3A_632 = arith.addi %add3A_631, %mul3A_529 : i32
        %get3A_633 = arith.constant 1 : i32
        %get3A_634 = arith.constant 6 : i32
        %get3A_635 = arith.index_cast %get3A_633 : i32 to index
        %get3A_636 = arith.index_cast %get3A_634 : i32 to index
        %get3A_637 = arith.index_cast %add3A_632 : i32 to index
        %get3A_638 = tpu.vector_load %arg6[%get3A_635, %get3A_636, %get3A_637] {strides = array<i32>} : memref<2x8x4096xf32, #tpu.memory_space<vmem>>, vector<1x1x16xf32>,
        %get3A_639 = vector.shape_cast %get3A_638 : vector<1x1x16xf32> to vector<16xf32>
        %mul3A_640 = arith.mulf %get3A_639, %get3A_537 : vector<16xf32>
        %add3A_641 = arith.addf %scan3A_502, %mul3A_640 : vector<16xf32>
        %add3A_642 = arith.constant 2048 : i32
        %add3A_643 = arith.addi %add3A_642, %mul3A_529 : i32
        %get3A_644 = arith.constant 1 : i32
        %get3A_645 = arith.constant 7 : i32
        %get3A_646 = arith.index_cast %get3A_644 : i32 to index
        %get3A_647 = arith.index_cast %get3A_645 : i32 to index
        %get3A_648 = arith.index_cast %add3A_643 : i32 to index
        %get3A_649 = tpu.vector_load %arg6[%get3A_646, %get3A_647, %get3A_648] {strides = array<i32>} : memref<2x8x4096xf32, #tpu.memory_space<vmem>>, vector<1x1x16xf32>,
        %get3A_650 = vector.shape_cast %get3A_649 : vector<1x1x16xf32> to vector<16xf32>
        %mul3A_651 = arith.mulf %get3A_650, %get3A_537 : vector<16xf32>
        %add3A_652 = arith.addf %scan3A_503, %mul3A_651 : vector<16xf32>
        %add3A_653 = arith.constant 2048 : i32
        %add3A_654 = arith.addi %add3A_653, %mul3A_529 : i32
        %get3A_655 = arith.constant 1 : i32
        %get3A_656 = arith.constant 0 : i32
        %get3A_657 = arith.index_cast %get3A_655 : i32 to index
        %get3A_658 = arith.index_cast %get3A_656 : i32 to index
        %get3A_659 = arith.index_cast %add3A_654 : i32 to index
        %get3A_660 = tpu.vector_load %arg6[%get3A_657, %get3A_658, %get3A_659] {strides = array<i32>} : memref<2x8x4096xf32, #tpu.memory_space<vmem>>, vector<1x1x16xf32>,
        %get3A_661 = vector.shape_cast %get3A_660 : vector<1x1x16xf32> to vector<16xf32>
        %mul3A_662 = arith.mulf %get3A_661, %get3A_546 : vector<16xf32>
        %add3A_663 = arith.addf %scan3A_504, %mul3A_662 : vector<16xf32>
        %add3A_664 = arith.constant 2048 : i32
        %add3A_665 = arith.addi %add3A_664, %mul3A_529 : i32
        %get3A_666 = arith.constant 1 : i32
        %get3A_667 = arith.constant 1 : i32
        %get3A_668 = arith.index_cast %get3A_666 : i32 to index
        %get3A_669 = arith.index_cast %get3A_667 : i32 to index
        %get3A_670 = arith.index_cast %add3A_665 : i32 to index
        %get3A_671 = tpu.vector_load %arg6[%get3A_668, %get3A_669, %get3A_670] {strides = array<i32>} : memref<2x8x4096xf32, #tpu.memory_space<vmem>>, vector<1x1x16xf32>,
        %get3A_672 = vector.shape_cast %get3A_671 : vector<1x1x16xf32> to vector<16xf32>
        %mul3A_673 = arith.mulf %get3A_672, %get3A_546 : vector<16xf32>
        %add3A_674 = arith.addf %scan3A_505, %mul3A_673 : vector<16xf32>
        %add3A_675 = arith.constant 2048 : i32
        %add3A_676 = arith.addi %add3A_675, %mul3A_529 : i32
        %get3A_677 = arith.constant 1 : i32
        %get3A_678 = arith.constant 2 : i32
        %get3A_679 = arith.index_cast %get3A_677 : i32 to index
        %get3A_680 = arith.index_cast %get3A_678 : i32 to index
        %get3A_681 = arith.index_cast %add3A_676 : i32 to index
        %get3A_682 = tpu.vector_load %arg6[%get3A_679, %get3A_680, %get3A_681] {strides = array<i32>} : memref<2x8x4096xf32, #tpu.memory_space<vmem>>, vector<1x1x16xf32>,
        %get3A_683 = vector.shape_cast %get3A_682 : vector<1x1x16xf32> to vector<16xf32>
        %mul3A_684 = arith.mulf %get3A_683, %get3A_546 : vector<16xf32>
        %add3A_685 = arith.addf %scan3A_506, %mul3A_684 : vector<16xf32>
        %add3A_686 = arith.constant 2048 : i32
        %add3A_687 = arith.addi %add3A_686, %mul3A_529 : i32
        %get3A_688 = arith.constant 1 : i32
        %get3A_689 = arith.constant 3 : i32
        %get3A_690 = arith.index_cast %get3A_688 : i32 to index
        %get3A_691 = arith.index_cast %get3A_689 : i32 to index
        %get3A_692 = arith.index_cast %add3A_687 : i32 to index
        %get3A_693 = tpu.vector_load %arg6[%get3A_690, %get3A_691, %get3A_692] {strides = array<i32>} : memref<2x8x4096xf32, #tpu.memory_space<vmem>>, vector<1x1x16xf32>,
        %get3A_694 = vector.shape_cast %get3A_693 : vector<1x1x16xf32> to vector<16xf32>
        %mul3A_695 = arith.mulf %get3A_694, %get3A_546 : vector<16xf32>
        %add3A_696 = arith.addf %scan3A_507, %mul3A_695 : vector<16xf32>
        %add3A_697 = arith.constant 2048 : i32
        %add3A_698 = arith.addi %add3A_697, %mul3A_529 : i32
        %get3A_699 = arith.constant 1 : i32
        %get3A_700 = arith.constant 4 : i32
        %get3A_701 = arith.index_cast %get3A_699 : i32 to index
        %get3A_702 = arith.index_cast %get3A_700 : i32 to index
        %get3A_703 = arith.index_cast %add3A_698 : i32 to index
        %get3A_704 = tpu.vector_load %arg6[%get3A_701, %get3A_702, %get3A_703] {strides = array<i32>} : memref<2x8x4096xf32, #tpu.memory_space<vmem>>, vector<1x1x16xf32>,
        %get3A_705 = vector.shape_cast %get3A_704 : vector<1x1x16xf32> to vector<16xf32>
        %mul3A_706 = arith.mulf %get3A_705, %get3A_546 : vector<16xf32>
        %add3A_707 = arith.addf %scan3A_508, %mul3A_706 : vector<16xf32>
        %add3A_708 = arith.constant 2048 : i32
        %add3A_709 = arith.addi %add3A_708, %mul3A_529 : i32
        %get3A_710 = arith.constant 1 : i32
        %get3A_711 = arith.constant 5 : i32
        %get3A_712 = arith.index_cast %get3A_710 : i32 to index
        %get3A_713 = arith.index_cast %get3A_711 : i32 to index
        %get3A_714 = arith.index_cast %add3A_709 : i32 to index
        %get3A_715 = tpu.vector_load %arg6[%get3A_712, %get3A_713, %get3A_714] {strides = array<i32>} : memref<2x8x4096xf32, #tpu.memory_space<vmem>>, vector<1x1x16xf32>,
        %get3A_716 = vector.shape_cast %get3A_715 : vector<1x1x16xf32> to vector<16xf32>
        %mul3A_717 = arith.mulf %get3A_716, %get3A_546 : vector<16xf32>
        %add3A_718 = arith.addf %scan3A_509, %mul3A_717 : vector<16xf32>
        %add3A_719 = arith.constant 2048 : i32
        %add3A_720 = arith.addi %add3A_719, %mul3A_529 : i32
        %get3A_721 = arith.constant 1 : i32
        %get3A_722 = arith.constant 6 : i32
        %get3A_723 = arith.index_cast %get3A_721 : i32 to index
        %get3A_724 = arith.index_cast %get3A_722 : i32 to index
        %get3A_725 = arith.index_cast %add3A_720 : i32 to index
        %get3A_726 = tpu.vector_load %arg6[%get3A_723, %get3A_724, %get3A_725] {strides = array<i32>} : memref<2x8x4096xf32, #tpu.memory_space<vmem>>, vector<1x1x16xf32>,
        %get3A_727 = vector.shape_cast %get3A_726 : vector<1x1x16xf32> to vector<16xf32>
        %mul3A_728 = arith.mulf %get3A_727, %get3A_546 : vector<16xf32>
        %add3A_729 = arith.addf %scan3A_510, %mul3A_728 : vector<16xf32>
        %add3A_730 = arith.constant 2048 : i32
        %add3A_731 = arith.addi %add3A_730, %mul3A_529 : i32
        %get3A_732 = arith.constant 1 : i32
        %get3A_733 = arith.constant 7 : i32
        %get3A_734 = arith.index_cast %get3A_732 : i32 to index
        %get3A_735 = arith.index_cast %get3A_733 : i32 to index
        %get3A_736 = arith.index_cast %add3A_731 : i32 to index
        %get3A_737 = tpu.vector_load %arg6[%get3A_734, %get3A_735, %get3A_736] {strides = array<i32>} : memref<2x8x4096xf32, #tpu.memory_space<vmem>>, vector<1x1x16xf32>,
        %get3A_738 = vector.shape_cast %get3A_737 : vector<1x1x16xf32> to vector<16xf32>
        %mul3A_739 = arith.mulf %get3A_738, %get3A_546 : vector<16xf32>
        %add3A_740 = arith.addf %scan3A_511, %mul3A_739 : vector<16xf32>
        %add3A_741 = arith.constant 2048 : i32
        %add3A_742 = arith.addi %add3A_741, %mul3A_529 : i32
        %get3A_743 = arith.constant 1 : i32
        %get3A_744 = arith.constant 0 : i32
        %get3A_745 = arith.index_cast %get3A_743 : i32 to index
        %get3A_746 = arith.index_cast %get3A_744 : i32 to index
        %get3A_747 = arith.index_cast %add3A_742 : i32 to index
        %get3A_748 = tpu.vector_load %arg6[%get3A_745, %get3A_746, %get3A_747] {strides = array<i32>} : memref<2x8x4096xf32, #tpu.memory_space<vmem>>, vector<1x1x16xf32>,
        %get3A_749 = vector.shape_cast %get3A_748 : vector<1x1x16xf32> to vector<16xf32>
        %mul3A_750 = arith.mulf %get3A_749, %get3A_555 : vector<16xf32>
        %add3A_751 = arith.addf %scan3A_512, %mul3A_750 : vector<16xf32>
        %add3A_752 = arith.constant 2048 : i32
        %add3A_753 = arith.addi %add3A_752, %mul3A_529 : i32
        %get3A_754 = arith.constant 1 : i32
        %get3A_755 = arith.constant 1 : i32
        %get3A_756 = arith.index_cast %get3A_754 : i32 to index
        %get3A_757 = arith.index_cast %get3A_755 : i32 to index
        %get3A_758 = arith.index_cast %add3A_753 : i32 to index
        %get3A_759 = tpu.vector_load %arg6[%get3A_756, %get3A_757, %get3A_758] {strides = array<i32>} : memref<2x8x4096xf32, #tpu.memory_space<vmem>>, vector<1x1x16xf32>,
        %get3A_760 = vector.shape_cast %get3A_759 : vector<1x1x16xf32> to vector<16xf32>
        %mul3A_761 = arith.mulf %get3A_760, %get3A_555 : vector<16xf32>
        %add3A_762 = arith.addf %scan3A_513, %mul3A_761 : vector<16xf32>
        %add3A_763 = arith.constant 2048 : i32
        %add3A_764 = arith.addi %add3A_763, %mul3A_529 : i32
        %get3A_765 = arith.constant 1 : i32
        %get3A_766 = arith.constant 2 : i32
        %get3A_767 = arith.index_cast %get3A_765 : i32 to index
        %get3A_768 = arith.index_cast %get3A_766 : i32 to index
        %get3A_769 = arith.index_cast %add3A_764 : i32 to index
        %get3A_770 = tpu.vector_load %arg6[%get3A_767, %get3A_768, %get3A_769] {strides = array<i32>} : memref<2x8x4096xf32, #tpu.memory_space<vmem>>, vector<1x1x16xf32>,
        %get3A_771 = vector.shape_cast %get3A_770 : vector<1x1x16xf32> to vector<16xf32>
        %mul3A_772 = arith.mulf %get3A_771, %get3A_555 : vector<16xf32>
        %add3A_773 = arith.addf %scan3A_514, %mul3A_772 : vector<16xf32>
        %add3A_774 = arith.constant 2048 : i32
        %add3A_775 = arith.addi %add3A_774, %mul3A_529 : i32
        %get3A_776 = arith.constant 1 : i32
        %get3A_777 = arith.constant 3 : i32
        %get3A_778 = arith.index_cast %get3A_776 : i32 to index
        %get3A_779 = arith.index_cast %get3A_777 : i32 to index
        %get3A_780 = arith.index_cast %add3A_775 : i32 to index
        %get3A_781 = tpu.vector_load %arg6[%get3A_778, %get3A_779, %get3A_780] {strides = array<i32>} : memref<2x8x4096xf32, #tpu.memory_space<vmem>>, vector<1x1x16xf32>,
        %get3A_782 = vector.shape_cast %get3A_781 : vector<1x1x16xf32> to vector<16xf32>
        %mul3A_783 = arith.mulf %get3A_782, %get3A_555 : vector<16xf32>
        %add3A_784 = arith.addf %scan3A_515, %mul3A_783 : vector<16xf32>
        %add3A_785 = arith.constant 2048 : i32
        %add3A_786 = arith.addi %add3A_785, %mul3A_529 : i32
        %get3A_787 = arith.constant 1 : i32
        %get3A_788 = arith.constant 4 : i32
        %get3A_789 = arith.index_cast %get3A_787 : i32 to index
        %get3A_790 = arith.index_cast %get3A_788 : i32 to index
        %get3A_791 = arith.index_cast %add3A_786 : i32 to index
        %get3A_792 = tpu.vector_load %arg6[%get3A_789, %get3A_790, %get3A_791] {strides = array<i32>} : memref<2x8x4096xf32, #tpu.memory_space<vmem>>, vector<1x1x16xf32>,
        %get3A_793 = vector.shape_cast %get3A_792 : vector<1x1x16xf32> to vector<16xf32>
        %mul3A_794 = arith.mulf %get3A_793, %get3A_555 : vector<16xf32>
        %add3A_795 = arith.addf %scan3A_516, %mul3A_794 : vector<16xf32>
        %add3A_796 = arith.constant 2048 : i32
        %add3A_797 = arith.addi %add3A_796, %mul3A_529 : i32
        %get3A_798 = arith.constant 1 : i32
        %get3A_799 = arith.constant 5 : i32
        %get3A_800 = arith.index_cast %get3A_798 : i32 to index
        %get3A_801 = arith.index_cast %get3A_799 : i32 to index
        %get3A_802 = arith.index_cast %add3A_797 : i32 to index
        %get3A_803 = tpu.vector_load %arg6[%get3A_800, %get3A_801, %get3A_802] {strides = array<i32>} : memref<2x8x4096xf32, #tpu.memory_space<vmem>>, vector<1x1x16xf32>,
        %get3A_804 = vector.shape_cast %get3A_803 : vector<1x1x16xf32> to vector<16xf32>
        %mul3A_805 = arith.mulf %get3A_804, %get3A_555 : vector<16xf32>
        %add3A_806 = arith.addf %scan3A_517, %mul3A_805 : vector<16xf32>
        %add3A_807 = arith.constant 2048 : i32
        %add3A_808 = arith.addi %add3A_807, %mul3A_529 : i32
        %get3A_809 = arith.constant 1 : i32
        %get3A_810 = arith.constant 6 : i32
        %get3A_811 = arith.index_cast %get3A_809 : i32 to index
        %get3A_812 = arith.index_cast %get3A_810 : i32 to index
        %get3A_813 = arith.index_cast %add3A_808 : i32 to index
        %get3A_814 = tpu.vector_load %arg6[%get3A_811, %get3A_812, %get3A_813] {strides = array<i32>} : memref<2x8x4096xf32, #tpu.memory_space<vmem>>, vector<1x1x16xf32>,
        %get3A_815 = vector.shape_cast %get3A_814 : vector<1x1x16xf32> to vector<16xf32>
        %mul3A_816 = arith.mulf %get3A_815, %get3A_555 : vector<16xf32>
        %add3A_817 = arith.addf %scan3A_518, %mul3A_816 : vector<16xf32>
        %add3A_818 = arith.constant 2048 : i32
        %add3A_819 = arith.addi %add3A_818, %mul3A_529 : i32
        %get3A_820 = arith.constant 1 : i32
        %get3A_821 = arith.constant 7 : i32
        %get3A_822 = arith.index_cast %get3A_820 : i32 to index
        %get3A_823 = arith.index_cast %get3A_821 : i32 to index
        %get3A_824 = arith.index_cast %add3A_819 : i32 to index
        %get3A_825 = tpu.vector_load %arg6[%get3A_822, %get3A_823, %get3A_824] {strides = array<i32>} : memref<2x8x4096xf32, #tpu.memory_space<vmem>>, vector<1x1x16xf32>,
        %get3A_826 = vector.shape_cast %get3A_825 : vector<1x1x16xf32> to vector<16xf32>
        %mul3A_827 = arith.mulf %get3A_826, %get3A_555 : vector<16xf32>
        %add3A_828 = arith.addf %scan3A_519, %mul3A_827 : vector<16xf32>
        %add3A_829 = arith.constant 2048 : i32
        %add3A_830 = arith.addi %add3A_829, %mul3A_529 : i32
        %get3A_831 = arith.constant 1 : i32
        %get3A_832 = arith.constant 0 : i32
        %get3A_833 = arith.index_cast %get3A_831 : i32 to index
        %get3A_834 = arith.index_cast %get3A_832 : i32 to index
        %get3A_835 = arith.index_cast %add3A_830 : i32 to index
        %get3A_836 = tpu.vector_load %arg6[%get3A_833, %get3A_834, %get3A_835] {strides = array<i32>} : memref<2x8x4096xf32, #tpu.memory_space<vmem>>, vector<1x1x16xf32>,
        %get3A_837 = vector.shape_cast %get3A_836 : vector<1x1x16xf32> to vector<16xf32>
        %mul3A_838 = arith.mulf %get3A_837, %get3A_564 : vector<16xf32>
        %add3A_839 = arith.addf %scan3A_520, %mul3A_838 : vector<16xf32>
        %add3A_840 = arith.constant 2048 : i32
        %add3A_841 = arith.addi %add3A_840, %mul3A_529 : i32
        %get3A_842 = arith.constant 1 : i32
        %get3A_843 = arith.constant 1 : i32
        %get3A_844 = arith.index_cast %get3A_842 : i32 to index
        %get3A_845 = arith.index_cast %get3A_843 : i32 to index
        %get3A_846 = arith.index_cast %add3A_841 : i32 to index
        %get3A_847 = tpu.vector_load %arg6[%get3A_844, %get3A_845, %get3A_846] {strides = array<i32>} : memref<2x8x4096xf32, #tpu.memory_space<vmem>>, vector<1x1x16xf32>,
        %get3A_848 = vector.shape_cast %get3A_847 : vector<1x1x16xf32> to vector<16xf32>
        %mul3A_849 = arith.mulf %get3A_848, %get3A_564 : vector<16xf32>
        %add3A_850 = arith.addf %scan3A_521, %mul3A_849 : vector<16xf32>
        %add3A_851 = arith.constant 2048 : i32
        %add3A_852 = arith.addi %add3A_851, %mul3A_529 : i32
        %get3A_853 = arith.constant 1 : i32
        %get3A_854 = arith.constant 2 : i32
        %get3A_855 = arith.index_cast %get3A_853 : i32 to index
        %get3A_856 = arith.index_cast %get3A_854 : i32 to index
        %get3A_857 = arith.index_cast %add3A_852 : i32 to index
        %get3A_858 = tpu.vector_load %arg6[%get3A_855, %get3A_856, %get3A_857] {strides = array<i32>} : memref<2x8x4096xf32, #tpu.memory_space<vmem>>, vector<1x1x16xf32>,
        %get3A_859 = vector.shape_cast %get3A_858 : vector<1x1x16xf32> to vector<16xf32>
        %mul3A_860 = arith.mulf %get3A_859, %get3A_564 : vector<16xf32>
        %add3A_861 = arith.addf %scan3A_522, %mul3A_860 : vector<16xf32>
        %add3A_862 = arith.constant 2048 : i32
        %add3A_863 = arith.addi %add3A_862, %mul3A_529 : i32
        %get3A_864 = arith.constant 1 : i32
        %get3A_865 = arith.constant 3 : i32
        %get3A_866 = arith.index_cast %get3A_864 : i32 to index
        %get3A_867 = arith.index_cast %get3A_865 : i32 to index
        %get3A_868 = arith.index_cast %add3A_863 : i32 to index
        %get3A_869 = tpu.vector_load %arg6[%get3A_866, %get3A_867, %get3A_868] {strides = array<i32>} : memref<2x8x4096xf32, #tpu.memory_space<vmem>>, vector<1x1x16xf32>,
        %get3A_870 = vector.shape_cast %get3A_869 : vector<1x1x16xf32> to vector<16xf32>
        %mul3A_871 = arith.mulf %get3A_870, %get3A_564 : vector<16xf32>
        %add3A_872 = arith.addf %scan3A_523, %mul3A_871 : vector<16xf32>
        %add3A_873 = arith.constant 2048 : i32
        %add3A_874 = arith.addi %add3A_873, %mul3A_529 : i32
        %get3A_875 = arith.constant 1 : i32
        %get3A_876 = arith.constant 4 : i32
        %get3A_877 = arith.index_cast %get3A_875 : i32 to index
        %get3A_878 = arith.index_cast %get3A_876 : i32 to index
        %get3A_879 = arith.index_cast %add3A_874 : i32 to index
        %get3A_880 = tpu.vector_load %arg6[%get3A_877, %get3A_878, %get3A_879] {strides = array<i32>} : memref<2x8x4096xf32, #tpu.memory_space<vmem>>, vector<1x1x16xf32>,
        %get3A_881 = vector.shape_cast %get3A_880 : vector<1x1x16xf32> to vector<16xf32>
        %mul3A_882 = arith.mulf %get3A_881, %get3A_564 : vector<16xf32>
        %add3A_883 = arith.addf %scan3A_524, %mul3A_882 : vector<16xf32>
        %add3A_884 = arith.constant 2048 : i32
        %add3A_885 = arith.addi %add3A_884, %mul3A_529 : i32
        %get3A_886 = arith.constant 1 : i32
        %get3A_887 = arith.constant 5 : i32
        %get3A_888 = arith.index_cast %get3A_886 : i32 to index
        %get3A_889 = arith.index_cast %get3A_887 : i32 to index
        %get3A_890 = arith.index_cast %add3A_885 : i32 to index
        %get3A_891 = tpu.vector_load %arg6[%get3A_888, %get3A_889, %get3A_890] {strides = array<i32>} : memref<2x8x4096xf32, #tpu.memory_space<vmem>>, vector<1x1x16xf32>,
        %get3A_892 = vector.shape_cast %get3A_891 : vector<1x1x16xf32> to vector<16xf32>
        %mul3A_893 = arith.mulf %get3A_892, %get3A_564 : vector<16xf32>
        %add3A_894 = arith.addf %scan3A_525, %mul3A_893 : vector<16xf32>
        %add3A_895 = arith.constant 2048 : i32
        %add3A_896 = arith.addi %add3A_895, %mul3A_529 : i32
        %get3A_897 = arith.constant 1 : i32
        %get3A_898 = arith.constant 6 : i32
        %get3A_899 = arith.index_cast %get3A_897 : i32 to index
        %get3A_900 = arith.index_cast %get3A_898 : i32 to index
        %get3A_901 = arith.index_cast %add3A_896 : i32 to index
        %get3A_902 = tpu.vector_load %arg6[%get3A_899, %get3A_900, %get3A_901] {strides = array<i32>} : memref<2x8x4096xf32, #tpu.memory_space<vmem>>, vector<1x1x16xf32>,
        %get3A_903 = vector.shape_cast %get3A_902 : vector<1x1x16xf32> to vector<16xf32>
        %mul3A_904 = arith.mulf %get3A_903, %get3A_564 : vector<16xf32>
        %add3A_905 = arith.addf %scan3A_526, %mul3A_904 : vector<16xf32>
        %add3A_906 = arith.constant 2048 : i32
        %add3A_907 = arith.addi %add3A_906, %mul3A_529 : i32
        %get3A_908 = arith.constant 1 : i32
        %get3A_909 = arith.constant 7 : i32
        %get3A_910 = arith.index_cast %get3A_908 : i32 to index
        %get3A_911 = arith.index_cast %get3A_909 : i32 to index
        %get3A_912 = arith.index_cast %add3A_907 : i32 to index
        %get3A_913 = tpu.vector_load %arg6[%get3A_910, %get3A_911, %get3A_912] {strides = array<i32>} : memref<2x8x4096xf32, #tpu.memory_space<vmem>>, vector<1x1x16xf32>,
        %get3A_914 = vector.shape_cast %get3A_913 : vector<1x1x16xf32> to vector<16xf32>
        %mul3A_915 = arith.mulf %get3A_914, %get3A_564 : vector<16xf32>
        %add3A_916 = arith.addf %scan3A_527, %mul3A_915 : vector<16xf32>
        scf.yield %add3A_575, %add3A_586, %add3A_597, %add3A_608, %add3A_619, %add3A_630, %add3A_641, %add3A_652, %add3A_663, %add3A_674, %add3A_685, %add3A_696, %add3A_707, %add3A_718, %add3A_729, %add3A_740, %add3A_751, %add3A_762, %add3A_773, %add3A_784, %add3A_795, %add3A_806, %add3A_817, %add3A_828, %add3A_839, %add3A_850, %add3A_861, %add3A_872, %add3A_883, %add3A_894, %add3A_905, %add3A_916 : vector<16xf32>, vector<16xf32>, vector<16xf32>, vector<16xf32>, vector<16xf32>, vector<16xf32>, vector<16xf32>, vector<16xf32>, vector<16xf32>, vector<16xf32>, vector<16xf32>, vector<16xf32>, vector<16xf32>, vector<16xf32>, vector<16xf32>, vector<16xf32>, vector<16xf32>, vector<16xf32>, vector<16xf32>, vector<16xf32>, vector<16xf32>, vector<16xf32>, vector<16xf32>, vector<16xf32>, vector<16xf32>, vector<16xf32>, vector<16xf32>, vector<16xf32>, vector<16xf32>, vector<16xf32>, vector<16xf32>, vector<16xf32>
      }
      %scan3A_488 = arith.constant 64 : i32
      %scan3A_489 = arith.constant 0 : i32
      %scan3A_490 = arith.constant 64 : i32
      %scan3A_491 = arith.addi %scan3A_489, %scan3A_490 : i32
      %scan3A_492 = arith.constant 1 : i32
      %scan3A_493:32 = scf.for %scan3A_495 = %scan3A_489 to %scan3A_491 step %scan3A_492 iter_args(%scan3A_496 = %scan3A_487#0, %scan3A_497 = %scan3A_487#1, %scan3A_498 = %scan3A_487#2, %scan3A_499 = %scan3A_487#3, %scan3A_500 = %scan3A_487#4, %scan3A_501 = %scan3A_487#5, %scan3A_502 = %scan3A_487#6, %scan3A_503 = %scan3A_487#7, %scan3A_504 = %scan3A_487#8, %scan3A_505 = %scan3A_487#9, %scan3A_506 = %scan3A_487#10, %scan3A_507 = %scan3A_487#11, %scan3A_508 = %scan3A_487#12, %scan3A_509 = %scan3A_487#13, %scan3A_510 = %scan3A_487#14, %scan3A_511 = %scan3A_487#15, %scan3A_512 = %scan3A_487#16, %scan3A_513 = %scan3A_487#17, %scan3A_514 = %scan3A_487#18, %scan3A_515 = %scan3A_487#19, %scan3A_516 = %scan3A_487#20, %scan3A_517 = %scan3A_487#21, %scan3A_518 = %scan3A_487#22, %scan3A_519 = %scan3A_487#23, %scan3A_520 = %scan3A_487#24, %scan3A_521 = %scan3A_487#25, %scan3A_522 = %scan3A_487#26, %scan3A_523 = %scan3A_487#27, %scan3A_524 = %scan3A_487#28, %scan3A_525 = %scan3A_487#29, %scan3A_526 = %scan3A_487#30, %scan3A_527 = %scan3A_487#31) -> (vector<16xf32>, vector<16xf32>, vector<16xf32>, vector<16xf32>, vector<16xf32>, vector<16xf32>, vector<16xf32>, vector<16xf32>, vector<16xf32>, vector<16xf32>, vector<16xf32>, vector<16xf32>, vector<16xf32>, vector<16xf32>, vector<16xf32>, vector<16xf32>, vector<16xf32>, vector<16xf32>, vector<16xf32>, vector<16xf32>, vector<16xf32>, vector<16xf32>, vector<16xf32>, vector<16xf32>, vector<16xf32>, vector<16xf32>, vector<16xf32>, vector<16xf32>, vector<16xf32>, vector<16xf32>, vector<16xf32>, vector<16xf32>)  : i32 {
        %mul3A_528 = arith.constant 16 : i32
        %mul3A_529 = arith.muli %scan3A_495, %mul3A_528 : i32
        %get3A = arith.constant 1 : i32
        %get3A_530 = arith.constant 0 : i32
        %get3A_531 = arith.constant 3 : i32
        %get3A_532 = arith.index_cast %get3A : i32 to index
        %get3A_533 = arith.index_cast %get3A_530 : i32 to index
        %get3A_534 = arith.index_cast %get3A_531 : i32 to index
        %get3A_535 = arith.index_cast %mul3A_529 : i32 to index
        %get3A_536 = tpu.vector_load %arg5[%get3A_532, %get3A_533, %get3A_534, %get3A_535] {strides = array<i32>} : memref<2x4x4x1024xf32, #tpu.memory_space<vmem>>, vector<1x1x1x16xf32>,
        %get3A_537 = vector.shape_cast %get3A_536 : vector<1x1x1x16xf32> to vector<16xf32>
        %get3A_538 = arith.constant 1 : i32
        %get3A_539 = arith.constant 1 : i32
        %get3A_540 = arith.constant 3 : i32
        %get3A_541 = arith.index_cast %get3A_538 : i32 to index
        %get3A_542 = arith.index_cast %get3A_539 : i32 to index
        %get3A_543 = arith.index_cast %get3A_540 : i32 to index
        %get3A_544 = arith.index_cast %mul3A_529 : i32 to index
        %get3A_545 = tpu.vector_load %arg5[%get3A_541, %get3A_542, %get3A_543, %get3A_544] {strides = array<i32>} : memref<2x4x4x1024xf32, #tpu.memory_space<vmem>>, vector<1x1x1x16xf32>,
        %get3A_546 = vector.shape_cast %get3A_545 : vector<1x1x1x16xf32> to vector<16xf32>
        %get3A_547 = arith.constant 1 : i32
        %get3A_548 = arith.constant 2 : i32
        %get3A_549 = arith.constant 3 : i32
        %get3A_550 = arith.index_cast %get3A_547 : i32 to index
        %get3A_551 = arith.index_cast %get3A_548 : i32 to index
        %get3A_552 = arith.index_cast %get3A_549 : i32 to index
        %get3A_553 = arith.index_cast %mul3A_529 : i32 to index
        %get3A_554 = tpu.vector_load %arg5[%get3A_550, %get3A_551, %get3A_552, %get3A_553] {strides = array<i32>} : memref<2x4x4x1024xf32, #tpu.memory_space<vmem>>, vector<1x1x1x16xf32>,
        %get3A_555 = vector.shape_cast %get3A_554 : vector<1x1x1x16xf32> to vector<16xf32>
        %get3A_556 = arith.constant 1 : i32
        %get3A_557 = arith.constant 3 : i32
        %get3A_558 = arith.constant 3 : i32
        %get3A_559 = arith.index_cast %get3A_556 : i32 to index
        %get3A_560 = arith.index_cast %get3A_557 : i32 to index
        %get3A_561 = arith.index_cast %get3A_558 : i32 to index
        %get3A_562 = arith.index_cast %mul3A_529 : i32 to index
        %get3A_563 = tpu.vector_load %arg5[%get3A_559, %get3A_560, %get3A_561, %get3A_562] {strides = array<i32>} : memref<2x4x4x1024xf32, #tpu.memory_space<vmem>>, vector<1x1x1x16xf32>,
        %get3A_564 = vector.shape_cast %get3A_563 : vector<1x1x1x16xf32> to vector<16xf32>
        %add3A_565 = arith.constant 3072 : i32
        %add3A_566 = arith.addi %add3A_565, %mul3A_529 : i32
        %get3A_567 = arith.constant 1 : i32
        %get3A_568 = arith.constant 0 : i32
        %get3A_569 = arith.index_cast %get3A_567 : i32 to index
        %get3A_570 = arith.index_cast %get3A_568 : i32 to index
        %get3A_571 = arith.index_cast %add3A_566 : i32 to index
        %get3A_572 = tpu.vector_load %arg6[%get3A_569, %get3A_570, %get3A_571] {strides = array<i32>} : memref<2x8x4096xf32, #tpu.memory_space<vmem>>, vector<1x1x16xf32>,
        %get3A_573 = vector.shape_cast %get3A_572 : vector<1x1x16xf32> to vector<16xf32>
        %mul3A_574 = arith.mulf %get3A_573, %get3A_537 : vector<16xf32>
        %add3A_575 = arith.addf %scan3A_496, %mul3A_574 : vector<16xf32>
        %add3A_576 = arith.constant 3072 : i32
        %add3A_577 = arith.addi %add3A_576, %mul3A_529 : i32
        %get3A_578 = arith.constant 1 : i32
        %get3A_579 = arith.constant 1 : i32
        %get3A_580 = arith.index_cast %get3A_578 : i32 to index
        %get3A_581 = arith.index_cast %get3A_579 : i32 to index
        %get3A_582 = arith.index_cast %add3A_577 : i32 to index
        %get3A_583 = tpu.vector_load %arg6[%get3A_580, %get3A_581, %get3A_582] {strides = array<i32>} : memref<2x8x4096xf32, #tpu.memory_space<vmem>>, vector<1x1x16xf32>,
        %get3A_584 = vector.shape_cast %get3A_583 : vector<1x1x16xf32> to vector<16xf32>
        %mul3A_585 = arith.mulf %get3A_584, %get3A_537 : vector<16xf32>
        %add3A_586 = arith.addf %scan3A_497, %mul3A_585 : vector<16xf32>
        %add3A_587 = arith.constant 3072 : i32
        %add3A_588 = arith.addi %add3A_587, %mul3A_529 : i32
        %get3A_589 = arith.constant 1 : i32
        %get3A_590 = arith.constant 2 : i32
        %get3A_591 = arith.index_cast %get3A_589 : i32 to index
        %get3A_592 = arith.index_cast %get3A_590 : i32 to index
        %get3A_593 = arith.index_cast %add3A_588 : i32 to index
        %get3A_594 = tpu.vector_load %arg6[%get3A_591, %get3A_592, %get3A_593] {strides = array<i32>} : memref<2x8x4096xf32, #tpu.memory_space<vmem>>, vector<1x1x16xf32>,
        %get3A_595 = vector.shape_cast %get3A_594 : vector<1x1x16xf32> to vector<16xf32>
        %mul3A_596 = arith.mulf %get3A_595, %get3A_537 : vector<16xf32>
        %add3A_597 = arith.addf %scan3A_498, %mul3A_596 : vector<16xf32>
        %add3A_598 = arith.constant 3072 : i32
        %add3A_599 = arith.addi %add3A_598, %mul3A_529 : i32
        %get3A_600 = arith.constant 1 : i32
        %get3A_601 = arith.constant 3 : i32
        %get3A_602 = arith.index_cast %get3A_600 : i32 to index
        %get3A_603 = arith.index_cast %get3A_601 : i32 to index
        %get3A_604 = arith.index_cast %add3A_599 : i32 to index
        %get3A_605 = tpu.vector_load %arg6[%get3A_602, %get3A_603, %get3A_604] {strides = array<i32>} : memref<2x8x4096xf32, #tpu.memory_space<vmem>>, vector<1x1x16xf32>,
        %get3A_606 = vector.shape_cast %get3A_605 : vector<1x1x16xf32> to vector<16xf32>
        %mul3A_607 = arith.mulf %get3A_606, %get3A_537 : vector<16xf32>
        %add3A_608 = arith.addf %scan3A_499, %mul3A_607 : vector<16xf32>
        %add3A_609 = arith.constant 3072 : i32
        %add3A_610 = arith.addi %add3A_609, %mul3A_529 : i32
        %get3A_611 = arith.constant 1 : i32
        %get3A_612 = arith.constant 4 : i32
        %get3A_613 = arith.index_cast %get3A_611 : i32 to index
        %get3A_614 = arith.index_cast %get3A_612 : i32 to index
        %get3A_615 = arith.index_cast %add3A_610 : i32 to index
        %get3A_616 = tpu.vector_load %arg6[%get3A_613, %get3A_614, %get3A_615] {strides = array<i32>} : memref<2x8x4096xf32, #tpu.memory_space<vmem>>, vector<1x1x16xf32>,
        %get3A_617 = vector.shape_cast %get3A_616 : vector<1x1x16xf32> to vector<16xf32>
        %mul3A_618 = arith.mulf %get3A_617, %get3A_537 : vector<16xf32>
        %add3A_619 = arith.addf %scan3A_500, %mul3A_618 : vector<16xf32>
        %add3A_620 = arith.constant 3072 : i32
        %add3A_621 = arith.addi %add3A_620, %mul3A_529 : i32
        %get3A_622 = arith.constant 1 : i32
        %get3A_623 = arith.constant 5 : i32
        %get3A_624 = arith.index_cast %get3A_622 : i32 to index
        %get3A_625 = arith.index_cast %get3A_623 : i32 to index
        %get3A_626 = arith.index_cast %add3A_621 : i32 to index
        %get3A_627 = tpu.vector_load %arg6[%get3A_624, %get3A_625, %get3A_626] {strides = array<i32>} : memref<2x8x4096xf32, #tpu.memory_space<vmem>>, vector<1x1x16xf32>,
        %get3A_628 = vector.shape_cast %get3A_627 : vector<1x1x16xf32> to vector<16xf32>
        %mul3A_629 = arith.mulf %get3A_628, %get3A_537 : vector<16xf32>
        %add3A_630 = arith.addf %scan3A_501, %mul3A_629 : vector<16xf32>
        %add3A_631 = arith.constant 3072 : i32
        %add3A_632 = arith.addi %add3A_631, %mul3A_529 : i32
        %get3A_633 = arith.constant 1 : i32
        %get3A_634 = arith.constant 6 : i32
        %get3A_635 = arith.index_cast %get3A_633 : i32 to index
        %get3A_636 = arith.index_cast %get3A_634 : i32 to index
        %get3A_637 = arith.index_cast %add3A_632 : i32 to index
        %get3A_638 = tpu.vector_load %arg6[%get3A_635, %get3A_636, %get3A_637] {strides = array<i32>} : memref<2x8x4096xf32, #tpu.memory_space<vmem>>, vector<1x1x16xf32>,
        %get3A_639 = vector.shape_cast %get3A_638 : vector<1x1x16xf32> to vector<16xf32>
        %mul3A_640 = arith.mulf %get3A_639, %get3A_537 : vector<16xf32>
        %add3A_641 = arith.addf %scan3A_502, %mul3A_640 : vector<16xf32>
        %add3A_642 = arith.constant 3072 : i32
        %add3A_643 = arith.addi %add3A_642, %mul3A_529 : i32
        %get3A_644 = arith.constant 1 : i32
        %get3A_645 = arith.constant 7 : i32
        %get3A_646 = arith.index_cast %get3A_644 : i32 to index
        %get3A_647 = arith.index_cast %get3A_645 : i32 to index
        %get3A_648 = arith.index_cast %add3A_643 : i32 to index
        %get3A_649 = tpu.vector_load %arg6[%get3A_646, %get3A_647, %get3A_648] {strides = array<i32>} : memref<2x8x4096xf32, #tpu.memory_space<vmem>>, vector<1x1x16xf32>,
        %get3A_650 = vector.shape_cast %get3A_649 : vector<1x1x16xf32> to vector<16xf32>
        %mul3A_651 = arith.mulf %get3A_650, %get3A_537 : vector<16xf32>
        %add3A_652 = arith.addf %scan3A_503, %mul3A_651 : vector<16xf32>
        %add3A_653 = arith.constant 3072 : i32
        %add3A_654 = arith.addi %add3A_653, %mul3A_529 : i32
        %get3A_655 = arith.constant 1 : i32
        %get3A_656 = arith.constant 0 : i32
        %get3A_657 = arith.index_cast %get3A_655 : i32 to index
        %get3A_658 = arith.index_cast %get3A_656 : i32 to index
        %get3A_659 = arith.index_cast %add3A_654 : i32 to index
        %get3A_660 = tpu.vector_load %arg6[%get3A_657, %get3A_658, %get3A_659] {strides = array<i32>} : memref<2x8x4096xf32, #tpu.memory_space<vmem>>, vector<1x1x16xf32>,
        %get3A_661 = vector.shape_cast %get3A_660 : vector<1x1x16xf32> to vector<16xf32>
        %mul3A_662 = arith.mulf %get3A_661, %get3A_546 : vector<16xf32>
        %add3A_663 = arith.addf %scan3A_504, %mul3A_662 : vector<16xf32>
        %add3A_664 = arith.constant 3072 : i32
        %add3A_665 = arith.addi %add3A_664, %mul3A_529 : i32
        %get3A_666 = arith.constant 1 : i32
        %get3A_667 = arith.constant 1 : i32
        %get3A_668 = arith.index_cast %get3A_666 : i32 to index
        %get3A_669 = arith.index_cast %get3A_667 : i32 to index
        %get3A_670 = arith.index_cast %add3A_665 : i32 to index
        %get3A_671 = tpu.vector_load %arg6[%get3A_668, %get3A_669, %get3A_670] {strides = array<i32>} : memref<2x8x4096xf32, #tpu.memory_space<vmem>>, vector<1x1x16xf32>,
        %get3A_672 = vector.shape_cast %get3A_671 : vector<1x1x16xf32> to vector<16xf32>
        %mul3A_673 = arith.mulf %get3A_672, %get3A_546 : vector<16xf32>
        %add3A_674 = arith.addf %scan3A_505, %mul3A_673 : vector<16xf32>
        %add3A_675 = arith.constant 3072 : i32
        %add3A_676 = arith.addi %add3A_675, %mul3A_529 : i32
        %get3A_677 = arith.constant 1 : i32
        %get3A_678 = arith.constant 2 : i32
        %get3A_679 = arith.index_cast %get3A_677 : i32 to index
        %get3A_680 = arith.index_cast %get3A_678 : i32 to index
        %get3A_681 = arith.index_cast %add3A_676 : i32 to index
        %get3A_682 = tpu.vector_load %arg6[%get3A_679, %get3A_680, %get3A_681] {strides = array<i32>} : memref<2x8x4096xf32, #tpu.memory_space<vmem>>, vector<1x1x16xf32>,
        %get3A_683 = vector.shape_cast %get3A_682 : vector<1x1x16xf32> to vector<16xf32>
        %mul3A_684 = arith.mulf %get3A_683, %get3A_546 : vector<16xf32>
        %add3A_685 = arith.addf %scan3A_506, %mul3A_684 : vector<16xf32>
        %add3A_686 = arith.constant 3072 : i32
        %add3A_687 = arith.addi %add3A_686, %mul3A_529 : i32
        %get3A_688 = arith.constant 1 : i32
        %get3A_689 = arith.constant 3 : i32
        %get3A_690 = arith.index_cast %get3A_688 : i32 to index
        %get3A_691 = arith.index_cast %get3A_689 : i32 to index
        %get3A_692 = arith.index_cast %add3A_687 : i32 to index
        %get3A_693 = tpu.vector_load %arg6[%get3A_690, %get3A_691, %get3A_692] {strides = array<i32>} : memref<2x8x4096xf32, #tpu.memory_space<vmem>>, vector<1x1x16xf32>,
        %get3A_694 = vector.shape_cast %get3A_693 : vector<1x1x16xf32> to vector<16xf32>
        %mul3A_695 = arith.mulf %get3A_694, %get3A_546 : vector<16xf32>
        %add3A_696 = arith.addf %scan3A_507, %mul3A_695 : vector<16xf32>
        %add3A_697 = arith.constant 3072 : i32
        %add3A_698 = arith.addi %add3A_697, %mul3A_529 : i32
        %get3A_699 = arith.constant 1 : i32
        %get3A_700 = arith.constant 4 : i32
        %get3A_701 = arith.index_cast %get3A_699 : i32 to index
        %get3A_702 = arith.index_cast %get3A_700 : i32 to index
        %get3A_703 = arith.index_cast %add3A_698 : i32 to index
        %get3A_704 = tpu.vector_load %arg6[%get3A_701, %get3A_702, %get3A_703] {strides = array<i32>} : memref<2x8x4096xf32, #tpu.memory_space<vmem>>, vector<1x1x16xf32>,
        %get3A_705 = vector.shape_cast %get3A_704 : vector<1x1x16xf32> to vector<16xf32>
        %mul3A_706 = arith.mulf %get3A_705, %get3A_546 : vector<16xf32>
        %add3A_707 = arith.addf %scan3A_508, %mul3A_706 : vector<16xf32>
        %add3A_708 = arith.constant 3072 : i32
        %add3A_709 = arith.addi %add3A_708, %mul3A_529 : i32
        %get3A_710 = arith.constant 1 : i32
        %get3A_711 = arith.constant 5 : i32
        %get3A_712 = arith.index_cast %get3A_710 : i32 to index
        %get3A_713 = arith.index_cast %get3A_711 : i32 to index
        %get3A_714 = arith.index_cast %add3A_709 : i32 to index
        %get3A_715 = tpu.vector_load %arg6[%get3A_712, %get3A_713, %get3A_714] {strides = array<i32>} : memref<2x8x4096xf32, #tpu.memory_space<vmem>>, vector<1x1x16xf32>,
        %get3A_716 = vector.shape_cast %get3A_715 : vector<1x1x16xf32> to vector<16xf32>
        %mul3A_717 = arith.mulf %get3A_716, %get3A_546 : vector<16xf32>
        %add3A_718 = arith.addf %scan3A_509, %mul3A_717 : vector<16xf32>
        %add3A_719 = arith.constant 3072 : i32
        %add3A_720 = arith.addi %add3A_719, %mul3A_529 : i32
        %get3A_721 = arith.constant 1 : i32
        %get3A_722 = arith.constant 6 : i32
        %get3A_723 = arith.index_cast %get3A_721 : i32 to index
        %get3A_724 = arith.index_cast %get3A_722 : i32 to index
        %get3A_725 = arith.index_cast %add3A_720 : i32 to index
        %get3A_726 = tpu.vector_load %arg6[%get3A_723, %get3A_724, %get3A_725] {strides = array<i32>} : memref<2x8x4096xf32, #tpu.memory_space<vmem>>, vector<1x1x16xf32>,
        %get3A_727 = vector.shape_cast %get3A_726 : vector<1x1x16xf32> to vector<16xf32>
        %mul3A_728 = arith.mulf %get3A_727, %get3A_546 : vector<16xf32>
        %add3A_729 = arith.addf %scan3A_510, %mul3A_728 : vector<16xf32>
        %add3A_730 = arith.constant 3072 : i32
        %add3A_731 = arith.addi %add3A_730, %mul3A_529 : i32
        %get3A_732 = arith.constant 1 : i32
        %get3A_733 = arith.constant 7 : i32
        %get3A_734 = arith.index_cast %get3A_732 : i32 to index
        %get3A_735 = arith.index_cast %get3A_733 : i32 to index
        %get3A_736 = arith.index_cast %add3A_731 : i32 to index
        %get3A_737 = tpu.vector_load %arg6[%get3A_734, %get3A_735, %get3A_736] {strides = array<i32>} : memref<2x8x4096xf32, #tpu.memory_space<vmem>>, vector<1x1x16xf32>,
        %get3A_738 = vector.shape_cast %get3A_737 : vector<1x1x16xf32> to vector<16xf32>
        %mul3A_739 = arith.mulf %get3A_738, %get3A_546 : vector<16xf32>
        %add3A_740 = arith.addf %scan3A_511, %mul3A_739 : vector<16xf32>
        %add3A_741 = arith.constant 3072 : i32
        %add3A_742 = arith.addi %add3A_741, %mul3A_529 : i32
        %get3A_743 = arith.constant 1 : i32
        %get3A_744 = arith.constant 0 : i32
        %get3A_745 = arith.index_cast %get3A_743 : i32 to index
        %get3A_746 = arith.index_cast %get3A_744 : i32 to index
        %get3A_747 = arith.index_cast %add3A_742 : i32 to index
        %get3A_748 = tpu.vector_load %arg6[%get3A_745, %get3A_746, %get3A_747] {strides = array<i32>} : memref<2x8x4096xf32, #tpu.memory_space<vmem>>, vector<1x1x16xf32>,
        %get3A_749 = vector.shape_cast %get3A_748 : vector<1x1x16xf32> to vector<16xf32>
        %mul3A_750 = arith.mulf %get3A_749, %get3A_555 : vector<16xf32>
        %add3A_751 = arith.addf %scan3A_512, %mul3A_750 : vector<16xf32>
        %add3A_752 = arith.constant 3072 : i32
        %add3A_753 = arith.addi %add3A_752, %mul3A_529 : i32
        %get3A_754 = arith.constant 1 : i32
        %get3A_755 = arith.constant 1 : i32
        %get3A_756 = arith.index_cast %get3A_754 : i32 to index
        %get3A_757 = arith.index_cast %get3A_755 : i32 to index
        %get3A_758 = arith.index_cast %add3A_753 : i32 to index
        %get3A_759 = tpu.vector_load %arg6[%get3A_756, %get3A_757, %get3A_758] {strides = array<i32>} : memref<2x8x4096xf32, #tpu.memory_space<vmem>>, vector<1x1x16xf32>,
        %get3A_760 = vector.shape_cast %get3A_759 : vector<1x1x16xf32> to vector<16xf32>
        %mul3A_761 = arith.mulf %get3A_760, %get3A_555 : vector<16xf32>
        %add3A_762 = arith.addf %scan3A_513, %mul3A_761 : vector<16xf32>
        %add3A_763 = arith.constant 3072 : i32
        %add3A_764 = arith.addi %add3A_763, %mul3A_529 : i32
        %get3A_765 = arith.constant 1 : i32
        %get3A_766 = arith.constant 2 : i32
        %get3A_767 = arith.index_cast %get3A_765 : i32 to index
        %get3A_768 = arith.index_cast %get3A_766 : i32 to index
        %get3A_769 = arith.index_cast %add3A_764 : i32 to index
        %get3A_770 = tpu.vector_load %arg6[%get3A_767, %get3A_768, %get3A_769] {strides = array<i32>} : memref<2x8x4096xf32, #tpu.memory_space<vmem>>, vector<1x1x16xf32>,
        %get3A_771 = vector.shape_cast %get3A_770 : vector<1x1x16xf32> to vector<16xf32>
        %mul3A_772 = arith.mulf %get3A_771, %get3A_555 : vector<16xf32>
        %add3A_773 = arith.addf %scan3A_514, %mul3A_772 : vector<16xf32>
        %add3A_774 = arith.constant 3072 : i32
        %add3A_775 = arith.addi %add3A_774, %mul3A_529 : i32
        %get3A_776 = arith.constant 1 : i32
        %get3A_777 = arith.constant 3 : i32
        %get3A_778 = arith.index_cast %get3A_776 : i32 to index
        %get3A_779 = arith.index_cast %get3A_777 : i32 to index
        %get3A_780 = arith.index_cast %add3A_775 : i32 to index
        %get3A_781 = tpu.vector_load %arg6[%get3A_778, %get3A_779, %get3A_780] {strides = array<i32>} : memref<2x8x4096xf32, #tpu.memory_space<vmem>>, vector<1x1x16xf32>,
        %get3A_782 = vector.shape_cast %get3A_781 : vector<1x1x16xf32> to vector<16xf32>
        %mul3A_783 = arith.mulf %get3A_782, %get3A_555 : vector<16xf32>
        %add3A_784 = arith.addf %scan3A_515, %mul3A_783 : vector<16xf32>
        %add3A_785 = arith.constant 3072 : i32
        %add3A_786 = arith.addi %add3A_785, %mul3A_529 : i32
        %get3A_787 = arith.constant 1 : i32
        %get3A_788 = arith.constant 4 : i32
        %get3A_789 = arith.index_cast %get3A_787 : i32 to index
        %get3A_790 = arith.index_cast %get3A_788 : i32 to index
        %get3A_791 = arith.index_cast %add3A_786 : i32 to index
        %get3A_792 = tpu.vector_load %arg6[%get3A_789, %get3A_790, %get3A_791] {strides = array<i32>} : memref<2x8x4096xf32, #tpu.memory_space<vmem>>, vector<1x1x16xf32>,
        %get3A_793 = vector.shape_cast %get3A_792 : vector<1x1x16xf32> to vector<16xf32>
        %mul3A_794 = arith.mulf %get3A_793, %get3A_555 : vector<16xf32>
        %add3A_795 = arith.addf %scan3A_516, %mul3A_794 : vector<16xf32>
        %add3A_796 = arith.constant 3072 : i32
        %add3A_797 = arith.addi %add3A_796, %mul3A_529 : i32
        %get3A_798 = arith.constant 1 : i32
        %get3A_799 = arith.constant 5 : i32
        %get3A_800 = arith.index_cast %get3A_798 : i32 to index
        %get3A_801 = arith.index_cast %get3A_799 : i32 to index
        %get3A_802 = arith.index_cast %add3A_797 : i32 to index
        %get3A_803 = tpu.vector_load %arg6[%get3A_800, %get3A_801, %get3A_802] {strides = array<i32>} : memref<2x8x4096xf32, #tpu.memory_space<vmem>>, vector<1x1x16xf32>,
        %get3A_804 = vector.shape_cast %get3A_803 : vector<1x1x16xf32> to vector<16xf32>
        %mul3A_805 = arith.mulf %get3A_804, %get3A_555 : vector<16xf32>
        %add3A_806 = arith.addf %scan3A_517, %mul3A_805 : vector<16xf32>
        %add3A_807 = arith.constant 3072 : i32
        %add3A_808 = arith.addi %add3A_807, %mul3A_529 : i32
        %get3A_809 = arith.constant 1 : i32
        %get3A_810 = arith.constant 6 : i32
        %get3A_811 = arith.index_cast %get3A_809 : i32 to index
        %get3A_812 = arith.index_cast %get3A_810 : i32 to index
        %get3A_813 = arith.index_cast %add3A_808 : i32 to index
        %get3A_814 = tpu.vector_load %arg6[%get3A_811, %get3A_812, %get3A_813] {strides = array<i32>} : memref<2x8x4096xf32, #tpu.memory_space<vmem>>, vector<1x1x16xf32>,
        %get3A_815 = vector.shape_cast %get3A_814 : vector<1x1x16xf32> to vector<16xf32>
        %mul3A_816 = arith.mulf %get3A_815, %get3A_555 : vector<16xf32>
        %add3A_817 = arith.addf %scan3A_518, %mul3A_816 : vector<16xf32>
        %add3A_818 = arith.constant 3072 : i32
        %add3A_819 = arith.addi %add3A_818, %mul3A_529 : i32
        %get3A_820 = arith.constant 1 : i32
        %get3A_821 = arith.constant 7 : i32
        %get3A_822 = arith.index_cast %get3A_820 : i32 to index
        %get3A_823 = arith.index_cast %get3A_821 : i32 to index
        %get3A_824 = arith.index_cast %add3A_819 : i32 to index
        %get3A_825 = tpu.vector_load %arg6[%get3A_822, %get3A_823, %get3A_824] {strides = array<i32>} : memref<2x8x4096xf32, #tpu.memory_space<vmem>>, vector<1x1x16xf32>,
        %get3A_826 = vector.shape_cast %get3A_825 : vector<1x1x16xf32> to vector<16xf32>
        %mul3A_827 = arith.mulf %get3A_826, %get3A_555 : vector<16xf32>
        %add3A_828 = arith.addf %scan3A_519, %mul3A_827 : vector<16xf32>
        %add3A_829 = arith.constant 3072 : i32
        %add3A_830 = arith.addi %add3A_829, %mul3A_529 : i32
        %get3A_831 = arith.constant 1 : i32
        %get3A_832 = arith.constant 0 : i32
        %get3A_833 = arith.index_cast %get3A_831 : i32 to index
        %get3A_834 = arith.index_cast %get3A_832 : i32 to index
        %get3A_835 = arith.index_cast %add3A_830 : i32 to index
        %get3A_836 = tpu.vector_load %arg6[%get3A_833, %get3A_834, %get3A_835] {strides = array<i32>} : memref<2x8x4096xf32, #tpu.memory_space<vmem>>, vector<1x1x16xf32>,
        %get3A_837 = vector.shape_cast %get3A_836 : vector<1x1x16xf32> to vector<16xf32>
        %mul3A_838 = arith.mulf %get3A_837, %get3A_564 : vector<16xf32>
        %add3A_839 = arith.addf %scan3A_520, %mul3A_838 : vector<16xf32>
        %add3A_840 = arith.constant 3072 : i32
        %add3A_841 = arith.addi %add3A_840, %mul3A_529 : i32
        %get3A_842 = arith.constant 1 : i32
        %get3A_843 = arith.constant 1 : i32
        %get3A_844 = arith.index_cast %get3A_842 : i32 to index
        %get3A_845 = arith.index_cast %get3A_843 : i32 to index
        %get3A_846 = arith.index_cast %add3A_841 : i32 to index
        %get3A_847 = tpu.vector_load %arg6[%get3A_844, %get3A_845, %get3A_846] {strides = array<i32>} : memref<2x8x4096xf32, #tpu.memory_space<vmem>>, vector<1x1x16xf32>,
        %get3A_848 = vector.shape_cast %get3A_847 : vector<1x1x16xf32> to vector<16xf32>
        %mul3A_849 = arith.mulf %get3A_848, %get3A_564 : vector<16xf32>
        %add3A_850 = arith.addf %scan3A_521, %mul3A_849 : vector<16xf32>
        %add3A_851 = arith.constant 3072 : i32
        %add3A_852 = arith.addi %add3A_851, %mul3A_529 : i32
        %get3A_853 = arith.constant 1 : i32
        %get3A_854 = arith.constant 2 : i32
        %get3A_855 = arith.index_cast %get3A_853 : i32 to index
        %get3A_856 = arith.index_cast %get3A_854 : i32 to index
        %get3A_857 = arith.index_cast %add3A_852 : i32 to index
        %get3A_858 = tpu.vector_load %arg6[%get3A_855, %get3A_856, %get3A_857] {strides = array<i32>} : memref<2x8x4096xf32, #tpu.memory_space<vmem>>, vector<1x1x16xf32>,
        %get3A_859 = vector.shape_cast %get3A_858 : vector<1x1x16xf32> to vector<16xf32>
        %mul3A_860 = arith.mulf %get3A_859, %get3A_564 : vector<16xf32>
        %add3A_861 = arith.addf %scan3A_522, %mul3A_860 : vector<16xf32>
        %add3A_862 = arith.constant 3072 : i32
        %add3A_863 = arith.addi %add3A_862, %mul3A_529 : i32
        %get3A_864 = arith.constant 1 : i32
        %get3A_865 = arith.constant 3 : i32
        %get3A_866 = arith.index_cast %get3A_864 : i32 to index
        %get3A_867 = arith.index_cast %get3A_865 : i32 to index
        %get3A_868 = arith.index_cast %add3A_863 : i32 to index
        %get3A_869 = tpu.vector_load %arg6[%get3A_866, %get3A_867, %get3A_868] {strides = array<i32>} : memref<2x8x4096xf32, #tpu.memory_space<vmem>>, vector<1x1x16xf32>,
        %get3A_870 = vector.shape_cast %get3A_869 : vector<1x1x16xf32> to vector<16xf32>
        %mul3A_871 = arith.mulf %get3A_870, %get3A_564 : vector<16xf32>
        %add3A_872 = arith.addf %scan3A_523, %mul3A_871 : vector<16xf32>
        %add3A_873 = arith.constant 3072 : i32
        %add3A_874 = arith.addi %add3A_873, %mul3A_529 : i32
        %get3A_875 = arith.constant 1 : i32
        %get3A_876 = arith.constant 4 : i32
        %get3A_877 = arith.index_cast %get3A_875 : i32 to index
        %get3A_878 = arith.index_cast %get3A_876 : i32 to index
        %get3A_879 = arith.index_cast %add3A_874 : i32 to index
        %get3A_880 = tpu.vector_load %arg6[%get3A_877, %get3A_878, %get3A_879] {strides = array<i32>} : memref<2x8x4096xf32, #tpu.memory_space<vmem>>, vector<1x1x16xf32>,
        %get3A_881 = vector.shape_cast %get3A_880 : vector<1x1x16xf32> to vector<16xf32>
        %mul3A_882 = arith.mulf %get3A_881, %get3A_564 : vector<16xf32>
        %add3A_883 = arith.addf %scan3A_524, %mul3A_882 : vector<16xf32>
        %add3A_884 = arith.constant 3072 : i32
        %add3A_885 = arith.addi %add3A_884, %mul3A_529 : i32
        %get3A_886 = arith.constant 1 : i32
        %get3A_887 = arith.constant 5 : i32
        %get3A_888 = arith.index_cast %get3A_886 : i32 to index
        %get3A_889 = arith.index_cast %get3A_887 : i32 to index
        %get3A_890 = arith.index_cast %add3A_885 : i32 to index
        %get3A_891 = tpu.vector_load %arg6[%get3A_888, %get3A_889, %get3A_890] {strides = array<i32>} : memref<2x8x4096xf32, #tpu.memory_space<vmem>>, vector<1x1x16xf32>,
        %get3A_892 = vector.shape_cast %get3A_891 : vector<1x1x16xf32> to vector<16xf32>
        %mul3A_893 = arith.mulf %get3A_892, %get3A_564 : vector<16xf32>
        %add3A_894 = arith.addf %scan3A_525, %mul3A_893 : vector<16xf32>
        %add3A_895 = arith.constant 3072 : i32
        %add3A_896 = arith.addi %add3A_895, %mul3A_529 : i32
        %get3A_897 = arith.constant 1 : i32
        %get3A_898 = arith.constant 6 : i32
        %get3A_899 = arith.index_cast %get3A_897 : i32 to index
        %get3A_900 = arith.index_cast %get3A_898 : i32 to index
        %get3A_901 = arith.index_cast %add3A_896 : i32 to index
        %get3A_902 = tpu.vector_load %arg6[%get3A_899, %get3A_900, %get3A_901] {strides = array<i32>} : memref<2x8x4096xf32, #tpu.memory_space<vmem>>, vector<1x1x16xf32>,
        %get3A_903 = vector.shape_cast %get3A_902 : vector<1x1x16xf32> to vector<16xf32>
        %mul3A_904 = arith.mulf %get3A_903, %get3A_564 : vector<16xf32>
        %add3A_905 = arith.addf %scan3A_526, %mul3A_904 : vector<16xf32>
        %add3A_906 = arith.constant 3072 : i32
        %add3A_907 = arith.addi %add3A_906, %mul3A_529 : i32
        %get3A_908 = arith.constant 1 : i32
        %get3A_909 = arith.constant 7 : i32
        %get3A_910 = arith.index_cast %get3A_908 : i32 to index
        %get3A_911 = arith.index_cast %get3A_909 : i32 to index
        %get3A_912 = arith.index_cast %add3A_907 : i32 to index
        %get3A_913 = tpu.vector_load %arg6[%get3A_910, %get3A_911, %get3A_912] {strides = array<i32>} : memref<2x8x4096xf32, #tpu.memory_space<vmem>>, vector<1x1x16xf32>,
        %get3A_914 = vector.shape_cast %get3A_913 : vector<1x1x16xf32> to vector<16xf32>
        %mul3A_915 = arith.mulf %get3A_914, %get3A_564 : vector<16xf32>
        %add3A_916 = arith.addf %scan3A_527, %mul3A_915 : vector<16xf32>
        scf.yield %add3A_575, %add3A_586, %add3A_597, %add3A_608, %add3A_619, %add3A_630, %add3A_641, %add3A_652, %add3A_663, %add3A_674, %add3A_685, %add3A_696, %add3A_707, %add3A_718, %add3A_729, %add3A_740, %add3A_751, %add3A_762, %add3A_773, %add3A_784, %add3A_795, %add3A_806, %add3A_817, %add3A_828, %add3A_839, %add3A_850, %add3A_861, %add3A_872, %add3A_883, %add3A_894, %add3A_905, %add3A_916 : vector<16xf32>, vector<16xf32>, vector<16xf32>, vector<16xf32>, vector<16xf32>, vector<16xf32>, vector<16xf32>, vector<16xf32>, vector<16xf32>, vector<16xf32>, vector<16xf32>, vector<16xf32>, vector<16xf32>, vector<16xf32>, vector<16xf32>, vector<16xf32>, vector<16xf32>, vector<16xf32>, vector<16xf32>, vector<16xf32>, vector<16xf32>, vector<16xf32>, vector<16xf32>, vector<16xf32>, vector<16xf32>, vector<16xf32>, vector<16xf32>, vector<16xf32>, vector<16xf32>, vector<16xf32>, vector<16xf32>, vector<16xf32>
      }
      %scan3A_494 = arith.constant 64 : i32
      scf.yield %scan3A_493#0, %scan3A_493#1, %scan3A_493#2, %scan3A_493#3, %scan3A_493#4, %scan3A_493#5, %scan3A_493#6, %scan3A_493#7, %scan3A_493#8, %scan3A_493#9, %scan3A_493#10, %scan3A_493#11, %scan3A_493#12, %scan3A_493#13, %scan3A_493#14, %scan3A_493#15, %scan3A_493#16, %scan3A_493#17, %scan3A_493#18, %scan3A_493#19, %scan3A_493#20, %scan3A_493#21, %scan3A_493#22, %scan3A_493#23, %scan3A_493#24, %scan3A_493#25, %scan3A_493#26, %scan3A_493#27, %scan3A_493#28, %scan3A_493#29, %scan3A_493#30, %scan3A_493#31 : vector<16xf32>, vector<16xf32>, vector<16xf32>, vector<16xf32>, vector<16xf32>, vector<16xf32>, vector<16xf32>, vector<16xf32>, vector<16xf32>, vector<16xf32>, vector<16xf32>, vector<16xf32>, vector<16xf32>, vector<16xf32>, vector<16xf32>, vector<16xf32>, vector<16xf32>, vector<16xf32>, vector<16xf32>, vector<16xf32>, vector<16xf32>, vector<16xf32>, vector<16xf32>, vector<16xf32>, vector<16xf32>, vector<16xf32>, vector<16xf32>, vector<16xf32>, vector<16xf32>, vector<16xf32>, vector<16xf32>, vector<16xf32>
    }
    %scan3A_43 = arith.constant 8 : i32
    %swap3A = arith.constant 0 : i32
    %swap3A_44 = arith.constant 0 : i32
    %swap3A_45 = arith.index_cast %swap3A : i32 to index
    %swap3A_46 = arith.index_cast %swap3A_44 : i32 to index
    %swap3A_47 = arith.constant 0 : index
    %swap3A_48 = tpu.vector_load %arg7[%swap3A_45, %swap3A_46, %swap3A_47] {strides = array<i32>} : memref<4x8x16xf32, #tpu.memory_space<vmem>>, vector<1x1x16xf32>,
    %swap3A_49 = vector.shape_cast %swap3A_48 : vector<1x1x16xf32> to vector<16xf32>
    %swap3A_50 = vector.shape_cast %scan3A_42#0 : vector<16xf32> to vector<1x1x16xf32>
    tpu.vector_store %arg7[%swap3A_45, %swap3A_46, %swap3A_47], %swap3A_50 {strides = array<i32>} : memref<4x8x16xf32, #tpu.memory_space<vmem>>, vector<1x1x16xf32>,
    %swap3A_51 = arith.constant 0 : i32
    %swap3A_52 = arith.constant 1 : i32
    %swap3A_53 = arith.index_cast %swap3A_51 : i32 to index
    %swap3A_54 = arith.index_cast %swap3A_52 : i32 to index
    %swap3A_55 = arith.constant 0 : index
    %swap3A_56 = tpu.vector_load %arg7[%swap3A_53, %swap3A_54, %swap3A_55] {strides = array<i32>} : memref<4x8x16xf32, #tpu.memory_space<vmem>>, vector<1x1x16xf32>,
    %swap3A_57 = vector.shape_cast %swap3A_56 : vector<1x1x16xf32> to vector<16xf32>
    %swap3A_58 = vector.shape_cast %scan3A_42#1 : vector<16xf32> to vector<1x1x16xf32>
    tpu.vector_store %arg7[%swap3A_53, %swap3A_54, %swap3A_55], %swap3A_58 {strides = array<i32>} : memref<4x8x16xf32, #tpu.memory_space<vmem>>, vector<1x1x16xf32>,
    %swap3A_59 = arith.constant 0 : i32
    %swap3A_60 = arith.constant 2 : i32
    %swap3A_61 = arith.index_cast %swap3A_59 : i32 to index
    %swap3A_62 = arith.index_cast %swap3A_60 : i32 to index
    %swap3A_63 = arith.constant 0 : index
    %swap3A_64 = tpu.vector_load %arg7[%swap3A_61, %swap3A_62, %swap3A_63] {strides = array<i32>} : memref<4x8x16xf32, #tpu.memory_space<vmem>>, vector<1x1x16xf32>,
    %swap3A_65 = vector.shape_cast %swap3A_64 : vector<1x1x16xf32> to vector<16xf32>
    %swap3A_66 = vector.shape_cast %scan3A_42#2 : vector<16xf32> to vector<1x1x16xf32>
    tpu.vector_store %arg7[%swap3A_61, %swap3A_62, %swap3A_63], %swap3A_66 {strides = array<i32>} : memref<4x8x16xf32, #tpu.memory_space<vmem>>, vector<1x1x16xf32>,
    %swap3A_67 = arith.constant 0 : i32
    %swap3A_68 = arith.constant 3 : i32
    %swap3A_69 = arith.index_cast %swap3A_67 : i32 to index
    %swap3A_70 = arith.index_cast %swap3A_68 : i32 to index
    %swap3A_71 = arith.constant 0 : index
    %swap3A_72 = tpu.vector_load %arg7[%swap3A_69, %swap3A_70, %swap3A_71] {strides = array<i32>} : memref<4x8x16xf32, #tpu.memory_space<vmem>>, vector<1x1x16xf32>,
    %swap3A_73 = vector.shape_cast %swap3A_72 : vector<1x1x16xf32> to vector<16xf32>
    %swap3A_74 = vector.shape_cast %scan3A_42#3 : vector<16xf32> to vector<1x1x16xf32>
    tpu.vector_store %arg7[%swap3A_69, %swap3A_70, %swap3A_71], %swap3A_74 {strides = array<i32>} : memref<4x8x16xf32, #tpu.memory_space<vmem>>, vector<1x1x16xf32>,
    %swap3A_75 = arith.constant 0 : i32
    %swap3A_76 = arith.constant 4 : i32
    %swap3A_77 = arith.index_cast %swap3A_75 : i32 to index
    %swap3A_78 = arith.index_cast %swap3A_76 : i32 to index
    %swap3A_79 = arith.constant 0 : index
    %swap3A_80 = tpu.vector_load %arg7[%swap3A_77, %swap3A_78, %swap3A_79] {strides = array<i32>} : memref<4x8x16xf32, #tpu.memory_space<vmem>>, vector<1x1x16xf32>,
    %swap3A_81 = vector.shape_cast %swap3A_80 : vector<1x1x16xf32> to vector<16xf32>
    %swap3A_82 = vector.shape_cast %scan3A_42#4 : vector<16xf32> to vector<1x1x16xf32>
    tpu.vector_store %arg7[%swap3A_77, %swap3A_78, %swap3A_79], %swap3A_82 {strides = array<i32>} : memref<4x8x16xf32, #tpu.memory_space<vmem>>, vector<1x1x16xf32>,
    %swap3A_83 = arith.constant 0 : i32
    %swap3A_84 = arith.constant 5 : i32
    %swap3A_85 = arith.index_cast %swap3A_83 : i32 to index
    %swap3A_86 = arith.index_cast %swap3A_84 : i32 to index
    %swap3A_87 = arith.constant 0 : index
    %swap3A_88 = tpu.vector_load %arg7[%swap3A_85, %swap3A_86, %swap3A_87] {strides = array<i32>} : memref<4x8x16xf32, #tpu.memory_space<vmem>>, vector<1x1x16xf32>,
    %swap3A_89 = vector.shape_cast %swap3A_88 : vector<1x1x16xf32> to vector<16xf32>
    %swap3A_90 = vector.shape_cast %scan3A_42#5 : vector<16xf32> to vector<1x1x16xf32>
    tpu.vector_store %arg7[%swap3A_85, %swap3A_86, %swap3A_87], %swap3A_90 {strides = array<i32>} : memref<4x8x16xf32, #tpu.memory_space<vmem>>, vector<1x1x16xf32>,
    %swap3A_91 = arith.constant 0 : i32
    %swap3A_92 = arith.constant 6 : i32
    %swap3A_93 = arith.index_cast %swap3A_91 : i32 to index
    %swap3A_94 = arith.index_cast %swap3A_92 : i32 to index
    %swap3A_95 = arith.constant 0 : index
    %swap3A_96 = tpu.vector_load %arg7[%swap3A_93, %swap3A_94, %swap3A_95] {strides = array<i32>} : memref<4x8x16xf32, #tpu.memory_space<vmem>>, vector<1x1x16xf32>,
    %swap3A_97 = vector.shape_cast %swap3A_96 : vector<1x1x16xf32> to vector<16xf32>
    %swap3A_98 = vector.shape_cast %scan3A_42#6 : vector<16xf32> to vector<1x1x16xf32>
    tpu.vector_store %arg7[%swap3A_93, %swap3A_94, %swap3A_95], %swap3A_98 {strides = array<i32>} : memref<4x8x16xf32, #tpu.memory_space<vmem>>, vector<1x1x16xf32>,
    %swap3A_99 = arith.constant 0 : i32
    %swap3A_100 = arith.constant 7 : i32
    %swap3A_101 = arith.index_cast %swap3A_99 : i32 to index
    %swap3A_102 = arith.index_cast %swap3A_100 : i32 to index
    %swap3A_103 = arith.constant 0 : index
    %swap3A_104 = tpu.vector_load %arg7[%swap3A_101, %swap3A_102, %swap3A_103] {strides = array<i32>} : memref<4x8x16xf32, #tpu.memory_space<vmem>>, vector<1x1x16xf32>,
    %swap3A_105 = vector.shape_cast %swap3A_104 : vector<1x1x16xf32> to vector<16xf32>
    %swap3A_106 = vector.shape_cast %scan3A_42#7 : vector<16xf32> to vector<1x1x16xf32>
    tpu.vector_store %arg7[%swap3A_101, %swap3A_102, %swap3A_103], %swap3A_106 {strides = array<i32>} : memref<4x8x16xf32, #tpu.memory_space<vmem>>, vector<1x1x16xf32>,
    %swap3A_107 = arith.constant 1 : i32
    %swap3A_108 = arith.constant 0 : i32
    %swap3A_109 = arith.index_cast %swap3A_107 : i32 to index
    %swap3A_110 = arith.index_cast %swap3A_108 : i32 to index
    %swap3A_111 = arith.constant 0 : index
    %swap3A_112 = tpu.vector_load %arg7[%swap3A_109, %swap3A_110, %swap3A_111] {strides = array<i32>} : memref<4x8x16xf32, #tpu.memory_space<vmem>>, vector<1x1x16xf32>,
    %swap3A_113 = vector.shape_cast %swap3A_112 : vector<1x1x16xf32> to vector<16xf32>
    %swap3A_114 = vector.shape_cast %scan3A_42#8 : vector<16xf32> to vector<1x1x16xf32>
    tpu.vector_store %arg7[%swap3A_109, %swap3A_110, %swap3A_111], %swap3A_114 {strides = array<i32>} : memref<4x8x16xf32, #tpu.memory_space<vmem>>, vector<1x1x16xf32>,
    %swap3A_115 = arith.constant 1 : i32
    %swap3A_116 = arith.constant 1 : i32
    %swap3A_117 = arith.index_cast %swap3A_115 : i32 to index
    %swap3A_118 = arith.index_cast %swap3A_116 : i32 to index
    %swap3A_119 = arith.constant 0 : index
    %swap3A_120 = tpu.vector_load %arg7[%swap3A_117, %swap3A_118, %swap3A_119] {strides = array<i32>} : memref<4x8x16xf32, #tpu.memory_space<vmem>>, vector<1x1x16xf32>,
    %swap3A_121 = vector.shape_cast %swap3A_120 : vector<1x1x16xf32> to vector<16xf32>
    %swap3A_122 = vector.shape_cast %scan3A_42#9 : vector<16xf32> to vector<1x1x16xf32>
    tpu.vector_store %arg7[%swap3A_117, %swap3A_118, %swap3A_119], %swap3A_122 {strides = array<i32>} : memref<4x8x16xf32, #tpu.memory_space<vmem>>, vector<1x1x16xf32>,
    %swap3A_123 = arith.constant 1 : i32
    %swap3A_124 = arith.constant 2 : i32
    %swap3A_125 = arith.index_cast %swap3A_123 : i32 to index
    %swap3A_126 = arith.index_cast %swap3A_124 : i32 to index
    %swap3A_127 = arith.constant 0 : index
    %swap3A_128 = tpu.vector_load %arg7[%swap3A_125, %swap3A_126, %swap3A_127] {strides = array<i32>} : memref<4x8x16xf32, #tpu.memory_space<vmem>>, vector<1x1x16xf32>,
    %swap3A_129 = vector.shape_cast %swap3A_128 : vector<1x1x16xf32> to vector<16xf32>
    %swap3A_130 = vector.shape_cast %scan3A_42#10 : vector<16xf32> to vector<1x1x16xf32>
    tpu.vector_store %arg7[%swap3A_125, %swap3A_126, %swap3A_127], %swap3A_130 {strides = array<i32>} : memref<4x8x16xf32, #tpu.memory_space<vmem>>, vector<1x1x16xf32>,
    %swap3A_131 = arith.constant 1 : i32
    %swap3A_132 = arith.constant 3 : i32
    %swap3A_133 = arith.index_cast %swap3A_131 : i32 to index
    %swap3A_134 = arith.index_cast %swap3A_132 : i32 to index
    %swap3A_135 = arith.constant 0 : index
    %swap3A_136 = tpu.vector_load %arg7[%swap3A_133, %swap3A_134, %swap3A_135] {strides = array<i32>} : memref<4x8x16xf32, #tpu.memory_space<vmem>>, vector<1x1x16xf32>,
    %swap3A_137 = vector.shape_cast %swap3A_136 : vector<1x1x16xf32> to vector<16xf32>
    %swap3A_138 = vector.shape_cast %scan3A_42#11 : vector<16xf32> to vector<1x1x16xf32>
    tpu.vector_store %arg7[%swap3A_133, %swap3A_134, %swap3A_135], %swap3A_138 {strides = array<i32>} : memref<4x8x16xf32, #tpu.memory_space<vmem>>, vector<1x1x16xf32>,
    %swap3A_139 = arith.constant 1 : i32
    %swap3A_140 = arith.constant 4 : i32
    %swap3A_141 = arith.index_cast %swap3A_139 : i32 to index
    %swap3A_142 = arith.index_cast %swap3A_140 : i32 to index
    %swap3A_143 = arith.constant 0 : index
    %swap3A_144 = tpu.vector_load %arg7[%swap3A_141, %swap3A_142, %swap3A_143] {strides = array<i32>} : memref<4x8x16xf32, #tpu.memory_space<vmem>>, vector<1x1x16xf32>,
    %swap3A_145 = vector.shape_cast %swap3A_144 : vector<1x1x16xf32> to vector<16xf32>
    %swap3A_146 = vector.shape_cast %scan3A_42#12 : vector<16xf32> to vector<1x1x16xf32>
    tpu.vector_store %arg7[%swap3A_141, %swap3A_142, %swap3A_143], %swap3A_146 {strides = array<i32>} : memref<4x8x16xf32, #tpu.memory_space<vmem>>, vector<1x1x16xf32>,
    %swap3A_147 = arith.constant 1 : i32
    %swap3A_148 = arith.constant 5 : i32
    %swap3A_149 = arith.index_cast %swap3A_147 : i32 to index
    %swap3A_150 = arith.index_cast %swap3A_148 : i32 to index
    %swap3A_151 = arith.constant 0 : index
    %swap3A_152 = tpu.vector_load %arg7[%swap3A_149, %swap3A_150, %swap3A_151] {strides = array<i32>} : memref<4x8x16xf32, #tpu.memory_space<vmem>>, vector<1x1x16xf32>,
    %swap3A_153 = vector.shape_cast %swap3A_152 : vector<1x1x16xf32> to vector<16xf32>
    %swap3A_154 = vector.shape_cast %scan3A_42#13 : vector<16xf32> to vector<1x1x16xf32>
    tpu.vector_store %arg7[%swap3A_149, %swap3A_150, %swap3A_151], %swap3A_154 {strides = array<i32>} : memref<4x8x16xf32, #tpu.memory_space<vmem>>, vector<1x1x16xf32>,
    %swap3A_155 = arith.constant 1 : i32
    %swap3A_156 = arith.constant 6 : i32
    %swap3A_157 = arith.index_cast %swap3A_155 : i32 to index
    %swap3A_158 = arith.index_cast %swap3A_156 : i32 to index
    %swap3A_159 = arith.constant 0 : index
    %swap3A_160 = tpu.vector_load %arg7[%swap3A_157, %swap3A_158, %swap3A_159] {strides = array<i32>} : memref<4x8x16xf32, #tpu.memory_space<vmem>>, vector<1x1x16xf32>,
    %swap3A_161 = vector.shape_cast %swap3A_160 : vector<1x1x16xf32> to vector<16xf32>
    %swap3A_162 = vector.shape_cast %scan3A_42#14 : vector<16xf32> to vector<1x1x16xf32>
    tpu.vector_store %arg7[%swap3A_157, %swap3A_158, %swap3A_159], %swap3A_162 {strides = array<i32>} : memref<4x8x16xf32, #tpu.memory_space<vmem>>, vector<1x1x16xf32>,
    %swap3A_163 = arith.constant 1 : i32
    %swap3A_164 = arith.constant 7 : i32
    %swap3A_165 = arith.index_cast %swap3A_163 : i32 to index
    %swap3A_166 = arith.index_cast %swap3A_164 : i32 to index
    %swap3A_167 = arith.constant 0 : index
    %swap3A_168 = tpu.vector_load %arg7[%swap3A_165, %swap3A_166, %swap3A_167] {strides = array<i32>} : memref<4x8x16xf32, #tpu.memory_space<vmem>>, vector<1x1x16xf32>,
    %swap3A_169 = vector.shape_cast %swap3A_168 : vector<1x1x16xf32> to vector<16xf32>
    %swap3A_170 = vector.shape_cast %scan3A_42#15 : vector<16xf32> to vector<1x1x16xf32>
    tpu.vector_store %arg7[%swap3A_165, %swap3A_166, %swap3A_167], %swap3A_170 {strides = array<i32>} : memref<4x8x16xf32, #tpu.memory_space<vmem>>, vector<1x1x16xf32>,
    %swap3A_171 = arith.constant 2 : i32
    %swap3A_172 = arith.constant 0 : i32
    %swap3A_173 = arith.index_cast %swap3A_171 : i32 to index
    %swap3A_174 = arith.index_cast %swap3A_172 : i32 to index
    %swap3A_175 = arith.constant 0 : index
    %swap3A_176 = tpu.vector_load %arg7[%swap3A_173, %swap3A_174, %swap3A_175] {strides = array<i32>} : memref<4x8x16xf32, #tpu.memory_space<vmem>>, vector<1x1x16xf32>,
    %swap3A_177 = vector.shape_cast %swap3A_176 : vector<1x1x16xf32> to vector<16xf32>
    %swap3A_178 = vector.shape_cast %scan3A_42#16 : vector<16xf32> to vector<1x1x16xf32>
    tpu.vector_store %arg7[%swap3A_173, %swap3A_174, %swap3A_175], %swap3A_178 {strides = array<i32>} : memref<4x8x16xf32, #tpu.memory_space<vmem>>, vector<1x1x16xf32>,
    %swap3A_179 = arith.constant 2 : i32
    %swap3A_180 = arith.constant 1 : i32
    %swap3A_181 = arith.index_cast %swap3A_179 : i32 to index
    %swap3A_182 = arith.index_cast %swap3A_180 : i32 to index
    %swap3A_183 = arith.constant 0 : index
    %swap3A_184 = tpu.vector_load %arg7[%swap3A_181, %swap3A_182, %swap3A_183] {strides = array<i32>} : memref<4x8x16xf32, #tpu.memory_space<vmem>>, vector<1x1x16xf32>,
    %swap3A_185 = vector.shape_cast %swap3A_184 : vector<1x1x16xf32> to vector<16xf32>
    %swap3A_186 = vector.shape_cast %scan3A_42#17 : vector<16xf32> to vector<1x1x16xf32>
    tpu.vector_store %arg7[%swap3A_181, %swap3A_182, %swap3A_183], %swap3A_186 {strides = array<i32>} : memref<4x8x16xf32, #tpu.memory_space<vmem>>, vector<1x1x16xf32>,
    %swap3A_187 = arith.constant 2 : i32
    %swap3A_188 = arith.constant 2 : i32
    %swap3A_189 = arith.index_cast %swap3A_187 : i32 to index
    %swap3A_190 = arith.index_cast %swap3A_188 : i32 to index
    %swap3A_191 = arith.constant 0 : index
    %swap3A_192 = tpu.vector_load %arg7[%swap3A_189, %swap3A_190, %swap3A_191] {strides = array<i32>} : memref<4x8x16xf32, #tpu.memory_space<vmem>>, vector<1x1x16xf32>,
    %swap3A_193 = vector.shape_cast %swap3A_192 : vector<1x1x16xf32> to vector<16xf32>
    %swap3A_194 = vector.shape_cast %scan3A_42#18 : vector<16xf32> to vector<1x1x16xf32>
    tpu.vector_store %arg7[%swap3A_189, %swap3A_190, %swap3A_191], %swap3A_194 {strides = array<i32>} : memref<4x8x16xf32, #tpu.memory_space<vmem>>, vector<1x1x16xf32>,
    %swap3A_195 = arith.constant 2 : i32
    %swap3A_196 = arith.constant 3 : i32
    %swap3A_197 = arith.index_cast %swap3A_195 : i32 to index
    %swap3A_198 = arith.index_cast %swap3A_196 : i32 to index
    %swap3A_199 = arith.constant 0 : index
    %swap3A_200 = tpu.vector_load %arg7[%swap3A_197, %swap3A_198, %swap3A_199] {strides = array<i32>} : memref<4x8x16xf32, #tpu.memory_space<vmem>>, vector<1x1x16xf32>,
    %swap3A_201 = vector.shape_cast %swap3A_200 : vector<1x1x16xf32> to vector<16xf32>
    %swap3A_202 = vector.shape_cast %scan3A_42#19 : vector<16xf32> to vector<1x1x16xf32>
    tpu.vector_store %arg7[%swap3A_197, %swap3A_198, %swap3A_199], %swap3A_202 {strides = array<i32>} : memref<4x8x16xf32, #tpu.memory_space<vmem>>, vector<1x1x16xf32>,
    %swap3A_203 = arith.constant 2 : i32
    %swap3A_204 = arith.constant 4 : i32
    %swap3A_205 = arith.index_cast %swap3A_203 : i32 to index
    %swap3A_206 = arith.index_cast %swap3A_204 : i32 to index
    %swap3A_207 = arith.constant 0 : index
    %swap3A_208 = tpu.vector_load %arg7[%swap3A_205, %swap3A_206, %swap3A_207] {strides = array<i32>} : memref<4x8x16xf32, #tpu.memory_space<vmem>>, vector<1x1x16xf32>,
    %swap3A_209 = vector.shape_cast %swap3A_208 : vector<1x1x16xf32> to vector<16xf32>
    %swap3A_210 = vector.shape_cast %scan3A_42#20 : vector<16xf32> to vector<1x1x16xf32>
    tpu.vector_store %arg7[%swap3A_205, %swap3A_206, %swap3A_207], %swap3A_210 {strides = array<i32>} : memref<4x8x16xf32, #tpu.memory_space<vmem>>, vector<1x1x16xf32>,
    %swap3A_211 = arith.constant 2 : i32
    %swap3A_212 = arith.constant 5 : i32
    %swap3A_213 = arith.index_cast %swap3A_211 : i32 to index
    %swap3A_214 = arith.index_cast %swap3A_212 : i32 to index
    %swap3A_215 = arith.constant 0 : index
    %swap3A_216 = tpu.vector_load %arg7[%swap3A_213, %swap3A_214, %swap3A_215] {strides = array<i32>} : memref<4x8x16xf32, #tpu.memory_space<vmem>>, vector<1x1x16xf32>,
    %swap3A_217 = vector.shape_cast %swap3A_216 : vector<1x1x16xf32> to vector<16xf32>
    %swap3A_218 = vector.shape_cast %scan3A_42#21 : vector<16xf32> to vector<1x1x16xf32>
    tpu.vector_store %arg7[%swap3A_213, %swap3A_214, %swap3A_215], %swap3A_218 {strides = array<i32>} : memref<4x8x16xf32, #tpu.memory_space<vmem>>, vector<1x1x16xf32>,
    %swap3A_219 = arith.constant 2 : i32
    %swap3A_220 = arith.constant 6 : i32
    %swap3A_221 = arith.index_cast %swap3A_219 : i32 to index
    %swap3A_222 = arith.index_cast %swap3A_220 : i32 to index
    %swap3A_223 = arith.constant 0 : index
    %swap3A_224 = tpu.vector_load %arg7[%swap3A_221, %swap3A_222, %swap3A_223] {strides = array<i32>} : memref<4x8x16xf32, #tpu.memory_space<vmem>>, vector<1x1x16xf32>,
    %swap3A_225 = vector.shape_cast %swap3A_224 : vector<1x1x16xf32> to vector<16xf32>
    %swap3A_226 = vector.shape_cast %scan3A_42#22 : vector<16xf32> to vector<1x1x16xf32>
    tpu.vector_store %arg7[%swap3A_221, %swap3A_222, %swap3A_223], %swap3A_226 {strides = array<i32>} : memref<4x8x16xf32, #tpu.memory_space<vmem>>, vector<1x1x16xf32>,
    %swap3A_227 = arith.constant 2 : i32
    %swap3A_228 = arith.constant 7 : i32
    %swap3A_229 = arith.index_cast %swap3A_227 : i32 to index
    %swap3A_230 = arith.index_cast %swap3A_228 : i32 to index
    %swap3A_231 = arith.constant 0 : index
    %swap3A_232 = tpu.vector_load %arg7[%swap3A_229, %swap3A_230, %swap3A_231] {strides = array<i32>} : memref<4x8x16xf32, #tpu.memory_space<vmem>>, vector<1x1x16xf32>,
    %swap3A_233 = vector.shape_cast %swap3A_232 : vector<1x1x16xf32> to vector<16xf32>
    %swap3A_234 = vector.shape_cast %scan3A_42#23 : vector<16xf32> to vector<1x1x16xf32>
    tpu.vector_store %arg7[%swap3A_229, %swap3A_230, %swap3A_231], %swap3A_234 {strides = array<i32>} : memref<4x8x16xf32, #tpu.memory_space<vmem>>, vector<1x1x16xf32>,
    %swap3A_235 = arith.constant 3 : i32
    %swap3A_236 = arith.constant 0 : i32
    %swap3A_237 = arith.index_cast %swap3A_235 : i32 to index
    %swap3A_238 = arith.index_cast %swap3A_236 : i32 to index
    %swap3A_239 = arith.constant 0 : index
    %swap3A_240 = tpu.vector_load %arg7[%swap3A_237, %swap3A_238, %swap3A_239] {strides = array<i32>} : memref<4x8x16xf32, #tpu.memory_space<vmem>>, vector<1x1x16xf32>,
    %swap3A_241 = vector.shape_cast %swap3A_240 : vector<1x1x16xf32> to vector<16xf32>
    %swap3A_242 = vector.shape_cast %scan3A_42#24 : vector<16xf32> to vector<1x1x16xf32>
    tpu.vector_store %arg7[%swap3A_237, %swap3A_238, %swap3A_239], %swap3A_242 {strides = array<i32>} : memref<4x8x16xf32, #tpu.memory_space<vmem>>, vector<1x1x16xf32>,
    %swap3A_243 = arith.constant 3 : i32
    %swap3A_244 = arith.constant 1 : i32
    %swap3A_245 = arith.index_cast %swap3A_243 : i32 to index
    %swap3A_246 = arith.index_cast %swap3A_244 : i32 to index
    %swap3A_247 = arith.constant 0 : index
    %swap3A_248 = tpu.vector_load %arg7[%swap3A_245, %swap3A_246, %swap3A_247] {strides = array<i32>} : memref<4x8x16xf32, #tpu.memory_space<vmem>>, vector<1x1x16xf32>,
    %swap3A_249 = vector.shape_cast %swap3A_248 : vector<1x1x16xf32> to vector<16xf32>
    %swap3A_250 = vector.shape_cast %scan3A_42#25 : vector<16xf32> to vector<1x1x16xf32>
    tpu.vector_store %arg7[%swap3A_245, %swap3A_246, %swap3A_247], %swap3A_250 {strides = array<i32>} : memref<4x8x16xf32, #tpu.memory_space<vmem>>, vector<1x1x16xf32>,
    %swap3A_251 = arith.constant 3 : i32
    %swap3A_252 = arith.constant 2 : i32
    %swap3A_253 = arith.index_cast %swap3A_251 : i32 to index
    %swap3A_254 = arith.index_cast %swap3A_252 : i32 to index
    %swap3A_255 = arith.constant 0 : index
    %swap3A_256 = tpu.vector_load %arg7[%swap3A_253, %swap3A_254, %swap3A_255] {strides = array<i32>} : memref<4x8x16xf32, #tpu.memory_space<vmem>>, vector<1x1x16xf32>,
    %swap3A_257 = vector.shape_cast %swap3A_256 : vector<1x1x16xf32> to vector<16xf32>
    %swap3A_258 = vector.shape_cast %scan3A_42#26 : vector<16xf32> to vector<1x1x16xf32>
    tpu.vector_store %arg7[%swap3A_253, %swap3A_254, %swap3A_255], %swap3A_258 {strides = array<i32>} : memref<4x8x16xf32, #tpu.memory_space<vmem>>, vector<1x1x16xf32>,
    %swap3A_259 = arith.constant 3 : i32
    %swap3A_260 = arith.constant 3 : i32
    %swap3A_261 = arith.index_cast %swap3A_259 : i32 to index
    %swap3A_262 = arith.index_cast %swap3A_260 : i32 to index
    %swap3A_263 = arith.constant 0 : index
    %swap3A_264 = tpu.vector_load %arg7[%swap3A_261, %swap3A_262, %swap3A_263] {strides = array<i32>} : memref<4x8x16xf32, #tpu.memory_space<vmem>>, vector<1x1x16xf32>,
    %swap3A_265 = vector.shape_cast %swap3A_264 : vector<1x1x16xf32> to vector<16xf32>
    %swap3A_266 = vector.shape_cast %scan3A_42#27 : vector<16xf32> to vector<1x1x16xf32>
    tpu.vector_store %arg7[%swap3A_261, %swap3A_262, %swap3A_263], %swap3A_266 {strides = array<i32>} : memref<4x8x16xf32, #tpu.memory_space<vmem>>, vector<1x1x16xf32>,
    %swap3A_267 = arith.constant 3 : i32
    %swap3A_268 = arith.constant 4 : i32
    %swap3A_269 = arith.index_cast %swap3A_267 : i32 to index
    %swap3A_270 = arith.index_cast %swap3A_268 : i32 to index
    %swap3A_271 = arith.constant 0 : index
    %swap3A_272 = tpu.vector_load %arg7[%swap3A_269, %swap3A_270, %swap3A_271] {strides = array<i32>} : memref<4x8x16xf32, #tpu.memory_space<vmem>>, vector<1x1x16xf32>,
    %swap3A_273 = vector.shape_cast %swap3A_272 : vector<1x1x16xf32> to vector<16xf32>
    %swap3A_274 = vector.shape_cast %scan3A_42#28 : vector<16xf32> to vector<1x1x16xf32>
    tpu.vector_store %arg7[%swap3A_269, %swap3A_270, %swap3A_271], %swap3A_274 {strides = array<i32>} : memref<4x8x16xf32, #tpu.memory_space<vmem>>, vector<1x1x16xf32>,
    %swap3A_275 = arith.constant 3 : i32
    %swap3A_276 = arith.constant 5 : i32
    %swap3A_277 = arith.index_cast %swap3A_275 : i32 to index
    %swap3A_278 = arith.index_cast %swap3A_276 : i32 to index
    %swap3A_279 = arith.constant 0 : index
    %swap3A_280 = tpu.vector_load %arg7[%swap3A_277, %swap3A_278, %swap3A_279] {strides = array<i32>} : memref<4x8x16xf32, #tpu.memory_space<vmem>>, vector<1x1x16xf32>,
    %swap3A_281 = vector.shape_cast %swap3A_280 : vector<1x1x16xf32> to vector<16xf32>
    %swap3A_282 = vector.shape_cast %scan3A_42#29 : vector<16xf32> to vector<1x1x16xf32>
    tpu.vector_store %arg7[%swap3A_277, %swap3A_278, %swap3A_279], %swap3A_282 {strides = array<i32>} : memref<4x8x16xf32, #tpu.memory_space<vmem>>, vector<1x1x16xf32>,
    %swap3A_283 = arith.constant 3 : i32
    %swap3A_284 = arith.constant 6 : i32
    %swap3A_285 = arith.index_cast %swap3A_283 : i32 to index
    %swap3A_286 = arith.index_cast %swap3A_284 : i32 to index
    %swap3A_287 = arith.constant 0 : index
    %swap3A_288 = tpu.vector_load %arg7[%swap3A_285, %swap3A_286, %swap3A_287] {strides = array<i32>} : memref<4x8x16xf32, #tpu.memory_space<vmem>>, vector<1x1x16xf32>,
    %swap3A_289 = vector.shape_cast %swap3A_288 : vector<1x1x16xf32> to vector<16xf32>
    %swap3A_290 = vector.shape_cast %scan3A_42#30 : vector<16xf32> to vector<1x1x16xf32>
    tpu.vector_store %arg7[%swap3A_285, %swap3A_286, %swap3A_287], %swap3A_290 {strides = array<i32>} : memref<4x8x16xf32, #tpu.memory_space<vmem>>, vector<1x1x16xf32>,
    %swap3A_291 = arith.constant 3 : i32
    %swap3A_292 = arith.constant 7 : i32
    %swap3A_293 = arith.index_cast %swap3A_291 : i32 to index
    %swap3A_294 = arith.index_cast %swap3A_292 : i32 to index
    %swap3A_295 = arith.constant 0 : index
    %swap3A_296 = tpu.vector_load %arg7[%swap3A_293, %swap3A_294, %swap3A_295] {strides = array<i32>} : memref<4x8x16xf32, #tpu.memory_space<vmem>>, vector<1x1x16xf32>,
    %swap3A_297 = vector.shape_cast %swap3A_296 : vector<1x1x16xf32> to vector<16xf32>
    %swap3A_298 = vector.shape_cast %scan3A_42#31 : vector<16xf32> to vector<1x1x16xf32>
    tpu.vector_store %arg7[%swap3A_293, %swap3A_294, %swap3A_295], %swap3A_298 {strides = array<i32>} : memref<4x8x16xf32, #tpu.memory_space<vmem>>, vector<1x1x16xf32>,
    "tpu.region"() ({
      %run_scoped3A = tpu.sem_alloc : memref<!tpu.dma_semaphore, #tpu.memory_space<semaphore_mem>>
      %dma_start3A_299 = arith.constant 0 : i32
      %dma_start3A_300 = arith.constant 0 : i32
      %dma_start3A_301 = arith.constant 0 : i32
      %dma_start3A_302 = tpu.memref_slice %arg4[%add3A, %dma_start3A_299, %dma_start3A_300, %dma_start3A_301] : memref<32x4x8x16xf32, #tpu.memory_space<hbm>> -> memref<1x4x8x16xf32, #tpu.memory_space<hbm>>
      %dma_start3A_303 = tpu.memref_squeeze %dma_start3A_302 : memref<1x4x8x16xf32, #tpu.memory_space<hbm>> -> memref<4x8x16xf32, #tpu.memory_space<hbm>>
      %dma_start3A_304 = arith.constant 0 : i32
      %dma_start3A_305 = arith.constant 0 : i32
      %dma_start3A_306 = arith.constant 0 : i32
      %dma_start3A_307 = tpu.memref_slice %arg4[%add3A, %dma_start3A_304, %dma_start3A_305, %dma_start3A_306] : memref<32x4x8x16xf32, #tpu.memory_space<hbm>> -> memref<1x4x8x16xf32, #tpu.memory_space<hbm>>
      %dma_start3A_308 = tpu.memref_squeeze %dma_start3A_307 : memref<1x4x8x16xf32, #tpu.memory_space<hbm>> -> memref<4x8x16xf32, #tpu.memory_space<hbm>>
      tpu.enqueue_dma source(%arg7 : memref<4x8x16xf32, #tpu.memory_space<vmem>>) target(%dma_start3A_308 : memref<4x8x16xf32, #tpu.memory_space<hbm>>) target_semaphore(%run_scoped3A : memref<!tpu.dma_semaphore, #tpu.memory_space<semaphore_mem>>)
      %dma_wait3A = arith.constant 0 : i32
      %dma_wait3A_309 = arith.constant 0 : i32
      %dma_wait3A_310 = arith.constant 0 : i32
      %dma_wait3A_311 = tpu.memref_slice %arg4[%add3A, %dma_wait3A, %dma_wait3A_309, %dma_wait3A_310] : memref<32x4x8x16xf32, #tpu.memory_space<hbm>> -> memref<1x4x8x16xf32, #tpu.memory_space<hbm>>
      %dma_wait3A_312 = tpu.memref_squeeze %dma_wait3A_311 : memref<1x4x8x16xf32, #tpu.memory_space<hbm>> -> memref<4x8x16xf32, #tpu.memory_space<hbm>>
      %dma_wait3A_313 = arith.constant 0 : i32
      %dma_wait3A_314 = arith.constant 0 : i32
      %dma_wait3A_315 = arith.constant 0 : i32
      %dma_wait3A_316 = tpu.memref_slice %arg4[%add3A, %dma_wait3A_313, %dma_wait3A_314, %dma_wait3A_315] : memref<32x4x8x16xf32, #tpu.memory_space<hbm>> -> memref<1x4x8x16xf32, #tpu.memory_space<hbm>>
      %dma_wait3A_317 = tpu.memref_squeeze %dma_wait3A_316 : memref<1x4x8x16xf32, #tpu.memory_space<hbm>> -> memref<4x8x16xf32, #tpu.memory_space<hbm>>
      tpu.wait_dma2 semaphore(%run_scoped3A : memref<!tpu.dma_semaphore, #tpu.memory_space<semaphore_mem>>) src(%arg7 : memref<4x8x16xf32, #tpu.memory_space<vmem>>) dst(%dma_wait3A_317 : memref<4x8x16xf32, #tpu.memory_space<hbm>>)
      tpu.yield
    }) : () -> ()
    return
  }
}

module attributes {stable_mosaic.version = 14 : i64} {
  func.func @_epilogue_kernel(%arg0: memref<4x56xf32, #tpu.memory_space<vmem>>, %arg1: memref<32x4x8x16xf32, #tpu.memory_space<vmem>>, %arg2: memref<4x64xf32, #tpu.memory_space<vmem>>, %arg3: memref<4x64xf32, #tpu.memory_space<vmem>>) attributes {dimension_semantics = [], scalar_prefetch = 0 : i64, scratch_operands = 0 : i64, tpu.core_type = #tpu.core_type<tc>} {
    %get3A = arith.constant 0 : index
    %get3A_0 = arith.constant 0 : index
    %get3A_1 = arith.constant 0 : index
    %get3A_2 = arith.constant 0 : index
    %get3A_3 = vector.load %arg1[%get3A, %get3A_0, %get3A_1, %get3A_2] : memref<32x4x8x16xf32, #tpu.memory_space<vmem>>, vector<32x4x8x16xf32>
    %reduce_sum3A = arith.constant dense<0.000000e+00> : vector<32x4x8xf32>
    %reduce_sum3A_4 = vector.multi_reduction <add>, %get3A_3, %reduce_sum3A [3] : vector<32x4x8x16xf32> to vector<32x4x8xf32>
    %reduce_sum3A_5 = arith.constant dense<0.000000e+00> : vector<4x8xf32>
    %reduce_sum3A_6 = vector.multi_reduction <add>, %reduce_sum3A_4, %reduce_sum3A_5 [0] : vector<32x4x8xf32> to vector<4x8xf32>
    %get3A_7 = arith.constant 0 : index
    %get3A_8 = arith.constant 0 : index
    %get3A_9 = vector.load %arg0[%get3A_7, %get3A_8] : memref<4x56xf32, #tpu.memory_space<vmem>>, vector<4x56xf32>
    %concatenate3A = tpu.concatenate %get3A_9, %reduce_sum3A_6 in 1 : vector<4x56xf32>, vector<4x8xf32> -> vector<4x64xf32>
    %get3A_10 = arith.constant 0 : index
    %get3A_11 = arith.constant 0 : index
    %get3A_12 = vector.load %arg2[%get3A_10, %get3A_11] : memref<4x64xf32, #tpu.memory_space<vmem>>, vector<4x64xf32>
    %add3A = arith.addf %concatenate3A, %get3A_12 : vector<4x64xf32>
    %div3A = arith.constant 1.000000e+00 : f32
    %div3A_13 = vector.broadcast %div3A : f32 to vector<4x64xf32>
    %div3A_14 = arith.divf %add3A, %div3A_13 : vector<4x64xf32>
    %reduce_max3A = arith.constant dense<0xFF800000> : vector<4xf32>
    %reduce_max3A_15 = vector.multi_reduction <maximumf>, %div3A_14, %reduce_max3A [1] : vector<4x64xf32> to vector<4xf32>
    %broadcast_in_dim3A = vector.shape_cast %reduce_max3A_15 : vector<4xf32> to vector<4x1xf32>
    %sub3A = vector.broadcast %broadcast_in_dim3A : vector<4x1xf32> to vector<4x64xf32>
    %sub3A_16 = arith.subf %div3A_14, %sub3A : vector<4x64xf32>
    %exp3A = math.exp %sub3A_16 : vector<4x64xf32>
    %reduce_sum3A_17 = arith.constant dense<0.000000e+00> : vector<4xf32>
    %reduce_sum3A_18 = vector.multi_reduction <add>, %exp3A, %reduce_sum3A_17 [1] : vector<4x64xf32> to vector<4xf32>
    %broadcast_in_dim3A_19 = vector.shape_cast %reduce_sum3A_18 : vector<4xf32> to vector<4x1xf32>
    %div3A_20 = vector.broadcast %broadcast_in_dim3A_19 : vector<4x1xf32> to vector<4x64xf32>
    %div3A_21 = arith.divf %exp3A, %div3A_20 : vector<4x64xf32>
    %reduce_max3A_22 = arith.constant dense<0xFF800000> : vector<4xf32>
    %reduce_max3A_23 = vector.multi_reduction <maximumf>, %add3A, %reduce_max3A_22 [1] : vector<4x64xf32> to vector<4xf32>
    %broadcast_in_dim3A_24 = vector.shape_cast %reduce_max3A_23 : vector<4xf32> to vector<4x1xf32>
    %ge3A = vector.broadcast %broadcast_in_dim3A_24 : vector<4x1xf32> to vector<4x64xf32>
    %ge3A_25 = arith.cmpf oge, %add3A, %ge3A : vector<4x64xf32>
    %convert_element_type3A = arith.extui %ge3A_25 : vector<4x64xi1> to vector<4x64xi32>
    %reduce_sum3A_26 = arith.constant dense<0> : vector<4xi32>
    %reduce_sum3A_27 = vector.multi_reduction <add>, %convert_element_type3A, %reduce_sum3A_26 [1] : vector<4x64xi32> to vector<4xi32>
    %broadcast_in_dim3A_28 = vector.shape_cast %reduce_sum3A_27 : vector<4xi32> to vector<4x1xi32>
    %lt3A = vector.broadcast %broadcast_in_dim3A_24 : vector<4x1xf32> to vector<4x64xf32>
    %lt3A_29 = arith.cmpf olt, %add3A, %lt3A : vector<4x64xf32>
    %jit3A = arith.constant 0xFF800000 : f32
    %broadcast_in_dim3A_30 = vector.broadcast %jit3A : f32 to vector<4x64xf32>
    %select_n3A = arith.select %lt3A_29, %add3A, %broadcast_in_dim3A_30 : vector<4x64xi1>, vector<4x64xf32>
    %reduce_max3A_31 = arith.constant dense<0xFF800000> : vector<4xf32>
    %reduce_max3A_32 = vector.multi_reduction <maximumf>, %select_n3A, %reduce_max3A_31 [1] : vector<4x64xf32> to vector<4xf32>
    %broadcast_in_dim3A_33 = vector.shape_cast %reduce_max3A_32 : vector<4xf32> to vector<4x1xf32>
    %ge3A_34 = arith.constant 8 : i32
    %ge3A_35 = vector.broadcast %ge3A_34 : i32 to vector<4x1xi32>
    %ge3A_36 = arith.cmpi sge, %broadcast_in_dim3A_28, %ge3A_35 : vector<4x1xi32>
    %select_n3A_37 = arith.select %ge3A_36, %broadcast_in_dim3A_24, %broadcast_in_dim3A_33 : vector<4x1xi1>, vector<4x1xf32>
    %ge3A_38 = vector.broadcast %select_n3A_37 : vector<4x1xf32> to vector<4x64xf32>
    %ge3A_39 = arith.cmpf oge, %add3A, %ge3A_38 : vector<4x64xf32>
    %convert_element_type3A_40 = arith.extui %ge3A_39 : vector<4x64xi1> to vector<4x64xi32>
    %reduce_sum3A_41 = arith.constant dense<0> : vector<4xi32>
    %reduce_sum3A_42 = vector.multi_reduction <add>, %convert_element_type3A_40, %reduce_sum3A_41 [1] : vector<4x64xi32> to vector<4xi32>
    %broadcast_in_dim3A_43 = vector.shape_cast %reduce_sum3A_42 : vector<4xi32> to vector<4x1xi32>
    %lt3A_44 = vector.broadcast %select_n3A_37 : vector<4x1xf32> to vector<4x64xf32>
    %lt3A_45 = arith.cmpf olt, %add3A, %lt3A_44 : vector<4x64xf32>
    %jit3A_46 = arith.constant 0xFF800000 : f32
    %broadcast_in_dim3A_47 = vector.broadcast %jit3A_46 : f32 to vector<4x64xf32>
    %select_n3A_48 = arith.select %lt3A_45, %add3A, %broadcast_in_dim3A_47 : vector<4x64xi1>, vector<4x64xf32>
    %reduce_max3A_49 = arith.constant dense<0xFF800000> : vector<4xf32>
    %reduce_max3A_50 = vector.multi_reduction <maximumf>, %select_n3A_48, %reduce_max3A_49 [1] : vector<4x64xf32> to vector<4xf32>
    %broadcast_in_dim3A_51 = vector.shape_cast %reduce_max3A_50 : vector<4xf32> to vector<4x1xf32>
    %ge3A_52 = arith.constant 8 : i32
    %ge3A_53 = vector.broadcast %ge3A_52 : i32 to vector<4x1xi32>
    %ge3A_54 = arith.cmpi sge, %broadcast_in_dim3A_43, %ge3A_53 : vector<4x1xi32>
    %select_n3A_55 = arith.select %ge3A_54, %select_n3A_37, %broadcast_in_dim3A_51 : vector<4x1xi1>, vector<4x1xf32>
    %ge3A_56 = vector.broadcast %select_n3A_55 : vector<4x1xf32> to vector<4x64xf32>
    %ge3A_57 = arith.cmpf oge, %add3A, %ge3A_56 : vector<4x64xf32>
    %convert_element_type3A_58 = arith.extui %ge3A_57 : vector<4x64xi1> to vector<4x64xi32>
    %reduce_sum3A_59 = arith.constant dense<0> : vector<4xi32>
    %reduce_sum3A_60 = vector.multi_reduction <add>, %convert_element_type3A_58, %reduce_sum3A_59 [1] : vector<4x64xi32> to vector<4xi32>
    %broadcast_in_dim3A_61 = vector.shape_cast %reduce_sum3A_60 : vector<4xi32> to vector<4x1xi32>
    %lt3A_62 = vector.broadcast %select_n3A_55 : vector<4x1xf32> to vector<4x64xf32>
    %lt3A_63 = arith.cmpf olt, %add3A, %lt3A_62 : vector<4x64xf32>
    %jit3A_64 = arith.constant 0xFF800000 : f32
    %broadcast_in_dim3A_65 = vector.broadcast %jit3A_64 : f32 to vector<4x64xf32>
    %select_n3A_66 = arith.select %lt3A_63, %add3A, %broadcast_in_dim3A_65 : vector<4x64xi1>, vector<4x64xf32>
    %reduce_max3A_67 = arith.constant dense<0xFF800000> : vector<4xf32>
    %reduce_max3A_68 = vector.multi_reduction <maximumf>, %select_n3A_66, %reduce_max3A_67 [1] : vector<4x64xf32> to vector<4xf32>
    %broadcast_in_dim3A_69 = vector.shape_cast %reduce_max3A_68 : vector<4xf32> to vector<4x1xf32>
    %ge3A_70 = arith.constant 8 : i32
    %ge3A_71 = vector.broadcast %ge3A_70 : i32 to vector<4x1xi32>
    %ge3A_72 = arith.cmpi sge, %broadcast_in_dim3A_61, %ge3A_71 : vector<4x1xi32>
    %select_n3A_73 = arith.select %ge3A_72, %select_n3A_55, %broadcast_in_dim3A_69 : vector<4x1xi1>, vector<4x1xf32>
    %ge3A_74 = vector.broadcast %select_n3A_73 : vector<4x1xf32> to vector<4x64xf32>
    %ge3A_75 = arith.cmpf oge, %add3A, %ge3A_74 : vector<4x64xf32>
    %convert_element_type3A_76 = arith.extui %ge3A_75 : vector<4x64xi1> to vector<4x64xi32>
    %reduce_sum3A_77 = arith.constant dense<0> : vector<4xi32>
    %reduce_sum3A_78 = vector.multi_reduction <add>, %convert_element_type3A_76, %reduce_sum3A_77 [1] : vector<4x64xi32> to vector<4xi32>
    %broadcast_in_dim3A_79 = vector.shape_cast %reduce_sum3A_78 : vector<4xi32> to vector<4x1xi32>
    %lt3A_80 = vector.broadcast %select_n3A_73 : vector<4x1xf32> to vector<4x64xf32>
    %lt3A_81 = arith.cmpf olt, %add3A, %lt3A_80 : vector<4x64xf32>
    %jit3A_82 = arith.constant 0xFF800000 : f32
    %broadcast_in_dim3A_83 = vector.broadcast %jit3A_82 : f32 to vector<4x64xf32>
    %select_n3A_84 = arith.select %lt3A_81, %add3A, %broadcast_in_dim3A_83 : vector<4x64xi1>, vector<4x64xf32>
    %reduce_max3A_85 = arith.constant dense<0xFF800000> : vector<4xf32>
    %reduce_max3A_86 = vector.multi_reduction <maximumf>, %select_n3A_84, %reduce_max3A_85 [1] : vector<4x64xf32> to vector<4xf32>
    %broadcast_in_dim3A_87 = vector.shape_cast %reduce_max3A_86 : vector<4xf32> to vector<4x1xf32>
    %ge3A_88 = arith.constant 8 : i32
    %ge3A_89 = vector.broadcast %ge3A_88 : i32 to vector<4x1xi32>
    %ge3A_90 = arith.cmpi sge, %broadcast_in_dim3A_79, %ge3A_89 : vector<4x1xi32>
    %select_n3A_91 = arith.select %ge3A_90, %select_n3A_73, %broadcast_in_dim3A_87 : vector<4x1xi1>, vector<4x1xf32>
    %ge3A_92 = vector.broadcast %select_n3A_91 : vector<4x1xf32> to vector<4x64xf32>
    %ge3A_93 = arith.cmpf oge, %add3A, %ge3A_92 : vector<4x64xf32>
    %convert_element_type3A_94 = arith.extui %ge3A_93 : vector<4x64xi1> to vector<4x64xi32>
    %reduce_sum3A_95 = arith.constant dense<0> : vector<4xi32>
    %reduce_sum3A_96 = vector.multi_reduction <add>, %convert_element_type3A_94, %reduce_sum3A_95 [1] : vector<4x64xi32> to vector<4xi32>
    %broadcast_in_dim3A_97 = vector.shape_cast %reduce_sum3A_96 : vector<4xi32> to vector<4x1xi32>
    %lt3A_98 = vector.broadcast %select_n3A_91 : vector<4x1xf32> to vector<4x64xf32>
    %lt3A_99 = arith.cmpf olt, %add3A, %lt3A_98 : vector<4x64xf32>
    %jit3A_100 = arith.constant 0xFF800000 : f32
    %broadcast_in_dim3A_101 = vector.broadcast %jit3A_100 : f32 to vector<4x64xf32>
    %select_n3A_102 = arith.select %lt3A_99, %add3A, %broadcast_in_dim3A_101 : vector<4x64xi1>, vector<4x64xf32>
    %reduce_max3A_103 = arith.constant dense<0xFF800000> : vector<4xf32>
    %reduce_max3A_104 = vector.multi_reduction <maximumf>, %select_n3A_102, %reduce_max3A_103 [1] : vector<4x64xf32> to vector<4xf32>
    %broadcast_in_dim3A_105 = vector.shape_cast %reduce_max3A_104 : vector<4xf32> to vector<4x1xf32>
    %ge3A_106 = arith.constant 8 : i32
    %ge3A_107 = vector.broadcast %ge3A_106 : i32 to vector<4x1xi32>
    %ge3A_108 = arith.cmpi sge, %broadcast_in_dim3A_97, %ge3A_107 : vector<4x1xi32>
    %select_n3A_109 = arith.select %ge3A_108, %select_n3A_91, %broadcast_in_dim3A_105 : vector<4x1xi1>, vector<4x1xf32>
    %ge3A_110 = vector.broadcast %select_n3A_109 : vector<4x1xf32> to vector<4x64xf32>
    %ge3A_111 = arith.cmpf oge, %add3A, %ge3A_110 : vector<4x64xf32>
    %convert_element_type3A_112 = arith.extui %ge3A_111 : vector<4x64xi1> to vector<4x64xi32>
    %reduce_sum3A_113 = arith.constant dense<0> : vector<4xi32>
    %reduce_sum3A_114 = vector.multi_reduction <add>, %convert_element_type3A_112, %reduce_sum3A_113 [1] : vector<4x64xi32> to vector<4xi32>
    %broadcast_in_dim3A_115 = vector.shape_cast %reduce_sum3A_114 : vector<4xi32> to vector<4x1xi32>
    %lt3A_116 = vector.broadcast %select_n3A_109 : vector<4x1xf32> to vector<4x64xf32>
    %lt3A_117 = arith.cmpf olt, %add3A, %lt3A_116 : vector<4x64xf32>
    %jit3A_118 = arith.constant 0xFF800000 : f32
    %broadcast_in_dim3A_119 = vector.broadcast %jit3A_118 : f32 to vector<4x64xf32>
    %select_n3A_120 = arith.select %lt3A_117, %add3A, %broadcast_in_dim3A_119 : vector<4x64xi1>, vector<4x64xf32>
    %reduce_max3A_121 = arith.constant dense<0xFF800000> : vector<4xf32>
    %reduce_max3A_122 = vector.multi_reduction <maximumf>, %select_n3A_120, %reduce_max3A_121 [1] : vector<4x64xf32> to vector<4xf32>
    %broadcast_in_dim3A_123 = vector.shape_cast %reduce_max3A_122 : vector<4xf32> to vector<4x1xf32>
    %ge3A_124 = arith.constant 8 : i32
    %ge3A_125 = vector.broadcast %ge3A_124 : i32 to vector<4x1xi32>
    %ge3A_126 = arith.cmpi sge, %broadcast_in_dim3A_115, %ge3A_125 : vector<4x1xi32>
    %select_n3A_127 = arith.select %ge3A_126, %select_n3A_109, %broadcast_in_dim3A_123 : vector<4x1xi1>, vector<4x1xf32>
    %ge3A_128 = vector.broadcast %select_n3A_127 : vector<4x1xf32> to vector<4x64xf32>
    %ge3A_129 = arith.cmpf oge, %add3A, %ge3A_128 : vector<4x64xf32>
    %convert_element_type3A_130 = arith.extui %ge3A_129 : vector<4x64xi1> to vector<4x64xi32>
    %reduce_sum3A_131 = arith.constant dense<0> : vector<4xi32>
    %reduce_sum3A_132 = vector.multi_reduction <add>, %convert_element_type3A_130, %reduce_sum3A_131 [1] : vector<4x64xi32> to vector<4xi32>
    %broadcast_in_dim3A_133 = vector.shape_cast %reduce_sum3A_132 : vector<4xi32> to vector<4x1xi32>
    %lt3A_134 = vector.broadcast %select_n3A_127 : vector<4x1xf32> to vector<4x64xf32>
    %lt3A_135 = arith.cmpf olt, %add3A, %lt3A_134 : vector<4x64xf32>
    %jit3A_136 = arith.constant 0xFF800000 : f32
    %broadcast_in_dim3A_137 = vector.broadcast %jit3A_136 : f32 to vector<4x64xf32>
    %select_n3A_138 = arith.select %lt3A_135, %add3A, %broadcast_in_dim3A_137 : vector<4x64xi1>, vector<4x64xf32>
    %reduce_max3A_139 = arith.constant dense<0xFF800000> : vector<4xf32>
    %reduce_max3A_140 = vector.multi_reduction <maximumf>, %select_n3A_138, %reduce_max3A_139 [1] : vector<4x64xf32> to vector<4xf32>
    %broadcast_in_dim3A_141 = vector.shape_cast %reduce_max3A_140 : vector<4xf32> to vector<4x1xf32>
    %ge3A_142 = arith.constant 8 : i32
    %ge3A_143 = vector.broadcast %ge3A_142 : i32 to vector<4x1xi32>
    %ge3A_144 = arith.cmpi sge, %broadcast_in_dim3A_133, %ge3A_143 : vector<4x1xi32>
    %select_n3A_145 = arith.select %ge3A_144, %select_n3A_127, %broadcast_in_dim3A_141 : vector<4x1xi1>, vector<4x1xf32>
    %sub3A_146 = vector.broadcast %select_n3A_145 : vector<4x1xf32> to vector<4x64xf32>
    %sub3A_147 = arith.subf %add3A, %sub3A_146 : vector<4x64xf32>
    %div3A_148 = arith.constant 1.000000e+00 : f32
    %div3A_149 = vector.broadcast %div3A_148 : f32 to vector<4x64xf32>
    %div3A_150 = arith.divf %sub3A_147, %div3A_149 : vector<4x64xf32>
    %logistic3A = arith.negf %div3A_150 : vector<4x64xf32>
    %logistic3A_151 = math.exp %logistic3A : vector<4x64xf32>
    %logistic3A_152 = arith.constant 1.000000e+00 : f32
    %logistic3A_153 = vector.broadcast %logistic3A_152 : f32 to vector<4x64xf32>
    %logistic3A_154 = arith.addf %logistic3A_153, %logistic3A_151 : vector<4x64xf32>
    %logistic3A_155 = arith.divf %logistic3A_153, %logistic3A_154 : vector<4x64xf32>
    %mul3A = arith.mulf %div3A_21, %logistic3A_155 : vector<4x64xf32>
    %reduce_sum3A_156 = arith.constant dense<0.000000e+00> : vector<4xf32>
    %reduce_sum3A_157 = vector.multi_reduction <add>, %mul3A, %reduce_sum3A_156 [1] : vector<4x64xf32> to vector<4xf32>
    %broadcast_in_dim3A_158 = vector.shape_cast %reduce_sum3A_157 : vector<4xf32> to vector<4x1xf32>
    %div3A_159 = vector.broadcast %broadcast_in_dim3A_158 : vector<4x1xf32> to vector<4x64xf32>
    %div3A_160 = arith.divf %mul3A, %div3A_159 : vector<4x64xf32>
    %swap3A = arith.constant 0 : index
    %swap3A_161 = arith.constant 0 : index
    %swap3A_162 = vector.load %arg3[%swap3A, %swap3A_161] : memref<4x64xf32, #tpu.memory_space<vmem>>, vector<4x64xf32>
    tpu.vector_store %arg3[%swap3A, %swap3A_161], %div3A_160 {strides = array<i32>} : memref<4x64xf32, #tpu.memory_space<vmem>>, vector<4x64xf32>,
    return
  }
}

module attributes {stable_mosaic.version = 14 : i64} {
  func.func @_tc_matmul_kernel(%arg0: i32, %arg1: memref<4x64x1024xf32, #tpu.memory_space<vmem>>, %arg2: memref<56x65536xf32, #tpu.memory_space<vmem>>, %arg3: memref<4x56xf32, #tpu.memory_space<vmem>>, %arg4: memref<4x56xf32, #tpu.memory_space<vmem>>) attributes {dimension_semantics = [#tpu.dimension_semantics<arbitrary>], iteration_bounds = array<i64: 32>, scalar_prefetch = 0 : i64, scratch_operands = 1 : i64, tpu.core_type = #tpu.core_type<tc>, window_params = [{transform_indices = @transform_0, window_bounds = array<i64: 4, 64, 1024>}, {transform_indices = @transform_1, window_bounds = array<i64: 56, 65536>}, {pipeline_mode = #tpu.pipeline_mode<synchronous>, transform_indices = @transform_2, window_bounds = array<i64: 4, 56>}]} {
    %eq3A = arith.constant 0 : i32
    %eq3A_0 = arith.cmpi eq, %arg0, %eq3A : i32
    %convert_element_type3A = arith.extui %eq3A_0 : i1 to i32
    %cond3A = arith.constant 0 : i32
    %cond3A_1 = arith.cmpi ne, %convert_element_type3A, %cond3A : i32
    scf.if %cond3A_1 {
      %broadcast_in_dim3A = arith.constant 0.000000e+00 : f32
      %broadcast_in_dim3A_19 = vector.broadcast %broadcast_in_dim3A : f32 to vector<4x56xf32>
      %swap3A_20 = arith.constant 0 : index
      %swap3A_21 = arith.constant 0 : index
      %swap3A_22 = vector.load %arg4[%swap3A_20, %swap3A_21] : memref<4x56xf32, #tpu.memory_space<vmem>>, vector<4x56xf32>
      tpu.vector_store %arg4[%swap3A_20, %swap3A_21], %broadcast_in_dim3A_19 {strides = array<i32>} : memref<4x56xf32, #tpu.memory_space<vmem>>, vector<4x56xf32>,
    } else {
    }
    %get3A = arith.constant 0 : index
    %get3A_2 = arith.constant 0 : index
    %get3A_3 = arith.constant 0 : index
    %get3A_4 = vector.load %arg1[%get3A, %get3A_2, %get3A_3] : memref<4x64x1024xf32, #tpu.memory_space<vmem>>, vector<4x64x1024xf32>
    %reshape3A = vector.shape_cast %get3A_4 : vector<4x64x1024xf32> to vector<4x65536xf32>
    %get3A_5 = arith.constant 0 : index
    %get3A_6 = arith.constant 0 : index
    %get3A_7 = vector.load %arg4[%get3A_5, %get3A_6] : memref<4x56xf32, #tpu.memory_space<vmem>>, vector<4x56xf32>
    %get3A_8 = arith.constant 0 : index
    %get3A_9 = arith.constant 0 : index
    %get3A_10 = vector.load %arg2[%get3A_8, %get3A_9] : memref<56x65536xf32, #tpu.memory_space<vmem>>, vector<56x65536xf32>
    %dot_general3A = arith.constant dense<0.000000e+00> : vector<4x56xf32>
    %dot_general3A_11 = tpu.matmul %reshape3A, %get3A_10, %dot_general3A {dimension_numbers = #tpu.dot_dimension_numbers<[1], [1], [0], [0], [0, 0, 1, 0], [], []>, transpose_lhs_hint = false} : vector<4x65536xf32>, vector<56x65536xf32>, vector<4x56xf32> -> vector<4x56xf32>
    %add3A = arith.addf %get3A_7, %dot_general3A_11 : vector<4x56xf32>
    %swap3A = arith.constant 0 : index
    %swap3A_12 = arith.constant 0 : index
    %swap3A_13 = vector.load %arg4[%swap3A, %swap3A_12] : memref<4x56xf32, #tpu.memory_space<vmem>>, vector<4x56xf32>
    tpu.vector_store %arg4[%swap3A, %swap3A_12], %add3A {strides = array<i32>} : memref<4x56xf32, #tpu.memory_space<vmem>>, vector<4x56xf32>,
    %eq3A_14 = arith.constant 31 : i32
    %eq3A_15 = arith.cmpi eq, %arg0, %eq3A_14 : i32
    %convert_element_type3A_16 = arith.extui %eq3A_15 : i1 to i32
    %cond3A_17 = arith.constant 0 : i32
    %cond3A_18 = arith.cmpi ne, %convert_element_type3A_16, %cond3A_17 : i32
    scf.if %cond3A_18 {
      %get3A_19 = arith.constant 0 : index
      %get3A_20 = arith.constant 0 : index
      %get3A_21 = vector.load %arg4[%get3A_19, %get3A_20] : memref<4x56xf32, #tpu.memory_space<vmem>>, vector<4x56xf32>
      %swap3A_22 = arith.constant 0 : index
      %swap3A_23 = arith.constant 0 : index
      %swap3A_24 = vector.load %arg3[%swap3A_22, %swap3A_23] : memref<4x56xf32, #tpu.memory_space<vmem>>, vector<4x56xf32>
      tpu.vector_store %arg3[%swap3A_22, %swap3A_23], %get3A_21 {strides = array<i32>} : memref<4x56xf32, #tpu.memory_space<vmem>>, vector<4x56xf32>,
    } else {
    }
    return
  }
  func.func @transform_0(%arg0: i32) -> (i32, i32, i32) {
    %c0_i32 = arith.constant 0 : i32
    %c0_i32_0 = arith.constant 0 : i32
    %c0_i32_1 = arith.constant 0 : i32
    return %c0_i32, %arg0, %c0_i32_0 : i32, i32, i32
  }
  func.func @transform_1(%arg0: i32) -> (i32, i32) {
    %c0_i32 = arith.constant 0 : i32
    %c0_i32_0 = arith.constant 0 : i32
    return %c0_i32, %arg0 : i32, i32
  }
  func.func @transform_2(%arg0: i32) -> (i32, i32) {
    %c0_i32 = arith.constant 0 : i32
    %c0_i32_0 = arith.constant 0 : i32
    %c0_i32_1 = arith.constant 0 : i32
    return %c0_i32, %c0_i32_0 : i32, i32
  }
}

</mosaic_0001>

<sc_bundles>
// kernel: kernel.5.cloned.1.call-start
scs
__scs_entry_jumppad:
0x0: {  	(pc) =	sbr.rel $0x88, $3  }
0x1: {  	(tag) =	ssettag $0x0;
	lr =	simm.s32 $0x1  }
0x2: {  	[smem:$0x3F9E] =	sst lr;
	_ =	strace $0xD0000000  }
0x3: {  	_ = 	snop  }
0x4: {  	_ = 	snop  }
0x5: {  	_ = 	snop  }
0x6: {  	_ = 	snop  }
0x7: {  	_ = 	snop  }
__scs_overlays_trampoline_lowered:
0x8: {  	[smem:$0x3FAD] =	sst s0  }
0x9: {  	[smem:$0x3FAE] =	sst s1  }
0xa: {  	[smem:$0x3FAF] =	sst s2  }
0xb: {  	[smem:$0x3FB0] =	sst s3  }
0xc: {  	[smem:$0x3FB1] =	sst s4  }
0xd: {  	[smem:$0x3FB2] =	sst s5  }
0xe: {  	[smem:$0x3FB3] =	sst s6  }
0xf: {  	[smem:$0x3FB4] =	sst s7  }
0x10: {  	[smem:$0x3FB5] =	sst s8  }
0x11: {  	[smem:$0x3FB6] =	sst s9;
	s0 =	simm.s32 @!p0 $0x0  }
0x12: {  	s1 =	sld [smem:$0x3F9C];
	s0 =	simm.s32 @p0 $0x1  }
0x13: {  	[smem:$0x3FB7] =	sst s0;
	s0 =	simm.s32 @!p1 $0x0  }
0x14: {  	s2 =	sld [smem:$0x3F9B];
	s0 =	simm.s32 @p1 $0x1  }
0x15: {  	[smem:$0x3FB8] =	sst s0;
	s0 =	simm.s32 @!p2 $0x0  }
0x16: {  	s3 =	sld [smem:$0x3FDB];
	s0 =	simm.s32 @p2 $0x1  }
0x17: {  	s4 =	simm.s32 $0x1BF5;
	[smem:$0x3FBA] =	sst s0  }
0x18: {  	s0 =	sld [smem:$0x3F9D];
	_ =	swait.ge [sflag:s4], $0x0  }
0x19: {  	s7 =	sld [smem:$0x3F9E]  }
0x1a: {  	s8 =	sadd.s32 $0xFFFFE003, lr  }
0x1b: {  	s9 =	sadd.s32 $0xFFFFFEF7, lr;
	s5 =	simm.s32 $0xFFFFFFFF;
	p2 =	slt.u32 s8, $0xFFFFF086  }
0x1c: {  	p1 =	slt.u32 s9, $0xF7A;
	s5 =	simm.s32 @!p2 $0x0  }
0x1d: {  	s5 =	simm.s32 @p1 $0x1;
	p0 =	seq.s32 s7, s2  }
0x1e: {  	s7 =	smul.u32 @!p0 $0xF7A, s2;
	p2 =	seq.s32 @!p0 s5, $0x0  }
0x1f: {  	s9 =	smul.u32 $0xF7A, s1;
	s8 =	simm.s32 @!p0 $0x1BF5;
	p2 =	por !p2, p0  }
0x20: {  	[sflag:s8] =	ssyncset.s32 @!p0 $0xFFFFF086;
	s6 =	sadd.s32 @!p0 s3, s7;
	s7 =	simm.s32 @!p0 $0x108  }
0x21: {  	s3 =	sadd.s32 s3, s9;
	s6 =	sadd.s32 @!p0 $0x88, s6;
	s7 =	simm.s32 @p2 $0x1082  }
0x22: {  	[simem:s7], [sflag:s8] =	dma.local @!p0 [hbm:s6], $0xF7A  }
0x23: {  	s9 =	sor.u32 $0xD0000000, s2;
	s6 =	simm.s32 $0x108;
	_ =	swait.ge @!p0 [sflag:s8], $0x0  }
0x24: {  	s3 =	sadd.s32 $0x88, s3;
	s6 =	simm.s32 @!p1 $0x1082;
	[sflag:s4] =	ssyncset.s32 $0xFFFFF086  }
0x25: {  	[simem:s6], [sflag:s4] =	dma.local [hbm:s3], $0xF7A  }
0x26: {  	[smem:$0x3F9E] =	sst s1;
	(tag) =	ssettag s2;
	_ =	strace s9  }
0x27: {  	s1 =	sld [smem:$0x3FAE]  }
0x28: {  	s2 =	sld [smem:$0x3FAF]  }
0x29: {  	s4 =	sld [smem:$0x3FB1]  }
0x2a: {  	p0 =	seq.s32 s5, $0x0;
	s5 =	sld [smem:$0x3FB2]  }
0x2b: {  	s6 =	sld [smem:$0x3FB3]  }
0x2c: {  	s7 =	sld [smem:$0x3FB4]  }
0x2d: {  	s3 =	simm.s32 $0x108;
	s8 =	sld [smem:$0x3FB5]  }
0x2e: {  	s3 =	simm.s32 @!p0 $0x1082;
	s9 =	sld [smem:$0x3FB6]  }
0x2f: {  	lr =	sadd.s32 s0, s3;
	s0 =	sld [smem:$0x3FAD]  }
0x30: {  	s3 =	sld [smem:$0x3FB0]  }
0x31: {  	[smem:$0x3FB9] =	sst s10  }
0x32: {  	s10 =	sld [smem:$0x3FB7];
	_ =	sdelay $0x3  }
0x33: {  	p0 =	seq.s32 s10, $0x1;
	s10 =	sld [smem:$0x3FB9];
	_ =	sdelay $0x3  }
0x34: {  	[smem:$0x3FB9] =	sst s10  }
0x35: {  	s10 =	sld [smem:$0x3FB8];
	_ =	sdelay $0x3  }
0x36: {  	p1 =	seq.s32 s10, $0x1;
	s10 =	sld [smem:$0x3FB9];
	_ =	sdelay $0x3  }
0x37: {  	[smem:$0x3FB9] =	sst s10  }
0x38: {  	s10 =	sld [smem:$0x3FBA]  }
0x39: {  	_ = 	snop;
	(pc) =	sbr.ind lr, $3  }
0x3a: {  	_ = 	snop  }
0x3b: {  	_ = 	snop  }
0x3c: {  	p2 =	seq.s32 s10, $0x1;
	s10 =	sld [smem:$0x3FB9]  }
0x3d: {  	_ =	shalt  }
0x3e: {  	_ =	shalt  }
0x3f: {  	_ =	shalt  }
0x40: {  	_ =	shalt  }
0x41: {  	_ =	shalt  }
0x42: {  	_ =	shalt  }
0x43: {  	_ =	shalt  }
0x44: {  	_ =	shalt  }
0x45: {  	_ =	shalt  }
0x46: {  	_ =	shalt  }
0x47: {  	_ =	shalt  }
0x48: {  	_ =	shalt  }
0x49: {  	_ =	shalt  }
0x4a: {  	_ =	shalt  }
0x4b: {  	_ =	shalt  }
0x4c: {  	_ =	shalt  }
0x4d: {  	_ =	shalt  }
0x4e: {  	_ =	shalt  }
0x4f: {  	_ =	shalt  }
0x50: {  	_ =	shalt  }
0x51: {  	_ =	shalt  }
0x52: {  	_ =	shalt  }
0x53: {  	_ =	shalt  }
0x54: {  	_ =	shalt  }
0x55: {  	_ =	shalt  }
0x56: {  	_ =	shalt  }
0x57: {  	_ =	shalt  }
0x58: {  	_ =	shalt  }
0x59: {  	_ =	shalt  }
0x5a: {  	_ =	shalt  }
0x5b: {  	_ =	shalt  }
0x5c: {  	_ =	shalt  }
0x5d: {  	_ =	shalt  }
0x5e: {  	_ =	shalt  }
0x5f: {  	_ =	shalt  }
0x60: {  	_ =	shalt  }
0x61: {  	_ =	shalt  }
0x62: {  	_ =	shalt  }
0x63: {  	_ =	shalt  }
0x64: {  	_ =	shalt  }
0x65: {  	_ =	shalt  }
0x66: {  	_ =	shalt  }
0x67: {  	_ =	shalt  }
0x68: {  	_ =	shalt  }
0x69: {  	_ =	shalt  }
0x6a: {  	_ =	shalt  }
0x6b: {  	_ =	shalt  }
0x6c: {  	_ =	shalt  }
0x6d: {  	_ =	shalt  }
0x6e: {  	_ =	shalt  }
0x6f: {  	_ =	shalt  }
0x70: {  	_ =	shalt  }
0x71: {  	_ =	shalt  }
0x72: {  	_ =	shalt  }
0x73: {  	_ =	shalt  }
0x74: {  	_ =	shalt  }
0x75: {  	_ =	shalt  }
0x76: {  	_ =	shalt  }
0x77: {  	_ =	shalt  }
0x78: {  	_ =	shalt  }
0x79: {  	_ =	shalt  }
0x7a: {  	_ =	shalt  }
0x7b: {  	_ =	shalt  }
0x7c: {  	_ =	shalt  }
0x7d: {  	_ =	shalt  }
0x7e: {  	_ =	shalt  }
0x7f: {  	_ =	shalt  }
0x80: {  	_ =	shalt  }
0x81: {  	_ =	shalt  }
0x82: {  	_ =	shalt  }
0x83: {  	_ =	shalt  }
0x84: {  	_ =	shalt  }
0x85: {  	_ =	shalt  }
0x86: {  	_ =	shalt  }
0x87: {  	_ =	shalt  }
.Lfunc_end0:
.L_simem_size_0:
called_computation_lowered:
.L_overlay_start_0:
0x88: {  	s2 =	sld [smem:$0x3FD9]  }
0x89: {  	s3 =	sld [smem:$0x3FFE];
	_ =	sdelay $0x1  }
0x8a: {  	s1 =	srdreg.scid  }
0x8b: {  	s0 =	sand.u32 $0x1, s1  }
0x8c: {  	s17 =	sshll.u32 s0, $0xA;
	s2 =	sadd.s32 s3, s2  }
0x8d: {  	s2 =	sadd.s32 s2, s17  }
0x8e: {  	[smem:$0x3FC5] =	sst s2  }
0x8f: {  	_ = 	snop  }
0x90: {  	s2 =	sld [smem:$0x3FC9]  }
0x91: {  	s18 =	sld [smem:$0x3FC8];
	(tm) =	ssettm $0x1  }
0x92: {  	s4 =	sld [smem:$0x3FFB];
	_ =	sdelay $0x3  }
0x93: {  	_ =	strace s4  }
0x94: {  	s4 =	sld [smem:$0x3FFC];
	_ =	sdelay $0x3  }
0x95: {  	_ =	strace s4  }
0x96: {  	s4 =	sld [smem:$0x3FFD];
	_ =	sdelay $0x3  }
0x97: {  	_ =	strace s4  }
0x98: {  	_ =	strace $0x8FFFFFFF  }
0x99: {  	s19 =	sld [smem:$0x3FDB];
	_ =	sdelay $0x1  }
0x9a: {  	s5 =	simm.s32 $_scs_section_size  }
0x9b: {  	s6 =	simm.s32 $_size__tile_overlayer_lowered;
	s7 =	simm.s32 $_tile_overlayer_lowered  }
0x9c: {  	s22 =	simm.s32 $0x1BFF;
	s21 =	sshll.u32 s7, $0x1;
	s4 =	sadd.s32 s5, s19  }
0x9d: {  	s8 =	simm.s32 $0x0;
	s20 =	sshll.u32 s6, $0x1;
	s6 =	sadd.s32 s21, s4  }
0x9e: {  	[timem:s8], [sflag:s22] =	dma.local [hbm:s6], s20  }
0x9f: {  	_ =	swait.ge [sflag:s22], s20  }
0xa0: {  	s5 =	ssub.s32 $0x0, s20;
	[sflag:s22] =	ssyncset.done $0x0  }
0xa1: {  	[sflag:s22] =	ssyncadd.s32 s5;
	_ =	sdelay $0x1  }
0xa2: {  	s23 =	simm.s32 $0x1B8B  }
0xa3: {  	_ =	swait.ge [sflag:s23], $0x1  }
0xa4: {  	[sflag:s23] =	ssyncset.done $0x0  }
0xa5: {  	s25 =	simm.s32 $0x1B8E;
	s24 =	sld [smem:$0x3FFE];
	[sflag:s23] =	ssyncadd.s32 $0xFFFFFFFF  }
0xa6: {  	s26 =	simm.s32 $execute0_lowered;
	[smem:$0x3FD2] =	sst s25  }
0xa7: {  	s6 =	sshll.u32 s26, $0x1;
	_ =	strace $0x80000046;
	[dreg:$0x1] =	wrdreg $0xFFFFFFFF  }
0xa8: {  	s28 =	simm.s32 $_size_execute0_lowered;
	s4 =	sadd.s32 s4, s6;
	[dreg:$0x0] =	wrdreg $0x0  }
0xa9: {  	s6 =	sshll.u32 s28, $0x1;
	[dreg:$0x2] =	wrdreg s4  }
0xaa: {  	[dreg:$0x3] =	wrdreg s6  }
0xab: {  	[dreg:$0x4] =	wrdreg $0xC0  }
0xac: {  	_ =	task [dreg:s8], $0x5FFFF  }
0xad: {  	[dreg:$0x1] =	wrdreg $0xFFFFFFFF  }
0xae: {  	[dreg:$0x0] =	wrdreg $0x60  }
0xaf: {  	[dreg:$0x2] =	wrdreg s2  }
0xb0: {  	[dreg:$0x3] =	wrdreg s18  }
0xb1: {  	[dreg:$0x4] =	wrdreg s24  }
0xb2: {  	[dreg:$0x5] =	wrdreg $0x9  }
0xb3: {  	_ =	task.clear_ibuf [dreg:s8], $0x6FFFF;
	_ =	strace $0x90000046  }
0xb4: {  	s29 =	simm.s32 $0x9;
	_ =	strace $0x80000048  }
0xb5: {  	_ =	swait.ge [sflag:s29], $0x1  }
0xb6: {  	[sflag:s29] =	ssyncadd.s32 $0xFFFFFFFF  }
0xb7: {  	_ =	strace $0x90000048  }
0xb8: {  	_ =	sfence  }
0xb9: {  	s30 =	sld [smem:$0x0];
	_ =	sdelay $0x2  }
0xba: {  	s31 =	sshll.u32 s1, $0xD;
	s1 =	sshrl.u32 s1, $0x2  }
0xbb: {  	s3 =	sand.u32 $0x4000, s31;
	s1 =	sadd.s32 s1, s30  }
0xbc: {  	s0 =	sor.u32 s3, s0;
	s1 =	sshll.u32 s1, $0x11  }
0xbd: {  	s0 =	sor.u32 s1, s0  }
0xbe: {  	s0 =	sadd.s32 $0x8F2B, s0  }
0xbf: {  	[sflag:s0] =	ssyncadd.remote.s32 $0x1  }
0xc0: {  	_ =	sfence.sel $0xFFFF  }
0xc1: {  	[dreg:$0x0] =	wrdreg $0xFFFFFFFF;
	(pc) =	sbr.abs _section_cstart, $3  }
0xc2: {  	[dreg:$0x1] =	wrdreg $0xFFFFFFFF  }
0xc3: {  	_ =	task.clear_ibuf [dreg:s8], $0x2FFFF;
	_ =	strace $0x9FFFFFFF  }
0xc4: {  	(tm) =	ssettm $0x7FFFFFFF  }
0xc5: {  	_ =	shalt  }
tec
execute0_lowered:
.L_overlay_start_1:
0x0: {  	(tag) =	ssettag $0x1  }
0x1: {  	s0 =	rddreg [dreg:$0x0]  }
0x2: {  	s1 =	rddreg [dreg:$0x1]  }
0x3: {  	s2 =	srdreg.scid;
	s5 =	stileid.u32  }
0x4: {  	s3 =	rddreg [dreg:$0x2];
	s12 =	simm.s32 $0x200;
	s13 =	simm.s32 $0x400  }
0x5: {  	s18 =	simm.s32 $0x4000;
	s19 =	simm.s32 $0x5000;
	s20 =	simm.s32 $0x6000  }
0x6: {  	s21 =	simm.s32 $0x7000;
	s29 =	simm.s32 $0x5;
	s30 =	simm.s32 $0x0  }
0x7: {  	s4 =	sand.u32 $0x1, s2;
	s5 =	sshll.u32 s5, $0x1;
	s2 =	simm.s32 $0x0  }
0x8: {  	s5 =	sor.u32 s4, s5;
	[smem:$0x7FF] =	sst s2;
	s4 =	ssub.s32 $0x2, s4  }
0x9: {  	s6 =	sshll.u32 s5, $0x9;
	_ =	strace $0x80000047;
	s22 =	sshll.u32 s5, $0x10  }
0xa: {  	s23 =	sshll.u32 s5, $0xD;
	s24 =	sshrl.u32 s4, $0x1;
	s7 =	sadd.s32 s6, s3  }
0xb: {  	s3 =	sadd.s32 s0, s23;
	s25 =	sadd.s32 s22, s1;
	s26 =	ssub.s32 s4, s24  }
0xc: {  	s22 =	simm.s32 $0x10000;
	s23 =	simm.s32 $0x1;
	s24 =	simm.s32 $0x3  }
0xd: {  	s4 =	sadd.s32 $0xE00000, s25;
	s5 =	sadd.s32 $0x40, s3;
	s6 =	sadd.s32 $0xE01000, s25  }
0xe: {  	s28 =	sadd.s32 $0xA00, s7;
	s31 =	smax.u32 s26, $0x1;
	s9 =	sadd.s32 $0x40000, s3  }
0xf: {  	s10 =	sadd.s32 $0x80000, s3;
	s11 =	sadd.s32 $0xC0000, s3;
	[dreg:$0x4] =	wrdreg s28  }
0x10: {  	s25 =	simm.s32 $0x2;
	s26 =	simm.s32 $0x4;
	[dreg:$0x5] =	wrdreg s31  }
.LBB2_1:
0x11: {  	v16 =	vimm.f32 $0.0e+00;
	v5 =	vimm.f32 $0.0e+00  }
0x12: {  	v2 =	vimm.f32 $0.0e+00;
	v10 =	vimm.f32 $0.0e+00;
	v12 =	vimm.f32 $0.0e+00  }
0x13: {  	[tilespmem:s2], [sflag:$0x1] =	stream.strided.gather [hbm4b:s3+s12], $0x1000, s13, s12, $0x38;
	v8 =	vimm.f32 $0.0e+00;
	v11 =	vimm.f32 $0.0e+00;
	v0 =	vimm.f32 $0.0e+00;
	[tilespmem:$0x19000] =	vst v63  }
0x14: {  	s0 =	simm.s32 $0x1000;
	v18 =	vimm.f32 $0.0e+00;
	v6 =	vimm.f32 $0.0e+00;
	v31 =	vimm.f32 $0.0e+00  }
0x15: {  	v19 =	vimm.f32 $0.0e+00;
	v17 =	vimm.f32 $0.0e+00;
	v26 =	vimm.f32 $0.0e+00;
	[tilespmem:s0], [sflag:$0x1] =	stream.strided.gather [hbm4b:s9+s12], $0x1000, s13, s12, $0x38;
	[tilespmem:$0x19000] =	vst v63  }
0x16: {  	s16 =	simm.s32 $0x2000;
	v20 =	vimm.f32 $0.0e+00;
	v13 =	vimm.f32 $0.0e+00;
	v22 =	vimm.f32 $0.0e+00  }
0x17: {  	v50 =	vimm.f32 $0.0e+00;
	v47 =	vimm.f32 $0.0e+00;
	v33 =	vimm.f32 $0.0e+00;
	[tilespmem:s16], [sflag:$0x1] =	stream.strided.gather [hbm4b:s10+s12], $0x1000, s13, s12, $0x38;
	[tilespmem:$0x19000] =	vst v63  }
0x18: {  	s17 =	simm.s32 $0x3000;
	v27 =	vimm.f32 $0.0e+00;
	v7 =	vimm.f32 $0.0e+00;
	v3 =	vimm.f32 $0.0e+00  }
0x19: {  	v9 =	vimm.f32 $0.0e+00;
	v21 =	vimm.f32 $0.0e+00;
	v24 =	vimm.f32 $0.0e+00;
	[tilespmem:s17], [sflag:$0x1] =	stream.strided.gather [hbm4b:s11+s12], $0x1000, s13, s12, $0x38;
	[tilespmem:$0x19000] =	vst v63  }
0x1a: {  	s28 =	simm.s32 $0x8000;
	v25 =	vimm.f32 $0.0e+00;
	v23 =	vimm.f32 $0.0e+00;
	v15 =	vimm.f32 $0.0e+00;
	s31 =	simm.s32 $0x0  }
0x1b: {  	v28 =	vimm.f32 $0.0e+00;
	v1 =	vimm.f32 $0.0e+00;
	v4 =	vimm.f32 $0.0e+00;
	[tilespmem:s28], [sflag:$0x3] =	stream.linear.gather [hbm4b:s4+s2], $0x8000, $0x38;
	[tilespmem:$0x19000] =	vst v63  }
.LBB2_2:
0x1c: {  	s0 =	sshll.u32 s31, $0xA  }
0x1d: {  	s0 =	sadd.s32 s0, s5  }
0x1e: {  	[tilespmem:s18], [sflag:$0x2] =	stream.strided.gather [hbm4b:s0+s12], $0x1000, s13, s12, $0x38;
	[tilespmem:$0x19000] =	vst v63  }
0x1f: {  	s1 =	sadd.s32 $0x40000, s0  }
0x20: {  	[tilespmem:s19], [sflag:$0x2] =	stream.strided.gather [hbm4b:s1+s12], $0x1000, s13, s12, $0x38;
	[tilespmem:$0x19000] =	vst v63  }
0x21: {  	s16 =	sadd.s32 $0x80000, s0  }
0x22: {  	[tilespmem:s20], [sflag:$0x2] =	stream.strided.gather [hbm4b:s16+s12], $0x1000, s13, s12, $0x38;
	[tilespmem:$0x19000] =	vst v63  }
0x23: {  	s17 =	sshll.u32 s31, $0xD;
	s0 =	sadd.s32 $0xC0000, s0  }
0x24: {  	[tilespmem:s21], [sflag:$0x2] =	stream.strided.gather [hbm4b:s0+s12], $0x1000, s13, s12, $0x38;
	[tilespmem:$0x19000] =	vst v63  }
0x25: {  	s28 =	sadd.s32 s17, s6;
	s0 =	simm.s32 $0x0  }
0x26: {  	[tilespmem:s22], [sflag:$0x4] =	stream.linear.gather [hbm4b:s28+s0], $0x8000, $0x38;
	[tilespmem:$0x19000] =	vst v63  }
0x27: {  	_ =	swait.ge [sflag:s23], $0x4000  }
0x28: {  	[sflag:s23] =	ssyncset.done $0x0  }
0x29: {  	[sflag:s23] =	ssyncadd.s32 $0xFFFFC000  }
0x2a: {  	s14 =	simm.s32 $0x0;
	s15 =	simm.s32 $0x0;
	_ =	swait.ge [sflag:s24], $0x8000  }
0x2b: {  	s14 =	sand.u32 $0x3FFFFE00, s14;
	s1 =	sand.u32 $0x70, s0;
	[sflag:s24] =	ssyncset.done $0x0  }
0x2c: {  	s15 =	sand.u32 $0x3FFFFC00, s15;
	s14 =	sor.u32 s1, s14;
	[sflag:s24] =	ssyncadd.s32 $0xFFFF8000  }
0x2d: {  	s15 =	sor.u32 s1, s15;
	v36 =	vld [tilespmem:s14+$0x2000]  }
0x2e: {  	v14 =	vld [tilespmem:s15+$0x8280]  }
0x2f: {  	v29 =	vld [tilespmem:s14+$0x1000]  }
0x30: {  	v43 =	vld [tilespmem:s14+$0x3000]  }
0x31: {  	v38 =	vld [tilespmem:s15+$0x8300]  }
0x32: {  	v34 =	vld [tilespmem:s15+$0x8000]  }
0x33: {  	v32 =	vld [tilespmem:s15+$0x8100];
	_ =	sdelay $0x1  }
0x34: {  	v30 =	vmul.f32 v14, v43;
	v35 =	vmul.f32 v14, v36  }
0x35: {  	v44 =	vld [tilespmem:s15+$0x8200];
	v37 =	vmul.f32 v38, v36;
	v41 =	vmul.f32 v38, v29  }
0x36: {  	v40 =	vld [tilespmem:s15+$0x8380];
	v48 =	vmul.f32 v34, v29;
	v39 =	vmul.f32 v38, v43  }
0x37: {  	v46 =	vld [tilespmem:s15+$0x8080];
	v42 =	vmul.f32 v34, v36;
	v63 =	vmul.f32 v32, v43;
	v30 =	vadd.f32 v30, v2  }
0x38: {  	v45 =	vld [tilespmem:s14+$0x0];
	v49 =	vmul.f32 v14, v29;
	v2 =	vadd.f32 v37, v6;
	v6 =	vadd.f32 v35, v31  }
0x39: {  	v51 =	vmul.f32 v32, v29;
	v31 =	vadd.f32 v39, v5;
	v5 =	vadd.f32 v42, v13  }
0x3a: {  	v52 =	vmul.f32 v44, v29;
	v35 =	vadd.f32 v63, v8;
	v13 =	vadd.f32 v49, v47  }
0x3b: {  	v39 =	vmul.f32 v40, v36;
	v8 =	vadd.f32 v41, v50;
	v41 =	vmul.f32 v40, v29;
	v37 =	vld [tilespmem:s15+$0x8180]  }
0x3c: {  	v50 =	vmul.f32 v40, v43;
	v7 =	vadd.f32 v51, v7;
	v42 =	vmul.f32 v46, v29  }
0x3d: {  	v47 =	vmul.f32 v14, v45;
	v14 =	vadd.f32 v48, v9;
	v51 =	vmul.f32 v32, v36  }
0x3e: {  	s16 =	simm.s32 $0x1;
	s14 =	simm.s32 $0x10;
	v49 =	vmul.f32 v34, v45;
	v48 =	vmul.f32 v46, v45;
	v9 =	vadd.f32 v52, v33  }
.LBB2_3:
0x3f: {  	s15 =	smov.u32 s16  }
0x40: {  	s17 =	sshll.u32 s16, $0x6;
	s28 =	sshll.u32 s16, $0x7;
	v29 =	vmul.f32 v37, v29;
	v33 =	vmul.f32 v46, v36;
	v26 =	vadd.f32 v51, v26;
	s15 =	sadd.s32 $0x1, s16  }
0x41: {  	s7 =	sand.u32 $0x70, s14;
	p0 =	sne.s32 s16, $0x3F;
	v32 =	vmul.f32 v32, v45;
	v51 =	vmul.f32 v37, v43;
	v16 =	vadd.f32 v50, v16;
	s17 =	sand.u32 $0x3FFFFE00, s17  }
0x42: {  	v50 =	vmul.f32 v37, v45;
	s16 =	sor.u32 s7, s17;
	s17 =	sand.u32 $0x3FFFFC00, s28;
	v20 =	vadd.f32 v33, v20;
	v33 =	vmul.f32 v44, v36  }
0x43: {  	v52 =	vmul.f32 v44, v45;
	v3 =	vadd.f32 v42, v3;
	v37 =	vmul.f32 v37, v36;
	s7 =	sor.u32 s7, s17;
	v36 =	vld [tilespmem:s16+$0x2000]  }
0x44: {  	v42 =	vmul.f32 v38, v45;
	v4 =	vadd.f32 v49, v4;
	v27 =	vadd.f32 v29, v27;
	v53 =	vld [tilespmem:s7+$0x8280]  }
0x45: {  	v22 =	vadd.f32 v41, v22;
	v19 =	vadd.f32 v33, v19;
	v33 =	vmul.f32 v46, v43;
	v29 =	vld [tilespmem:s16+$0x1000]  }
0x46: {  	v18 =	vadd.f32 v39, v18;
	v39 =	vmul.f32 v44, v43;
	v28 =	vadd.f32 v32, v28;
	v41 =	vld [tilespmem:s16+$0x3000]  }
0x47: {  	v25 =	vadd.f32 v47, v25;
	v23 =	vadd.f32 v52, v23;
	v43 =	vmul.f32 v34, v43;
	v38 =	vld [tilespmem:s7+$0x8300]  }
0x48: {  	v24 =	vadd.f32 v42, v24;
	v42 =	vmul.f32 v40, v45;
	v17 =	vadd.f32 v37, v17;
	v34 =	vld [tilespmem:s7+$0x8000]  }
0x49: {  	v12 =	vadd.f32 v51, v12;
	v0 =	vadd.f32 v43, v0;
	v32 =	vld [tilespmem:s7+$0x8100];
	v47 =	vmul.f32 v53, v36  }
0x4a: {  	v1 =	vadd.f32 v48, v1;
	v11 =	vadd.f32 v33, v11;
	v40 =	vld [tilespmem:s7+$0x8380]  }
0x4b: {  	v10 =	vadd.f32 v39, v10;
	v21 =	vadd.f32 v42, v21;
	v37 =	vld [tilespmem:s7+$0x8180];
	v33 =	vmul.f32 v53, v41;
	v43 =	vmovc v41  }
0x4c: {  	v15 =	vadd.f32 v50, v15;
	v44 =	vld [tilespmem:s7+$0x8200];
	v39 =	vmul.f32 v38, v29;
	v41 =	vmul.f32 v38, v36  }
0x4d: {  	v45 =	vld [tilespmem:s16+$0x0];
	v48 =	vmul.f32 v34, v29;
	v30 =	vadd.f32 v33, v30;
	v33 =	vmul.f32 v38, v43  }
0x4e: {  	v42 =	vmul.f32 v34, v36;
	v46 =	vld [tilespmem:s7+$0x8080];
	v2 =	vadd.f32 v41, v2;
	v41 =	vmul.f32 v32, v43  }
0x4f: {  	v49 =	vmul.f32 v53, v29;
	v6 =	vadd.f32 v47, v6;
	v31 =	vadd.f32 v33, v31  }
0x50: {  	v33 =	vmul.f32 v32, v29;
	v5 =	vadd.f32 v42, v5;
	v35 =	vadd.f32 v41, v35  }
.Ltmp0:
0x51: {  	v13 =	vadd.f32 v49, v13;
	v8 =	vadd.f32 v39, v8;
	v39 =	vmul.f32 v40, v36;
	(pc) =	sbr.rel @p0 .LBB2_3-.Ltmp0, $4  }
0x52: {  	v50 =	vmul.f32 v40, v43;
	v41 =	vmul.f32 v40, v29;
	v7 =	vadd.f32 v33, v7  }
0x53: {  	v33 =	vmul.f32 v44, v29;
	v42 =	vmul.f32 v46, v29  }
0x54: {  	v51 =	vmul.f32 v32, v36;
	v14 =	vadd.f32 v48, v14;
	v47 =	vmul.f32 v53, v45  }
0x55: {  	s14 =	sadd.s32 $0x10, s14;
	s16 =	smov.u32 s15;
	v49 =	vmul.f32 v34, v45;
	v48 =	vmul.f32 v46, v45;
	v9 =	vadd.f32 v33, v9  }
0x56: {  	s7 =	sand.u32 $0x1C00, s0  }
0x57: {  	v33 =	vmul.f32 v46, v36;
	s7 =	sor.u32 s1, s7  }
0x58: {  	v52 =	vmul.f32 v37, v29;
	v29 =	vld [tilespmem:s7+$0xA280]  }
0x59: {  	v26 =	vadd.f32 v51, v26;
	v63 =	vmul.f32 v32, v45;
	v32 =	vadd.f32 v33, v20;
	v33 =	vld [tilespmem:s7+$0xA100]  }
0x5a: {  	v53 =	vmul.f32 v37, v43;
	v54 =	vadd.f32 v50, v16;
	v60 =	vmul.f32 v44, v36;
	v20 =	vld [tilespmem:s7+$0xA300]  }
0x5b: {  	v55 =	vadd.f32 v42, v3;
	v3 =	vmul.f32 v37, v36;
	v56 =	vmul.f32 v37, v45;
	s28 =	sand.u32 $0xE00, s0;
	v37 =	vld [tilespmem:s7+$0xA200]  }
0x5c: {  	v16 =	vadd.f32 v41, v22;
	v38 =	vmul.f32 v38, v45;
	v18 =	vadd.f32 v39, v18;
	s0 =	sor.u32 s1, s28;
	v61 =	vld [tilespmem:s7+$0xA080]  }
0x5d: {  	v36 =	vadd.f32 v47, v25;
	v42 =	vadd.f32 v49, v4;
	v4 =	vmul.f32 v44, v45;
	v41 =	vld [tilespmem:s0+$0x3080]  }
0x5e: {  	v25 =	vmul.f32 v46, v43;
	v27 =	vadd.f32 v52, v27;
	v22 =	vadd.f32 v60, v19;
	v47 =	vld [tilespmem:s7+$0xA180]  }
0x5f: {  	v46 =	vld [tilespmem:s7+$0xA000];
	v19 =	vadd.f32 v4, v23;
	v4 =	vmul.f32 v34, v43;
	v23 =	vadd.f32 v38, v24  }
0x60: {  	v38 =	vadd.f32 v3, v17;
	v3 =	vmul.f32 v40, v45;
	v17 =	vadd.f32 v48, v1;
	v40 =	vld [tilespmem:s0+$0x2080]  }
0x61: {  	v39 =	vld [tilespmem:s7+$0xA380];
	v1 =	vadd.f32 v25, v11;
	v34 =	vadd.f32 v4, v0  }
0x62: {  	v4 =	vmul.f32 v44, v43;
	v24 =	vadd.f32 v3, v21;
	v3 =	vmul.f32 v61, v41  }
0x63: {  	v0 =	vadd.f32 v53, v12;
	v44 =	vld [tilespmem:s0+$0x1080];
	v12 =	vmul.f32 v33, v41;
	v25 =	vmul.f32 v29, v41  }
0x64: {  	v43 =	vld [tilespmem:s0+$0x80];
	v4 =	vadd.f32 v4, v10;
	v10 =	vmul.f32 v37, v41;
	v62 =	vmul.f32 v20, v41  }
0x65: {  	v21 =	vadd.f32 v56, v15;
	v15 =	vmul.f32 v47, v41;
	v45 =	vmul.f32 v46, v40  }
0x66: {  	v11 =	vadd.f32 v3, v1;
	v3 =	vadd.f32 v10, v4;
	v1 =	vmul.f32 v39, v41  }
0x67: {  	v10 =	vadd.f32 v15, v0;
	v0 =	vadd.f32 v25, v30;
	v30 =	vmul.f32 v61, v40  }
0x68: {  	v28 =	vadd.f32 v63, v28;
	v50 =	vmul.f32 v46, v44;
	v63 =	vmul.f32 v61, v44  }
0x69: {  	v12 =	vadd.f32 v12, v35;
	v15 =	vmul.f32 v46, v43;
	v35 =	vmul.f32 v61, v43  }
0x6a: {  	v4 =	vadd.f32 v62, v31;
	v49 =	vmul.f32 v33, v44;
	v31 =	vmul.f32 v47, v44  }
0x6b: {  	s16 =	simm.s32 $0x10;
	s1 =	simm.s32 $0x40;
	s0 =	simm.s32 $0x80;
	v48 =	vmul.f32 v37, v44;
	v1 =	vadd.f32 v1, v54;
	v25 =	vadd.f32 v63, v55  }
.LBB2_5:
0x6c: {  	s7 =	sand.u32 $0x70, s16  }
0x6d: {  	s14 =	sand.u32 $0xE00, s1;
	s17 =	sand.u32 $0x1C00, s0;
	v42 =	vadd.f32 v15, v42;
	v15 =	vmul.f32 v29, v44;
	v51 =	vmul.f32 v20, v44;
	s15 =	smov.u32 s16  }
0x6e: {  	v52 =	vmul.f32 v33, v43;
	v53 =	vmul.f32 v47, v43;
	s15 =	sor.u32 s7, s14;
	s7 =	sor.u32 s7, s17;
	s14 =	sadd.s32 $0x10, s16;
	v27 =	vadd.f32 v31, v27  }
0x6f: {  	p0 =	sne.s32 s16, $0x3F0;
	v54 =	vmul.f32 v37, v43;
	v55 =	vmul.f32 v29, v43;
	v14 =	vadd.f32 v50, v14;
	v31 =	vld [tilespmem:s7+$0xA280]  }
0x70: {  	v47 =	vmul.f32 v47, v40;
	v13 =	vadd.f32 v15, v13;
	v15 =	vmul.f32 v33, v40;
	v33 =	vld [tilespmem:s7+$0xA100]  }
0x71: {  	v21 =	vadd.f32 v53, v21;
	v53 =	vmul.f32 v39, v44;
	v44 =	vmul.f32 v37, v40;
	v50 =	vld [tilespmem:s7+$0xA300]  }
0x72: {  	v32 =	vadd.f32 v30, v32;
	v30 =	vmul.f32 v46, v41;
	v19 =	vadd.f32 v54, v19;
	v37 =	vld [tilespmem:s7+$0xA200]  }
0x73: {  	v46 =	vmul.f32 v20, v43;
	v28 =	vadd.f32 v52, v28;
	v22 =	vadd.f32 v44, v22;
	v54 =	vld [tilespmem:s7+$0xA080]  }
0x74: {  	v36 =	vadd.f32 v55, v36;
	v38 =	vadd.f32 v47, v38;
	v44 =	vmul.f32 v29, v40;
	v41 =	vld [tilespmem:s15+$0x3080];
	v29 =	vmovc v31  }
0x75: {  	v52 =	vmul.f32 v39, v43;
	v26 =	vadd.f32 v15, v26;
	v15 =	vmul.f32 v20, v40;
	v31 =	vld [tilespmem:s7+$0xA380]  }
0x76: {  	v23 =	vadd.f32 v46, v23;
	v8 =	vadd.f32 v51, v8;
	v39 =	vmul.f32 v39, v40;
	v47 =	vld [tilespmem:s7+$0xA180];
	v20 =	vmovc v50  }
0x77: {  	v34 =	vadd.f32 v30, v34;
	v6 =	vadd.f32 v44, v6;
	v46 =	vld [tilespmem:s7+$0xA000]  }
0x78: {  	v7 =	vadd.f32 v49, v7;
	v18 =	vadd.f32 v39, v18;
	v44 =	vld [tilespmem:s15+$0x1080]  }
0x79: {  	v5 =	vadd.f32 v45, v5;
	v40 =	vld [tilespmem:s15+$0x2080];
	v30 =	vmul.f32 v54, v41;
	v49 =	vmul.f32 v33, v41  }
0x7a: {  	v9 =	vadd.f32 v48, v9;
	v51 =	vmul.f32 v29, v41;
	v55 =	vmul.f32 v20, v41;
	v43 =	vld [tilespmem:s15+$0x80];
	v39 =	vmovc v31  }
0x7b: {  	v17 =	vadd.f32 v35, v17;
	v11 =	vadd.f32 v30, v11;
	v30 =	vmul.f32 v37, v41  }
0x7c: {  	v24 =	vadd.f32 v52, v24;
	v16 =	vadd.f32 v53, v16;
	v31 =	vmul.f32 v47, v41  }
0x7d: {  	v2 =	vadd.f32 v15, v2;
	v35 =	vmul.f32 v39, v41;
	v3 =	vadd.f32 v30, v3  }
.Ltmp1:
0x7e: {  	v12 =	vadd.f32 v49, v12;
	v50 =	vmul.f32 v46, v44;
	v10 =	vadd.f32 v31, v10;
	(pc) =	sbr.rel @p0 .LBB2_5-.Ltmp1, $4  }
0x7f: {  	v0 =	vadd.f32 v51, v0;
	v31 =	vmul.f32 v54, v44;
	v45 =	vmul.f32 v46, v40  }
0x80: {  	v1 =	vadd.f32 v35, v1;
	v30 =	vmul.f32 v54, v40;
	v15 =	vmul.f32 v46, v43  }
0x81: {  	s0 =	sadd.s32 $0x80, s0;
	v4 =	vadd.f32 v55, v4;
	v49 =	vmul.f32 v33, v44;
	v35 =	vmul.f32 v54, v43  }
0x82: {  	s1 =	sadd.s32 $0x40, s1;
	s16 =	smov.u32 s14;
	s15 =	simm.s32 $0x0;
	v48 =	vmul.f32 v37, v44;
	v25 =	vadd.f32 v31, v25;
	v31 =	vmul.f32 v47, v44  }
0x83: {  	v63 =	vmul.f32 v29, v44  }
0x84: {  	v52 =	vmul.f32 v20, v44;
	v53 =	vmul.f32 v33, v43;
	s0 =	sand.u32 $0x70, s15;
	s1 =	sand.u32 $0x1C00, s15  }
0x85: {  	v51 =	vadd.f32 v15, v42;
	v54 =	vmul.f32 v47, v43;
	v55 =	vmul.f32 v37, v43;
	s1 =	sor.u32 s0, s1  }
0x86: {  	v56 =	vmul.f32 v29, v43;
	v57 =	vadd.f32 v50, v14;
	v60 =	vmul.f32 v33, v40;
	v58 =	vld [tilespmem:s1+$0xC100]  }
0x87: {  	v61 =	vmul.f32 v47, v40;
	v15 =	vadd.f32 v31, v27;
	v27 =	vadd.f32 v63, v13;
	v13 =	vld [tilespmem:s1+$0xC300]  }
0x88: {  	v30 =	vadd.f32 v30, v32;
	s7 =	sand.u32 $0xE00, s15;
	v29 =	vmul.f32 v29, v40;
	v5 =	vadd.f32 v45, v5;
	v50 =	vld [tilespmem:s1+$0xC180]  }
0x89: {  	v62 =	vmul.f32 v46, v41;
	s0 =	sor.u32 s0, s7;
	v31 =	vadd.f32 v54, v21;
	v19 =	vadd.f32 v55, v19;
	v41 =	vld [tilespmem:s1+$0xC200]  }
0x8a: {  	v21 =	vmul.f32 v37, v40;
	v14 =	vadd.f32 v53, v28;
	v47 =	vld [tilespmem:s0+$0x1100];
	v6 =	vadd.f32 v29, v6  }
0x8b: {  	v63 =	vmul.f32 v20, v43;
	v55 =	vadd.f32 v49, v7;
	v37 =	vld [tilespmem:s1+$0xC000];
	v7 =	vadd.f32 v48, v9  }
0x8c: {  	v53 =	vmul.f32 v39, v44;
	v49 =	vld [tilespmem:s0+$0x2100];
	v28 =	vadd.f32 v21, v22;
	v21 =	vadd.f32 v56, v36  }
0x8d: {  	v46 =	vld [tilespmem:s1+$0xC080];
	v54 =	vmul.f32 v39, v43;
	v36 =	vadd.f32 v61, v38;
	v22 =	vadd.f32 v60, v26  }
0x8e: {  	v20 =	vmul.f32 v20, v40;
	v23 =	vadd.f32 v63, v23;
	v26 =	vadd.f32 v52, v8;
	v8 =	vld [tilespmem:s0+$0x100]  }
0x8f: {  	v52 =	vmul.f32 v39, v40;
	v56 =	vadd.f32 v35, v17;
	v9 =	vmul.f32 v58, v47  }
0x90: {  	v16 =	vadd.f32 v53, v16;
	v48 =	vmul.f32 v50, v47;
	v17 =	vmul.f32 v13, v47  }
0x91: {  	v29 =	vadd.f32 v52, v18;
	v18 =	vld [tilespmem:s0+$0x3100];
	v61 =	vmul.f32 v37, v47;
	v53 =	vmul.f32 v41, v49  }
0x92: {  	v24 =	vadd.f32 v54, v24;
	v63 =	vmul.f32 v46, v47;
	v54 =	vmul.f32 v46, v49  }
0x93: {  	v34 =	vadd.f32 v62, v34;
	v52 =	vmul.f32 v58, v49;
	v59 =	vmul.f32 v46, v8  }
0x94: {  	v38 =	vadd.f32 v20, v2;
	v20 =	vmul.f32 v58, v8;
	v60 =	vmul.f32 v37, v8  }
0x95: {  	v2 =	vmul.f32 v50, v8;
	v9 =	vadd.f32 v9, v55;
	v44 =	vadd.f32 v61, v57  }
0x96: {  	v40 =	vld [tilespmem:s1+$0xC280];
	v42 =	vadd.f32 v59, v56;
	v32 =	vmul.f32 v46, v18;
	v62 =	vmul.f32 v37, v18  }
0x97: {  	v43 =	vadd.f32 v60, v51;
	v55 =	vmul.f32 v41, v18;
	v51 =	vmul.f32 v41, v47  }
0x98: {  	s16 =	simm.s32 $0x10;
	s14 =	simm.s32 $0x80;
	s15 =	simm.s32 $0x40;
	v39 =	vld [tilespmem:s1+$0xC380];
	v46 =	vadd.f32 v63, v25;
	v25 =	vmul.f32 v58, v18;
	v45 =	vadd.f32 v62, v34  }
.LBB2_7:
0x99: {  	s7 =	sand.u32 $0x70, s16  }
0x9a: {  	s17 =	sand.u32 $0xE00, s15;
	s28 =	sand.u32 $0x1C00, s14;
	v26 =	vadd.f32 v17, v26;
	v11 =	vadd.f32 v32, v11;
	v17 =	vmul.f32 v50, v18;
	s8 =	smov.u32 s16  }
0x9b: {  	v31 =	vadd.f32 v2, v31;
	v2 =	vmul.f32 v40, v47;
	s17 =	sor.u32 s7, s17;
	s7 =	sor.u32 s7, s28;
	s28 =	sadd.s32 $0x10, s16;
	v12 =	vadd.f32 v25, v12  }
0x9c: {  	p0 =	sne.s32 s16, $0x3F0;
	v32 =	vmul.f32 v50, v49;
	v25 =	vld [tilespmem:s7+$0xC100];
	v10 =	vadd.f32 v17, v10;
	v17 =	vmul.f32 v40, v18  }
0x9d: {  	v34 =	vmul.f32 v40, v49;
	v3 =	vadd.f32 v55, v3;
	v35 =	vmul.f32 v13, v18;
	v33 =	vld [tilespmem:s7+$0xC300]  }
0x9e: {  	v30 =	vadd.f32 v54, v30;
	v27 =	vadd.f32 v2, v27;
	v2 =	vmul.f32 v39, v18;
	v55 =	vld [tilespmem:s7+$0xC280]  }
0x9f: {  	v54 =	vmul.f32 v41, v8;
	v56 =	vmul.f32 v13, v49;
	v4 =	vadd.f32 v35, v4;
	v18 =	vld [tilespmem:s7+$0xC380]  }
0xa0: {  	v6 =	vadd.f32 v34, v6;
	v34 =	vmul.f32 v39, v49;
	v1 =	vadd.f32 v2, v1;
	v50 =	vld [tilespmem:s7+$0xC180]  }
0xa1: {  	v28 =	vadd.f32 v53, v28;
	v19 =	vadd.f32 v54, v19;
	v2 =	vmul.f32 v40, v8;
	v41 =	vld [tilespmem:s7+$0xC200]  }
0xa2: {  	v53 =	vmul.f32 v13, v8;
	v54 =	vmul.f32 v39, v8;
	v36 =	vadd.f32 v32, v36;
	v35 =	vld [tilespmem:s17+$0x1100];
	v13 =	vmovc v33  }
0xa3: {  	v14 =	vadd.f32 v20, v14;
	v21 =	vadd.f32 v2, v21;
	v2 =	vmul.f32 v39, v47;
	v33 =	vld [tilespmem:s7+$0xC080];
	v40 =	vmovc v55  }
0xa4: {  	v22 =	vadd.f32 v52, v22;
	v23 =	vadd.f32 v53, v23;
	v32 =	vmul.f32 v37, v49;
	v8 =	vld [tilespmem:s17+$0x100];
	v39 =	vmovc v18  }
0xa5: {  	v24 =	vadd.f32 v54, v24;
	v29 =	vadd.f32 v34, v29;
	v37 =	vld [tilespmem:s7+$0xC000]  }
0xa6: {  	v15 =	vadd.f32 v48, v15;
	v16 =	vadd.f32 v2, v16;
	v18 =	vld [tilespmem:s17+$0x3100]  }
0xa7: {  	v7 =	vadd.f32 v51, v7;
	v0 =	vadd.f32 v17, v0;
	v49 =	vld [tilespmem:s17+$0x2100];
	v34 =	vmul.f32 v25, v35;
	v47 =	vmovc v35  }
0xa8: {  	v38 =	vadd.f32 v56, v38;
	v48 =	vmul.f32 v50, v47;
	v17 =	vmul.f32 v13, v47  }
0xa9: {  	v5 =	vadd.f32 v32, v5;
	v35 =	vmul.f32 v33, v8;
	v20 =	vmul.f32 v25, v8  }
0xaa: {  	v2 =	vmul.f32 v50, v8;
	v9 =	vadd.f32 v34, v9;
	v51 =	vmul.f32 v37, v8  }
.Ltmp2:
0xab: {  	v34 =	vmul.f32 v37, v47;
	v42 =	vadd.f32 v35, v42;
	v32 =	vmul.f32 v33, v18;
	(pc) =	sbr.rel @p0 .LBB2_7-.Ltmp2, $4  }
0xac: {  	v35 =	vmul.f32 v37, v18;
	v43 =	vadd.f32 v51, v43;
	v53 =	vmul.f32 v41, v49  }
0xad: {  	v55 =	vmul.f32 v41, v18;
	v44 =	vadd.f32 v34, v44;
	v34 =	vmul.f32 v33, v47  }
0xae: {  	v51 =	vmul.f32 v41, v47;
	v54 =	vmul.f32 v33, v49;
	v45 =	vadd.f32 v35, v45  }
0xaf: {  	s14 =	sadd.s32 $0x80, s14;
	s15 =	sadd.s32 $0x40, s15;
	s16 =	smov.u32 s28;
	v52 =	vmul.f32 v25, v49;
	v25 =	vmul.f32 v25, v18;
	v46 =	vadd.f32 v34, v46  }
0xb0: {  	v35 =	vadd.f32 v17, v26  }
0xb1: {  	v11 =	vadd.f32 v32, v11;
	v17 =	vmul.f32 v50, v18;
	v33 =	vadd.f32 v2, v31  }
0xb2: {  	v2 =	vmul.f32 v40, v47;
	v60 =	vmul.f32 v50, v49;
	v20 =	vadd.f32 v20, v14  }
0xb3: {  	v14 =	vmul.f32 v39, v47;
	v62 =	vmul.f32 v13, v49;
	v32 =	vadd.f32 v25, v12  }
0xb4: {  	v61 =	vld [tilespmem:s1+$0xE100];
	v12 =	vadd.f32 v55, v3;
	v3 =	vmul.f32 v13, v18;
	v34 =	vadd.f32 v17, v10  }
0xb5: {  	v10 =	vmul.f32 v40, v18;
	v17 =	vmul.f32 v40, v49;
	v31 =	vadd.f32 v2, v27;
	v2 =	vld [tilespmem:s1+$0xE300]  }
0xb6: {  	v18 =	vmul.f32 v39, v18;
	v27 =	vmul.f32 v41, v8;
	v41 =	vld [tilespmem:s1+$0xE180];
	v14 =	vadd.f32 v14, v16  }
0xb7: {  	v25 =	vadd.f32 v3, v4;
	v3 =	vmul.f32 v39, v49;
	v4 =	vadd.f32 v60, v36;
	v36 =	vld [tilespmem:s0+$0x1180]  }
0xb8: {  	v26 =	vadd.f32 v17, v6;
	v17 =	vadd.f32 v18, v1;
	v1 =	vmul.f32 v40, v8;
	v40 =	vld [tilespmem:s1+$0xE200]  }
0xb9: {  	v18 =	vadd.f32 v27, v19;
	v19 =	vadd.f32 v53, v28;
	v28 =	vmul.f32 v39, v8;
	v39 =	vld [tilespmem:s0+$0x180]  }
0xba: {  	v27 =	vmul.f32 v13, v8;
	v13 =	vadd.f32 v3, v29;
	v3 =	vmul.f32 v37, v49;
	v37 =	vld [tilespmem:s0+$0x2180]  }
0xbb: {  	v8 =	vadd.f32 v52, v22;
	v6 =	vadd.f32 v1, v21;
	v1 =	vld [tilespmem:s1+$0xE080]  }
0xbc: {  	v16 =	vadd.f32 v10, v0;
	v21 =	vadd.f32 v27, v23;
	v27 =	vld [tilespmem:s1+$0xE000]  }
0xbd: {  	v22 =	vadd.f32 v28, v24;
	v23 =	vadd.f32 v48, v15;
	v48 =	vld [tilespmem:s0+$0x3180]  }
0xbe: {  	v28 =	vadd.f32 v62, v38;
	v0 =	vmul.f32 v61, v36;
	v38 =	vmul.f32 v41, v36  }
0xbf: {  	v30 =	vadd.f32 v54, v30;
	v10 =	vmul.f32 v2, v36;
	v47 =	vmul.f32 v61, v39  }
0xc0: {  	v24 =	vadd.f32 v51, v7;
	v15 =	vmul.f32 v41, v39;
	v49 =	vmul.f32 v40, v37  }
0xc1: {  	v29 =	vadd.f32 v3, v5;
	v3 =	vmul.f32 v1, v39;
	v5 =	vmul.f32 v27, v39  }
0xc2: {  	v7 =	vadd.f32 v0, v9;
	v9 =	vmul.f32 v27, v36;
	v52 =	vmul.f32 v1, v48  }
0xc3: {  	v0 =	vadd.f32 v3, v42;
	v3 =	vadd.f32 v5, v43;
	v5 =	vmul.f32 v27, v48  }
0xc4: {  	v63 =	vmul.f32 v1, v36;
	v51 =	vmul.f32 v40, v48;
	v9 =	vadd.f32 v9, v44;
	v44 =	vld [tilespmem:s1+$0xE280]  }
0xc5: {  	v50 =	vmul.f32 v1, v37;
	v43 =	vmul.f32 v40, v36;
	v1 =	vadd.f32 v5, v45  }
0xc6: {  	s16 =	simm.s32 $0x10;
	s0 =	simm.s32 $0x80;
	v42 =	vld [tilespmem:s1+$0xE380];
	s1 =	simm.s32 $0x40;
	v5 =	vadd.f32 v63, v46;
	v45 =	vmul.f32 v61, v37;
	v46 =	vmul.f32 v61, v48  }
.LBB2_9:
0xc7: {  	s7 =	sand.u32 $0x70, s16  }
0xc8: {  	s8 =	sand.u32 $0xE00, s1;
	s14 =	sand.u32 $0x1C00, s0;
	v35 =	vadd.f32 v10, v35;
	v11 =	vadd.f32 v52, v11;
	v10 =	vmul.f32 v41, v48;
	s15 =	smov.u32 s16  }
0xc9: {  	v33 =	vadd.f32 v15, v33;
	v15 =	vmul.f32 v44, v36;
	s15 =	sor.u32 s7, s8;
	s7 =	sor.u32 s7, s14;
	s14 =	sadd.s32 $0x10, s16;
	v32 =	vadd.f32 v46, v32  }
0xca: {  	p0 =	sne.s32 s16, $0x3F0;
	v52 =	vmul.f32 v41, v37;
	v46 =	vld [tilespmem:s7+$0xE100];
	v34 =	vadd.f32 v10, v34;
	v10 =	vmul.f32 v44, v48  }
0xcb: {  	v54 =	vmul.f32 v44, v37;
	v12 =	vadd.f32 v51, v12;
	v41 =	vmul.f32 v2, v48;
	v53 =	vld [tilespmem:s7+$0xE300]  }
0xcc: {  	v30 =	vadd.f32 v50, v30;
	v31 =	vadd.f32 v15, v31;
	v15 =	vmul.f32 v42, v48;
	v51 =	vld [tilespmem:s7+$0xE280]  }
0xcd: {  	v50 =	vmul.f32 v40, v39;
	v55 =	vmul.f32 v2, v37;
	v25 =	vadd.f32 v41, v25;
	v48 =	vld [tilespmem:s7+$0xE380]  }
0xce: {  	v26 =	vadd.f32 v54, v26;
	v54 =	vmul.f32 v42, v37;
	v17 =	vadd.f32 v15, v17;
	v41 =	vld [tilespmem:s7+$0xE180]  }
0xcf: {  	v19 =	vadd.f32 v49, v19;
	v18 =	vadd.f32 v50, v18;
	v15 =	vmul.f32 v44, v39;
	v40 =	vld [tilespmem:s7+$0xE200]  }
0xd0: {  	v56 =	vmul.f32 v42, v39;
	v50 =	vmul.f32 v2, v39;
	v4 =	vadd.f32 v52, v4;
	v49 =	vld [tilespmem:s15+$0x1180];
	v2 =	vmovc v53  }
0xd1: {  	v20 =	vadd.f32 v47, v20;
	v6 =	vadd.f32 v15, v6;
	v15 =	vmul.f32 v42, v36;
	v53 =	vld [tilespmem:s7+$0xE080];
	v44 =	vmovc v51  }
0xd2: {  	v8 =	vadd.f32 v45, v8;
	v21 =	vadd.f32 v50, v21;
	v50 =	vmul.f32 v27, v37;
	v39 =	vld [tilespmem:s15+$0x180];
	v42 =	vmovc v48  }
0xd3: {  	v22 =	vadd.f32 v56, v22;
	v13 =	vadd.f32 v54, v13;
	v27 =	vld [tilespmem:s7+$0xE000]  }
0xd4: {  	v23 =	vadd.f32 v38, v23;
	v14 =	vadd.f32 v15, v14;
	v48 =	vld [tilespmem:s15+$0x3180]  }
0xd5: {  	v24 =	vadd.f32 v43, v24;
	v16 =	vadd.f32 v10, v16;
	v37 =	vld [tilespmem:s15+$0x2180];
	v45 =	vmul.f32 v46, v49;
	v36 =	vmovc v49  }
0xd6: {  	v28 =	vadd.f32 v55, v28;
	v38 =	vmul.f32 v41, v36;
	v10 =	vmul.f32 v2, v36  }
0xd7: {  	v29 =	vadd.f32 v50, v29;
	v43 =	vmul.f32 v53, v39;
	v47 =	vmul.f32 v46, v39  }
0xd8: {  	v15 =	vmul.f32 v41, v39;
	v7 =	vadd.f32 v45, v7;
	v49 =	vmul.f32 v27, v39  }
.Ltmp3:
0xd9: {  	v0 =	vadd.f32 v43, v0;
	v43 =	vmul.f32 v27, v36;
	v52 =	vmul.f32 v53, v48;
	(pc) =	sbr.rel @p0 .LBB2_9-.Ltmp3, $4  }
0xda: {  	v45 =	vmul.f32 v27, v48;
	v3 =	vadd.f32 v49, v3;
	v49 =	vmul.f32 v40, v37  }
0xdb: {  	v54 =	vmul.f32 v53, v36;
	v51 =	vmul.f32 v40, v48;
	v9 =	vadd.f32 v43, v9  }
0xdc: {  	v50 =	vmul.f32 v53, v37;
	v43 =	vmul.f32 v40, v36;
	v1 =	vadd.f32 v45, v1  }
0xdd: {  	s0 =	sadd.s32 $0x80, s0;
	s1 =	sadd.s32 $0x40, s1;
	s16 =	smov.u32 s14;
	v5 =	vadd.f32 v54, v5;
	v45 =	vmul.f32 v46, v37;
	v46 =	vmul.f32 v46, v48  }
0xde: {  	p0 =	seq.s32 s31, $0x7  }
0xdf: {  	s0 =	sshll.u32 @!p0 s31, $0x1  }
0xe0: {  	s0 =	sadd.s32 @!p0 $0x2, s0  }
0xe1: {  	s7 =	simm.s32 @!p0 $0x200;
	s1 =	sshll.u32 @!p0 s0, $0x9  }
0xe2: {  	s8 =	simm.s32 @!p0 $0x400;
	s14 =	simm.s32 @!p0 $0x0;
	s1 =	sadd.s32 @!p0 s1, s3  }
0xe3: {  	[tilespmem:s14], [sflag:$0x1] =	stream.strided.gather @!p0 [hbm4b:s1+s7], $0x1000, s8, s7, $0x38;
	[tilespmem:$0x19000] =	vst v63  }
0xe4: {  	s16 =	simm.s32 @!p0 $0x1000;
	s15 =	sadd.s32 @!p0 $0x40000, s1  }
0xe5: {  	[tilespmem:s16], [sflag:$0x1] =	stream.strided.gather @!p0 [hbm4b:s15+s7], $0x1000, s8, s7, $0x38;
	[tilespmem:$0x19000] =	vst v63  }
0xe6: {  	s15 =	sadd.s32 @!p0 $0x80000, s1;
	s16 =	simm.s32 @!p0 $0x2000  }
0xe7: {  	[tilespmem:s16], [sflag:$0x1] =	stream.strided.gather @!p0 [hbm4b:s15+s7], $0x1000, s8, s7, $0x38;
	[tilespmem:$0x19000] =	vst v63  }
0xe8: {  	s0 =	sshll.u32 @!p0 s0, $0xC;
	s1 =	sadd.s32 @!p0 $0xC0000, s1;
	s15 =	simm.s32 @!p0 $0x3000  }
0xe9: {  	[tilespmem:s15], [sflag:$0x1] =	stream.strided.gather @!p0 [hbm4b:s1+s7], $0x1000, s8, s7, $0x38;
	[tilespmem:$0x19000] =	vst v63  }
0xea: {  	s0 =	sadd.s32 @!p0 s0, s4;
	s1 =	simm.s32 @!p0 $0x8000  }
0xeb: {  	[tilespmem:s1], [sflag:$0x3] =	stream.linear.gather @!p0 [hbm4b:s0+s14], $0x8000, $0x38;
	[tilespmem:$0x19000] =	vst v63  }
0xec: {  	_ =	swait.ge [sflag:s25], $0x4000  }
0xed: {  	[sflag:s25] =	ssyncset.done $0x0  }
0xee: {  	s17 =	simm.s32 $0x0;
	[sflag:s25] =	ssyncadd.s32 $0xFFFFC000  }
0xef: {  	s16 =	simm.s32 $0x0;
	s0 =	simm.s32 $0x0;
	_ =	swait.ge [sflag:s26], $0x8000  }
0xf0: {  	v53 =	vadd.f32 v10, v35;
	v59 =	vmul.f32 v41, v48;
	v11 =	vadd.f32 v52, v11;
	s7 =	sand.u32 $0x3FFFFE00, s16;
	s1 =	sand.u32 $0x70, s0;
	[sflag:s26] =	ssyncset.done $0x0  }
0xf1: {  	v10 =	vadd.f32 v15, v33;
	v60 =	vmul.f32 v44, v36;
	v12 =	vadd.f32 v51, v12;
	s8 =	sand.u32 $0x3FFFFC00, s17;
	s7 =	sor.u32 s1, s7;
	[sflag:s26] =	ssyncadd.s32 $0xFFFF8000  }
0xf2: {  	v62 =	vmul.f32 v2, v48;
	v63 =	vmul.f32 v40, v39;
	v15 =	vadd.f32 v59, v34;
	s28 =	sor.u32 s1, s8;
	v34 =	vld [tilespmem:s7+$0x6000]  }
0xf3: {  	v30 =	vadd.f32 v50, v30;
	v51 =	vadd.f32 v60, v31;
	v31 =	vmul.f32 v42, v48;
	v60 =	vld [tilespmem:s28+$0x10280]  }
0xf4: {  	v61 =	vmul.f32 v44, v37;
	v58 =	vadd.f32 v62, v25;
	v25 =	vadd.f32 v63, v18;
	v18 =	vld [tilespmem:s7+$0x5000]  }
0xf5: {  	v57 =	vmul.f32 v41, v37;
	v40 =	vadd.f32 v31, v17;
	v17 =	vmul.f32 v44, v39;
	v35 =	vld [tilespmem:s7+$0x7000]  }
0xf6: {  	v52 =	vadd.f32 v46, v32;
	v32 =	vadd.f32 v49, v19;
	v19 =	vmul.f32 v2, v39;
	v41 =	vld [tilespmem:s28+$0x10300]  }
0xf7: {  	v20 =	vadd.f32 v47, v20;
	v33 =	vadd.f32 v17, v6;
	v6 =	vmul.f32 v42, v36;
	v36 =	vld [tilespmem:s28+$0x10000]  }
0xf8: {  	v54 =	vadd.f32 v61, v26;
	v31 =	vadd.f32 v19, v21;
	v19 =	vld [tilespmem:s28+$0x10100]  }
0xf9: {  	v61 =	vmul.f32 v42, v39;
	v26 =	vadd.f32 v57, v4;
	v4 =	vmul.f32 v42, v37;
	v42 =	vld [tilespmem:s28+$0x10380]  }
0xfa: {  	v55 =	vadd.f32 v43, v24;
	v2 =	vmul.f32 v2, v37;
	v59 =	vmul.f32 v44, v48;
	v44 =	vld [tilespmem:s28+$0x10200]  }
0xfb: {  	v39 =	vadd.f32 v4, v13;
	v4 =	vmul.f32 v27, v37;
	v17 =	vadd.f32 v45, v8;
	v46 =	vld [tilespmem:s28+$0x10080]  }
0xfc: {  	v37 =	vadd.f32 v6, v14;
	v45 =	vld [tilespmem:s7+$0x4000];
	v8 =	vmul.f32 v60, v35;
	v13 =	vmul.f32 v60, v34  }
0xfd: {  	v6 =	vadd.f32 v59, v16;
	v14 =	vmul.f32 v41, v34;
	v16 =	vmul.f32 v41, v18  }
0xfe: {  	v4 =	vadd.f32 v4, v29;
	v29 =	vmul.f32 v36, v18;
	v24 =	vmul.f32 v36, v34  }
0xff: {  	v2 =	vadd.f32 v2, v28;
	v28 =	vmul.f32 v60, v18;
	v62 =	vmul.f32 v19, v18  }
0x100: {  	v38 =	vadd.f32 v38, v23;
	v47 =	vmul.f32 v42, v34;
	v43 =	vmul.f32 v46, v18  }
0x101: {  	v21 =	vadd.f32 v61, v22;
	v63 =	vmul.f32 v44, v18;
	v49 =	vmul.f32 v60, v45  }
0x102: {  	v50 =	vmul.f32 v36, v45;
	v22 =	vadd.f32 v8, v6;
	v8 =	vmul.f32 v41, v35  }
0x103: {  	v48 =	vmul.f32 v46, v45;
	v2 =	vadd.f32 v14, v2;
	v6 =	vadd.f32 v13, v54  }
0x104: {  	v14 =	vmul.f32 v19, v35;
	v23 =	vadd.f32 v8, v58;
	v8 =	vadd.f32 v16, v53;
	v16 =	vld [tilespmem:s28+$0x10180]  }
0x105: {  	v4 =	vadd.f32 v24, v4;
	v13 =	vadd.f32 v28, v51;
	v28 =	vmul.f32 v42, v18  }
0x106: {  	v24 =	vmul.f32 v42, v35;
	v7 =	vadd.f32 v62, v7;
	v27 =	vadd.f32 v14, v52  }
0x107: {  	s16 =	simm.s32 $0x1;
	s14 =	simm.s32 $0x10;
	v14 =	vadd.f32 v29, v9;
	v29 =	vmul.f32 v19, v34;
	v9 =	vadd.f32 v63, v55  }
.LBB2_11:
0x108: {  	s15 =	smov.u32 s16  }
0x109: {  	s7 =	sshll.u32 s16, $0x6;
	s8 =	sshll.u32 s16, $0x7;
	v18 =	vmul.f32 v16, v18;
	v51 =	vmul.f32 v46, v34;
	v17 =	vadd.f32 v29, v17;
	s15 =	sadd.s32 $0x1, s16  }
0x10a: {  	s17 =	sand.u32 $0x70, s14;
	p0 =	sne.s32 s16, $0x3F;
	v19 =	vmul.f32 v19, v45;
	v29 =	vmul.f32 v16, v35;
	v40 =	vadd.f32 v24, v40;
	s7 =	sand.u32 $0x3FFFFE00, s7  }
0x10b: {  	v24 =	vmul.f32 v16, v45;
	s8 =	sand.u32 $0x3FFFFC00, s8;
	s7 =	sor.u32 s17, s7;
	v30 =	vadd.f32 v51, v30;
	v51 =	vmul.f32 v44, v34  }
0x10c: {  	v52 =	vmul.f32 v44, v45;
	v16 =	vmul.f32 v16, v34;
	v5 =	vadd.f32 v43, v5;
	s8 =	sor.u32 s17, s8;
	v34 =	vld [tilespmem:s7+$0x6000]  }
0x10d: {  	v3 =	vadd.f32 v50, v3;
	v43 =	vmul.f32 v41, v45;
	v38 =	vadd.f32 v18, v38;
	v53 =	vld [tilespmem:s8+$0x10280]  }
0x10e: {  	v37 =	vadd.f32 v28, v37;
	v28 =	vmul.f32 v46, v35;
	v32 =	vadd.f32 v51, v32;
	v18 =	vld [tilespmem:s7+$0x5000]  }
0x10f: {  	v39 =	vadd.f32 v47, v39;
	v20 =	vadd.f32 v19, v20;
	v44 =	vmul.f32 v44, v35;
	v46 =	vld [tilespmem:s7+$0x7000]  }
0x110: {  	v33 =	vadd.f32 v49, v33;
	v25 =	vadd.f32 v52, v25;
	v35 =	vmul.f32 v36, v35;
	v41 =	vld [tilespmem:s8+$0x10300]  }
0x111: {  	v26 =	vadd.f32 v16, v26;
	v31 =	vadd.f32 v43, v31;
	v43 =	vmul.f32 v42, v45;
	v36 =	vld [tilespmem:s8+$0x10000]  }
0x112: {  	v15 =	vadd.f32 v29, v15;
	v1 =	vadd.f32 v35, v1;
	v19 =	vld [tilespmem:s8+$0x10100];
	v47 =	vmul.f32 v53, v34  }
0x113: {  	v0 =	vadd.f32 v48, v0;
	v11 =	vadd.f32 v28, v11;
	v42 =	vld [tilespmem:s8+$0x10380]  }
0x114: {  	v12 =	vadd.f32 v44, v12;
	v21 =	vadd.f32 v43, v21;
	v16 =	vld [tilespmem:s8+$0x10180];
	v28 =	vmul.f32 v53, v46;
	v35 =	vmovc v46  }
0x115: {  	v10 =	vadd.f32 v24, v10;
	v44 =	vld [tilespmem:s8+$0x10200];
	v29 =	vmul.f32 v41, v18;
	v43 =	vmul.f32 v41, v34  }
0x116: {  	v24 =	vmul.f32 v41, v35;
	v45 =	vld [tilespmem:s7+$0x4000];
	v48 =	vmul.f32 v36, v18;
	v22 =	vadd.f32 v28, v22  }
0x117: {  	v28 =	vmul.f32 v36, v34;
	v46 =	vld [tilespmem:s8+$0x10080];
	v2 =	vadd.f32 v43, v2;
	v43 =	vmul.f32 v19, v35  }
0x118: {  	v49 =	vmul.f32 v53, v18;
	v6 =	vadd.f32 v47, v6;
	v23 =	vadd.f32 v24, v23  }
0x119: {  	v24 =	vmul.f32 v19, v18;
	v4 =	vadd.f32 v28, v4;
	v27 =	vadd.f32 v43, v27  }
.Ltmp4:
0x11a: {  	v13 =	vadd.f32 v49, v13;
	v8 =	vadd.f32 v29, v8;
	v47 =	vmul.f32 v42, v34;
	(pc) =	sbr.rel @p0 .LBB2_11-.Ltmp4, $4  }
0x11b: {  	v28 =	vmul.f32 v42, v18;
	v7 =	vadd.f32 v24, v7;
	v24 =	vmul.f32 v42, v35  }
0x11c: {  	v51 =	vmul.f32 v44, v18;
	v43 =	vmul.f32 v46, v18  }
0x11d: {  	v29 =	vmul.f32 v19, v34;
	v14 =	vadd.f32 v48, v14;
	v49 =	vmul.f32 v53, v45  }
0x11e: {  	s14 =	sadd.s32 $0x10, s14;
	s16 =	smov.u32 s15;
	v50 =	vmul.f32 v36, v45;
	v48 =	vmul.f32 v46, v45;
	v9 =	vadd.f32 v51, v9  }
0x11f: {  	s7 =	sand.u32 $0x1C00, s0  }
0x120: {  	v51 =	vmul.f32 v46, v34;
	s7 =	sor.u32 s1, s7  }
0x121: {  	v52 =	vmul.f32 v16, v18;
	v17 =	vadd.f32 v29, v17;
	v53 =	vmul.f32 v19, v45;
	v19 =	vld [tilespmem:s7+$0x12280]  }
0x122: {  	v54 =	vmul.f32 v16, v35;
	v55 =	vadd.f32 v24, v40;
	v56 =	vmul.f32 v16, v45;
	v29 =	vld [tilespmem:s7+$0x12100]  }
0x123: {  	v33 =	vadd.f32 v49, v33;
	v24 =	vadd.f32 v51, v30;
	v30 =	vmul.f32 v44, v34;
	v18 =	vld [tilespmem:s7+$0x12300]  }
0x124: {  	s28 =	sand.u32 $0xE00, s0;
	v51 =	vadd.f32 v43, v5;
	v5 =	vmul.f32 v16, v34;
	v43 =	vadd.f32 v50, v3;
	v34 =	vld [tilespmem:s7+$0x12200]  }
0x125: {  	s0 =	sor.u32 s1, s28;
	v40 =	vadd.f32 v52, v38;
	v3 =	vmul.f32 v44, v45;
	v16 =	vadd.f32 v28, v37;
	v60 =	vld [tilespmem:s7+$0x12080]  }
0x126: {  	v61 =	vmul.f32 v46, v35;
	v37 =	vadd.f32 v53, v20;
	v20 =	vadd.f32 v47, v39;
	v39 =	vld [tilespmem:s0+$0x7080]  }
0x127: {  	v38 =	vld [tilespmem:s7+$0x12380];
	v28 =	vadd.f32 v30, v32;
	v30 =	vmul.f32 v41, v45;
	v32 =	vadd.f32 v3, v25  }
0x128: {  	v47 =	vld [tilespmem:s7+$0x12180];
	v3 =	vmul.f32 v36, v35;
	v36 =	vadd.f32 v5, v26;
	v25 =	vadd.f32 v48, v0  }
0x129: {  	v5 =	vmul.f32 v42, v45;
	v0 =	vadd.f32 v61, v11;
	v41 =	vld [tilespmem:s0+$0x4080];
	v31 =	vadd.f32 v30, v31  }
0x12a: {  	v42 =	vld [tilespmem:s7+$0x12000];
	v30 =	vadd.f32 v3, v1;
	v1 =	vadd.f32 v54, v15;
	v3 =	vmul.f32 v44, v35  }
0x12b: {  	v44 =	vld [tilespmem:s0+$0x5080];
	v26 =	vadd.f32 v5, v21;
	v5 =	vmul.f32 v60, v39;
	v15 =	vmul.f32 v29, v39  }
0x12c: {  	v35 =	vld [tilespmem:s0+$0x6080];
	v21 =	vadd.f32 v56, v10;
	v62 =	vmul.f32 v19, v39;
	v63 =	vmul.f32 v18, v39  }
0x12d: {  	v10 =	vmul.f32 v47, v39;
	v3 =	vadd.f32 v3, v12;
	v12 =	vmul.f32 v34, v39  }
0x12e: {  	v11 =	vadd.f32 v5, v0;
	v5 =	vmul.f32 v38, v39;
	v45 =	vmul.f32 v60, v41  }
0x12f: {  	v3 =	vadd.f32 v12, v3;
	v12 =	vadd.f32 v15, v27;
	v15 =	vmul.f32 v42, v41  }
0x130: {  	v10 =	vadd.f32 v10, v1;
	v50 =	vmul.f32 v42, v44;
	v27 =	vmul.f32 v60, v44  }
0x131: {  	v0 =	vadd.f32 v62, v22;
	v46 =	vmul.f32 v42, v35;
	v22 =	vmul.f32 v60, v35  }
0x132: {  	v1 =	vadd.f32 v5, v55;
	v49 =	vmul.f32 v29, v44;
	v5 =	vadd.f32 v63, v23  }
0x133: {  	s16 =	simm.s32 $0x10;
	s1 =	simm.s32 $0x40;
	s0 =	simm.s32 $0x80;
	v48 =	vmul.f32 v34, v44;
	v23 =	vadd.f32 v27, v51;
	v27 =	vmul.f32 v47, v44  }
.LBB2_13:
0x134: {  	s7 =	sand.u32 $0x70, s16  }
0x135: {  	s8 =	sand.u32 $0xE00, s1;
	s14 =	sand.u32 $0x1C00, s0;
	v43 =	vadd.f32 v15, v43;
	v15 =	vmul.f32 v19, v44;
	v51 =	vmul.f32 v18, v44;
	s15 =	smov.u32 s16  }
0x136: {  	v52 =	vmul.f32 v29, v41;
	v53 =	vmul.f32 v47, v41;
	s15 =	sor.u32 s7, s8;
	s7 =	sor.u32 s7, s14;
	s14 =	sadd.s32 $0x10, s16;
	v40 =	vadd.f32 v27, v40  }
0x137: {  	p0 =	sne.s32 s16, $0x3F0;
	v54 =	vmul.f32 v34, v41;
	v55 =	vmul.f32 v19, v41;
	v14 =	vadd.f32 v50, v14;
	v27 =	vld [tilespmem:s7+$0x12280]  }
0x138: {  	v47 =	vmul.f32 v47, v35;
	v13 =	vadd.f32 v15, v13;
	v15 =	vmul.f32 v29, v35;
	v29 =	vld [tilespmem:s7+$0x12100]  }
0x139: {  	v21 =	vadd.f32 v53, v21;
	v53 =	vmul.f32 v38, v44;
	v44 =	vmul.f32 v34, v35;
	v50 =	vld [tilespmem:s7+$0x12300]  }
0x13a: {  	v24 =	vadd.f32 v22, v24;
	v22 =	vmul.f32 v42, v39;
	v32 =	vadd.f32 v54, v32;
	v34 =	vld [tilespmem:s7+$0x12200]  }
0x13b: {  	v42 =	vmul.f32 v18, v41;
	v37 =	vadd.f32 v52, v37;
	v28 =	vadd.f32 v44, v28;
	v54 =	vld [tilespmem:s7+$0x12080]  }
0x13c: {  	v33 =	vadd.f32 v55, v33;
	v36 =	vadd.f32 v47, v36;
	v44 =	vmul.f32 v19, v35;
	v39 =	vld [tilespmem:s15+$0x7080];
	v19 =	vmovc v27  }
0x13d: {  	v52 =	vmul.f32 v38, v41;
	v17 =	vadd.f32 v15, v17;
	v15 =	vmul.f32 v18, v35;
	v27 =	vld [tilespmem:s7+$0x12380]  }
0x13e: {  	v31 =	vadd.f32 v42, v31;
	v8 =	vadd.f32 v51, v8;
	v35 =	vmul.f32 v38, v35;
	v47 =	vld [tilespmem:s7+$0x12180];
	v18 =	vmovc v50  }
0x13f: {  	v30 =	vadd.f32 v22, v30;
	v6 =	vadd.f32 v44, v6;
	v42 =	vld [tilespmem:s7+$0x12000]  }
0x140: {  	v7 =	vadd.f32 v49, v7;
	v20 =	vadd.f32 v35, v20;
	v44 =	vld [tilespmem:s15+$0x5080]  }
0x141: {  	v4 =	vadd.f32 v46, v4;
	v35 =	vld [tilespmem:s15+$0x6080];
	v22 =	vmul.f32 v54, v39;
	v49 =	vmul.f32 v29, v39  }
0x142: {  	v9 =	vadd.f32 v48, v9;
	v51 =	vmul.f32 v19, v39;
	v55 =	vmul.f32 v18, v39;
	v41 =	vld [tilespmem:s15+$0x4080];
	v38 =	vmovc v27  }
0x143: {  	v25 =	vadd.f32 v45, v25;
	v11 =	vadd.f32 v22, v11;
	v22 =	vmul.f32 v34, v39  }
0x144: {  	v26 =	vadd.f32 v52, v26;
	v16 =	vadd.f32 v53, v16;
	v27 =	vmul.f32 v47, v39  }
0x145: {  	v2 =	vadd.f32 v15, v2;
	v45 =	vmul.f32 v38, v39;
	v3 =	vadd.f32 v22, v3  }
.Ltmp5:
0x146: {  	v12 =	vadd.f32 v49, v12;
	v50 =	vmul.f32 v42, v44;
	v10 =	vadd.f32 v27, v10;
	(pc) =	sbr.rel @p0 .LBB2_13-.Ltmp5, $4  }
0x147: {  	v0 =	vadd.f32 v51, v0;
	v27 =	vmul.f32 v54, v44;
	v46 =	vmul.f32 v42, v35  }
0x148: {  	v1 =	vadd.f32 v45, v1;
	v22 =	vmul.f32 v54, v35;
	v15 =	vmul.f32 v42, v41  }
0x149: {  	s0 =	sadd.s32 $0x80, s0;
	v5 =	vadd.f32 v55, v5;
	v49 =	vmul.f32 v29, v44;
	v45 =	vmul.f32 v54, v41  }
0x14a: {  	s1 =	sadd.s32 $0x40, s1;
	s16 =	smov.u32 s14;
	s15 =	simm.s32 $0x0;
	v48 =	vmul.f32 v34, v44;
	v23 =	vadd.f32 v27, v23;
	v27 =	vmul.f32 v47, v44  }
0x14b: {  	v60 =	vmul.f32 v19, v44;
	v52 =	vmul.f32 v18, v44  }
0x14c: {  	v51 =	vadd.f32 v15, v43;
	v53 =	vmul.f32 v29, v41;
	v54 =	vmul.f32 v47, v41;
	s0 =	sand.u32 $0x70, s15;
	s1 =	sand.u32 $0x1C00, s15  }
0x14d: {  	v61 =	vmul.f32 v34, v41;
	v55 =	vmul.f32 v19, v41;
	v56 =	vadd.f32 v50, v14;
	s1 =	sor.u32 s0, s1  }
0x14e: {  	v62 =	vmul.f32 v29, v35;
	v49 =	vadd.f32 v49, v7;
	v4 =	vadd.f32 v46, v4;
	v57 =	vld [tilespmem:s1+$0x14100]  }
0x14f: {  	v63 =	vmul.f32 v47, v35;
	v15 =	vadd.f32 v27, v40;
	v27 =	vadd.f32 v60, v13;
	v43 =	vld [tilespmem:s1+$0x14180]  }
0x150: {  	v39 =	vmul.f32 v42, v39;
	s7 =	sand.u32 $0xE00, s15;
	v29 =	vadd.f32 v54, v21;
	v21 =	vadd.f32 v61, v32;
	v40 =	vld [tilespmem:s1+$0x14200]  }
0x151: {  	v58 =	vmul.f32 v18, v41;
	s0 =	sor.u32 s0, s7;
	v32 =	vadd.f32 v22, v24;
	v14 =	vadd.f32 v53, v37;
	v60 =	vld [tilespmem:s1+$0x14080]  }
0x152: {  	v59 =	vmul.f32 v19, v35;
	v22 =	vadd.f32 v55, v33;
	v17 =	vadd.f32 v62, v17;
	v37 =	vld [tilespmem:s0+$0x4100]  }
0x153: {  	v54 =	vmul.f32 v34, v35;
	v19 =	vadd.f32 v58, v31;
	v42 =	vadd.f32 v52, v8;
	v33 =	vld [tilespmem:s1+$0x14000]  }
0x154: {  	v8 =	vmul.f32 v38, v35;
	v61 =	vmul.f32 v38, v44;
	v31 =	vadd.f32 v59, v6;
	v47 =	vld [tilespmem:s0+$0x7100]  }
0x155: {  	v62 =	vadd.f32 v39, v30;
	v30 =	vmul.f32 v38, v41;
	v41 =	vld [tilespmem:s0+$0x6100];
	v24 =	vadd.f32 v54, v28  }
0x156: {  	v28 =	vadd.f32 v63, v36;
	v36 =	vld [tilespmem:s0+$0x5100];
	v7 =	vadd.f32 v8, v20  }
0x157: {  	v13 =	vld [tilespmem:s1+$0x14300];
	v8 =	vmul.f32 v18, v35;
	v35 =	vadd.f32 v61, v16;
	v16 =	vmul.f32 v60, v37  }
0x158: {  	v38 =	vadd.f32 v30, v26;
	v46 =	vmul.f32 v57, v37;
	v20 =	vmul.f32 v33, v37  }
0x159: {  	v34 =	vadd.f32 v8, v2;
	v2 =	vmul.f32 v43, v37;
	v26 =	vmul.f32 v60, v47  }
0x15a: {  	v6 =	vadd.f32 v48, v9;
	v50 =	vmul.f32 v40, v41;
	v30 =	vmul.f32 v60, v41  }
0x15b: {  	v9 =	vadd.f32 v45, v25;
	v52 =	vmul.f32 v57, v47;
	v18 =	vmul.f32 v57, v36  }
0x15c: {  	v39 =	vmul.f32 v43, v36;
	v25 =	vmul.f32 v13, v36  }
0x15d: {  	v9 =	vadd.f32 v16, v9;
	v16 =	vadd.f32 v20, v51;
	v20 =	vmul.f32 v33, v47  }
0x15e: {  	v48 =	vld [tilespmem:s1+$0x14280];
	v63 =	vmul.f32 v60, v36;
	v8 =	vadd.f32 v18, v49;
	v18 =	vmul.f32 v33, v36  }
0x15f: {  	v51 =	vmul.f32 v40, v47;
	v45 =	vmul.f32 v40, v36;
	v20 =	vadd.f32 v20, v62  }
0x160: {  	s28 =	simm.s32 $0x10;
	s14 =	simm.s32 $0x80;
	s15 =	simm.s32 $0x40;
	v44 =	vld [tilespmem:s1+$0x14380];
	v23 =	vadd.f32 v63, v23;
	v49 =	vmul.f32 v57, v41;
	v18 =	vadd.f32 v18, v56  }
.LBB2_15:
0x161: {  	s7 =	sand.u32 $0x70, s28  }
0x162: {  	s8 =	sand.u32 $0xE00, s15;
	s16 =	sand.u32 $0x1C00, s14;
	v42 =	vadd.f32 v25, v42;
	v11 =	vadd.f32 v26, v11;
	v25 =	vmul.f32 v43, v47;
	s17 =	smov.u32 s28  }
0x163: {  	v29 =	vadd.f32 v2, v29;
	v2 =	vmul.f32 v48, v36;
	s17 =	sor.u32 s7, s8;
	s7 =	sor.u32 s7, s16;
	s16 =	sadd.s32 $0x10, s28;
	v12 =	vadd.f32 v52, v12  }
0x164: {  	p0 =	sne.s32 s28, $0x3F0;
	v26 =	vmul.f32 v43, v41;
	v52 =	vld [tilespmem:s7+$0x14100];
	v10 =	vadd.f32 v25, v10;
	v25 =	vmul.f32 v48, v47  }
0x165: {  	v54 =	vmul.f32 v48, v41;
	v3 =	vadd.f32 v51, v3;
	v43 =	vmul.f32 v13, v47;
	v53 =	vld [tilespmem:s7+$0x14300]  }
0x166: {  	v32 =	vadd.f32 v30, v32;
	v27 =	vadd.f32 v2, v27;
	v2 =	vmul.f32 v44, v47;
	v51 =	vld [tilespmem:s7+$0x14280]  }
0x167: {  	v55 =	vmul.f32 v13, v41;
	v47 =	vmul.f32 v40, v37;
	v5 =	vadd.f32 v43, v5;
	v30 =	vld [tilespmem:s7+$0x14380]  }
0x168: {  	v31 =	vadd.f32 v54, v31;
	v54 =	vmul.f32 v44, v41;
	v1 =	vadd.f32 v2, v1;
	v43 =	vld [tilespmem:s7+$0x14180]  }
0x169: {  	v24 =	vadd.f32 v50, v24;
	v21 =	vadd.f32 v47, v21;
	v2 =	vmul.f32 v48, v37;
	v40 =	vld [tilespmem:s7+$0x14200]  }
0x16a: {  	v56 =	vmul.f32 v44, v37;
	v28 =	vadd.f32 v26, v28;
	v47 =	vmul.f32 v13, v37;
	v50 =	vld [tilespmem:s17+$0x5100];
	v13 =	vmovc v53  }
0x16b: {  	v14 =	vadd.f32 v46, v14;
	v22 =	vadd.f32 v2, v22;
	v2 =	vmul.f32 v44, v36;
	v53 =	vld [tilespmem:s7+$0x14080];
	v48 =	vmovc v51  }
0x16c: {  	v17 =	vadd.f32 v49, v17;
	v26 =	vmul.f32 v33, v41;
	v19 =	vadd.f32 v47, v19;
	v37 =	vld [tilespmem:s17+$0x4100];
	v44 =	vmovc v30  }
0x16d: {  	v38 =	vadd.f32 v56, v38;
	v7 =	vadd.f32 v54, v7;
	v33 =	vld [tilespmem:s7+$0x14000]  }
0x16e: {  	v15 =	vadd.f32 v39, v15;
	v35 =	vadd.f32 v2, v35;
	v47 =	vld [tilespmem:s17+$0x7100]  }
0x16f: {  	v6 =	vadd.f32 v45, v6;
	v0 =	vadd.f32 v25, v0;
	v41 =	vld [tilespmem:s17+$0x6100];
	v30 =	vmul.f32 v52, v50;
	v36 =	vmovc v50  }
0x170: {  	v34 =	vadd.f32 v55, v34;
	v39 =	vmul.f32 v43, v36;
	v25 =	vmul.f32 v13, v36  }
0x171: {  	v4 =	vadd.f32 v26, v4;
	v45 =	vmul.f32 v53, v37;
	v46 =	vmul.f32 v52, v37  }
0x172: {  	v2 =	vmul.f32 v43, v37;
	v8 =	vadd.f32 v30, v8;
	v49 =	vmul.f32 v33, v37  }
.Ltmp6:
0x173: {  	v30 =	vmul.f32 v33, v36;
	v9 =	vadd.f32 v45, v9;
	v26 =	vmul.f32 v53, v47;
	(pc) =	sbr.rel @p0 .LBB2_15-.Ltmp6, $4  }
0x174: {  	v16 =	vadd.f32 v49, v16;
	v50 =	vmul.f32 v40, v41;
	v49 =	vmul.f32 v33, v47  }
0x175: {  	v54 =	vmul.f32 v53, v36;
	v51 =	vmul.f32 v40, v47;
	v18 =	vadd.f32 v30, v18  }
0x176: {  	v45 =	vmul.f32 v40, v36;
	v30 =	vmul.f32 v53, v41;
	v20 =	vadd.f32 v49, v20  }
0x177: {  	s14 =	sadd.s32 $0x80, s14;
	s15 =	sadd.s32 $0x40, s15;
	s28 =	smov.u32 s16;
	v23 =	vadd.f32 v54, v23;
	v49 =	vmul.f32 v52, v41;
	v52 =	vmul.f32 v52, v47  }
0x178: {  	v11 =	vadd.f32 v26, v11  }
0x179: {  	v62 =	vmul.f32 v43, v47;
	v26 =	vadd.f32 v2, v29;
	v2 =	vmul.f32 v48, v36  }
0x17a: {  	v25 =	vadd.f32 v25, v42;
	v63 =	vmul.f32 v43, v41;
	v57 =	vmul.f32 v48, v47  }
0x17b: {  	v58 =	vmul.f32 v48, v41;
	v29 =	vadd.f32 v51, v3;
	v3 =	vmul.f32 v13, v47;
	v55 =	vld [tilespmem:s1+$0x16100]  }
0x17c: {  	v30 =	vadd.f32 v30, v32;
	v59 =	vmul.f32 v44, v47;
	v47 =	vld [tilespmem:s1+$0x16180];
	v24 =	vadd.f32 v50, v24  }
0x17d: {  	v40 =	vmul.f32 v40, v37;
	v42 =	vld [tilespmem:s1+$0x16200];
	v14 =	vadd.f32 v46, v14;
	v6 =	vadd.f32 v45, v6  }
0x17e: {  	v60 =	vmul.f32 v13, v37;
	v43 =	vld [tilespmem:s0+$0x5180];
	v12 =	vadd.f32 v52, v12;
	v10 =	vadd.f32 v62, v10  }
0x17f: {  	v61 =	vmul.f32 v44, v37;
	v46 =	vld [tilespmem:s0+$0x6180];
	v27 =	vadd.f32 v2, v27;
	v5 =	vadd.f32 v3, v5  }
0x180: {  	v2 =	vld [tilespmem:s1+$0x16300];
	v31 =	vadd.f32 v58, v31;
	v32 =	vadd.f32 v59, v1;
	v1 =	vmul.f32 v48, v37  }
0x181: {  	v3 =	vmul.f32 v44, v41;
	v21 =	vadd.f32 v40, v21;
	v62 =	vld [tilespmem:s1+$0x16080];
	v37 =	vadd.f32 v49, v17  }
0x182: {  	v17 =	vmul.f32 v13, v41;
	v13 =	vadd.f32 v61, v38;
	v40 =	vld [tilespmem:s1+$0x16000];
	v22 =	vadd.f32 v1, v22  }
0x183: {  	v1 =	vmul.f32 v44, v36;
	v44 =	vld [tilespmem:s0+$0x4180];
	v38 =	vadd.f32 v3, v7;
	v3 =	vmul.f32 v33, v41  }
0x184: {  	v33 =	vadd.f32 v39, v15;
	v39 =	vadd.f32 v57, v0;
	v0 =	vmul.f32 v55, v43  }
0x185: {  	v36 =	vadd.f32 v60, v19;
	v19 =	vld [tilespmem:s0+$0x7180];
	v45 =	vmul.f32 v47, v43;
	v52 =	vmul.f32 v42, v46  }
0x186: {  	v28 =	vadd.f32 v63, v28;
	v49 =	vmul.f32 v42, v43;
	v51 =	vmul.f32 v55, v46  }
0x187: {  	v15 =	vmul.f32 v2, v43;
	v7 =	vadd.f32 v0, v8;
	v0 =	vmul.f32 v40, v43  }
0x188: {  	v35 =	vadd.f32 v1, v35;
	v63 =	vmul.f32 v62, v43;
	v1 =	vmul.f32 v62, v44  }
0x189: {  	v41 =	vadd.f32 v3, v4;
	v48 =	vmul.f32 v55, v44;
	v3 =	vmul.f32 v40, v44  }
0x18a: {  	v34 =	vadd.f32 v17, v34;
	v53 =	vmul.f32 v47, v44;
	v8 =	vmul.f32 v62, v19  }
0x18b: {  	v17 =	vld [tilespmem:s1+$0x16280];
	v54 =	vmul.f32 v42, v19;
	v4 =	vadd.f32 v3, v16;
	v3 =	vmul.f32 v40, v19  }
0x18c: {  	v1 =	vadd.f32 v1, v9;
	v9 =	vadd.f32 v0, v18;
	v16 =	vmul.f32 v62, v46  }
0x18d: {  	s16 =	simm.s32 $0x10;
	s0 =	simm.s32 $0x80;
	v18 =	vld [tilespmem:s1+$0x16380];
	s1 =	simm.s32 $0x40;
	v0 =	vadd.f32 v3, v20;
	v3 =	vadd.f32 v63, v23;
	v20 =	vmul.f32 v55, v19  }
.LBB2_17:
0x18e: {  	s7 =	sand.u32 $0x70, s16  }
0x18f: {  	s8 =	sand.u32 $0xE00, s1;
	s14 =	sand.u32 $0x1C00, s0;
	v25 =	vadd.f32 v15, v25;
	v11 =	vadd.f32 v8, v11;
	v8 =	vmul.f32 v47, v19;
	s15 =	smov.u32 s16  }
0x190: {  	v26 =	vadd.f32 v53, v26;
	v15 =	vmul.f32 v17, v43;
	s15 =	sor.u32 s7, s8;
	s7 =	sor.u32 s7, s14;
	s14 =	sadd.s32 $0x10, s16;
	v12 =	vadd.f32 v20, v12  }
0x191: {  	p0 =	sne.s32 s16, $0x3F0;
	v23 =	vmul.f32 v47, v46;
	v20 =	vld [tilespmem:s7+$0x16100];
	v10 =	vadd.f32 v8, v10;
	v8 =	vmul.f32 v17, v19  }
0x192: {  	v53 =	vmul.f32 v17, v46;
	v29 =	vadd.f32 v54, v29;
	v47 =	vmul.f32 v2, v19;
	v50 =	vld [tilespmem:s7+$0x16300]  }
0x193: {  	v30 =	vadd.f32 v16, v30;
	v27 =	vadd.f32 v15, v27;
	v15 =	vmul.f32 v18, v19;
	v54 =	vld [tilespmem:s7+$0x16280]  }
0x194: {  	v55 =	vmul.f32 v2, v46;
	v19 =	vmul.f32 v42, v44;
	v5 =	vadd.f32 v47, v5;
	v16 =	vld [tilespmem:s7+$0x16380]  }
0x195: {  	v31 =	vadd.f32 v53, v31;
	v53 =	vmul.f32 v18, v46;
	v32 =	vadd.f32 v15, v32;
	v47 =	vld [tilespmem:s7+$0x16180]  }
0x196: {  	v24 =	vadd.f32 v52, v24;
	v21 =	vadd.f32 v19, v21;
	v15 =	vmul.f32 v17, v44;
	v42 =	vld [tilespmem:s7+$0x16200]  }
0x197: {  	v56 =	vmul.f32 v18, v44;
	v28 =	vadd.f32 v23, v28;
	v19 =	vmul.f32 v2, v44;
	v52 =	vld [tilespmem:s15+$0x5180];
	v2 =	vmovc v50  }
0x198: {  	v14 =	vadd.f32 v48, v14;
	v22 =	vadd.f32 v15, v22;
	v15 =	vmul.f32 v18, v43;
	v23 =	vld [tilespmem:s7+$0x16080];
	v17 =	vmovc v54  }
0x199: {  	v37 =	vadd.f32 v51, v37;
	v36 =	vadd.f32 v19, v36;
	v50 =	vmul.f32 v40, v46;
	v44 =	vld [tilespmem:s15+$0x4180];
	v18 =	vmovc v16  }
0x19a: {  	v13 =	vadd.f32 v56, v13;
	v38 =	vadd.f32 v53, v38;
	v40 =	vld [tilespmem:s7+$0x16000]  }
0x19b: {  	v33 =	vadd.f32 v45, v33;
	v35 =	vadd.f32 v15, v35;
	v19 =	vld [tilespmem:s15+$0x7180]  }
0x19c: {  	v6 =	vadd.f32 v49, v6;
	v39 =	vadd.f32 v8, v39;
	v46 =	vld [tilespmem:s15+$0x6180];
	v16 =	vmul.f32 v20, v52;
	v43 =	vmovc v52  }
0x19d: {  	v34 =	vadd.f32 v55, v34;
	v45 =	vmul.f32 v47, v43;
	v15 =	vmul.f32 v2, v43  }
0x19e: {  	v41 =	vadd.f32 v50, v41;
	v8 =	vmul.f32 v23, v44;
	v48 =	vmul.f32 v20, v44  }
0x19f: {  	v53 =	vmul.f32 v47, v44;
	v7 =	vadd.f32 v16, v7;
	v49 =	vmul.f32 v40, v44  }
.Ltmp7:
0x1a0: {  	v16 =	vmul.f32 v40, v43;
	v1 =	vadd.f32 v8, v1;
	v8 =	vmul.f32 v23, v19;
	(pc) =	sbr.rel @p0 .LBB2_17-.Ltmp7, $4  }
0x1a1: {  	v50 =	vmul.f32 v40, v19;
	v4 =	vadd.f32 v49, v4;
	v52 =	vmul.f32 v42, v46  }
0x1a2: {  	v51 =	vmul.f32 v23, v43;
	v54 =	vmul.f32 v42, v19;
	v9 =	vadd.f32 v16, v9  }
0x1a3: {  	v49 =	vmul.f32 v42, v43;
	v16 =	vmul.f32 v23, v46;
	v0 =	vadd.f32 v50, v0  }
0x1a4: {  	s0 =	sadd.s32 $0x80, s0;
	s1 =	sadd.s32 $0x40, s1;
	s16 =	smov.u32 s14;
	v3 =	vadd.f32 v51, v3;
	v51 =	vmul.f32 v20, v46;
	v20 =	vmul.f32 v20, v19  }
0x1a5: {  	v50 =	vadd.f32 v15, v25  }
0x1a6: {  	v11 =	vadd.f32 v8, v11;
	v23 =	vmul.f32 v47, v19;
	v25 =	vmul.f32 v17, v43  }
0x1a7: {  	v15 =	vadd.f32 v53, v26;
	v26 =	vmul.f32 v47, v46;
	v63 =	vmul.f32 v17, v19  }
0x1a8: {  	v8 =	vadd.f32 v20, v12;
	v20 =	vadd.f32 v16, v30;
	v16 =	vmul.f32 v18, v19  }
0x1a9: {  	v12 =	vadd.f32 v23, v10;
	v10 =	vadd.f32 v54, v29;
	v29 =	vmul.f32 v2, v19  }
0x1aa: {  	v23 =	vmul.f32 v17, v46;
	v47 =	vadd.f32 v25, v27;
	v19 =	vmul.f32 v42, v44  }
0x1ab: {  	v30 =	vmul.f32 v2, v46;
	v16 =	vadd.f32 v16, v32;
	v5 =	vadd.f32 v29, v5  }
0x1ac: {  	v27 =	vmul.f32 v18, v46;
	v31 =	vadd.f32 v23, v31;
	v23 =	vadd.f32 v19, v21  }
0x1ad: {  	s31 =	sadd.s32 $0x1, s31;
	v21 =	vmul.f32 v17, v44;
	v19 =	vadd.f32 v52, v24;
	v17 =	vadd.f32 v26, v28  }
0x1ae: {  	p0 =	sne.s32 s31, $0x8;
	v29 =	vmul.f32 v18, v44;
	v28 =	vadd.f32 v48, v14;
	v26 =	vadd.f32 v51, v37  }
.Ltmp8:
0x1af: {  	v14 =	vmul.f32 v18, v43;
	v18 =	vadd.f32 v27, v38;
	v27 =	vadd.f32 v45, v33;
	(pc) =	sbr.rel @p0 .LBB2_2-.Ltmp8, $4  }
0x1b0: {  	v24 =	vmul.f32 v2, v44;
	v33 =	vadd.f32 v49, v6;
	v2 =	vadd.f32 v63, v39  }
0x1b1: {  	v25 =	vadd.f32 v21, v22;
	v21 =	vadd.f32 v29, v13;
	v13 =	vmul.f32 v40, v46  }
0x1b2: {  	v6 =	vadd.f32 v30, v34;
	v24 =	vadd.f32 v24, v36  }
0x1b3: {  	v22 =	vadd.f32 v14, v35;
	v13 =	vadd.f32 v13, v41  }
0x1b4: {  	[tilespmem:$0x18000] =	vst v4  }
0x1b5: {  	[tilespmem:$0x18080] =	vst v1  }
0x1b6: {  	[tilespmem:$0x18100] =	vst v28  }
0x1b7: {  	[tilespmem:$0x18180] =	vst v15  }
0x1b8: {  	[tilespmem:$0x18200] =	vst v23  }
0x1b9: {  	[tilespmem:$0x18280] =	vst v25  }
0x1ba: {  	[tilespmem:$0x18300] =	vst v24  }
0x1bb: {  	[tilespmem:$0x18380] =	vst v21  }
0x1bc: {  	[tilespmem:$0x18400] =	vst v9  }
0x1bd: {  	[tilespmem:$0x18480] =	vst v3  }
0x1be: {  	[tilespmem:$0x18500] =	vst v7  }
0x1bf: {  	[tilespmem:$0x18580] =	vst v27  }
0x1c0: {  	[tilespmem:$0x18600] =	vst v33  }
0x1c1: {  	[tilespmem:$0x18680] =	vst v47  }
0x1c2: {  	[tilespmem:$0x18700] =	vst v50  }
0x1c3: {  	[tilespmem:$0x18880] =	vst v20  }
0x1c4: {  	[tilespmem:$0x18900] =	vst v26  }
0x1c5: {  	[tilespmem:$0x18980] =	vst v17  }
0x1c6: {  	[tilespmem:$0x18A00] =	vst v19  }
0x1c7: {  	[tilespmem:$0x18A80] =	vst v31  }
0x1c8: {  	[tilespmem:$0x18B00] =	vst v6  }
0x1c9: {  	[tilespmem:$0x18B80] =	vst v18  }
0x1ca: {  	[tilespmem:$0x18C00] =	vst v0  }
0x1cb: {  	[tilespmem:$0x18C80] =	vst v11  }
0x1cc: {  	[tilespmem:$0x18D00] =	vst v8  }
0x1cd: {  	[tilespmem:$0x18D80] =	vst v12  }
0x1ce: {  	[tilespmem:$0x18E00] =	vst v10  }
0x1cf: {  	[tilespmem:$0x18E80] =	vst v2  }
0x1d0: {  	[tilespmem:$0x18F00] =	vst v5  }
0x1d1: {  	[tilespmem:$0x18F80] =	vst v16  }
0x1d2: {  	[tilespmem:$0x18780] =	vst v22  }
0x1d3: {  	s0 =	rddreg [dreg:$0x4];
	s1 =	simm.s32 $0x18000;
	[tilespmem:$0x18800] =	vst v13  }
0x1d4: {  	[hbm4b:s0+s2] =	stream.linear.scatter [tilespmem:s1], [sflag:$0x5], $0x1000, $0x38;
	[tilespmem:$0x19000] =	vst v63  }
0x1d5: {  	_ =	swait.ge [sflag:s29], $0x1000  }
0x1d6: {  	s30 =	sadd.s32 $0x1, s30;
	s31 =	rddreg [dreg:$0x5]  }
0x1d7: {  	p0 =	sne.s32 s30, s31  }
.Ltmp9:
0x1d8: {  	_ = 	snop;
	(pc) =	sbr.rel @p0 .LBB2_1-.Ltmp9, $3  }
0x1d9: {  	_ =	sdelay $0x1  }
0x1da: {  	[sflag:s29] =	ssyncset.done $0x0  }
0x1db: {  	[sflag:s29] =	ssyncadd.s32 $0xFFFFF000  }
0x1dc: {  	_ =	sfence.sel $0x180000  }
0x1dd: {  	[bflag:$0x0] =	sbarrier.arrive $0xFFFF  }
0x1de: {  	_ =	strace $0x90000047  }
0x1df: {  	s0 =	stileid.u32;
	[bflag:$0x2] =	sbarrier.arrive $0xFFFF  }
0x1e0: {  	p0 =	sne.s32 s0, $0x0;
	s0 =	rddreg [dreg:$0x3]  }
0x1e1: {  	s0 =	sadd.s32 @!p0 $0x100000, s0  }
0x1e2: {  	[sflag:s0] =	ssyncadd.tile.s32 @!p0 $0x1;
	_ =	shalt  }
.Lfunc_end2:
_tile_overlayer_lowered:
.L_overlay_start_2:
0x1e3: {  	(tag) =	ssettag $0x2  }
0x1e4: {  	s0 =	rddreg [dreg:$0x0];
	s2 =	stileid.u32  }
0x1e5: {  	s1 =	rddreg [dreg:$0x1];
	p0 =	sne.s32 s2, $0x0  }
0x1e6: {  	s3 =	rddreg [dreg:$0x2];
	[bflag:$0x3] =	sbarrier.arrive $0xFFFF;
	s2 =	simm.s32 @!p0 $0x1C05  }
0x1e7: {  	[timem:s3], [sflag:s2] =	dma.local @!p0 [hbm:s0], s1  }
0x1e8: {  	s0 =	simm.s32 @!p0 $0x5  }
0x1e9: {  	_ =	swait.ge @!p0 [sflag:s0], s1  }
0x1ea: {  	s1 =	ssub.s32 @!p0 $0x0, s1;
	[sflag:s0] =	ssyncset.done @!p0 $0x0  }
0x1eb: {  	[sflag:s0] =	ssyncadd.s32 @!p0 s1  }
0x1ec: {  	[bflag:$0x3] =	sbarrier.arrive $0xFFFF  }
0x1ed: {  	_ =	shalt  }

</sc_bundles>
